<compile_context>
chip_gen: v7x
topology: tpu7x:2x2x1
jax: 0.10.2.dev20260603
libtpu: 0.0.44.dev20260713+nightly
codegen_flags: <defaults>
</compile_context>

<pallas_src>
import functools

import jax
import jax.numpy as jnp
from jax import lax
from jax.experimental import pallas as pl
from jax.experimental.pallas import tpu as pltpu, tpu_sc as plsc

NC = 2
NS = 16
L = 16
NW = NC * NS
VBIT = 1 << 30


def _gather_body(T, R, BPW,
                 x_hbm, packed_hbm, sel_hbm,
                 xb, selb, sem):
    wid = lax.axis_index("s") * NC + lax.axis_index("c")
    base = wid * BPW

    pltpu.sync_copy(x_hbm.at[pl.ds(base, BPW)], xb)
    sel_d = [pltpu.async_copy(packed_hbm.at[r].at[xb], selb.at[r], sem)
             for r in range(R)]
    for d in sel_d:
        d.wait()
    pltpu.sync_copy(selb, sel_hbm.at[wid])


def _combine_body(T, R, BPW,
                  sel_hbm, rule_hbm, alpha_hbm, out_hbm,
                  selb, gateb, actb, outv, a16, sem):
    wid = lax.axis_index("s") * NC + lax.axis_index("c")
    base = wid * BPW
    iota = lax.iota(jnp.int32, L)

    def bfly(v, op):
        for k in (1, 2, 4):
            a16[...] = v
            p = plsc.load_gather(a16, [jnp.bitwise_xor(iota, k)])
            v = op(v, p)
        return v

    pltpu.sync_copy(alpha_hbm, a16)
    av = a16[...]
    mx = bfly(av, jnp.maximum)
    ev = jnp.exp(av - mx)
    s8 = bfly(ev, jnp.add)
    wv = ev / s8
    a16[...] = wv

    pltpu.sync_copy(sel_hbm.at[wid], selb)

    act_d = []
    mask = jnp.full((L,), VBIT - 1, jnp.int32)
    one = jnp.full((L,), 1.0, jnp.float32)
    zero = jnp.zeros((L,), jnp.float32)
    nm = BPW // L
    for r in range(R):
        for c in range(nm):
            pv = selb[r, pl.ds(c * L, L)]
            selb[r, pl.ds(c * L, L)] = pv & mask
            gateb[r, pl.ds(c * L, L)] = jnp.where(pv < VBIT, one, zero)
        act_d.append(pltpu.async_copy(
            rule_hbm.at[r].at[selb.at[r]], actb.at[r], sem))
    for d in act_d:
        d.wait()

    wr_splat = [plsc.load_gather(a16, [jnp.full((L,), r + 8, jnp.int32)])
                for r in range(R)]
    for m in range(nm):
        acc = jnp.zeros((L,), jnp.float32)
        for r in range(R):
            actv = actb[r, pl.ds(m * L, L)]
            gatev = gateb[r, pl.ds(m * L, L)]
            acc = acc + actv * wr_splat[r] * gatev
        outv[pl.ds(m * L, L)] = acc

    pltpu.sync_copy(outv, out_hbm.at[pl.ds(base, BPW)])


def kernel(x, mat_idx, valid_gate, rule_outputs, alpha_w):
    T, R = mat_idx.shape
    B = x.shape[0]
    BPW = B // NW
    mat_t = mat_idx.T
    gate_t = valid_gate.T
    packed = jnp.where(gate_t >= 0.25, mat_t, mat_t | VBIT)
    rule_t = rule_outputs.reshape(R, T)
    alpha16 = jnp.tile(alpha_w, 2)
    x = x.astype(jnp.int32)

    mesh = plsc.VectorSubcoreMesh(core_axis_name="c", subcore_axis_name="s",
                                  num_cores=NC, num_subcores=NS)
    cp = pltpu.CompilerParams(needs_layout_passes=False,
                              use_tc_tiling_on_sc=False)

    gather = pl.kernel(
        functools.partial(_gather_body, T, R, BPW),
        out_type=jax.ShapeDtypeStruct((NW, R, BPW), jnp.int32),
        mesh=mesh,
        compiler_params=cp,
        scratch_types=[
            pltpu.VMEM((BPW,), jnp.int32),
            pltpu.VMEM((R, BPW), jnp.int32),
            pltpu.SemaphoreType.DMA,
        ],
    )
    combine = pl.kernel(
        functools.partial(_combine_body, T, R, BPW),
        out_type=jax.ShapeDtypeStruct((B,), jnp.float32),
        mesh=mesh,
        compiler_params=cp,
        scratch_types=[
            pltpu.VMEM((R, BPW), jnp.int32),
            pltpu.VMEM((R, BPW), jnp.float32),
            pltpu.VMEM((R, BPW), jnp.float32),
            pltpu.VMEM((BPW,), jnp.float32),
            pltpu.VMEM((16,), jnp.float32),
            pltpu.SemaphoreType.DMA,
        ],
    )
    sel = gather(x, packed)
    ret = combine(sel, rule_t, alpha16)
    return (ret.reshape(B, 1), jnp.zeros(()))

# --- scband reference (transcript-rebuilt; emitter-appended) ---
"""Pipeline reference for scband-meta-predicate-67001489817855 (READ-ONLY COPY).

The authoritative reference and input builder live on the scoring server;
editing this copy changes nothing except your own understanding.
"""

import jax, jax.numpy as jnp
import numpy as np

T = 100000  # number of tuples in the joined df
R = 8       # number of rules (experts to choose among)
B = 8192    # minibatch of tuple ids


def setup_inputs(seed: int = 0) -> dict:
    key = jax.random.key(seed)
    k1, k2, k3, k4, k5 = jax.random.split(key, 5)
    x = jax.random.randint(k1, (B,), 0, T)
    # self.mat in the original: per (tuple, rule) an index into that rule's df,
    # or NaN if the rule does not contribute. We model the index part as
    # mat_idx and the NaN pattern via valid_gate (>= 0.25 means valid).
    mat_idx = jax.random.randint(k2, (T, R), 0, T)
    valid_gate = jax.random.uniform(k3, (T, R))
    # Each rule i, when called with indices, produces predictions over its df.
    # We materialize the full per-rule output tables (rule_output in forward).
    rule_outputs = jax.random.normal(k4, (R, T, 1), dtype=jnp.float32)
    # alpha['default'] = lnn_operators.predicates1(len(rules), 1): a learnable
    # attention/choice over the R rules; modeled as a weight vector.
    alpha_w = jax.random.normal(k5, (R,), dtype=jnp.float32)
    return {"x": x, "mat_idx": mat_idx, "valid_gate": valid_gate,
            "rule_outputs": rule_outputs, "alpha_w": alpha_w}


def reference(x, mat_idx, valid_gate, rule_outputs, alpha_w):
    # tmp = self.mat[x, i] for every rule i at once: [B, R]
    sel = jnp.take(mat_idx, x, axis=0)            # gather rows of lineage matrix
    valid = jnp.take(valid_gate, x, axis=0) >= 0.25  # NaN pattern of mat
    # my_where(cond, rule_output): gather each rule's prediction at the lineage
    # index, zero where the rule does not contribute (NaN in original mat).
    r_ids = jnp.arange(rule_outputs.shape[0])[None, :]  # [1, R]
    act = rule_outputs[r_ids, sel, 0]                    # [B, R] gather
    activations = jnp.where(valid, act, 0.0)             # [B, R]
    # ret = self.alpha[choice](activations): learned choice among rules
    w = jax.nn.softmax(alpha_w)                          # [R]
    ret = activations @ w[:, None]                       # [B, 1]
    slacks = jnp.zeros(())                               # accumulated slacks
    return (ret, slacks)

if __name__ == "__main__":
    import jax
    _d = setup_inputs()
    print(jax.jit(kernel)(*tuple(_d.values())))

</pallas_src>

<mosaic_0001>
#map = affine_map<(d0, d1) -> (0, 0, 0)>
#map1 = affine_map<(d0, d1) -> (0, 0)>
#map2 = affine_map<(d0, d1) -> (0)>
module attributes {stable_mosaic.version = 14 : i64} {
  func.func @_combine_body(%arg0: i32, %arg1: i32, %arg2: memref<32x8x256xi32, #tpu.memory_space<hbm>>, %arg3: memref<8x100000xf32, #tpu.memory_space<hbm>>, %arg4: memref<16xf32, #tpu.memory_space<hbm>>, %arg5: memref<8192xf32, #tpu.memory_space<hbm>>, %arg6: memref<8x256xi32, #tpu.memory_space<vmem>>, %arg7: memref<8x256xf32, #tpu.memory_space<vmem>>, %arg8: memref<8x256xf32, #tpu.memory_space<vmem>>, %arg9: memref<256xf32, #tpu.memory_space<vmem>>, %arg10: memref<16xf32, #tpu.memory_space<vmem>>, %arg11: memref<!tpu.dma_semaphore, #tpu.memory_space<semaphore_mem>>) attributes {dimension_semantics = [#tpu.dimension_semantics<core_parallel>, #tpu.dimension_semantics<subcore_parallel>], iteration_bounds = array<i64: 2, 16>, scalar_prefetch = 0 : i64, scratch_operands = 6 : i64, tpu.core_type = #tpu.core_type<sc_vector_subcore>, window_params = [{transform_indices = #map}, {transform_indices = #map1}, {transform_indices = #map2}, {transform_indices = #map2}]} {
    %mul3A = arith.constant 2 : i32
    %mul3A_0 = arith.muli %arg1, %mul3A : i32
    %add3A = arith.addi %mul3A_0, %arg0 : i32
    %mul3A_1 = arith.constant 256 : i32
    %mul3A_2 = arith.muli %add3A, %mul3A_1 : i32
    %iota3A = tpu.iota {dimensions = array<i32: 0>} : vector<16xi32>
    "tpu.region"() ({
      %run_scoped3A = tpu.sem_alloc : memref<!tpu.dma_semaphore, #tpu.memory_space<semaphore_mem>>
      tpu.enqueue_dma source(%arg4 : memref<16xf32, #tpu.memory_space<hbm>>) target(%arg10 : memref<16xf32, #tpu.memory_space<vmem>>) target_semaphore(%run_scoped3A : memref<!tpu.dma_semaphore, #tpu.memory_space<semaphore_mem>>)
      tpu.wait_dma2 semaphore(%run_scoped3A : memref<!tpu.dma_semaphore, #tpu.memory_space<semaphore_mem>>) src(%arg4 : memref<16xf32, #tpu.memory_space<hbm>>) dst(%arg10 : memref<16xf32, #tpu.memory_space<vmem>>)
      tpu.yield
    }) : () -> ()
    %get3A = arith.constant 0 : index
    %get3A_3 = tpu.vector_load %arg10[%get3A] {strides = array<i32>} : memref<16xf32, #tpu.memory_space<vmem>>, vector<16xf32>,
    %swap3A = arith.constant 0 : index
    %swap3A_4 = tpu.vector_load %arg10[%swap3A] {strides = array<i32>} : memref<16xf32, #tpu.memory_space<vmem>>, vector<16xf32>,
    tpu.vector_store %arg10[%swap3A], %get3A_3 {strides = array<i32>} : memref<16xf32, #tpu.memory_space<vmem>>, vector<16xf32>,
    %xor3A = arith.constant 1 : i32
    %xor3A_5 = vector.broadcast %xor3A : i32 to vector<16xi32>
    %xor3A_6 = arith.xori %iota3A, %xor3A_5 : vector<16xi32>
    %gather3A = tpu.vector_load_idx %arg10[%xor3A_6] : memref<16xf32, #tpu.memory_space<vmem>>[vector<16xi32>], vector<16xf32>,
    %max3A = arith.maximumf %get3A_3, %gather3A : vector<16xf32>
    %swap3A_7 = arith.constant 0 : index
    %swap3A_8 = tpu.vector_load %arg10[%swap3A_7] {strides = array<i32>} : memref<16xf32, #tpu.memory_space<vmem>>, vector<16xf32>,
    tpu.vector_store %arg10[%swap3A_7], %max3A {strides = array<i32>} : memref<16xf32, #tpu.memory_space<vmem>>, vector<16xf32>,
    %xor3A_9 = arith.constant 2 : i32
    %xor3A_10 = vector.broadcast %xor3A_9 : i32 to vector<16xi32>
    %xor3A_11 = arith.xori %iota3A, %xor3A_10 : vector<16xi32>
    %gather3A_12 = tpu.vector_load_idx %arg10[%xor3A_11] : memref<16xf32, #tpu.memory_space<vmem>>[vector<16xi32>], vector<16xf32>,
    %max3A_13 = arith.maximumf %max3A, %gather3A_12 : vector<16xf32>
    %swap3A_14 = arith.constant 0 : index
    %swap3A_15 = tpu.vector_load %arg10[%swap3A_14] {strides = array<i32>} : memref<16xf32, #tpu.memory_space<vmem>>, vector<16xf32>,
    tpu.vector_store %arg10[%swap3A_14], %max3A_13 {strides = array<i32>} : memref<16xf32, #tpu.memory_space<vmem>>, vector<16xf32>,
    %xor3A_16 = arith.constant 4 : i32
    %xor3A_17 = vector.broadcast %xor3A_16 : i32 to vector<16xi32>
    %xor3A_18 = arith.xori %iota3A, %xor3A_17 : vector<16xi32>
    %gather3A_19 = tpu.vector_load_idx %arg10[%xor3A_18] : memref<16xf32, #tpu.memory_space<vmem>>[vector<16xi32>], vector<16xf32>,
    %max3A_20 = arith.maximumf %max3A_13, %gather3A_19 : vector<16xf32>
    %sub3A = arith.subf %get3A_3, %max3A_20 : vector<16xf32>
    %exp3A = math.exp %sub3A : vector<16xf32>
    %swap3A_21 = arith.constant 0 : index
    %swap3A_22 = tpu.vector_load %arg10[%swap3A_21] {strides = array<i32>} : memref<16xf32, #tpu.memory_space<vmem>>, vector<16xf32>,
    tpu.vector_store %arg10[%swap3A_21], %exp3A {strides = array<i32>} : memref<16xf32, #tpu.memory_space<vmem>>, vector<16xf32>,
    %xor3A_23 = arith.constant 1 : i32
    %xor3A_24 = vector.broadcast %xor3A_23 : i32 to vector<16xi32>
    %xor3A_25 = arith.xori %iota3A, %xor3A_24 : vector<16xi32>
    %gather3A_26 = tpu.vector_load_idx %arg10[%xor3A_25] : memref<16xf32, #tpu.memory_space<vmem>>[vector<16xi32>], vector<16xf32>,
    %add3A_27 = arith.addf %exp3A, %gather3A_26 : vector<16xf32>
    %swap3A_28 = arith.constant 0 : index
    %swap3A_29 = tpu.vector_load %arg10[%swap3A_28] {strides = array<i32>} : memref<16xf32, #tpu.memory_space<vmem>>, vector<16xf32>,
    tpu.vector_store %arg10[%swap3A_28], %add3A_27 {strides = array<i32>} : memref<16xf32, #tpu.memory_space<vmem>>, vector<16xf32>,
    %xor3A_30 = arith.constant 2 : i32
    %xor3A_31 = vector.broadcast %xor3A_30 : i32 to vector<16xi32>
    %xor3A_32 = arith.xori %iota3A, %xor3A_31 : vector<16xi32>
    %gather3A_33 = tpu.vector_load_idx %arg10[%xor3A_32] : memref<16xf32, #tpu.memory_space<vmem>>[vector<16xi32>], vector<16xf32>,
    %add3A_34 = arith.addf %add3A_27, %gather3A_33 : vector<16xf32>
    %swap3A_35 = arith.constant 0 : index
    %swap3A_36 = tpu.vector_load %arg10[%swap3A_35] {strides = array<i32>} : memref<16xf32, #tpu.memory_space<vmem>>, vector<16xf32>,
    tpu.vector_store %arg10[%swap3A_35], %add3A_34 {strides = array<i32>} : memref<16xf32, #tpu.memory_space<vmem>>, vector<16xf32>,
    %xor3A_37 = arith.constant 4 : i32
    %xor3A_38 = vector.broadcast %xor3A_37 : i32 to vector<16xi32>
    %xor3A_39 = arith.xori %iota3A, %xor3A_38 : vector<16xi32>
    %gather3A_40 = tpu.vector_load_idx %arg10[%xor3A_39] : memref<16xf32, #tpu.memory_space<vmem>>[vector<16xi32>], vector<16xf32>,
    %add3A_41 = arith.addf %add3A_34, %gather3A_40 : vector<16xf32>
    %div3A = arith.divf %exp3A, %add3A_41 : vector<16xf32>
    %swap3A_42 = arith.constant 0 : index
    %swap3A_43 = tpu.vector_load %arg10[%swap3A_42] {strides = array<i32>} : memref<16xf32, #tpu.memory_space<vmem>>, vector<16xf32>,
    tpu.vector_store %arg10[%swap3A_42], %div3A {strides = array<i32>} : memref<16xf32, #tpu.memory_space<vmem>>, vector<16xf32>,
    "tpu.region"() ({
      %run_scoped3A = tpu.sem_alloc : memref<!tpu.dma_semaphore, #tpu.memory_space<semaphore_mem>>
      %dma_start3A_3940 = arith.constant 0 : i32
      %dma_start3A_3941 = arith.constant 0 : i32
      %dma_start3A_3942 = tpu.memref_slice %arg2[%add3A, %dma_start3A_3940, %dma_start3A_3941] : memref<32x8x256xi32, #tpu.memory_space<hbm>> -> memref<1x8x256xi32, #tpu.memory_space<hbm>>
      %dma_start3A_3943 = tpu.memref_squeeze %dma_start3A_3942 : memref<1x8x256xi32, #tpu.memory_space<hbm>> -> memref<8x256xi32, #tpu.memory_space<hbm>>
      %dma_start3A_3944 = arith.constant 0 : i32
      %dma_start3A_3945 = arith.constant 0 : i32
      %dma_start3A_3946 = tpu.memref_slice %arg2[%add3A, %dma_start3A_3944, %dma_start3A_3945] : memref<32x8x256xi32, #tpu.memory_space<hbm>> -> memref<1x8x256xi32, #tpu.memory_space<hbm>>
      %dma_start3A_3947 = tpu.memref_squeeze %dma_start3A_3946 : memref<1x8x256xi32, #tpu.memory_space<hbm>> -> memref<8x256xi32, #tpu.memory_space<hbm>>
      tpu.enqueue_dma source(%dma_start3A_3947 : memref<8x256xi32, #tpu.memory_space<hbm>>) target(%arg6 : memref<8x256xi32, #tpu.memory_space<vmem>>) target_semaphore(%run_scoped3A : memref<!tpu.dma_semaphore, #tpu.memory_space<semaphore_mem>>)
      %dma_wait3A_3948 = arith.constant 0 : i32
      %dma_wait3A_3949 = arith.constant 0 : i32
      %dma_wait3A_3950 = tpu.memref_slice %arg2[%add3A, %dma_wait3A_3948, %dma_wait3A_3949] : memref<32x8x256xi32, #tpu.memory_space<hbm>> -> memref<1x8x256xi32, #tpu.memory_space<hbm>>
      %dma_wait3A_3951 = tpu.memref_squeeze %dma_wait3A_3950 : memref<1x8x256xi32, #tpu.memory_space<hbm>> -> memref<8x256xi32, #tpu.memory_space<hbm>>
      %dma_wait3A_3952 = arith.constant 0 : i32
      %dma_wait3A_3953 = arith.constant 0 : i32
      %dma_wait3A_3954 = tpu.memref_slice %arg2[%add3A, %dma_wait3A_3952, %dma_wait3A_3953] : memref<32x8x256xi32, #tpu.memory_space<hbm>> -> memref<1x8x256xi32, #tpu.memory_space<hbm>>
      %dma_wait3A_3955 = tpu.memref_squeeze %dma_wait3A_3954 : memref<1x8x256xi32, #tpu.memory_space<hbm>> -> memref<8x256xi32, #tpu.memory_space<hbm>>
      tpu.wait_dma2 semaphore(%run_scoped3A : memref<!tpu.dma_semaphore, #tpu.memory_space<semaphore_mem>>) src(%dma_wait3A_3955 : memref<8x256xi32, #tpu.memory_space<hbm>>) dst(%arg6 : memref<8x256xi32, #tpu.memory_space<vmem>>)
      tpu.yield
    }) : () -> ()
    %broadcast_in_dim3A = arith.constant 1073741823 : i32
    %broadcast_in_dim3A_44 = vector.broadcast %broadcast_in_dim3A : i32 to vector<16xi32>
    %broadcast_in_dim3A_45 = arith.constant 1.000000e+00 : f32
    %broadcast_in_dim3A_46 = vector.broadcast %broadcast_in_dim3A_45 : f32 to vector<16xf32>
    %broadcast_in_dim3A_47 = arith.constant 0.000000e+00 : f32
    %broadcast_in_dim3A_48 = vector.broadcast %broadcast_in_dim3A_47 : f32 to vector<16xf32>
    %get3A_49 = arith.constant 0 : i32
    %get3A_50 = arith.index_cast %get3A_49 : i32 to index
    %get3A_51 = arith.constant 0 : index
    %get3A_52 = tpu.vector_load %arg6[%get3A_50, %get3A_51] {strides = array<i32>} : memref<8x256xi32, #tpu.memory_space<vmem>>, vector<16xi32>,
    %and3A = arith.andi %get3A_52, %broadcast_in_dim3A_44 : vector<16xi32>
    %swap3A_53 = arith.constant 0 : i32
    %swap3A_54 = arith.index_cast %swap3A_53 : i32 to index
    %swap3A_55 = arith.constant 0 : index
    %swap3A_56 = tpu.vector_load %arg6[%swap3A_54, %swap3A_55] {strides = array<i32>} : memref<8x256xi32, #tpu.memory_space<vmem>>, vector<16xi32>,
    tpu.vector_store %arg6[%swap3A_54, %swap3A_55], %and3A {strides = array<i32>} : memref<8x256xi32, #tpu.memory_space<vmem>>, vector<16xi32>,
    %lt3A = arith.constant 1073741824 : i32
    %lt3A_57 = vector.broadcast %lt3A : i32 to vector<16xi32>
    %lt3A_58 = arith.cmpi slt, %get3A_52, %lt3A_57 : vector<16xi32>
    %select_n3A = arith.select %lt3A_58, %broadcast_in_dim3A_46, %broadcast_in_dim3A_48 : vector<16xi1>, vector<16xf32>
    %swap3A_59 = arith.constant 0 : i32
    %swap3A_60 = arith.index_cast %swap3A_59 : i32 to index
    %swap3A_61 = arith.constant 0 : index
    %swap3A_62 = tpu.vector_load %arg7[%swap3A_60, %swap3A_61] {strides = array<i32>} : memref<8x256xf32, #tpu.memory_space<vmem>>, vector<16xf32>,
    tpu.vector_store %arg7[%swap3A_60, %swap3A_61], %select_n3A {strides = array<i32>} : memref<8x256xf32, #tpu.memory_space<vmem>>, vector<16xf32>,
    %get3A_63 = arith.constant 0 : i32
    %get3A_64 = arith.index_cast %get3A_63 : i32 to index
    %get3A_65 = arith.constant 16 : index
    %get3A_66 = tpu.vector_load %arg6[%get3A_64, %get3A_65] {strides = array<i32>} : memref<8x256xi32, #tpu.memory_space<vmem>>, vector<16xi32>,
    %and3A_67 = arith.andi %get3A_66, %broadcast_in_dim3A_44 : vector<16xi32>
    %swap3A_68 = arith.constant 0 : i32
    %swap3A_69 = arith.index_cast %swap3A_68 : i32 to index
    %swap3A_70 = arith.constant 16 : index
    %swap3A_71 = tpu.vector_load %arg6[%swap3A_69, %swap3A_70] {strides = array<i32>} : memref<8x256xi32, #tpu.memory_space<vmem>>, vector<16xi32>,
    tpu.vector_store %arg6[%swap3A_69, %swap3A_70], %and3A_67 {strides = array<i32>} : memref<8x256xi32, #tpu.memory_space<vmem>>, vector<16xi32>,
    %lt3A_72 = arith.constant 1073741824 : i32
    %lt3A_73 = vector.broadcast %lt3A_72 : i32 to vector<16xi32>
    %lt3A_74 = arith.cmpi slt, %get3A_66, %lt3A_73 : vector<16xi32>
    %select_n3A_75 = arith.select %lt3A_74, %broadcast_in_dim3A_46, %broadcast_in_dim3A_48 : vector<16xi1>, vector<16xf32>
    %swap3A_76 = arith.constant 0 : i32
    %swap3A_77 = arith.index_cast %swap3A_76 : i32 to index
    %swap3A_78 = arith.constant 16 : index
    %swap3A_79 = tpu.vector_load %arg7[%swap3A_77, %swap3A_78] {strides = array<i32>} : memref<8x256xf32, #tpu.memory_space<vmem>>, vector<16xf32>,
    tpu.vector_store %arg7[%swap3A_77, %swap3A_78], %select_n3A_75 {strides = array<i32>} : memref<8x256xf32, #tpu.memory_space<vmem>>, vector<16xf32>,
    %get3A_80 = arith.constant 0 : i32
    %get3A_81 = arith.index_cast %get3A_80 : i32 to index
    %get3A_82 = arith.constant 32 : index
    %get3A_83 = tpu.vector_load %arg6[%get3A_81, %get3A_82] {strides = array<i32>} : memref<8x256xi32, #tpu.memory_space<vmem>>, vector<16xi32>,
    %and3A_84 = arith.andi %get3A_83, %broadcast_in_dim3A_44 : vector<16xi32>
    %swap3A_85 = arith.constant 0 : i32
    %swap3A_86 = arith.index_cast %swap3A_85 : i32 to index
    %swap3A_87 = arith.constant 32 : index
    %swap3A_88 = tpu.vector_load %arg6[%swap3A_86, %swap3A_87] {strides = array<i32>} : memref<8x256xi32, #tpu.memory_space<vmem>>, vector<16xi32>,
    tpu.vector_store %arg6[%swap3A_86, %swap3A_87], %and3A_84 {strides = array<i32>} : memref<8x256xi32, #tpu.memory_space<vmem>>, vector<16xi32>,
    %lt3A_89 = arith.constant 1073741824 : i32
    %lt3A_90 = vector.broadcast %lt3A_89 : i32 to vector<16xi32>
    %lt3A_91 = arith.cmpi slt, %get3A_83, %lt3A_90 : vector<16xi32>
    %select_n3A_92 = arith.select %lt3A_91, %broadcast_in_dim3A_46, %broadcast_in_dim3A_48 : vector<16xi1>, vector<16xf32>
    %swap3A_93 = arith.constant 0 : i32
    %swap3A_94 = arith.index_cast %swap3A_93 : i32 to index
    %swap3A_95 = arith.constant 32 : index
    %swap3A_96 = tpu.vector_load %arg7[%swap3A_94, %swap3A_95] {strides = array<i32>} : memref<8x256xf32, #tpu.memory_space<vmem>>, vector<16xf32>,
    tpu.vector_store %arg7[%swap3A_94, %swap3A_95], %select_n3A_92 {strides = array<i32>} : memref<8x256xf32, #tpu.memory_space<vmem>>, vector<16xf32>,
    %get3A_97 = arith.constant 0 : i32
    %get3A_98 = arith.index_cast %get3A_97 : i32 to index
    %get3A_99 = arith.constant 48 : index
    %get3A_100 = tpu.vector_load %arg6[%get3A_98, %get3A_99] {strides = array<i32>} : memref<8x256xi32, #tpu.memory_space<vmem>>, vector<16xi32>,
    %and3A_101 = arith.andi %get3A_100, %broadcast_in_dim3A_44 : vector<16xi32>
    %swap3A_102 = arith.constant 0 : i32
    %swap3A_103 = arith.index_cast %swap3A_102 : i32 to index
    %swap3A_104 = arith.constant 48 : index
    %swap3A_105 = tpu.vector_load %arg6[%swap3A_103, %swap3A_104] {strides = array<i32>} : memref<8x256xi32, #tpu.memory_space<vmem>>, vector<16xi32>,
    tpu.vector_store %arg6[%swap3A_103, %swap3A_104], %and3A_101 {strides = array<i32>} : memref<8x256xi32, #tpu.memory_space<vmem>>, vector<16xi32>,
    %lt3A_106 = arith.constant 1073741824 : i32
    %lt3A_107 = vector.broadcast %lt3A_106 : i32 to vector<16xi32>
    %lt3A_108 = arith.cmpi slt, %get3A_100, %lt3A_107 : vector<16xi32>
    %select_n3A_109 = arith.select %lt3A_108, %broadcast_in_dim3A_46, %broadcast_in_dim3A_48 : vector<16xi1>, vector<16xf32>
    %swap3A_110 = arith.constant 0 : i32
    %swap3A_111 = arith.index_cast %swap3A_110 : i32 to index
    %swap3A_112 = arith.constant 48 : index
    %swap3A_113 = tpu.vector_load %arg7[%swap3A_111, %swap3A_112] {strides = array<i32>} : memref<8x256xf32, #tpu.memory_space<vmem>>, vector<16xf32>,
    tpu.vector_store %arg7[%swap3A_111, %swap3A_112], %select_n3A_109 {strides = array<i32>} : memref<8x256xf32, #tpu.memory_space<vmem>>, vector<16xf32>,
    %get3A_114 = arith.constant 0 : i32
    %get3A_115 = arith.index_cast %get3A_114 : i32 to index
    %get3A_116 = arith.constant 64 : index
    %get3A_117 = tpu.vector_load %arg6[%get3A_115, %get3A_116] {strides = array<i32>} : memref<8x256xi32, #tpu.memory_space<vmem>>, vector<16xi32>,
    %and3A_118 = arith.andi %get3A_117, %broadcast_in_dim3A_44 : vector<16xi32>
    %swap3A_119 = arith.constant 0 : i32
    %swap3A_120 = arith.index_cast %swap3A_119 : i32 to index
    %swap3A_121 = arith.constant 64 : index
    %swap3A_122 = tpu.vector_load %arg6[%swap3A_120, %swap3A_121] {strides = array<i32>} : memref<8x256xi32, #tpu.memory_space<vmem>>, vector<16xi32>,
    tpu.vector_store %arg6[%swap3A_120, %swap3A_121], %and3A_118 {strides = array<i32>} : memref<8x256xi32, #tpu.memory_space<vmem>>, vector<16xi32>,
    %lt3A_123 = arith.constant 1073741824 : i32
    %lt3A_124 = vector.broadcast %lt3A_123 : i32 to vector<16xi32>
    %lt3A_125 = arith.cmpi slt, %get3A_117, %lt3A_124 : vector<16xi32>
    %select_n3A_126 = arith.select %lt3A_125, %broadcast_in_dim3A_46, %broadcast_in_dim3A_48 : vector<16xi1>, vector<16xf32>
    %swap3A_127 = arith.constant 0 : i32
    %swap3A_128 = arith.index_cast %swap3A_127 : i32 to index
    %swap3A_129 = arith.constant 64 : index
    %swap3A_130 = tpu.vector_load %arg7[%swap3A_128, %swap3A_129] {strides = array<i32>} : memref<8x256xf32, #tpu.memory_space<vmem>>, vector<16xf32>,
    tpu.vector_store %arg7[%swap3A_128, %swap3A_129], %select_n3A_126 {strides = array<i32>} : memref<8x256xf32, #tpu.memory_space<vmem>>, vector<16xf32>,
    %get3A_131 = arith.constant 0 : i32
    %get3A_132 = arith.index_cast %get3A_131 : i32 to index
    %get3A_133 = arith.constant 80 : index
    %get3A_134 = tpu.vector_load %arg6[%get3A_132, %get3A_133] {strides = array<i32>} : memref<8x256xi32, #tpu.memory_space<vmem>>, vector<16xi32>,
    %and3A_135 = arith.andi %get3A_134, %broadcast_in_dim3A_44 : vector<16xi32>
    %swap3A_136 = arith.constant 0 : i32
    %swap3A_137 = arith.index_cast %swap3A_136 : i32 to index
    %swap3A_138 = arith.constant 80 : index
    %swap3A_139 = tpu.vector_load %arg6[%swap3A_137, %swap3A_138] {strides = array<i32>} : memref<8x256xi32, #tpu.memory_space<vmem>>, vector<16xi32>,
    tpu.vector_store %arg6[%swap3A_137, %swap3A_138], %and3A_135 {strides = array<i32>} : memref<8x256xi32, #tpu.memory_space<vmem>>, vector<16xi32>,
    %lt3A_140 = arith.constant 1073741824 : i32
    %lt3A_141 = vector.broadcast %lt3A_140 : i32 to vector<16xi32>
    %lt3A_142 = arith.cmpi slt, %get3A_134, %lt3A_141 : vector<16xi32>
    %select_n3A_143 = arith.select %lt3A_142, %broadcast_in_dim3A_46, %broadcast_in_dim3A_48 : vector<16xi1>, vector<16xf32>
    %swap3A_144 = arith.constant 0 : i32
    %swap3A_145 = arith.index_cast %swap3A_144 : i32 to index
    %swap3A_146 = arith.constant 80 : index
    %swap3A_147 = tpu.vector_load %arg7[%swap3A_145, %swap3A_146] {strides = array<i32>} : memref<8x256xf32, #tpu.memory_space<vmem>>, vector<16xf32>,
    tpu.vector_store %arg7[%swap3A_145, %swap3A_146], %select_n3A_143 {strides = array<i32>} : memref<8x256xf32, #tpu.memory_space<vmem>>, vector<16xf32>,
    %get3A_148 = arith.constant 0 : i32
    %get3A_149 = arith.index_cast %get3A_148 : i32 to index
    %get3A_150 = arith.constant 96 : index
    %get3A_151 = tpu.vector_load %arg6[%get3A_149, %get3A_150] {strides = array<i32>} : memref<8x256xi32, #tpu.memory_space<vmem>>, vector<16xi32>,
    %and3A_152 = arith.andi %get3A_151, %broadcast_in_dim3A_44 : vector<16xi32>
    %swap3A_153 = arith.constant 0 : i32
    %swap3A_154 = arith.index_cast %swap3A_153 : i32 to index
    %swap3A_155 = arith.constant 96 : index
    %swap3A_156 = tpu.vector_load %arg6[%swap3A_154, %swap3A_155] {strides = array<i32>} : memref<8x256xi32, #tpu.memory_space<vmem>>, vector<16xi32>,
    tpu.vector_store %arg6[%swap3A_154, %swap3A_155], %and3A_152 {strides = array<i32>} : memref<8x256xi32, #tpu.memory_space<vmem>>, vector<16xi32>,
    %lt3A_157 = arith.constant 1073741824 : i32
    %lt3A_158 = vector.broadcast %lt3A_157 : i32 to vector<16xi32>
    %lt3A_159 = arith.cmpi slt, %get3A_151, %lt3A_158 : vector<16xi32>
    %select_n3A_160 = arith.select %lt3A_159, %broadcast_in_dim3A_46, %broadcast_in_dim3A_48 : vector<16xi1>, vector<16xf32>
    %swap3A_161 = arith.constant 0 : i32
    %swap3A_162 = arith.index_cast %swap3A_161 : i32 to index
    %swap3A_163 = arith.constant 96 : index
    %swap3A_164 = tpu.vector_load %arg7[%swap3A_162, %swap3A_163] {strides = array<i32>} : memref<8x256xf32, #tpu.memory_space<vmem>>, vector<16xf32>,
    tpu.vector_store %arg7[%swap3A_162, %swap3A_163], %select_n3A_160 {strides = array<i32>} : memref<8x256xf32, #tpu.memory_space<vmem>>, vector<16xf32>,
    %get3A_165 = arith.constant 0 : i32
    %get3A_166 = arith.index_cast %get3A_165 : i32 to index
    %get3A_167 = arith.constant 112 : index
    %get3A_168 = tpu.vector_load %arg6[%get3A_166, %get3A_167] {strides = array<i32>} : memref<8x256xi32, #tpu.memory_space<vmem>>, vector<16xi32>,
    %and3A_169 = arith.andi %get3A_168, %broadcast_in_dim3A_44 : vector<16xi32>
    %swap3A_170 = arith.constant 0 : i32
    %swap3A_171 = arith.index_cast %swap3A_170 : i32 to index
    %swap3A_172 = arith.constant 112 : index
    %swap3A_173 = tpu.vector_load %arg6[%swap3A_171, %swap3A_172] {strides = array<i32>} : memref<8x256xi32, #tpu.memory_space<vmem>>, vector<16xi32>,
    tpu.vector_store %arg6[%swap3A_171, %swap3A_172], %and3A_169 {strides = array<i32>} : memref<8x256xi32, #tpu.memory_space<vmem>>, vector<16xi32>,
    %lt3A_174 = arith.constant 1073741824 : i32
    %lt3A_175 = vector.broadcast %lt3A_174 : i32 to vector<16xi32>
    %lt3A_176 = arith.cmpi slt, %get3A_168, %lt3A_175 : vector<16xi32>
    %select_n3A_177 = arith.select %lt3A_176, %broadcast_in_dim3A_46, %broadcast_in_dim3A_48 : vector<16xi1>, vector<16xf32>
    %swap3A_178 = arith.constant 0 : i32
    %swap3A_179 = arith.index_cast %swap3A_178 : i32 to index
    %swap3A_180 = arith.constant 112 : index
    %swap3A_181 = tpu.vector_load %arg7[%swap3A_179, %swap3A_180] {strides = array<i32>} : memref<8x256xf32, #tpu.memory_space<vmem>>, vector<16xf32>,
    tpu.vector_store %arg7[%swap3A_179, %swap3A_180], %select_n3A_177 {strides = array<i32>} : memref<8x256xf32, #tpu.memory_space<vmem>>, vector<16xf32>,
    %get3A_182 = arith.constant 0 : i32
    %get3A_183 = arith.index_cast %get3A_182 : i32 to index
    %get3A_184 = arith.constant 128 : index
    %get3A_185 = tpu.vector_load %arg6[%get3A_183, %get3A_184] {strides = array<i32>} : memref<8x256xi32, #tpu.memory_space<vmem>>, vector<16xi32>,
    %and3A_186 = arith.andi %get3A_185, %broadcast_in_dim3A_44 : vector<16xi32>
    %swap3A_187 = arith.constant 0 : i32
    %swap3A_188 = arith.index_cast %swap3A_187 : i32 to index
    %swap3A_189 = arith.constant 128 : index
    %swap3A_190 = tpu.vector_load %arg6[%swap3A_188, %swap3A_189] {strides = array<i32>} : memref<8x256xi32, #tpu.memory_space<vmem>>, vector<16xi32>,
    tpu.vector_store %arg6[%swap3A_188, %swap3A_189], %and3A_186 {strides = array<i32>} : memref<8x256xi32, #tpu.memory_space<vmem>>, vector<16xi32>,
    %lt3A_191 = arith.constant 1073741824 : i32
    %lt3A_192 = vector.broadcast %lt3A_191 : i32 to vector<16xi32>
    %lt3A_193 = arith.cmpi slt, %get3A_185, %lt3A_192 : vector<16xi32>
    %select_n3A_194 = arith.select %lt3A_193, %broadcast_in_dim3A_46, %broadcast_in_dim3A_48 : vector<16xi1>, vector<16xf32>
    %swap3A_195 = arith.constant 0 : i32
    %swap3A_196 = arith.index_cast %swap3A_195 : i32 to index
    %swap3A_197 = arith.constant 128 : index
    %swap3A_198 = tpu.vector_load %arg7[%swap3A_196, %swap3A_197] {strides = array<i32>} : memref<8x256xf32, #tpu.memory_space<vmem>>, vector<16xf32>,
    tpu.vector_store %arg7[%swap3A_196, %swap3A_197], %select_n3A_194 {strides = array<i32>} : memref<8x256xf32, #tpu.memory_space<vmem>>, vector<16xf32>,
    %get3A_199 = arith.constant 0 : i32
    %get3A_200 = arith.index_cast %get3A_199 : i32 to index
    %get3A_201 = arith.constant 144 : index
    %get3A_202 = tpu.vector_load %arg6[%get3A_200, %get3A_201] {strides = array<i32>} : memref<8x256xi32, #tpu.memory_space<vmem>>, vector<16xi32>,
    %and3A_203 = arith.andi %get3A_202, %broadcast_in_dim3A_44 : vector<16xi32>
    %swap3A_204 = arith.constant 0 : i32
    %swap3A_205 = arith.index_cast %swap3A_204 : i32 to index
    %swap3A_206 = arith.constant 144 : index
    %swap3A_207 = tpu.vector_load %arg6[%swap3A_205, %swap3A_206] {strides = array<i32>} : memref<8x256xi32, #tpu.memory_space<vmem>>, vector<16xi32>,
    tpu.vector_store %arg6[%swap3A_205, %swap3A_206], %and3A_203 {strides = array<i32>} : memref<8x256xi32, #tpu.memory_space<vmem>>, vector<16xi32>,
    %lt3A_208 = arith.constant 1073741824 : i32
    %lt3A_209 = vector.broadcast %lt3A_208 : i32 to vector<16xi32>
    %lt3A_210 = arith.cmpi slt, %get3A_202, %lt3A_209 : vector<16xi32>
    %select_n3A_211 = arith.select %lt3A_210, %broadcast_in_dim3A_46, %broadcast_in_dim3A_48 : vector<16xi1>, vector<16xf32>
    %swap3A_212 = arith.constant 0 : i32
    %swap3A_213 = arith.index_cast %swap3A_212 : i32 to index
    %swap3A_214 = arith.constant 144 : index
    %swap3A_215 = tpu.vector_load %arg7[%swap3A_213, %swap3A_214] {strides = array<i32>} : memref<8x256xf32, #tpu.memory_space<vmem>>, vector<16xf32>,
    tpu.vector_store %arg7[%swap3A_213, %swap3A_214], %select_n3A_211 {strides = array<i32>} : memref<8x256xf32, #tpu.memory_space<vmem>>, vector<16xf32>,
    %get3A_216 = arith.constant 0 : i32
    %get3A_217 = arith.index_cast %get3A_216 : i32 to index
    %get3A_218 = arith.constant 160 : index
    %get3A_219 = tpu.vector_load %arg6[%get3A_217, %get3A_218] {strides = array<i32>} : memref<8x256xi32, #tpu.memory_space<vmem>>, vector<16xi32>,
    %and3A_220 = arith.andi %get3A_219, %broadcast_in_dim3A_44 : vector<16xi32>
    %swap3A_221 = arith.constant 0 : i32
    %swap3A_222 = arith.index_cast %swap3A_221 : i32 to index
    %swap3A_223 = arith.constant 160 : index
    %swap3A_224 = tpu.vector_load %arg6[%swap3A_222, %swap3A_223] {strides = array<i32>} : memref<8x256xi32, #tpu.memory_space<vmem>>, vector<16xi32>,
    tpu.vector_store %arg6[%swap3A_222, %swap3A_223], %and3A_220 {strides = array<i32>} : memref<8x256xi32, #tpu.memory_space<vmem>>, vector<16xi32>,
    %lt3A_225 = arith.constant 1073741824 : i32
    %lt3A_226 = vector.broadcast %lt3A_225 : i32 to vector<16xi32>
    %lt3A_227 = arith.cmpi slt, %get3A_219, %lt3A_226 : vector<16xi32>
    %select_n3A_228 = arith.select %lt3A_227, %broadcast_in_dim3A_46, %broadcast_in_dim3A_48 : vector<16xi1>, vector<16xf32>
    %swap3A_229 = arith.constant 0 : i32
    %swap3A_230 = arith.index_cast %swap3A_229 : i32 to index
    %swap3A_231 = arith.constant 160 : index
    %swap3A_232 = tpu.vector_load %arg7[%swap3A_230, %swap3A_231] {strides = array<i32>} : memref<8x256xf32, #tpu.memory_space<vmem>>, vector<16xf32>,
    tpu.vector_store %arg7[%swap3A_230, %swap3A_231], %select_n3A_228 {strides = array<i32>} : memref<8x256xf32, #tpu.memory_space<vmem>>, vector<16xf32>,
    %get3A_233 = arith.constant 0 : i32
    %get3A_234 = arith.index_cast %get3A_233 : i32 to index
    %get3A_235 = arith.constant 176 : index
    %get3A_236 = tpu.vector_load %arg6[%get3A_234, %get3A_235] {strides = array<i32>} : memref<8x256xi32, #tpu.memory_space<vmem>>, vector<16xi32>,
    %and3A_237 = arith.andi %get3A_236, %broadcast_in_dim3A_44 : vector<16xi32>
    %swap3A_238 = arith.constant 0 : i32
    %swap3A_239 = arith.index_cast %swap3A_238 : i32 to index
    %swap3A_240 = arith.constant 176 : index
    %swap3A_241 = tpu.vector_load %arg6[%swap3A_239, %swap3A_240] {strides = array<i32>} : memref<8x256xi32, #tpu.memory_space<vmem>>, vector<16xi32>,
    tpu.vector_store %arg6[%swap3A_239, %swap3A_240], %and3A_237 {strides = array<i32>} : memref<8x256xi32, #tpu.memory_space<vmem>>, vector<16xi32>,
    %lt3A_242 = arith.constant 1073741824 : i32
    %lt3A_243 = vector.broadcast %lt3A_242 : i32 to vector<16xi32>
    %lt3A_244 = arith.cmpi slt, %get3A_236, %lt3A_243 : vector<16xi32>
    %select_n3A_245 = arith.select %lt3A_244, %broadcast_in_dim3A_46, %broadcast_in_dim3A_48 : vector<16xi1>, vector<16xf32>
    %swap3A_246 = arith.constant 0 : i32
    %swap3A_247 = arith.index_cast %swap3A_246 : i32 to index
    %swap3A_248 = arith.constant 176 : index
    %swap3A_249 = tpu.vector_load %arg7[%swap3A_247, %swap3A_248] {strides = array<i32>} : memref<8x256xf32, #tpu.memory_space<vmem>>, vector<16xf32>,
    tpu.vector_store %arg7[%swap3A_247, %swap3A_248], %select_n3A_245 {strides = array<i32>} : memref<8x256xf32, #tpu.memory_space<vmem>>, vector<16xf32>,
    %get3A_250 = arith.constant 0 : i32
    %get3A_251 = arith.index_cast %get3A_250 : i32 to index
    %get3A_252 = arith.constant 192 : index
    %get3A_253 = tpu.vector_load %arg6[%get3A_251, %get3A_252] {strides = array<i32>} : memref<8x256xi32, #tpu.memory_space<vmem>>, vector<16xi32>,
    %and3A_254 = arith.andi %get3A_253, %broadcast_in_dim3A_44 : vector<16xi32>
    %swap3A_255 = arith.constant 0 : i32
    %swap3A_256 = arith.index_cast %swap3A_255 : i32 to index
    %swap3A_257 = arith.constant 192 : index
    %swap3A_258 = tpu.vector_load %arg6[%swap3A_256, %swap3A_257] {strides = array<i32>} : memref<8x256xi32, #tpu.memory_space<vmem>>, vector<16xi32>,
    tpu.vector_store %arg6[%swap3A_256, %swap3A_257], %and3A_254 {strides = array<i32>} : memref<8x256xi32, #tpu.memory_space<vmem>>, vector<16xi32>,
    %lt3A_259 = arith.constant 1073741824 : i32
    %lt3A_260 = vector.broadcast %lt3A_259 : i32 to vector<16xi32>
    %lt3A_261 = arith.cmpi slt, %get3A_253, %lt3A_260 : vector<16xi32>
    %select_n3A_262 = arith.select %lt3A_261, %broadcast_in_dim3A_46, %broadcast_in_dim3A_48 : vector<16xi1>, vector<16xf32>
    %swap3A_263 = arith.constant 0 : i32
    %swap3A_264 = arith.index_cast %swap3A_263 : i32 to index
    %swap3A_265 = arith.constant 192 : index
    %swap3A_266 = tpu.vector_load %arg7[%swap3A_264, %swap3A_265] {strides = array<i32>} : memref<8x256xf32, #tpu.memory_space<vmem>>, vector<16xf32>,
    tpu.vector_store %arg7[%swap3A_264, %swap3A_265], %select_n3A_262 {strides = array<i32>} : memref<8x256xf32, #tpu.memory_space<vmem>>, vector<16xf32>,
    %get3A_267 = arith.constant 0 : i32
    %get3A_268 = arith.index_cast %get3A_267 : i32 to index
    %get3A_269 = arith.constant 208 : index
    %get3A_270 = tpu.vector_load %arg6[%get3A_268, %get3A_269] {strides = array<i32>} : memref<8x256xi32, #tpu.memory_space<vmem>>, vector<16xi32>,
    %and3A_271 = arith.andi %get3A_270, %broadcast_in_dim3A_44 : vector<16xi32>
    %swap3A_272 = arith.constant 0 : i32
    %swap3A_273 = arith.index_cast %swap3A_272 : i32 to index
    %swap3A_274 = arith.constant 208 : index
    %swap3A_275 = tpu.vector_load %arg6[%swap3A_273, %swap3A_274] {strides = array<i32>} : memref<8x256xi32, #tpu.memory_space<vmem>>, vector<16xi32>,
    tpu.vector_store %arg6[%swap3A_273, %swap3A_274], %and3A_271 {strides = array<i32>} : memref<8x256xi32, #tpu.memory_space<vmem>>, vector<16xi32>,
    %lt3A_276 = arith.constant 1073741824 : i32
    %lt3A_277 = vector.broadcast %lt3A_276 : i32 to vector<16xi32>
    %lt3A_278 = arith.cmpi slt, %get3A_270, %lt3A_277 : vector<16xi32>
    %select_n3A_279 = arith.select %lt3A_278, %broadcast_in_dim3A_46, %broadcast_in_dim3A_48 : vector<16xi1>, vector<16xf32>
    %swap3A_280 = arith.constant 0 : i32
    %swap3A_281 = arith.index_cast %swap3A_280 : i32 to index
    %swap3A_282 = arith.constant 208 : index
    %swap3A_283 = tpu.vector_load %arg7[%swap3A_281, %swap3A_282] {strides = array<i32>} : memref<8x256xf32, #tpu.memory_space<vmem>>, vector<16xf32>,
    tpu.vector_store %arg7[%swap3A_281, %swap3A_282], %select_n3A_279 {strides = array<i32>} : memref<8x256xf32, #tpu.memory_space<vmem>>, vector<16xf32>,
    %get3A_284 = arith.constant 0 : i32
    %get3A_285 = arith.index_cast %get3A_284 : i32 to index
    %get3A_286 = arith.constant 224 : index
    %get3A_287 = tpu.vector_load %arg6[%get3A_285, %get3A_286] {strides = array<i32>} : memref<8x256xi32, #tpu.memory_space<vmem>>, vector<16xi32>,
    %and3A_288 = arith.andi %get3A_287, %broadcast_in_dim3A_44 : vector<16xi32>
    %swap3A_289 = arith.constant 0 : i32
    %swap3A_290 = arith.index_cast %swap3A_289 : i32 to index
    %swap3A_291 = arith.constant 224 : index
    %swap3A_292 = tpu.vector_load %arg6[%swap3A_290, %swap3A_291] {strides = array<i32>} : memref<8x256xi32, #tpu.memory_space<vmem>>, vector<16xi32>,
    tpu.vector_store %arg6[%swap3A_290, %swap3A_291], %and3A_288 {strides = array<i32>} : memref<8x256xi32, #tpu.memory_space<vmem>>, vector<16xi32>,
    %lt3A_293 = arith.constant 1073741824 : i32
    %lt3A_294 = vector.broadcast %lt3A_293 : i32 to vector<16xi32>
    %lt3A_295 = arith.cmpi slt, %get3A_287, %lt3A_294 : vector<16xi32>
    %select_n3A_296 = arith.select %lt3A_295, %broadcast_in_dim3A_46, %broadcast_in_dim3A_48 : vector<16xi1>, vector<16xf32>
    %swap3A_297 = arith.constant 0 : i32
    %swap3A_298 = arith.index_cast %swap3A_297 : i32 to index
    %swap3A_299 = arith.constant 224 : index
    %swap3A_300 = tpu.vector_load %arg7[%swap3A_298, %swap3A_299] {strides = array<i32>} : memref<8x256xf32, #tpu.memory_space<vmem>>, vector<16xf32>,
    tpu.vector_store %arg7[%swap3A_298, %swap3A_299], %select_n3A_296 {strides = array<i32>} : memref<8x256xf32, #tpu.memory_space<vmem>>, vector<16xf32>,
    %get3A_301 = arith.constant 0 : i32
    %get3A_302 = arith.index_cast %get3A_301 : i32 to index
    %get3A_303 = arith.constant 240 : index
    %get3A_304 = tpu.vector_load %arg6[%get3A_302, %get3A_303] {strides = array<i32>} : memref<8x256xi32, #tpu.memory_space<vmem>>, vector<16xi32>,
    %and3A_305 = arith.andi %get3A_304, %broadcast_in_dim3A_44 : vector<16xi32>
    %swap3A_306 = arith.constant 0 : i32
    %swap3A_307 = arith.index_cast %swap3A_306 : i32 to index
    %swap3A_308 = arith.constant 240 : index
    %swap3A_309 = tpu.vector_load %arg6[%swap3A_307, %swap3A_308] {strides = array<i32>} : memref<8x256xi32, #tpu.memory_space<vmem>>, vector<16xi32>,
    tpu.vector_store %arg6[%swap3A_307, %swap3A_308], %and3A_305 {strides = array<i32>} : memref<8x256xi32, #tpu.memory_space<vmem>>, vector<16xi32>,
    %lt3A_310 = arith.constant 1073741824 : i32
    %lt3A_311 = vector.broadcast %lt3A_310 : i32 to vector<16xi32>
    %lt3A_312 = arith.cmpi slt, %get3A_304, %lt3A_311 : vector<16xi32>
    %select_n3A_313 = arith.select %lt3A_312, %broadcast_in_dim3A_46, %broadcast_in_dim3A_48 : vector<16xi1>, vector<16xf32>
    %swap3A_314 = arith.constant 0 : i32
    %swap3A_315 = arith.index_cast %swap3A_314 : i32 to index
    %swap3A_316 = arith.constant 240 : index
    %swap3A_317 = tpu.vector_load %arg7[%swap3A_315, %swap3A_316] {strides = array<i32>} : memref<8x256xf32, #tpu.memory_space<vmem>>, vector<16xf32>,
    tpu.vector_store %arg7[%swap3A_315, %swap3A_316], %select_n3A_313 {strides = array<i32>} : memref<8x256xf32, #tpu.memory_space<vmem>>, vector<16xf32>,
    %dma_start3A = arith.constant 0 : i32
    %dma_start3A_318 = arith.constant 0 : i32
    %dma_start3A_319 = arith.constant 0 : i32
    %dma_start3A_320 = arith.constant 0 : i32
    %dma_start3A_321 = tpu.memref_slice %arg8[%dma_start3A_319, %dma_start3A_320] : memref<8x256xf32, #tpu.memory_space<vmem>> -> memref<1x256xf32, #tpu.memory_space<vmem>>
    %dma_start3A_322 = tpu.memref_squeeze %dma_start3A_321 : memref<1x256xf32, #tpu.memory_space<vmem>> -> memref<256xf32, #tpu.memory_space<vmem>>
    %dma_start3A_323 = arith.constant 0 : i32
    %dma_start3A_324 = tpu.memref_slice %arg6[%dma_start3A_318, %dma_start3A_323] : memref<8x256xi32, #tpu.memory_space<vmem>> -> memref<1x256xi32, #tpu.memory_space<vmem>>
    %dma_start3A_325 = tpu.memref_squeeze %dma_start3A_324 : memref<1x256xi32, #tpu.memory_space<vmem>> -> memref<256xi32, #tpu.memory_space<vmem>>
    %dma_start3A_326 = arith.constant 0 : i32
    %dma_start3A_327 = tpu.memref_slice %arg3[%dma_start3A, %dma_start3A_326] : memref<8x100000xf32, #tpu.memory_space<hbm>> -> memref<1x100000xf32, #tpu.memory_space<hbm>>
    %dma_start3A_328 = tpu.memref_squeeze %dma_start3A_327 : memref<1x100000xf32, #tpu.memory_space<hbm>> -> memref<100000xf32, #tpu.memory_space<hbm>>
    %dma_start3A_329 = arith.constant 0 : i32
    %dma_start3A_330 = tpu.memref_slice %dma_start3A_328[%dma_start3A_329] : memref<100000xf32, #tpu.memory_space<hbm>> -> memref<100000xf32, #tpu.memory_space<hbm>>
    tpu.enqueue_indirect_dma source(%dma_start3A_330 : memref<100000xf32, #tpu.memory_space<hbm>>) target(%dma_start3A_322 : memref<256xf32, #tpu.memory_space<vmem>>) offsets(%dma_start3A_325 : memref<256xi32, #tpu.memory_space<vmem>>) semaphore(%arg11 : memref<!tpu.dma_semaphore, #tpu.memory_space<semaphore_mem>>)
    %get3A_331 = arith.constant 1 : i32
    %get3A_332 = arith.index_cast %get3A_331 : i32 to index
    %get3A_333 = arith.constant 0 : index
    %get3A_334 = tpu.vector_load %arg6[%get3A_332, %get3A_333] {strides = array<i32>} : memref<8x256xi32, #tpu.memory_space<vmem>>, vector<16xi32>,
    %and3A_335 = arith.andi %get3A_334, %broadcast_in_dim3A_44 : vector<16xi32>
    %swap3A_336 = arith.constant 1 : i32
    %swap3A_337 = arith.index_cast %swap3A_336 : i32 to index
    %swap3A_338 = arith.constant 0 : index
    %swap3A_339 = tpu.vector_load %arg6[%swap3A_337, %swap3A_338] {strides = array<i32>} : memref<8x256xi32, #tpu.memory_space<vmem>>, vector<16xi32>,
    tpu.vector_store %arg6[%swap3A_337, %swap3A_338], %and3A_335 {strides = array<i32>} : memref<8x256xi32, #tpu.memory_space<vmem>>, vector<16xi32>,
    %lt3A_340 = arith.constant 1073741824 : i32
    %lt3A_341 = vector.broadcast %lt3A_340 : i32 to vector<16xi32>
    %lt3A_342 = arith.cmpi slt, %get3A_334, %lt3A_341 : vector<16xi32>
    %select_n3A_343 = arith.select %lt3A_342, %broadcast_in_dim3A_46, %broadcast_in_dim3A_48 : vector<16xi1>, vector<16xf32>
    %swap3A_344 = arith.constant 1 : i32
    %swap3A_345 = arith.index_cast %swap3A_344 : i32 to index
    %swap3A_346 = arith.constant 0 : index
    %swap3A_347 = tpu.vector_load %arg7[%swap3A_345, %swap3A_346] {strides = array<i32>} : memref<8x256xf32, #tpu.memory_space<vmem>>, vector<16xf32>,
    tpu.vector_store %arg7[%swap3A_345, %swap3A_346], %select_n3A_343 {strides = array<i32>} : memref<8x256xf32, #tpu.memory_space<vmem>>, vector<16xf32>,
    %get3A_348 = arith.constant 1 : i32
    %get3A_349 = arith.index_cast %get3A_348 : i32 to index
    %get3A_350 = arith.constant 16 : index
    %get3A_351 = tpu.vector_load %arg6[%get3A_349, %get3A_350] {strides = array<i32>} : memref<8x256xi32, #tpu.memory_space<vmem>>, vector<16xi32>,
    %and3A_352 = arith.andi %get3A_351, %broadcast_in_dim3A_44 : vector<16xi32>
    %swap3A_353 = arith.constant 1 : i32
    %swap3A_354 = arith.index_cast %swap3A_353 : i32 to index
    %swap3A_355 = arith.constant 16 : index
    %swap3A_356 = tpu.vector_load %arg6[%swap3A_354, %swap3A_355] {strides = array<i32>} : memref<8x256xi32, #tpu.memory_space<vmem>>, vector<16xi32>,
    tpu.vector_store %arg6[%swap3A_354, %swap3A_355], %and3A_352 {strides = array<i32>} : memref<8x256xi32, #tpu.memory_space<vmem>>, vector<16xi32>,
    %lt3A_357 = arith.constant 1073741824 : i32
    %lt3A_358 = vector.broadcast %lt3A_357 : i32 to vector<16xi32>
    %lt3A_359 = arith.cmpi slt, %get3A_351, %lt3A_358 : vector<16xi32>
    %select_n3A_360 = arith.select %lt3A_359, %broadcast_in_dim3A_46, %broadcast_in_dim3A_48 : vector<16xi1>, vector<16xf32>
    %swap3A_361 = arith.constant 1 : i32
    %swap3A_362 = arith.index_cast %swap3A_361 : i32 to index
    %swap3A_363 = arith.constant 16 : index
    %swap3A_364 = tpu.vector_load %arg7[%swap3A_362, %swap3A_363] {strides = array<i32>} : memref<8x256xf32, #tpu.memory_space<vmem>>, vector<16xf32>,
    tpu.vector_store %arg7[%swap3A_362, %swap3A_363], %select_n3A_360 {strides = array<i32>} : memref<8x256xf32, #tpu.memory_space<vmem>>, vector<16xf32>,
    %get3A_365 = arith.constant 1 : i32
    %get3A_366 = arith.index_cast %get3A_365 : i32 to index
    %get3A_367 = arith.constant 32 : index
    %get3A_368 = tpu.vector_load %arg6[%get3A_366, %get3A_367] {strides = array<i32>} : memref<8x256xi32, #tpu.memory_space<vmem>>, vector<16xi32>,
    %and3A_369 = arith.andi %get3A_368, %broadcast_in_dim3A_44 : vector<16xi32>
    %swap3A_370 = arith.constant 1 : i32
    %swap3A_371 = arith.index_cast %swap3A_370 : i32 to index
    %swap3A_372 = arith.constant 32 : index
    %swap3A_373 = tpu.vector_load %arg6[%swap3A_371, %swap3A_372] {strides = array<i32>} : memref<8x256xi32, #tpu.memory_space<vmem>>, vector<16xi32>,
    tpu.vector_store %arg6[%swap3A_371, %swap3A_372], %and3A_369 {strides = array<i32>} : memref<8x256xi32, #tpu.memory_space<vmem>>, vector<16xi32>,
    %lt3A_374 = arith.constant 1073741824 : i32
    %lt3A_375 = vector.broadcast %lt3A_374 : i32 to vector<16xi32>
    %lt3A_376 = arith.cmpi slt, %get3A_368, %lt3A_375 : vector<16xi32>
    %select_n3A_377 = arith.select %lt3A_376, %broadcast_in_dim3A_46, %broadcast_in_dim3A_48 : vector<16xi1>, vector<16xf32>
    %swap3A_378 = arith.constant 1 : i32
    %swap3A_379 = arith.index_cast %swap3A_378 : i32 to index
    %swap3A_380 = arith.constant 32 : index
    %swap3A_381 = tpu.vector_load %arg7[%swap3A_379, %swap3A_380] {strides = array<i32>} : memref<8x256xf32, #tpu.memory_space<vmem>>, vector<16xf32>,
    tpu.vector_store %arg7[%swap3A_379, %swap3A_380], %select_n3A_377 {strides = array<i32>} : memref<8x256xf32, #tpu.memory_space<vmem>>, vector<16xf32>,
    %get3A_382 = arith.constant 1 : i32
    %get3A_383 = arith.index_cast %get3A_382 : i32 to index
    %get3A_384 = arith.constant 48 : index
    %get3A_385 = tpu.vector_load %arg6[%get3A_383, %get3A_384] {strides = array<i32>} : memref<8x256xi32, #tpu.memory_space<vmem>>, vector<16xi32>,
    %and3A_386 = arith.andi %get3A_385, %broadcast_in_dim3A_44 : vector<16xi32>
    %swap3A_387 = arith.constant 1 : i32
    %swap3A_388 = arith.index_cast %swap3A_387 : i32 to index
    %swap3A_389 = arith.constant 48 : index
    %swap3A_390 = tpu.vector_load %arg6[%swap3A_388, %swap3A_389] {strides = array<i32>} : memref<8x256xi32, #tpu.memory_space<vmem>>, vector<16xi32>,
    tpu.vector_store %arg6[%swap3A_388, %swap3A_389], %and3A_386 {strides = array<i32>} : memref<8x256xi32, #tpu.memory_space<vmem>>, vector<16xi32>,
    %lt3A_391 = arith.constant 1073741824 : i32
    %lt3A_392 = vector.broadcast %lt3A_391 : i32 to vector<16xi32>
    %lt3A_393 = arith.cmpi slt, %get3A_385, %lt3A_392 : vector<16xi32>
    %select_n3A_394 = arith.select %lt3A_393, %broadcast_in_dim3A_46, %broadcast_in_dim3A_48 : vector<16xi1>, vector<16xf32>
    %swap3A_395 = arith.constant 1 : i32
    %swap3A_396 = arith.index_cast %swap3A_395 : i32 to index
    %swap3A_397 = arith.constant 48 : index
    %swap3A_398 = tpu.vector_load %arg7[%swap3A_396, %swap3A_397] {strides = array<i32>} : memref<8x256xf32, #tpu.memory_space<vmem>>, vector<16xf32>,
    tpu.vector_store %arg7[%swap3A_396, %swap3A_397], %select_n3A_394 {strides = array<i32>} : memref<8x256xf32, #tpu.memory_space<vmem>>, vector<16xf32>,
    %get3A_399 = arith.constant 1 : i32
    %get3A_400 = arith.index_cast %get3A_399 : i32 to index
    %get3A_401 = arith.constant 64 : index
    %get3A_402 = tpu.vector_load %arg6[%get3A_400, %get3A_401] {strides = array<i32>} : memref<8x256xi32, #tpu.memory_space<vmem>>, vector<16xi32>,
    %and3A_403 = arith.andi %get3A_402, %broadcast_in_dim3A_44 : vector<16xi32>
    %swap3A_404 = arith.constant 1 : i32
    %swap3A_405 = arith.index_cast %swap3A_404 : i32 to index
    %swap3A_406 = arith.constant 64 : index
    %swap3A_407 = tpu.vector_load %arg6[%swap3A_405, %swap3A_406] {strides = array<i32>} : memref<8x256xi32, #tpu.memory_space<vmem>>, vector<16xi32>,
    tpu.vector_store %arg6[%swap3A_405, %swap3A_406], %and3A_403 {strides = array<i32>} : memref<8x256xi32, #tpu.memory_space<vmem>>, vector<16xi32>,
    %lt3A_408 = arith.constant 1073741824 : i32
    %lt3A_409 = vector.broadcast %lt3A_408 : i32 to vector<16xi32>
    %lt3A_410 = arith.cmpi slt, %get3A_402, %lt3A_409 : vector<16xi32>
    %select_n3A_411 = arith.select %lt3A_410, %broadcast_in_dim3A_46, %broadcast_in_dim3A_48 : vector<16xi1>, vector<16xf32>
    %swap3A_412 = arith.constant 1 : i32
    %swap3A_413 = arith.index_cast %swap3A_412 : i32 to index
    %swap3A_414 = arith.constant 64 : index
    %swap3A_415 = tpu.vector_load %arg7[%swap3A_413, %swap3A_414] {strides = array<i32>} : memref<8x256xf32, #tpu.memory_space<vmem>>, vector<16xf32>,
    tpu.vector_store %arg7[%swap3A_413, %swap3A_414], %select_n3A_411 {strides = array<i32>} : memref<8x256xf32, #tpu.memory_space<vmem>>, vector<16xf32>,
    %get3A_416 = arith.constant 1 : i32
    %get3A_417 = arith.index_cast %get3A_416 : i32 to index
    %get3A_418 = arith.constant 80 : index
    %get3A_419 = tpu.vector_load %arg6[%get3A_417, %get3A_418] {strides = array<i32>} : memref<8x256xi32, #tpu.memory_space<vmem>>, vector<16xi32>,
    %and3A_420 = arith.andi %get3A_419, %broadcast_in_dim3A_44 : vector<16xi32>
    %swap3A_421 = arith.constant 1 : i32
    %swap3A_422 = arith.index_cast %swap3A_421 : i32 to index
    %swap3A_423 = arith.constant 80 : index
    %swap3A_424 = tpu.vector_load %arg6[%swap3A_422, %swap3A_423] {strides = array<i32>} : memref<8x256xi32, #tpu.memory_space<vmem>>, vector<16xi32>,
    tpu.vector_store %arg6[%swap3A_422, %swap3A_423], %and3A_420 {strides = array<i32>} : memref<8x256xi32, #tpu.memory_space<vmem>>, vector<16xi32>,
    %lt3A_425 = arith.constant 1073741824 : i32
    %lt3A_426 = vector.broadcast %lt3A_425 : i32 to vector<16xi32>
    %lt3A_427 = arith.cmpi slt, %get3A_419, %lt3A_426 : vector<16xi32>
    %select_n3A_428 = arith.select %lt3A_427, %broadcast_in_dim3A_46, %broadcast_in_dim3A_48 : vector<16xi1>, vector<16xf32>
    %swap3A_429 = arith.constant 1 : i32
    %swap3A_430 = arith.index_cast %swap3A_429 : i32 to index
    %swap3A_431 = arith.constant 80 : index
    %swap3A_432 = tpu.vector_load %arg7[%swap3A_430, %swap3A_431] {strides = array<i32>} : memref<8x256xf32, #tpu.memory_space<vmem>>, vector<16xf32>,
    tpu.vector_store %arg7[%swap3A_430, %swap3A_431], %select_n3A_428 {strides = array<i32>} : memref<8x256xf32, #tpu.memory_space<vmem>>, vector<16xf32>,
    %get3A_433 = arith.constant 1 : i32
    %get3A_434 = arith.index_cast %get3A_433 : i32 to index
    %get3A_435 = arith.constant 96 : index
    %get3A_436 = tpu.vector_load %arg6[%get3A_434, %get3A_435] {strides = array<i32>} : memref<8x256xi32, #tpu.memory_space<vmem>>, vector<16xi32>,
    %and3A_437 = arith.andi %get3A_436, %broadcast_in_dim3A_44 : vector<16xi32>
    %swap3A_438 = arith.constant 1 : i32
    %swap3A_439 = arith.index_cast %swap3A_438 : i32 to index
    %swap3A_440 = arith.constant 96 : index
    %swap3A_441 = tpu.vector_load %arg6[%swap3A_439, %swap3A_440] {strides = array<i32>} : memref<8x256xi32, #tpu.memory_space<vmem>>, vector<16xi32>,
    tpu.vector_store %arg6[%swap3A_439, %swap3A_440], %and3A_437 {strides = array<i32>} : memref<8x256xi32, #tpu.memory_space<vmem>>, vector<16xi32>,
    %lt3A_442 = arith.constant 1073741824 : i32
    %lt3A_443 = vector.broadcast %lt3A_442 : i32 to vector<16xi32>
    %lt3A_444 = arith.cmpi slt, %get3A_436, %lt3A_443 : vector<16xi32>
    %select_n3A_445 = arith.select %lt3A_444, %broadcast_in_dim3A_46, %broadcast_in_dim3A_48 : vector<16xi1>, vector<16xf32>
    %swap3A_446 = arith.constant 1 : i32
    %swap3A_447 = arith.index_cast %swap3A_446 : i32 to index
    %swap3A_448 = arith.constant 96 : index
    %swap3A_449 = tpu.vector_load %arg7[%swap3A_447, %swap3A_448] {strides = array<i32>} : memref<8x256xf32, #tpu.memory_space<vmem>>, vector<16xf32>,
    tpu.vector_store %arg7[%swap3A_447, %swap3A_448], %select_n3A_445 {strides = array<i32>} : memref<8x256xf32, #tpu.memory_space<vmem>>, vector<16xf32>,
    %get3A_450 = arith.constant 1 : i32
    %get3A_451 = arith.index_cast %get3A_450 : i32 to index
    %get3A_452 = arith.constant 112 : index
    %get3A_453 = tpu.vector_load %arg6[%get3A_451, %get3A_452] {strides = array<i32>} : memref<8x256xi32, #tpu.memory_space<vmem>>, vector<16xi32>,
    %and3A_454 = arith.andi %get3A_453, %broadcast_in_dim3A_44 : vector<16xi32>
    %swap3A_455 = arith.constant 1 : i32
    %swap3A_456 = arith.index_cast %swap3A_455 : i32 to index
    %swap3A_457 = arith.constant 112 : index
    %swap3A_458 = tpu.vector_load %arg6[%swap3A_456, %swap3A_457] {strides = array<i32>} : memref<8x256xi32, #tpu.memory_space<vmem>>, vector<16xi32>,
    tpu.vector_store %arg6[%swap3A_456, %swap3A_457], %and3A_454 {strides = array<i32>} : memref<8x256xi32, #tpu.memory_space<vmem>>, vector<16xi32>,
    %lt3A_459 = arith.constant 1073741824 : i32
    %lt3A_460 = vector.broadcast %lt3A_459 : i32 to vector<16xi32>
    %lt3A_461 = arith.cmpi slt, %get3A_453, %lt3A_460 : vector<16xi32>
    %select_n3A_462 = arith.select %lt3A_461, %broadcast_in_dim3A_46, %broadcast_in_dim3A_48 : vector<16xi1>, vector<16xf32>
    %swap3A_463 = arith.constant 1 : i32
    %swap3A_464 = arith.index_cast %swap3A_463 : i32 to index
    %swap3A_465 = arith.constant 112 : index
    %swap3A_466 = tpu.vector_load %arg7[%swap3A_464, %swap3A_465] {strides = array<i32>} : memref<8x256xf32, #tpu.memory_space<vmem>>, vector<16xf32>,
    tpu.vector_store %arg7[%swap3A_464, %swap3A_465], %select_n3A_462 {strides = array<i32>} : memref<8x256xf32, #tpu.memory_space<vmem>>, vector<16xf32>,
    %get3A_467 = arith.constant 1 : i32
    %get3A_468 = arith.index_cast %get3A_467 : i32 to index
    %get3A_469 = arith.constant 128 : index
    %get3A_470 = tpu.vector_load %arg6[%get3A_468, %get3A_469] {strides = array<i32>} : memref<8x256xi32, #tpu.memory_space<vmem>>, vector<16xi32>,
    %and3A_471 = arith.andi %get3A_470, %broadcast_in_dim3A_44 : vector<16xi32>
    %swap3A_472 = arith.constant 1 : i32
    %swap3A_473 = arith.index_cast %swap3A_472 : i32 to index
    %swap3A_474 = arith.constant 128 : index
    %swap3A_475 = tpu.vector_load %arg6[%swap3A_473, %swap3A_474] {strides = array<i32>} : memref<8x256xi32, #tpu.memory_space<vmem>>, vector<16xi32>,
    tpu.vector_store %arg6[%swap3A_473, %swap3A_474], %and3A_471 {strides = array<i32>} : memref<8x256xi32, #tpu.memory_space<vmem>>, vector<16xi32>,
    %lt3A_476 = arith.constant 1073741824 : i32
    %lt3A_477 = vector.broadcast %lt3A_476 : i32 to vector<16xi32>
    %lt3A_478 = arith.cmpi slt, %get3A_470, %lt3A_477 : vector<16xi32>
    %select_n3A_479 = arith.select %lt3A_478, %broadcast_in_dim3A_46, %broadcast_in_dim3A_48 : vector<16xi1>, vector<16xf32>
    %swap3A_480 = arith.constant 1 : i32
    %swap3A_481 = arith.index_cast %swap3A_480 : i32 to index
    %swap3A_482 = arith.constant 128 : index
    %swap3A_483 = tpu.vector_load %arg7[%swap3A_481, %swap3A_482] {strides = array<i32>} : memref<8x256xf32, #tpu.memory_space<vmem>>, vector<16xf32>,
    tpu.vector_store %arg7[%swap3A_481, %swap3A_482], %select_n3A_479 {strides = array<i32>} : memref<8x256xf32, #tpu.memory_space<vmem>>, vector<16xf32>,
    %get3A_484 = arith.constant 1 : i32
    %get3A_485 = arith.index_cast %get3A_484 : i32 to index
    %get3A_486 = arith.constant 144 : index
    %get3A_487 = tpu.vector_load %arg6[%get3A_485, %get3A_486] {strides = array<i32>} : memref<8x256xi32, #tpu.memory_space<vmem>>, vector<16xi32>,
    %and3A_488 = arith.andi %get3A_487, %broadcast_in_dim3A_44 : vector<16xi32>
    %swap3A_489 = arith.constant 1 : i32
    %swap3A_490 = arith.index_cast %swap3A_489 : i32 to index
    %swap3A_491 = arith.constant 144 : index
    %swap3A_492 = tpu.vector_load %arg6[%swap3A_490, %swap3A_491] {strides = array<i32>} : memref<8x256xi32, #tpu.memory_space<vmem>>, vector<16xi32>,
    tpu.vector_store %arg6[%swap3A_490, %swap3A_491], %and3A_488 {strides = array<i32>} : memref<8x256xi32, #tpu.memory_space<vmem>>, vector<16xi32>,
    %lt3A_493 = arith.constant 1073741824 : i32
    %lt3A_494 = vector.broadcast %lt3A_493 : i32 to vector<16xi32>
    %lt3A_495 = arith.cmpi slt, %get3A_487, %lt3A_494 : vector<16xi32>
    %select_n3A_496 = arith.select %lt3A_495, %broadcast_in_dim3A_46, %broadcast_in_dim3A_48 : vector<16xi1>, vector<16xf32>
    %swap3A_497 = arith.constant 1 : i32
    %swap3A_498 = arith.index_cast %swap3A_497 : i32 to index
    %swap3A_499 = arith.constant 144 : index
    %swap3A_500 = tpu.vector_load %arg7[%swap3A_498, %swap3A_499] {strides = array<i32>} : memref<8x256xf32, #tpu.memory_space<vmem>>, vector<16xf32>,
    tpu.vector_store %arg7[%swap3A_498, %swap3A_499], %select_n3A_496 {strides = array<i32>} : memref<8x256xf32, #tpu.memory_space<vmem>>, vector<16xf32>,
    %get3A_501 = arith.constant 1 : i32
    %get3A_502 = arith.index_cast %get3A_501 : i32 to index
    %get3A_503 = arith.constant 160 : index
    %get3A_504 = tpu.vector_load %arg6[%get3A_502, %get3A_503] {strides = array<i32>} : memref<8x256xi32, #tpu.memory_space<vmem>>, vector<16xi32>,
    %and3A_505 = arith.andi %get3A_504, %broadcast_in_dim3A_44 : vector<16xi32>
    %swap3A_506 = arith.constant 1 : i32
    %swap3A_507 = arith.index_cast %swap3A_506 : i32 to index
    %swap3A_508 = arith.constant 160 : index
    %swap3A_509 = tpu.vector_load %arg6[%swap3A_507, %swap3A_508] {strides = array<i32>} : memref<8x256xi32, #tpu.memory_space<vmem>>, vector<16xi32>,
    tpu.vector_store %arg6[%swap3A_507, %swap3A_508], %and3A_505 {strides = array<i32>} : memref<8x256xi32, #tpu.memory_space<vmem>>, vector<16xi32>,
    %lt3A_510 = arith.constant 1073741824 : i32
    %lt3A_511 = vector.broadcast %lt3A_510 : i32 to vector<16xi32>
    %lt3A_512 = arith.cmpi slt, %get3A_504, %lt3A_511 : vector<16xi32>
    %select_n3A_513 = arith.select %lt3A_512, %broadcast_in_dim3A_46, %broadcast_in_dim3A_48 : vector<16xi1>, vector<16xf32>
    %swap3A_514 = arith.constant 1 : i32
    %swap3A_515 = arith.index_cast %swap3A_514 : i32 to index
    %swap3A_516 = arith.constant 160 : index
    %swap3A_517 = tpu.vector_load %arg7[%swap3A_515, %swap3A_516] {strides = array<i32>} : memref<8x256xf32, #tpu.memory_space<vmem>>, vector<16xf32>,
    tpu.vector_store %arg7[%swap3A_515, %swap3A_516], %select_n3A_513 {strides = array<i32>} : memref<8x256xf32, #tpu.memory_space<vmem>>, vector<16xf32>,
    %get3A_518 = arith.constant 1 : i32
    %get3A_519 = arith.index_cast %get3A_518 : i32 to index
    %get3A_520 = arith.constant 176 : index
    %get3A_521 = tpu.vector_load %arg6[%get3A_519, %get3A_520] {strides = array<i32>} : memref<8x256xi32, #tpu.memory_space<vmem>>, vector<16xi32>,
    %and3A_522 = arith.andi %get3A_521, %broadcast_in_dim3A_44 : vector<16xi32>
    %swap3A_523 = arith.constant 1 : i32
    %swap3A_524 = arith.index_cast %swap3A_523 : i32 to index
    %swap3A_525 = arith.constant 176 : index
    %swap3A_526 = tpu.vector_load %arg6[%swap3A_524, %swap3A_525] {strides = array<i32>} : memref<8x256xi32, #tpu.memory_space<vmem>>, vector<16xi32>,
    tpu.vector_store %arg6[%swap3A_524, %swap3A_525], %and3A_522 {strides = array<i32>} : memref<8x256xi32, #tpu.memory_space<vmem>>, vector<16xi32>,
    %lt3A_527 = arith.constant 1073741824 : i32
    %lt3A_528 = vector.broadcast %lt3A_527 : i32 to vector<16xi32>
    %lt3A_529 = arith.cmpi slt, %get3A_521, %lt3A_528 : vector<16xi32>
    %select_n3A_530 = arith.select %lt3A_529, %broadcast_in_dim3A_46, %broadcast_in_dim3A_48 : vector<16xi1>, vector<16xf32>
    %swap3A_531 = arith.constant 1 : i32
    %swap3A_532 = arith.index_cast %swap3A_531 : i32 to index
    %swap3A_533 = arith.constant 176 : index
    %swap3A_534 = tpu.vector_load %arg7[%swap3A_532, %swap3A_533] {strides = array<i32>} : memref<8x256xf32, #tpu.memory_space<vmem>>, vector<16xf32>,
    tpu.vector_store %arg7[%swap3A_532, %swap3A_533], %select_n3A_530 {strides = array<i32>} : memref<8x256xf32, #tpu.memory_space<vmem>>, vector<16xf32>,
    %get3A_535 = arith.constant 1 : i32
    %get3A_536 = arith.index_cast %get3A_535 : i32 to index
    %get3A_537 = arith.constant 192 : index
    %get3A_538 = tpu.vector_load %arg6[%get3A_536, %get3A_537] {strides = array<i32>} : memref<8x256xi32, #tpu.memory_space<vmem>>, vector<16xi32>,
    %and3A_539 = arith.andi %get3A_538, %broadcast_in_dim3A_44 : vector<16xi32>
    %swap3A_540 = arith.constant 1 : i32
    %swap3A_541 = arith.index_cast %swap3A_540 : i32 to index
    %swap3A_542 = arith.constant 192 : index
    %swap3A_543 = tpu.vector_load %arg6[%swap3A_541, %swap3A_542] {strides = array<i32>} : memref<8x256xi32, #tpu.memory_space<vmem>>, vector<16xi32>,
    tpu.vector_store %arg6[%swap3A_541, %swap3A_542], %and3A_539 {strides = array<i32>} : memref<8x256xi32, #tpu.memory_space<vmem>>, vector<16xi32>,
    %lt3A_544 = arith.constant 1073741824 : i32
    %lt3A_545 = vector.broadcast %lt3A_544 : i32 to vector<16xi32>
    %lt3A_546 = arith.cmpi slt, %get3A_538, %lt3A_545 : vector<16xi32>
    %select_n3A_547 = arith.select %lt3A_546, %broadcast_in_dim3A_46, %broadcast_in_dim3A_48 : vector<16xi1>, vector<16xf32>
    %swap3A_548 = arith.constant 1 : i32
    %swap3A_549 = arith.index_cast %swap3A_548 : i32 to index
    %swap3A_550 = arith.constant 192 : index
    %swap3A_551 = tpu.vector_load %arg7[%swap3A_549, %swap3A_550] {strides = array<i32>} : memref<8x256xf32, #tpu.memory_space<vmem>>, vector<16xf32>,
    tpu.vector_store %arg7[%swap3A_549, %swap3A_550], %select_n3A_547 {strides = array<i32>} : memref<8x256xf32, #tpu.memory_space<vmem>>, vector<16xf32>,
    %get3A_552 = arith.constant 1 : i32
    %get3A_553 = arith.index_cast %get3A_552 : i32 to index
    %get3A_554 = arith.constant 208 : index
    %get3A_555 = tpu.vector_load %arg6[%get3A_553, %get3A_554] {strides = array<i32>} : memref<8x256xi32, #tpu.memory_space<vmem>>, vector<16xi32>,
    %and3A_556 = arith.andi %get3A_555, %broadcast_in_dim3A_44 : vector<16xi32>
    %swap3A_557 = arith.constant 1 : i32
    %swap3A_558 = arith.index_cast %swap3A_557 : i32 to index
    %swap3A_559 = arith.constant 208 : index
    %swap3A_560 = tpu.vector_load %arg6[%swap3A_558, %swap3A_559] {strides = array<i32>} : memref<8x256xi32, #tpu.memory_space<vmem>>, vector<16xi32>,
    tpu.vector_store %arg6[%swap3A_558, %swap3A_559], %and3A_556 {strides = array<i32>} : memref<8x256xi32, #tpu.memory_space<vmem>>, vector<16xi32>,
    %lt3A_561 = arith.constant 1073741824 : i32
    %lt3A_562 = vector.broadcast %lt3A_561 : i32 to vector<16xi32>
    %lt3A_563 = arith.cmpi slt, %get3A_555, %lt3A_562 : vector<16xi32>
    %select_n3A_564 = arith.select %lt3A_563, %broadcast_in_dim3A_46, %broadcast_in_dim3A_48 : vector<16xi1>, vector<16xf32>
    %swap3A_565 = arith.constant 1 : i32
    %swap3A_566 = arith.index_cast %swap3A_565 : i32 to index
    %swap3A_567 = arith.constant 208 : index
    %swap3A_568 = tpu.vector_load %arg7[%swap3A_566, %swap3A_567] {strides = array<i32>} : memref<8x256xf32, #tpu.memory_space<vmem>>, vector<16xf32>,
    tpu.vector_store %arg7[%swap3A_566, %swap3A_567], %select_n3A_564 {strides = array<i32>} : memref<8x256xf32, #tpu.memory_space<vmem>>, vector<16xf32>,
    %get3A_569 = arith.constant 1 : i32
    %get3A_570 = arith.index_cast %get3A_569 : i32 to index
    %get3A_571 = arith.constant 224 : index
    %get3A_572 = tpu.vector_load %arg6[%get3A_570, %get3A_571] {strides = array<i32>} : memref<8x256xi32, #tpu.memory_space<vmem>>, vector<16xi32>,
    %and3A_573 = arith.andi %get3A_572, %broadcast_in_dim3A_44 : vector<16xi32>
    %swap3A_574 = arith.constant 1 : i32
    %swap3A_575 = arith.index_cast %swap3A_574 : i32 to index
    %swap3A_576 = arith.constant 224 : index
    %swap3A_577 = tpu.vector_load %arg6[%swap3A_575, %swap3A_576] {strides = array<i32>} : memref<8x256xi32, #tpu.memory_space<vmem>>, vector<16xi32>,
    tpu.vector_store %arg6[%swap3A_575, %swap3A_576], %and3A_573 {strides = array<i32>} : memref<8x256xi32, #tpu.memory_space<vmem>>, vector<16xi32>,
    %lt3A_578 = arith.constant 1073741824 : i32
    %lt3A_579 = vector.broadcast %lt3A_578 : i32 to vector<16xi32>
    %lt3A_580 = arith.cmpi slt, %get3A_572, %lt3A_579 : vector<16xi32>
    %select_n3A_581 = arith.select %lt3A_580, %broadcast_in_dim3A_46, %broadcast_in_dim3A_48 : vector<16xi1>, vector<16xf32>
    %swap3A_582 = arith.constant 1 : i32
    %swap3A_583 = arith.index_cast %swap3A_582 : i32 to index
    %swap3A_584 = arith.constant 224 : index
    %swap3A_585 = tpu.vector_load %arg7[%swap3A_583, %swap3A_584] {strides = array<i32>} : memref<8x256xf32, #tpu.memory_space<vmem>>, vector<16xf32>,
    tpu.vector_store %arg7[%swap3A_583, %swap3A_584], %select_n3A_581 {strides = array<i32>} : memref<8x256xf32, #tpu.memory_space<vmem>>, vector<16xf32>,
    %get3A_586 = arith.constant 1 : i32
    %get3A_587 = arith.index_cast %get3A_586 : i32 to index
    %get3A_588 = arith.constant 240 : index
    %get3A_589 = tpu.vector_load %arg6[%get3A_587, %get3A_588] {strides = array<i32>} : memref<8x256xi32, #tpu.memory_space<vmem>>, vector<16xi32>,
    %and3A_590 = arith.andi %get3A_589, %broadcast_in_dim3A_44 : vector<16xi32>
    %swap3A_591 = arith.constant 1 : i32
    %swap3A_592 = arith.index_cast %swap3A_591 : i32 to index
    %swap3A_593 = arith.constant 240 : index
    %swap3A_594 = tpu.vector_load %arg6[%swap3A_592, %swap3A_593] {strides = array<i32>} : memref<8x256xi32, #tpu.memory_space<vmem>>, vector<16xi32>,
    tpu.vector_store %arg6[%swap3A_592, %swap3A_593], %and3A_590 {strides = array<i32>} : memref<8x256xi32, #tpu.memory_space<vmem>>, vector<16xi32>,
    %lt3A_595 = arith.constant 1073741824 : i32
    %lt3A_596 = vector.broadcast %lt3A_595 : i32 to vector<16xi32>
    %lt3A_597 = arith.cmpi slt, %get3A_589, %lt3A_596 : vector<16xi32>
    %select_n3A_598 = arith.select %lt3A_597, %broadcast_in_dim3A_46, %broadcast_in_dim3A_48 : vector<16xi1>, vector<16xf32>
    %swap3A_599 = arith.constant 1 : i32
    %swap3A_600 = arith.index_cast %swap3A_599 : i32 to index
    %swap3A_601 = arith.constant 240 : index
    %swap3A_602 = tpu.vector_load %arg7[%swap3A_600, %swap3A_601] {strides = array<i32>} : memref<8x256xf32, #tpu.memory_space<vmem>>, vector<16xf32>,
    tpu.vector_store %arg7[%swap3A_600, %swap3A_601], %select_n3A_598 {strides = array<i32>} : memref<8x256xf32, #tpu.memory_space<vmem>>, vector<16xf32>,
    %dma_start3A_603 = arith.constant 1 : i32
    %dma_start3A_604 = arith.constant 1 : i32
    %dma_start3A_605 = arith.constant 1 : i32
    %dma_start3A_606 = arith.constant 0 : i32
    %dma_start3A_607 = tpu.memref_slice %arg8[%dma_start3A_605, %dma_start3A_606] : memref<8x256xf32, #tpu.memory_space<vmem>> -> memref<1x256xf32, #tpu.memory_space<vmem>>
    %dma_start3A_608 = tpu.memref_squeeze %dma_start3A_607 : memref<1x256xf32, #tpu.memory_space<vmem>> -> memref<256xf32, #tpu.memory_space<vmem>>
    %dma_start3A_609 = arith.constant 0 : i32
    %dma_start3A_610 = tpu.memref_slice %arg6[%dma_start3A_604, %dma_start3A_609] : memref<8x256xi32, #tpu.memory_space<vmem>> -> memref<1x256xi32, #tpu.memory_space<vmem>>
    %dma_start3A_611 = tpu.memref_squeeze %dma_start3A_610 : memref<1x256xi32, #tpu.memory_space<vmem>> -> memref<256xi32, #tpu.memory_space<vmem>>
    %dma_start3A_612 = arith.constant 0 : i32
    %dma_start3A_613 = tpu.memref_slice %arg3[%dma_start3A_603, %dma_start3A_612] : memref<8x100000xf32, #tpu.memory_space<hbm>> -> memref<1x100000xf32, #tpu.memory_space<hbm>>
    %dma_start3A_614 = tpu.memref_squeeze %dma_start3A_613 : memref<1x100000xf32, #tpu.memory_space<hbm>> -> memref<100000xf32, #tpu.memory_space<hbm>>
    %dma_start3A_615 = arith.constant 0 : i32
    %dma_start3A_616 = tpu.memref_slice %dma_start3A_614[%dma_start3A_615] : memref<100000xf32, #tpu.memory_space<hbm>> -> memref<100000xf32, #tpu.memory_space<hbm>>
    tpu.enqueue_indirect_dma source(%dma_start3A_616 : memref<100000xf32, #tpu.memory_space<hbm>>) target(%dma_start3A_608 : memref<256xf32, #tpu.memory_space<vmem>>) offsets(%dma_start3A_611 : memref<256xi32, #tpu.memory_space<vmem>>) semaphore(%arg11 : memref<!tpu.dma_semaphore, #tpu.memory_space<semaphore_mem>>)
    %get3A_617 = arith.constant 2 : i32
    %get3A_618 = arith.index_cast %get3A_617 : i32 to index
    %get3A_619 = arith.constant 0 : index
    %get3A_620 = tpu.vector_load %arg6[%get3A_618, %get3A_619] {strides = array<i32>} : memref<8x256xi32, #tpu.memory_space<vmem>>, vector<16xi32>,
    %and3A_621 = arith.andi %get3A_620, %broadcast_in_dim3A_44 : vector<16xi32>
    %swap3A_622 = arith.constant 2 : i32
    %swap3A_623 = arith.index_cast %swap3A_622 : i32 to index
    %swap3A_624 = arith.constant 0 : index
    %swap3A_625 = tpu.vector_load %arg6[%swap3A_623, %swap3A_624] {strides = array<i32>} : memref<8x256xi32, #tpu.memory_space<vmem>>, vector<16xi32>,
    tpu.vector_store %arg6[%swap3A_623, %swap3A_624], %and3A_621 {strides = array<i32>} : memref<8x256xi32, #tpu.memory_space<vmem>>, vector<16xi32>,
    %lt3A_626 = arith.constant 1073741824 : i32
    %lt3A_627 = vector.broadcast %lt3A_626 : i32 to vector<16xi32>
    %lt3A_628 = arith.cmpi slt, %get3A_620, %lt3A_627 : vector<16xi32>
    %select_n3A_629 = arith.select %lt3A_628, %broadcast_in_dim3A_46, %broadcast_in_dim3A_48 : vector<16xi1>, vector<16xf32>
    %swap3A_630 = arith.constant 2 : i32
    %swap3A_631 = arith.index_cast %swap3A_630 : i32 to index
    %swap3A_632 = arith.constant 0 : index
    %swap3A_633 = tpu.vector_load %arg7[%swap3A_631, %swap3A_632] {strides = array<i32>} : memref<8x256xf32, #tpu.memory_space<vmem>>, vector<16xf32>,
    tpu.vector_store %arg7[%swap3A_631, %swap3A_632], %select_n3A_629 {strides = array<i32>} : memref<8x256xf32, #tpu.memory_space<vmem>>, vector<16xf32>,
    %get3A_634 = arith.constant 2 : i32
    %get3A_635 = arith.index_cast %get3A_634 : i32 to index
    %get3A_636 = arith.constant 16 : index
    %get3A_637 = tpu.vector_load %arg6[%get3A_635, %get3A_636] {strides = array<i32>} : memref<8x256xi32, #tpu.memory_space<vmem>>, vector<16xi32>,
    %and3A_638 = arith.andi %get3A_637, %broadcast_in_dim3A_44 : vector<16xi32>
    %swap3A_639 = arith.constant 2 : i32
    %swap3A_640 = arith.index_cast %swap3A_639 : i32 to index
    %swap3A_641 = arith.constant 16 : index
    %swap3A_642 = tpu.vector_load %arg6[%swap3A_640, %swap3A_641] {strides = array<i32>} : memref<8x256xi32, #tpu.memory_space<vmem>>, vector<16xi32>,
    tpu.vector_store %arg6[%swap3A_640, %swap3A_641], %and3A_638 {strides = array<i32>} : memref<8x256xi32, #tpu.memory_space<vmem>>, vector<16xi32>,
    %lt3A_643 = arith.constant 1073741824 : i32
    %lt3A_644 = vector.broadcast %lt3A_643 : i32 to vector<16xi32>
    %lt3A_645 = arith.cmpi slt, %get3A_637, %lt3A_644 : vector<16xi32>
    %select_n3A_646 = arith.select %lt3A_645, %broadcast_in_dim3A_46, %broadcast_in_dim3A_48 : vector<16xi1>, vector<16xf32>
    %swap3A_647 = arith.constant 2 : i32
    %swap3A_648 = arith.index_cast %swap3A_647 : i32 to index
    %swap3A_649 = arith.constant 16 : index
    %swap3A_650 = tpu.vector_load %arg7[%swap3A_648, %swap3A_649] {strides = array<i32>} : memref<8x256xf32, #tpu.memory_space<vmem>>, vector<16xf32>,
    tpu.vector_store %arg7[%swap3A_648, %swap3A_649], %select_n3A_646 {strides = array<i32>} : memref<8x256xf32, #tpu.memory_space<vmem>>, vector<16xf32>,
    %get3A_651 = arith.constant 2 : i32
    %get3A_652 = arith.index_cast %get3A_651 : i32 to index
    %get3A_653 = arith.constant 32 : index
    %get3A_654 = tpu.vector_load %arg6[%get3A_652, %get3A_653] {strides = array<i32>} : memref<8x256xi32, #tpu.memory_space<vmem>>, vector<16xi32>,
    %and3A_655 = arith.andi %get3A_654, %broadcast_in_dim3A_44 : vector<16xi32>
    %swap3A_656 = arith.constant 2 : i32
    %swap3A_657 = arith.index_cast %swap3A_656 : i32 to index
    %swap3A_658 = arith.constant 32 : index
    %swap3A_659 = tpu.vector_load %arg6[%swap3A_657, %swap3A_658] {strides = array<i32>} : memref<8x256xi32, #tpu.memory_space<vmem>>, vector<16xi32>,
    tpu.vector_store %arg6[%swap3A_657, %swap3A_658], %and3A_655 {strides = array<i32>} : memref<8x256xi32, #tpu.memory_space<vmem>>, vector<16xi32>,
    %lt3A_660 = arith.constant 1073741824 : i32
    %lt3A_661 = vector.broadcast %lt3A_660 : i32 to vector<16xi32>
    %lt3A_662 = arith.cmpi slt, %get3A_654, %lt3A_661 : vector<16xi32>
    %select_n3A_663 = arith.select %lt3A_662, %broadcast_in_dim3A_46, %broadcast_in_dim3A_48 : vector<16xi1>, vector<16xf32>
    %swap3A_664 = arith.constant 2 : i32
    %swap3A_665 = arith.index_cast %swap3A_664 : i32 to index
    %swap3A_666 = arith.constant 32 : index
    %swap3A_667 = tpu.vector_load %arg7[%swap3A_665, %swap3A_666] {strides = array<i32>} : memref<8x256xf32, #tpu.memory_space<vmem>>, vector<16xf32>,
    tpu.vector_store %arg7[%swap3A_665, %swap3A_666], %select_n3A_663 {strides = array<i32>} : memref<8x256xf32, #tpu.memory_space<vmem>>, vector<16xf32>,
    %get3A_668 = arith.constant 2 : i32
    %get3A_669 = arith.index_cast %get3A_668 : i32 to index
    %get3A_670 = arith.constant 48 : index
    %get3A_671 = tpu.vector_load %arg6[%get3A_669, %get3A_670] {strides = array<i32>} : memref<8x256xi32, #tpu.memory_space<vmem>>, vector<16xi32>,
    %and3A_672 = arith.andi %get3A_671, %broadcast_in_dim3A_44 : vector<16xi32>
    %swap3A_673 = arith.constant 2 : i32
    %swap3A_674 = arith.index_cast %swap3A_673 : i32 to index
    %swap3A_675 = arith.constant 48 : index
    %swap3A_676 = tpu.vector_load %arg6[%swap3A_674, %swap3A_675] {strides = array<i32>} : memref<8x256xi32, #tpu.memory_space<vmem>>, vector<16xi32>,
    tpu.vector_store %arg6[%swap3A_674, %swap3A_675], %and3A_672 {strides = array<i32>} : memref<8x256xi32, #tpu.memory_space<vmem>>, vector<16xi32>,
    %lt3A_677 = arith.constant 1073741824 : i32
    %lt3A_678 = vector.broadcast %lt3A_677 : i32 to vector<16xi32>
    %lt3A_679 = arith.cmpi slt, %get3A_671, %lt3A_678 : vector<16xi32>
    %select_n3A_680 = arith.select %lt3A_679, %broadcast_in_dim3A_46, %broadcast_in_dim3A_48 : vector<16xi1>, vector<16xf32>
    %swap3A_681 = arith.constant 2 : i32
    %swap3A_682 = arith.index_cast %swap3A_681 : i32 to index
    %swap3A_683 = arith.constant 48 : index
    %swap3A_684 = tpu.vector_load %arg7[%swap3A_682, %swap3A_683] {strides = array<i32>} : memref<8x256xf32, #tpu.memory_space<vmem>>, vector<16xf32>,
    tpu.vector_store %arg7[%swap3A_682, %swap3A_683], %select_n3A_680 {strides = array<i32>} : memref<8x256xf32, #tpu.memory_space<vmem>>, vector<16xf32>,
    %get3A_685 = arith.constant 2 : i32
    %get3A_686 = arith.index_cast %get3A_685 : i32 to index
    %get3A_687 = arith.constant 64 : index
    %get3A_688 = tpu.vector_load %arg6[%get3A_686, %get3A_687] {strides = array<i32>} : memref<8x256xi32, #tpu.memory_space<vmem>>, vector<16xi32>,
    %and3A_689 = arith.andi %get3A_688, %broadcast_in_dim3A_44 : vector<16xi32>
    %swap3A_690 = arith.constant 2 : i32
    %swap3A_691 = arith.index_cast %swap3A_690 : i32 to index
    %swap3A_692 = arith.constant 64 : index
    %swap3A_693 = tpu.vector_load %arg6[%swap3A_691, %swap3A_692] {strides = array<i32>} : memref<8x256xi32, #tpu.memory_space<vmem>>, vector<16xi32>,
    tpu.vector_store %arg6[%swap3A_691, %swap3A_692], %and3A_689 {strides = array<i32>} : memref<8x256xi32, #tpu.memory_space<vmem>>, vector<16xi32>,
    %lt3A_694 = arith.constant 1073741824 : i32
    %lt3A_695 = vector.broadcast %lt3A_694 : i32 to vector<16xi32>
    %lt3A_696 = arith.cmpi slt, %get3A_688, %lt3A_695 : vector<16xi32>
    %select_n3A_697 = arith.select %lt3A_696, %broadcast_in_dim3A_46, %broadcast_in_dim3A_48 : vector<16xi1>, vector<16xf32>
    %swap3A_698 = arith.constant 2 : i32
    %swap3A_699 = arith.index_cast %swap3A_698 : i32 to index
    %swap3A_700 = arith.constant 64 : index
    %swap3A_701 = tpu.vector_load %arg7[%swap3A_699, %swap3A_700] {strides = array<i32>} : memref<8x256xf32, #tpu.memory_space<vmem>>, vector<16xf32>,
    tpu.vector_store %arg7[%swap3A_699, %swap3A_700], %select_n3A_697 {strides = array<i32>} : memref<8x256xf32, #tpu.memory_space<vmem>>, vector<16xf32>,
    %get3A_702 = arith.constant 2 : i32
    %get3A_703 = arith.index_cast %get3A_702 : i32 to index
    %get3A_704 = arith.constant 80 : index
    %get3A_705 = tpu.vector_load %arg6[%get3A_703, %get3A_704] {strides = array<i32>} : memref<8x256xi32, #tpu.memory_space<vmem>>, vector<16xi32>,
    %and3A_706 = arith.andi %get3A_705, %broadcast_in_dim3A_44 : vector<16xi32>
    %swap3A_707 = arith.constant 2 : i32
    %swap3A_708 = arith.index_cast %swap3A_707 : i32 to index
    %swap3A_709 = arith.constant 80 : index
    %swap3A_710 = tpu.vector_load %arg6[%swap3A_708, %swap3A_709] {strides = array<i32>} : memref<8x256xi32, #tpu.memory_space<vmem>>, vector<16xi32>,
    tpu.vector_store %arg6[%swap3A_708, %swap3A_709], %and3A_706 {strides = array<i32>} : memref<8x256xi32, #tpu.memory_space<vmem>>, vector<16xi32>,
    %lt3A_711 = arith.constant 1073741824 : i32
    %lt3A_712 = vector.broadcast %lt3A_711 : i32 to vector<16xi32>
    %lt3A_713 = arith.cmpi slt, %get3A_705, %lt3A_712 : vector<16xi32>
    %select_n3A_714 = arith.select %lt3A_713, %broadcast_in_dim3A_46, %broadcast_in_dim3A_48 : vector<16xi1>, vector<16xf32>
    %swap3A_715 = arith.constant 2 : i32
    %swap3A_716 = arith.index_cast %swap3A_715 : i32 to index
    %swap3A_717 = arith.constant 80 : index
    %swap3A_718 = tpu.vector_load %arg7[%swap3A_716, %swap3A_717] {strides = array<i32>} : memref<8x256xf32, #tpu.memory_space<vmem>>, vector<16xf32>,
    tpu.vector_store %arg7[%swap3A_716, %swap3A_717], %select_n3A_714 {strides = array<i32>} : memref<8x256xf32, #tpu.memory_space<vmem>>, vector<16xf32>,
    %get3A_719 = arith.constant 2 : i32
    %get3A_720 = arith.index_cast %get3A_719 : i32 to index
    %get3A_721 = arith.constant 96 : index
    %get3A_722 = tpu.vector_load %arg6[%get3A_720, %get3A_721] {strides = array<i32>} : memref<8x256xi32, #tpu.memory_space<vmem>>, vector<16xi32>,
    %and3A_723 = arith.andi %get3A_722, %broadcast_in_dim3A_44 : vector<16xi32>
    %swap3A_724 = arith.constant 2 : i32
    %swap3A_725 = arith.index_cast %swap3A_724 : i32 to index
    %swap3A_726 = arith.constant 96 : index
    %swap3A_727 = tpu.vector_load %arg6[%swap3A_725, %swap3A_726] {strides = array<i32>} : memref<8x256xi32, #tpu.memory_space<vmem>>, vector<16xi32>,
    tpu.vector_store %arg6[%swap3A_725, %swap3A_726], %and3A_723 {strides = array<i32>} : memref<8x256xi32, #tpu.memory_space<vmem>>, vector<16xi32>,
    %lt3A_728 = arith.constant 1073741824 : i32
    %lt3A_729 = vector.broadcast %lt3A_728 : i32 to vector<16xi32>
    %lt3A_730 = arith.cmpi slt, %get3A_722, %lt3A_729 : vector<16xi32>
    %select_n3A_731 = arith.select %lt3A_730, %broadcast_in_dim3A_46, %broadcast_in_dim3A_48 : vector<16xi1>, vector<16xf32>
    %swap3A_732 = arith.constant 2 : i32
    %swap3A_733 = arith.index_cast %swap3A_732 : i32 to index
    %swap3A_734 = arith.constant 96 : index
    %swap3A_735 = tpu.vector_load %arg7[%swap3A_733, %swap3A_734] {strides = array<i32>} : memref<8x256xf32, #tpu.memory_space<vmem>>, vector<16xf32>,
    tpu.vector_store %arg7[%swap3A_733, %swap3A_734], %select_n3A_731 {strides = array<i32>} : memref<8x256xf32, #tpu.memory_space<vmem>>, vector<16xf32>,
    %get3A_736 = arith.constant 2 : i32
    %get3A_737 = arith.index_cast %get3A_736 : i32 to index
    %get3A_738 = arith.constant 112 : index
    %get3A_739 = tpu.vector_load %arg6[%get3A_737, %get3A_738] {strides = array<i32>} : memref<8x256xi32, #tpu.memory_space<vmem>>, vector<16xi32>,
    %and3A_740 = arith.andi %get3A_739, %broadcast_in_dim3A_44 : vector<16xi32>
    %swap3A_741 = arith.constant 2 : i32
    %swap3A_742 = arith.index_cast %swap3A_741 : i32 to index
    %swap3A_743 = arith.constant 112 : index
    %swap3A_744 = tpu.vector_load %arg6[%swap3A_742, %swap3A_743] {strides = array<i32>} : memref<8x256xi32, #tpu.memory_space<vmem>>, vector<16xi32>,
    tpu.vector_store %arg6[%swap3A_742, %swap3A_743], %and3A_740 {strides = array<i32>} : memref<8x256xi32, #tpu.memory_space<vmem>>, vector<16xi32>,
    %lt3A_745 = arith.constant 1073741824 : i32
    %lt3A_746 = vector.broadcast %lt3A_745 : i32 to vector<16xi32>
    %lt3A_747 = arith.cmpi slt, %get3A_739, %lt3A_746 : vector<16xi32>
    %select_n3A_748 = arith.select %lt3A_747, %broadcast_in_dim3A_46, %broadcast_in_dim3A_48 : vector<16xi1>, vector<16xf32>
    %swap3A_749 = arith.constant 2 : i32
    %swap3A_750 = arith.index_cast %swap3A_749 : i32 to index
    %swap3A_751 = arith.constant 112 : index
    %swap3A_752 = tpu.vector_load %arg7[%swap3A_750, %swap3A_751] {strides = array<i32>} : memref<8x256xf32, #tpu.memory_space<vmem>>, vector<16xf32>,
    tpu.vector_store %arg7[%swap3A_750, %swap3A_751], %select_n3A_748 {strides = array<i32>} : memref<8x256xf32, #tpu.memory_space<vmem>>, vector<16xf32>,
    %get3A_753 = arith.constant 2 : i32
    %get3A_754 = arith.index_cast %get3A_753 : i32 to index
    %get3A_755 = arith.constant 128 : index
    %get3A_756 = tpu.vector_load %arg6[%get3A_754, %get3A_755] {strides = array<i32>} : memref<8x256xi32, #tpu.memory_space<vmem>>, vector<16xi32>,
    %and3A_757 = arith.andi %get3A_756, %broadcast_in_dim3A_44 : vector<16xi32>
    %swap3A_758 = arith.constant 2 : i32
    %swap3A_759 = arith.index_cast %swap3A_758 : i32 to index
    %swap3A_760 = arith.constant 128 : index
    %swap3A_761 = tpu.vector_load %arg6[%swap3A_759, %swap3A_760] {strides = array<i32>} : memref<8x256xi32, #tpu.memory_space<vmem>>, vector<16xi32>,
    tpu.vector_store %arg6[%swap3A_759, %swap3A_760], %and3A_757 {strides = array<i32>} : memref<8x256xi32, #tpu.memory_space<vmem>>, vector<16xi32>,
    %lt3A_762 = arith.constant 1073741824 : i32
    %lt3A_763 = vector.broadcast %lt3A_762 : i32 to vector<16xi32>
    %lt3A_764 = arith.cmpi slt, %get3A_756, %lt3A_763 : vector<16xi32>
    %select_n3A_765 = arith.select %lt3A_764, %broadcast_in_dim3A_46, %broadcast_in_dim3A_48 : vector<16xi1>, vector<16xf32>
    %swap3A_766 = arith.constant 2 : i32
    %swap3A_767 = arith.index_cast %swap3A_766 : i32 to index
    %swap3A_768 = arith.constant 128 : index
    %swap3A_769 = tpu.vector_load %arg7[%swap3A_767, %swap3A_768] {strides = array<i32>} : memref<8x256xf32, #tpu.memory_space<vmem>>, vector<16xf32>,
    tpu.vector_store %arg7[%swap3A_767, %swap3A_768], %select_n3A_765 {strides = array<i32>} : memref<8x256xf32, #tpu.memory_space<vmem>>, vector<16xf32>,
    %get3A_770 = arith.constant 2 : i32
    %get3A_771 = arith.index_cast %get3A_770 : i32 to index
    %get3A_772 = arith.constant 144 : index
    %get3A_773 = tpu.vector_load %arg6[%get3A_771, %get3A_772] {strides = array<i32>} : memref<8x256xi32, #tpu.memory_space<vmem>>, vector<16xi32>,
    %and3A_774 = arith.andi %get3A_773, %broadcast_in_dim3A_44 : vector<16xi32>
    %swap3A_775 = arith.constant 2 : i32
    %swap3A_776 = arith.index_cast %swap3A_775 : i32 to index
    %swap3A_777 = arith.constant 144 : index
    %swap3A_778 = tpu.vector_load %arg6[%swap3A_776, %swap3A_777] {strides = array<i32>} : memref<8x256xi32, #tpu.memory_space<vmem>>, vector<16xi32>,
    tpu.vector_store %arg6[%swap3A_776, %swap3A_777], %and3A_774 {strides = array<i32>} : memref<8x256xi32, #tpu.memory_space<vmem>>, vector<16xi32>,
    %lt3A_779 = arith.constant 1073741824 : i32
    %lt3A_780 = vector.broadcast %lt3A_779 : i32 to vector<16xi32>
    %lt3A_781 = arith.cmpi slt, %get3A_773, %lt3A_780 : vector<16xi32>
    %select_n3A_782 = arith.select %lt3A_781, %broadcast_in_dim3A_46, %broadcast_in_dim3A_48 : vector<16xi1>, vector<16xf32>
    %swap3A_783 = arith.constant 2 : i32
    %swap3A_784 = arith.index_cast %swap3A_783 : i32 to index
    %swap3A_785 = arith.constant 144 : index
    %swap3A_786 = tpu.vector_load %arg7[%swap3A_784, %swap3A_785] {strides = array<i32>} : memref<8x256xf32, #tpu.memory_space<vmem>>, vector<16xf32>,
    tpu.vector_store %arg7[%swap3A_784, %swap3A_785], %select_n3A_782 {strides = array<i32>} : memref<8x256xf32, #tpu.memory_space<vmem>>, vector<16xf32>,
    %get3A_787 = arith.constant 2 : i32
    %get3A_788 = arith.index_cast %get3A_787 : i32 to index
    %get3A_789 = arith.constant 160 : index
    %get3A_790 = tpu.vector_load %arg6[%get3A_788, %get3A_789] {strides = array<i32>} : memref<8x256xi32, #tpu.memory_space<vmem>>, vector<16xi32>,
    %and3A_791 = arith.andi %get3A_790, %broadcast_in_dim3A_44 : vector<16xi32>
    %swap3A_792 = arith.constant 2 : i32
    %swap3A_793 = arith.index_cast %swap3A_792 : i32 to index
    %swap3A_794 = arith.constant 160 : index
    %swap3A_795 = tpu.vector_load %arg6[%swap3A_793, %swap3A_794] {strides = array<i32>} : memref<8x256xi32, #tpu.memory_space<vmem>>, vector<16xi32>,
    tpu.vector_store %arg6[%swap3A_793, %swap3A_794], %and3A_791 {strides = array<i32>} : memref<8x256xi32, #tpu.memory_space<vmem>>, vector<16xi32>,
    %lt3A_796 = arith.constant 1073741824 : i32
    %lt3A_797 = vector.broadcast %lt3A_796 : i32 to vector<16xi32>
    %lt3A_798 = arith.cmpi slt, %get3A_790, %lt3A_797 : vector<16xi32>
    %select_n3A_799 = arith.select %lt3A_798, %broadcast_in_dim3A_46, %broadcast_in_dim3A_48 : vector<16xi1>, vector<16xf32>
    %swap3A_800 = arith.constant 2 : i32
    %swap3A_801 = arith.index_cast %swap3A_800 : i32 to index
    %swap3A_802 = arith.constant 160 : index
    %swap3A_803 = tpu.vector_load %arg7[%swap3A_801, %swap3A_802] {strides = array<i32>} : memref<8x256xf32, #tpu.memory_space<vmem>>, vector<16xf32>,
    tpu.vector_store %arg7[%swap3A_801, %swap3A_802], %select_n3A_799 {strides = array<i32>} : memref<8x256xf32, #tpu.memory_space<vmem>>, vector<16xf32>,
    %get3A_804 = arith.constant 2 : i32
    %get3A_805 = arith.index_cast %get3A_804 : i32 to index
    %get3A_806 = arith.constant 176 : index
    %get3A_807 = tpu.vector_load %arg6[%get3A_805, %get3A_806] {strides = array<i32>} : memref<8x256xi32, #tpu.memory_space<vmem>>, vector<16xi32>,
    %and3A_808 = arith.andi %get3A_807, %broadcast_in_dim3A_44 : vector<16xi32>
    %swap3A_809 = arith.constant 2 : i32
    %swap3A_810 = arith.index_cast %swap3A_809 : i32 to index
    %swap3A_811 = arith.constant 176 : index
    %swap3A_812 = tpu.vector_load %arg6[%swap3A_810, %swap3A_811] {strides = array<i32>} : memref<8x256xi32, #tpu.memory_space<vmem>>, vector<16xi32>,
    tpu.vector_store %arg6[%swap3A_810, %swap3A_811], %and3A_808 {strides = array<i32>} : memref<8x256xi32, #tpu.memory_space<vmem>>, vector<16xi32>,
    %lt3A_813 = arith.constant 1073741824 : i32
    %lt3A_814 = vector.broadcast %lt3A_813 : i32 to vector<16xi32>
    %lt3A_815 = arith.cmpi slt, %get3A_807, %lt3A_814 : vector<16xi32>
    %select_n3A_816 = arith.select %lt3A_815, %broadcast_in_dim3A_46, %broadcast_in_dim3A_48 : vector<16xi1>, vector<16xf32>
    %swap3A_817 = arith.constant 2 : i32
    %swap3A_818 = arith.index_cast %swap3A_817 : i32 to index
    %swap3A_819 = arith.constant 176 : index
    %swap3A_820 = tpu.vector_load %arg7[%swap3A_818, %swap3A_819] {strides = array<i32>} : memref<8x256xf32, #tpu.memory_space<vmem>>, vector<16xf32>,
    tpu.vector_store %arg7[%swap3A_818, %swap3A_819], %select_n3A_816 {strides = array<i32>} : memref<8x256xf32, #tpu.memory_space<vmem>>, vector<16xf32>,
    %get3A_821 = arith.constant 2 : i32
    %get3A_822 = arith.index_cast %get3A_821 : i32 to index
    %get3A_823 = arith.constant 192 : index
    %get3A_824 = tpu.vector_load %arg6[%get3A_822, %get3A_823] {strides = array<i32>} : memref<8x256xi32, #tpu.memory_space<vmem>>, vector<16xi32>,
    %and3A_825 = arith.andi %get3A_824, %broadcast_in_dim3A_44 : vector<16xi32>
    %swap3A_826 = arith.constant 2 : i32
    %swap3A_827 = arith.index_cast %swap3A_826 : i32 to index
    %swap3A_828 = arith.constant 192 : index
    %swap3A_829 = tpu.vector_load %arg6[%swap3A_827, %swap3A_828] {strides = array<i32>} : memref<8x256xi32, #tpu.memory_space<vmem>>, vector<16xi32>,
    tpu.vector_store %arg6[%swap3A_827, %swap3A_828], %and3A_825 {strides = array<i32>} : memref<8x256xi32, #tpu.memory_space<vmem>>, vector<16xi32>,
    %lt3A_830 = arith.constant 1073741824 : i32
    %lt3A_831 = vector.broadcast %lt3A_830 : i32 to vector<16xi32>
    %lt3A_832 = arith.cmpi slt, %get3A_824, %lt3A_831 : vector<16xi32>
    %select_n3A_833 = arith.select %lt3A_832, %broadcast_in_dim3A_46, %broadcast_in_dim3A_48 : vector<16xi1>, vector<16xf32>
    %swap3A_834 = arith.constant 2 : i32
    %swap3A_835 = arith.index_cast %swap3A_834 : i32 to index
    %swap3A_836 = arith.constant 192 : index
    %swap3A_837 = tpu.vector_load %arg7[%swap3A_835, %swap3A_836] {strides = array<i32>} : memref<8x256xf32, #tpu.memory_space<vmem>>, vector<16xf32>,
    tpu.vector_store %arg7[%swap3A_835, %swap3A_836], %select_n3A_833 {strides = array<i32>} : memref<8x256xf32, #tpu.memory_space<vmem>>, vector<16xf32>,
    %get3A_838 = arith.constant 2 : i32
    %get3A_839 = arith.index_cast %get3A_838 : i32 to index
    %get3A_840 = arith.constant 208 : index
    %get3A_841 = tpu.vector_load %arg6[%get3A_839, %get3A_840] {strides = array<i32>} : memref<8x256xi32, #tpu.memory_space<vmem>>, vector<16xi32>,
    %and3A_842 = arith.andi %get3A_841, %broadcast_in_dim3A_44 : vector<16xi32>
    %swap3A_843 = arith.constant 2 : i32
    %swap3A_844 = arith.index_cast %swap3A_843 : i32 to index
    %swap3A_845 = arith.constant 208 : index
    %swap3A_846 = tpu.vector_load %arg6[%swap3A_844, %swap3A_845] {strides = array<i32>} : memref<8x256xi32, #tpu.memory_space<vmem>>, vector<16xi32>,
    tpu.vector_store %arg6[%swap3A_844, %swap3A_845], %and3A_842 {strides = array<i32>} : memref<8x256xi32, #tpu.memory_space<vmem>>, vector<16xi32>,
    %lt3A_847 = arith.constant 1073741824 : i32
    %lt3A_848 = vector.broadcast %lt3A_847 : i32 to vector<16xi32>
    %lt3A_849 = arith.cmpi slt, %get3A_841, %lt3A_848 : vector<16xi32>
    %select_n3A_850 = arith.select %lt3A_849, %broadcast_in_dim3A_46, %broadcast_in_dim3A_48 : vector<16xi1>, vector<16xf32>
    %swap3A_851 = arith.constant 2 : i32
    %swap3A_852 = arith.index_cast %swap3A_851 : i32 to index
    %swap3A_853 = arith.constant 208 : index
    %swap3A_854 = tpu.vector_load %arg7[%swap3A_852, %swap3A_853] {strides = array<i32>} : memref<8x256xf32, #tpu.memory_space<vmem>>, vector<16xf32>,
    tpu.vector_store %arg7[%swap3A_852, %swap3A_853], %select_n3A_850 {strides = array<i32>} : memref<8x256xf32, #tpu.memory_space<vmem>>, vector<16xf32>,
    %get3A_855 = arith.constant 2 : i32
    %get3A_856 = arith.index_cast %get3A_855 : i32 to index
    %get3A_857 = arith.constant 224 : index
    %get3A_858 = tpu.vector_load %arg6[%get3A_856, %get3A_857] {strides = array<i32>} : memref<8x256xi32, #tpu.memory_space<vmem>>, vector<16xi32>,
    %and3A_859 = arith.andi %get3A_858, %broadcast_in_dim3A_44 : vector<16xi32>
    %swap3A_860 = arith.constant 2 : i32
    %swap3A_861 = arith.index_cast %swap3A_860 : i32 to index
    %swap3A_862 = arith.constant 224 : index
    %swap3A_863 = tpu.vector_load %arg6[%swap3A_861, %swap3A_862] {strides = array<i32>} : memref<8x256xi32, #tpu.memory_space<vmem>>, vector<16xi32>,
    tpu.vector_store %arg6[%swap3A_861, %swap3A_862], %and3A_859 {strides = array<i32>} : memref<8x256xi32, #tpu.memory_space<vmem>>, vector<16xi32>,
    %lt3A_864 = arith.constant 1073741824 : i32
    %lt3A_865 = vector.broadcast %lt3A_864 : i32 to vector<16xi32>
    %lt3A_866 = arith.cmpi slt, %get3A_858, %lt3A_865 : vector<16xi32>
    %select_n3A_867 = arith.select %lt3A_866, %broadcast_in_dim3A_46, %broadcast_in_dim3A_48 : vector<16xi1>, vector<16xf32>
    %swap3A_868 = arith.constant 2 : i32
    %swap3A_869 = arith.index_cast %swap3A_868 : i32 to index
    %swap3A_870 = arith.constant 224 : index
    %swap3A_871 = tpu.vector_load %arg7[%swap3A_869, %swap3A_870] {strides = array<i32>} : memref<8x256xf32, #tpu.memory_space<vmem>>, vector<16xf32>,
    tpu.vector_store %arg7[%swap3A_869, %swap3A_870], %select_n3A_867 {strides = array<i32>} : memref<8x256xf32, #tpu.memory_space<vmem>>, vector<16xf32>,
    %get3A_872 = arith.constant 2 : i32
    %get3A_873 = arith.index_cast %get3A_872 : i32 to index
    %get3A_874 = arith.constant 240 : index
    %get3A_875 = tpu.vector_load %arg6[%get3A_873, %get3A_874] {strides = array<i32>} : memref<8x256xi32, #tpu.memory_space<vmem>>, vector<16xi32>,
    %and3A_876 = arith.andi %get3A_875, %broadcast_in_dim3A_44 : vector<16xi32>
    %swap3A_877 = arith.constant 2 : i32
    %swap3A_878 = arith.index_cast %swap3A_877 : i32 to index
    %swap3A_879 = arith.constant 240 : index
    %swap3A_880 = tpu.vector_load %arg6[%swap3A_878, %swap3A_879] {strides = array<i32>} : memref<8x256xi32, #tpu.memory_space<vmem>>, vector<16xi32>,
    tpu.vector_store %arg6[%swap3A_878, %swap3A_879], %and3A_876 {strides = array<i32>} : memref<8x256xi32, #tpu.memory_space<vmem>>, vector<16xi32>,
    %lt3A_881 = arith.constant 1073741824 : i32
    %lt3A_882 = vector.broadcast %lt3A_881 : i32 to vector<16xi32>
    %lt3A_883 = arith.cmpi slt, %get3A_875, %lt3A_882 : vector<16xi32>
    %select_n3A_884 = arith.select %lt3A_883, %broadcast_in_dim3A_46, %broadcast_in_dim3A_48 : vector<16xi1>, vector<16xf32>
    %swap3A_885 = arith.constant 2 : i32
    %swap3A_886 = arith.index_cast %swap3A_885 : i32 to index
    %swap3A_887 = arith.constant 240 : index
    %swap3A_888 = tpu.vector_load %arg7[%swap3A_886, %swap3A_887] {strides = array<i32>} : memref<8x256xf32, #tpu.memory_space<vmem>>, vector<16xf32>,
    tpu.vector_store %arg7[%swap3A_886, %swap3A_887], %select_n3A_884 {strides = array<i32>} : memref<8x256xf32, #tpu.memory_space<vmem>>, vector<16xf32>,
    %dma_start3A_889 = arith.constant 2 : i32
    %dma_start3A_890 = arith.constant 2 : i32
    %dma_start3A_891 = arith.constant 2 : i32
    %dma_start3A_892 = arith.constant 0 : i32
    %dma_start3A_893 = tpu.memref_slice %arg8[%dma_start3A_891, %dma_start3A_892] : memref<8x256xf32, #tpu.memory_space<vmem>> -> memref<1x256xf32, #tpu.memory_space<vmem>>
    %dma_start3A_894 = tpu.memref_squeeze %dma_start3A_893 : memref<1x256xf32, #tpu.memory_space<vmem>> -> memref<256xf32, #tpu.memory_space<vmem>>
    %dma_start3A_895 = arith.constant 0 : i32
    %dma_start3A_896 = tpu.memref_slice %arg6[%dma_start3A_890, %dma_start3A_895] : memref<8x256xi32, #tpu.memory_space<vmem>> -> memref<1x256xi32, #tpu.memory_space<vmem>>
    %dma_start3A_897 = tpu.memref_squeeze %dma_start3A_896 : memref<1x256xi32, #tpu.memory_space<vmem>> -> memref<256xi32, #tpu.memory_space<vmem>>
    %dma_start3A_898 = arith.constant 0 : i32
    %dma_start3A_899 = tpu.memref_slice %arg3[%dma_start3A_889, %dma_start3A_898] : memref<8x100000xf32, #tpu.memory_space<hbm>> -> memref<1x100000xf32, #tpu.memory_space<hbm>>
    %dma_start3A_900 = tpu.memref_squeeze %dma_start3A_899 : memref<1x100000xf32, #tpu.memory_space<hbm>> -> memref<100000xf32, #tpu.memory_space<hbm>>
    %dma_start3A_901 = arith.constant 0 : i32
    %dma_start3A_902 = tpu.memref_slice %dma_start3A_900[%dma_start3A_901] : memref<100000xf32, #tpu.memory_space<hbm>> -> memref<100000xf32, #tpu.memory_space<hbm>>
    tpu.enqueue_indirect_dma source(%dma_start3A_902 : memref<100000xf32, #tpu.memory_space<hbm>>) target(%dma_start3A_894 : memref<256xf32, #tpu.memory_space<vmem>>) offsets(%dma_start3A_897 : memref<256xi32, #tpu.memory_space<vmem>>) semaphore(%arg11 : memref<!tpu.dma_semaphore, #tpu.memory_space<semaphore_mem>>)
    %get3A_903 = arith.constant 3 : i32
    %get3A_904 = arith.index_cast %get3A_903 : i32 to index
    %get3A_905 = arith.constant 0 : index
    %get3A_906 = tpu.vector_load %arg6[%get3A_904, %get3A_905] {strides = array<i32>} : memref<8x256xi32, #tpu.memory_space<vmem>>, vector<16xi32>,
    %and3A_907 = arith.andi %get3A_906, %broadcast_in_dim3A_44 : vector<16xi32>
    %swap3A_908 = arith.constant 3 : i32
    %swap3A_909 = arith.index_cast %swap3A_908 : i32 to index
    %swap3A_910 = arith.constant 0 : index
    %swap3A_911 = tpu.vector_load %arg6[%swap3A_909, %swap3A_910] {strides = array<i32>} : memref<8x256xi32, #tpu.memory_space<vmem>>, vector<16xi32>,
    tpu.vector_store %arg6[%swap3A_909, %swap3A_910], %and3A_907 {strides = array<i32>} : memref<8x256xi32, #tpu.memory_space<vmem>>, vector<16xi32>,
    %lt3A_912 = arith.constant 1073741824 : i32
    %lt3A_913 = vector.broadcast %lt3A_912 : i32 to vector<16xi32>
    %lt3A_914 = arith.cmpi slt, %get3A_906, %lt3A_913 : vector<16xi32>
    %select_n3A_915 = arith.select %lt3A_914, %broadcast_in_dim3A_46, %broadcast_in_dim3A_48 : vector<16xi1>, vector<16xf32>
    %swap3A_916 = arith.constant 3 : i32
    %swap3A_917 = arith.index_cast %swap3A_916 : i32 to index
    %swap3A_918 = arith.constant 0 : index
    %swap3A_919 = tpu.vector_load %arg7[%swap3A_917, %swap3A_918] {strides = array<i32>} : memref<8x256xf32, #tpu.memory_space<vmem>>, vector<16xf32>,
    tpu.vector_store %arg7[%swap3A_917, %swap3A_918], %select_n3A_915 {strides = array<i32>} : memref<8x256xf32, #tpu.memory_space<vmem>>, vector<16xf32>,
    %get3A_920 = arith.constant 3 : i32
    %get3A_921 = arith.index_cast %get3A_920 : i32 to index
    %get3A_922 = arith.constant 16 : index
    %get3A_923 = tpu.vector_load %arg6[%get3A_921, %get3A_922] {strides = array<i32>} : memref<8x256xi32, #tpu.memory_space<vmem>>, vector<16xi32>,
    %and3A_924 = arith.andi %get3A_923, %broadcast_in_dim3A_44 : vector<16xi32>
    %swap3A_925 = arith.constant 3 : i32
    %swap3A_926 = arith.index_cast %swap3A_925 : i32 to index
    %swap3A_927 = arith.constant 16 : index
    %swap3A_928 = tpu.vector_load %arg6[%swap3A_926, %swap3A_927] {strides = array<i32>} : memref<8x256xi32, #tpu.memory_space<vmem>>, vector<16xi32>,
    tpu.vector_store %arg6[%swap3A_926, %swap3A_927], %and3A_924 {strides = array<i32>} : memref<8x256xi32, #tpu.memory_space<vmem>>, vector<16xi32>,
    %lt3A_929 = arith.constant 1073741824 : i32
    %lt3A_930 = vector.broadcast %lt3A_929 : i32 to vector<16xi32>
    %lt3A_931 = arith.cmpi slt, %get3A_923, %lt3A_930 : vector<16xi32>
    %select_n3A_932 = arith.select %lt3A_931, %broadcast_in_dim3A_46, %broadcast_in_dim3A_48 : vector<16xi1>, vector<16xf32>
    %swap3A_933 = arith.constant 3 : i32
    %swap3A_934 = arith.index_cast %swap3A_933 : i32 to index
    %swap3A_935 = arith.constant 16 : index
    %swap3A_936 = tpu.vector_load %arg7[%swap3A_934, %swap3A_935] {strides = array<i32>} : memref<8x256xf32, #tpu.memory_space<vmem>>, vector<16xf32>,
    tpu.vector_store %arg7[%swap3A_934, %swap3A_935], %select_n3A_932 {strides = array<i32>} : memref<8x256xf32, #tpu.memory_space<vmem>>, vector<16xf32>,
    %get3A_937 = arith.constant 3 : i32
    %get3A_938 = arith.index_cast %get3A_937 : i32 to index
    %get3A_939 = arith.constant 32 : index
    %get3A_940 = tpu.vector_load %arg6[%get3A_938, %get3A_939] {strides = array<i32>} : memref<8x256xi32, #tpu.memory_space<vmem>>, vector<16xi32>,
    %and3A_941 = arith.andi %get3A_940, %broadcast_in_dim3A_44 : vector<16xi32>
    %swap3A_942 = arith.constant 3 : i32
    %swap3A_943 = arith.index_cast %swap3A_942 : i32 to index
    %swap3A_944 = arith.constant 32 : index
    %swap3A_945 = tpu.vector_load %arg6[%swap3A_943, %swap3A_944] {strides = array<i32>} : memref<8x256xi32, #tpu.memory_space<vmem>>, vector<16xi32>,
    tpu.vector_store %arg6[%swap3A_943, %swap3A_944], %and3A_941 {strides = array<i32>} : memref<8x256xi32, #tpu.memory_space<vmem>>, vector<16xi32>,
    %lt3A_946 = arith.constant 1073741824 : i32
    %lt3A_947 = vector.broadcast %lt3A_946 : i32 to vector<16xi32>
    %lt3A_948 = arith.cmpi slt, %get3A_940, %lt3A_947 : vector<16xi32>
    %select_n3A_949 = arith.select %lt3A_948, %broadcast_in_dim3A_46, %broadcast_in_dim3A_48 : vector<16xi1>, vector<16xf32>
    %swap3A_950 = arith.constant 3 : i32
    %swap3A_951 = arith.index_cast %swap3A_950 : i32 to index
    %swap3A_952 = arith.constant 32 : index
    %swap3A_953 = tpu.vector_load %arg7[%swap3A_951, %swap3A_952] {strides = array<i32>} : memref<8x256xf32, #tpu.memory_space<vmem>>, vector<16xf32>,
    tpu.vector_store %arg7[%swap3A_951, %swap3A_952], %select_n3A_949 {strides = array<i32>} : memref<8x256xf32, #tpu.memory_space<vmem>>, vector<16xf32>,
    %get3A_954 = arith.constant 3 : i32
    %get3A_955 = arith.index_cast %get3A_954 : i32 to index
    %get3A_956 = arith.constant 48 : index
    %get3A_957 = tpu.vector_load %arg6[%get3A_955, %get3A_956] {strides = array<i32>} : memref<8x256xi32, #tpu.memory_space<vmem>>, vector<16xi32>,
    %and3A_958 = arith.andi %get3A_957, %broadcast_in_dim3A_44 : vector<16xi32>
    %swap3A_959 = arith.constant 3 : i32
    %swap3A_960 = arith.index_cast %swap3A_959 : i32 to index
    %swap3A_961 = arith.constant 48 : index
    %swap3A_962 = tpu.vector_load %arg6[%swap3A_960, %swap3A_961] {strides = array<i32>} : memref<8x256xi32, #tpu.memory_space<vmem>>, vector<16xi32>,
    tpu.vector_store %arg6[%swap3A_960, %swap3A_961], %and3A_958 {strides = array<i32>} : memref<8x256xi32, #tpu.memory_space<vmem>>, vector<16xi32>,
    %lt3A_963 = arith.constant 1073741824 : i32
    %lt3A_964 = vector.broadcast %lt3A_963 : i32 to vector<16xi32>
    %lt3A_965 = arith.cmpi slt, %get3A_957, %lt3A_964 : vector<16xi32>
    %select_n3A_966 = arith.select %lt3A_965, %broadcast_in_dim3A_46, %broadcast_in_dim3A_48 : vector<16xi1>, vector<16xf32>
    %swap3A_967 = arith.constant 3 : i32
    %swap3A_968 = arith.index_cast %swap3A_967 : i32 to index
    %swap3A_969 = arith.constant 48 : index
    %swap3A_970 = tpu.vector_load %arg7[%swap3A_968, %swap3A_969] {strides = array<i32>} : memref<8x256xf32, #tpu.memory_space<vmem>>, vector<16xf32>,
    tpu.vector_store %arg7[%swap3A_968, %swap3A_969], %select_n3A_966 {strides = array<i32>} : memref<8x256xf32, #tpu.memory_space<vmem>>, vector<16xf32>,
    %get3A_971 = arith.constant 3 : i32
    %get3A_972 = arith.index_cast %get3A_971 : i32 to index
    %get3A_973 = arith.constant 64 : index
    %get3A_974 = tpu.vector_load %arg6[%get3A_972, %get3A_973] {strides = array<i32>} : memref<8x256xi32, #tpu.memory_space<vmem>>, vector<16xi32>,
    %and3A_975 = arith.andi %get3A_974, %broadcast_in_dim3A_44 : vector<16xi32>
    %swap3A_976 = arith.constant 3 : i32
    %swap3A_977 = arith.index_cast %swap3A_976 : i32 to index
    %swap3A_978 = arith.constant 64 : index
    %swap3A_979 = tpu.vector_load %arg6[%swap3A_977, %swap3A_978] {strides = array<i32>} : memref<8x256xi32, #tpu.memory_space<vmem>>, vector<16xi32>,
    tpu.vector_store %arg6[%swap3A_977, %swap3A_978], %and3A_975 {strides = array<i32>} : memref<8x256xi32, #tpu.memory_space<vmem>>, vector<16xi32>,
    %lt3A_980 = arith.constant 1073741824 : i32
    %lt3A_981 = vector.broadcast %lt3A_980 : i32 to vector<16xi32>
    %lt3A_982 = arith.cmpi slt, %get3A_974, %lt3A_981 : vector<16xi32>
    %select_n3A_983 = arith.select %lt3A_982, %broadcast_in_dim3A_46, %broadcast_in_dim3A_48 : vector<16xi1>, vector<16xf32>
    %swap3A_984 = arith.constant 3 : i32
    %swap3A_985 = arith.index_cast %swap3A_984 : i32 to index
    %swap3A_986 = arith.constant 64 : index
    %swap3A_987 = tpu.vector_load %arg7[%swap3A_985, %swap3A_986] {strides = array<i32>} : memref<8x256xf32, #tpu.memory_space<vmem>>, vector<16xf32>,
    tpu.vector_store %arg7[%swap3A_985, %swap3A_986], %select_n3A_983 {strides = array<i32>} : memref<8x256xf32, #tpu.memory_space<vmem>>, vector<16xf32>,
    %get3A_988 = arith.constant 3 : i32
    %get3A_989 = arith.index_cast %get3A_988 : i32 to index
    %get3A_990 = arith.constant 80 : index
    %get3A_991 = tpu.vector_load %arg6[%get3A_989, %get3A_990] {strides = array<i32>} : memref<8x256xi32, #tpu.memory_space<vmem>>, vector<16xi32>,
    %and3A_992 = arith.andi %get3A_991, %broadcast_in_dim3A_44 : vector<16xi32>
    %swap3A_993 = arith.constant 3 : i32
    %swap3A_994 = arith.index_cast %swap3A_993 : i32 to index
    %swap3A_995 = arith.constant 80 : index
    %swap3A_996 = tpu.vector_load %arg6[%swap3A_994, %swap3A_995] {strides = array<i32>} : memref<8x256xi32, #tpu.memory_space<vmem>>, vector<16xi32>,
    tpu.vector_store %arg6[%swap3A_994, %swap3A_995], %and3A_992 {strides = array<i32>} : memref<8x256xi32, #tpu.memory_space<vmem>>, vector<16xi32>,
    %lt3A_997 = arith.constant 1073741824 : i32
    %lt3A_998 = vector.broadcast %lt3A_997 : i32 to vector<16xi32>
    %lt3A_999 = arith.cmpi slt, %get3A_991, %lt3A_998 : vector<16xi32>
    %select_n3A_1000 = arith.select %lt3A_999, %broadcast_in_dim3A_46, %broadcast_in_dim3A_48 : vector<16xi1>, vector<16xf32>
    %swap3A_1001 = arith.constant 3 : i32
    %swap3A_1002 = arith.index_cast %swap3A_1001 : i32 to index
    %swap3A_1003 = arith.constant 80 : index
    %swap3A_1004 = tpu.vector_load %arg7[%swap3A_1002, %swap3A_1003] {strides = array<i32>} : memref<8x256xf32, #tpu.memory_space<vmem>>, vector<16xf32>,
    tpu.vector_store %arg7[%swap3A_1002, %swap3A_1003], %select_n3A_1000 {strides = array<i32>} : memref<8x256xf32, #tpu.memory_space<vmem>>, vector<16xf32>,
    %get3A_1005 = arith.constant 3 : i32
    %get3A_1006 = arith.index_cast %get3A_1005 : i32 to index
    %get3A_1007 = arith.constant 96 : index
    %get3A_1008 = tpu.vector_load %arg6[%get3A_1006, %get3A_1007] {strides = array<i32>} : memref<8x256xi32, #tpu.memory_space<vmem>>, vector<16xi32>,
    %and3A_1009 = arith.andi %get3A_1008, %broadcast_in_dim3A_44 : vector<16xi32>
    %swap3A_1010 = arith.constant 3 : i32
    %swap3A_1011 = arith.index_cast %swap3A_1010 : i32 to index
    %swap3A_1012 = arith.constant 96 : index
    %swap3A_1013 = tpu.vector_load %arg6[%swap3A_1011, %swap3A_1012] {strides = array<i32>} : memref<8x256xi32, #tpu.memory_space<vmem>>, vector<16xi32>,
    tpu.vector_store %arg6[%swap3A_1011, %swap3A_1012], %and3A_1009 {strides = array<i32>} : memref<8x256xi32, #tpu.memory_space<vmem>>, vector<16xi32>,
    %lt3A_1014 = arith.constant 1073741824 : i32
    %lt3A_1015 = vector.broadcast %lt3A_1014 : i32 to vector<16xi32>
    %lt3A_1016 = arith.cmpi slt, %get3A_1008, %lt3A_1015 : vector<16xi32>
    %select_n3A_1017 = arith.select %lt3A_1016, %broadcast_in_dim3A_46, %broadcast_in_dim3A_48 : vector<16xi1>, vector<16xf32>
    %swap3A_1018 = arith.constant 3 : i32
    %swap3A_1019 = arith.index_cast %swap3A_1018 : i32 to index
    %swap3A_1020 = arith.constant 96 : index
    %swap3A_1021 = tpu.vector_load %arg7[%swap3A_1019, %swap3A_1020] {strides = array<i32>} : memref<8x256xf32, #tpu.memory_space<vmem>>, vector<16xf32>,
    tpu.vector_store %arg7[%swap3A_1019, %swap3A_1020], %select_n3A_1017 {strides = array<i32>} : memref<8x256xf32, #tpu.memory_space<vmem>>, vector<16xf32>,
    %get3A_1022 = arith.constant 3 : i32
    %get3A_1023 = arith.index_cast %get3A_1022 : i32 to index
    %get3A_1024 = arith.constant 112 : index
    %get3A_1025 = tpu.vector_load %arg6[%get3A_1023, %get3A_1024] {strides = array<i32>} : memref<8x256xi32, #tpu.memory_space<vmem>>, vector<16xi32>,
    %and3A_1026 = arith.andi %get3A_1025, %broadcast_in_dim3A_44 : vector<16xi32>
    %swap3A_1027 = arith.constant 3 : i32
    %swap3A_1028 = arith.index_cast %swap3A_1027 : i32 to index
    %swap3A_1029 = arith.constant 112 : index
    %swap3A_1030 = tpu.vector_load %arg6[%swap3A_1028, %swap3A_1029] {strides = array<i32>} : memref<8x256xi32, #tpu.memory_space<vmem>>, vector<16xi32>,
    tpu.vector_store %arg6[%swap3A_1028, %swap3A_1029], %and3A_1026 {strides = array<i32>} : memref<8x256xi32, #tpu.memory_space<vmem>>, vector<16xi32>,
    %lt3A_1031 = arith.constant 1073741824 : i32
    %lt3A_1032 = vector.broadcast %lt3A_1031 : i32 to vector<16xi32>
    %lt3A_1033 = arith.cmpi slt, %get3A_1025, %lt3A_1032 : vector<16xi32>
    %select_n3A_1034 = arith.select %lt3A_1033, %broadcast_in_dim3A_46, %broadcast_in_dim3A_48 : vector<16xi1>, vector<16xf32>
    %swap3A_1035 = arith.constant 3 : i32
    %swap3A_1036 = arith.index_cast %swap3A_1035 : i32 to index
    %swap3A_1037 = arith.constant 112 : index
    %swap3A_1038 = tpu.vector_load %arg7[%swap3A_1036, %swap3A_1037] {strides = array<i32>} : memref<8x256xf32, #tpu.memory_space<vmem>>, vector<16xf32>,
    tpu.vector_store %arg7[%swap3A_1036, %swap3A_1037], %select_n3A_1034 {strides = array<i32>} : memref<8x256xf32, #tpu.memory_space<vmem>>, vector<16xf32>,
    %get3A_1039 = arith.constant 3 : i32
    %get3A_1040 = arith.index_cast %get3A_1039 : i32 to index
    %get3A_1041 = arith.constant 128 : index
    %get3A_1042 = tpu.vector_load %arg6[%get3A_1040, %get3A_1041] {strides = array<i32>} : memref<8x256xi32, #tpu.memory_space<vmem>>, vector<16xi32>,
    %and3A_1043 = arith.andi %get3A_1042, %broadcast_in_dim3A_44 : vector<16xi32>
    %swap3A_1044 = arith.constant 3 : i32
    %swap3A_1045 = arith.index_cast %swap3A_1044 : i32 to index
    %swap3A_1046 = arith.constant 128 : index
    %swap3A_1047 = tpu.vector_load %arg6[%swap3A_1045, %swap3A_1046] {strides = array<i32>} : memref<8x256xi32, #tpu.memory_space<vmem>>, vector<16xi32>,
    tpu.vector_store %arg6[%swap3A_1045, %swap3A_1046], %and3A_1043 {strides = array<i32>} : memref<8x256xi32, #tpu.memory_space<vmem>>, vector<16xi32>,
    %lt3A_1048 = arith.constant 1073741824 : i32
    %lt3A_1049 = vector.broadcast %lt3A_1048 : i32 to vector<16xi32>
    %lt3A_1050 = arith.cmpi slt, %get3A_1042, %lt3A_1049 : vector<16xi32>
    %select_n3A_1051 = arith.select %lt3A_1050, %broadcast_in_dim3A_46, %broadcast_in_dim3A_48 : vector<16xi1>, vector<16xf32>
    %swap3A_1052 = arith.constant 3 : i32
    %swap3A_1053 = arith.index_cast %swap3A_1052 : i32 to index
    %swap3A_1054 = arith.constant 128 : index
    %swap3A_1055 = tpu.vector_load %arg7[%swap3A_1053, %swap3A_1054] {strides = array<i32>} : memref<8x256xf32, #tpu.memory_space<vmem>>, vector<16xf32>,
    tpu.vector_store %arg7[%swap3A_1053, %swap3A_1054], %select_n3A_1051 {strides = array<i32>} : memref<8x256xf32, #tpu.memory_space<vmem>>, vector<16xf32>,
    %get3A_1056 = arith.constant 3 : i32
    %get3A_1057 = arith.index_cast %get3A_1056 : i32 to index
    %get3A_1058 = arith.constant 144 : index
    %get3A_1059 = tpu.vector_load %arg6[%get3A_1057, %get3A_1058] {strides = array<i32>} : memref<8x256xi32, #tpu.memory_space<vmem>>, vector<16xi32>,
    %and3A_1060 = arith.andi %get3A_1059, %broadcast_in_dim3A_44 : vector<16xi32>
    %swap3A_1061 = arith.constant 3 : i32
    %swap3A_1062 = arith.index_cast %swap3A_1061 : i32 to index
    %swap3A_1063 = arith.constant 144 : index
    %swap3A_1064 = tpu.vector_load %arg6[%swap3A_1062, %swap3A_1063] {strides = array<i32>} : memref<8x256xi32, #tpu.memory_space<vmem>>, vector<16xi32>,
    tpu.vector_store %arg6[%swap3A_1062, %swap3A_1063], %and3A_1060 {strides = array<i32>} : memref<8x256xi32, #tpu.memory_space<vmem>>, vector<16xi32>,
    %lt3A_1065 = arith.constant 1073741824 : i32
    %lt3A_1066 = vector.broadcast %lt3A_1065 : i32 to vector<16xi32>
    %lt3A_1067 = arith.cmpi slt, %get3A_1059, %lt3A_1066 : vector<16xi32>
    %select_n3A_1068 = arith.select %lt3A_1067, %broadcast_in_dim3A_46, %broadcast_in_dim3A_48 : vector<16xi1>, vector<16xf32>
    %swap3A_1069 = arith.constant 3 : i32
    %swap3A_1070 = arith.index_cast %swap3A_1069 : i32 to index
    %swap3A_1071 = arith.constant 144 : index
    %swap3A_1072 = tpu.vector_load %arg7[%swap3A_1070, %swap3A_1071] {strides = array<i32>} : memref<8x256xf32, #tpu.memory_space<vmem>>, vector<16xf32>,
    tpu.vector_store %arg7[%swap3A_1070, %swap3A_1071], %select_n3A_1068 {strides = array<i32>} : memref<8x256xf32, #tpu.memory_space<vmem>>, vector<16xf32>,
    %get3A_1073 = arith.constant 3 : i32
    %get3A_1074 = arith.index_cast %get3A_1073 : i32 to index
    %get3A_1075 = arith.constant 160 : index
    %get3A_1076 = tpu.vector_load %arg6[%get3A_1074, %get3A_1075] {strides = array<i32>} : memref<8x256xi32, #tpu.memory_space<vmem>>, vector<16xi32>,
    %and3A_1077 = arith.andi %get3A_1076, %broadcast_in_dim3A_44 : vector<16xi32>
    %swap3A_1078 = arith.constant 3 : i32
    %swap3A_1079 = arith.index_cast %swap3A_1078 : i32 to index
    %swap3A_1080 = arith.constant 160 : index
    %swap3A_1081 = tpu.vector_load %arg6[%swap3A_1079, %swap3A_1080] {strides = array<i32>} : memref<8x256xi32, #tpu.memory_space<vmem>>, vector<16xi32>,
    tpu.vector_store %arg6[%swap3A_1079, %swap3A_1080], %and3A_1077 {strides = array<i32>} : memref<8x256xi32, #tpu.memory_space<vmem>>, vector<16xi32>,
    %lt3A_1082 = arith.constant 1073741824 : i32
    %lt3A_1083 = vector.broadcast %lt3A_1082 : i32 to vector<16xi32>
    %lt3A_1084 = arith.cmpi slt, %get3A_1076, %lt3A_1083 : vector<16xi32>
    %select_n3A_1085 = arith.select %lt3A_1084, %broadcast_in_dim3A_46, %broadcast_in_dim3A_48 : vector<16xi1>, vector<16xf32>
    %swap3A_1086 = arith.constant 3 : i32
    %swap3A_1087 = arith.index_cast %swap3A_1086 : i32 to index
    %swap3A_1088 = arith.constant 160 : index
    %swap3A_1089 = tpu.vector_load %arg7[%swap3A_1087, %swap3A_1088] {strides = array<i32>} : memref<8x256xf32, #tpu.memory_space<vmem>>, vector<16xf32>,
    tpu.vector_store %arg7[%swap3A_1087, %swap3A_1088], %select_n3A_1085 {strides = array<i32>} : memref<8x256xf32, #tpu.memory_space<vmem>>, vector<16xf32>,
    %get3A_1090 = arith.constant 3 : i32
    %get3A_1091 = arith.index_cast %get3A_1090 : i32 to index
    %get3A_1092 = arith.constant 176 : index
    %get3A_1093 = tpu.vector_load %arg6[%get3A_1091, %get3A_1092] {strides = array<i32>} : memref<8x256xi32, #tpu.memory_space<vmem>>, vector<16xi32>,
    %and3A_1094 = arith.andi %get3A_1093, %broadcast_in_dim3A_44 : vector<16xi32>
    %swap3A_1095 = arith.constant 3 : i32
    %swap3A_1096 = arith.index_cast %swap3A_1095 : i32 to index
    %swap3A_1097 = arith.constant 176 : index
    %swap3A_1098 = tpu.vector_load %arg6[%swap3A_1096, %swap3A_1097] {strides = array<i32>} : memref<8x256xi32, #tpu.memory_space<vmem>>, vector<16xi32>,
    tpu.vector_store %arg6[%swap3A_1096, %swap3A_1097], %and3A_1094 {strides = array<i32>} : memref<8x256xi32, #tpu.memory_space<vmem>>, vector<16xi32>,
    %lt3A_1099 = arith.constant 1073741824 : i32
    %lt3A_1100 = vector.broadcast %lt3A_1099 : i32 to vector<16xi32>
    %lt3A_1101 = arith.cmpi slt, %get3A_1093, %lt3A_1100 : vector<16xi32>
    %select_n3A_1102 = arith.select %lt3A_1101, %broadcast_in_dim3A_46, %broadcast_in_dim3A_48 : vector<16xi1>, vector<16xf32>
    %swap3A_1103 = arith.constant 3 : i32
    %swap3A_1104 = arith.index_cast %swap3A_1103 : i32 to index
    %swap3A_1105 = arith.constant 176 : index
    %swap3A_1106 = tpu.vector_load %arg7[%swap3A_1104, %swap3A_1105] {strides = array<i32>} : memref<8x256xf32, #tpu.memory_space<vmem>>, vector<16xf32>,
    tpu.vector_store %arg7[%swap3A_1104, %swap3A_1105], %select_n3A_1102 {strides = array<i32>} : memref<8x256xf32, #tpu.memory_space<vmem>>, vector<16xf32>,
    %get3A_1107 = arith.constant 3 : i32
    %get3A_1108 = arith.index_cast %get3A_1107 : i32 to index
    %get3A_1109 = arith.constant 192 : index
    %get3A_1110 = tpu.vector_load %arg6[%get3A_1108, %get3A_1109] {strides = array<i32>} : memref<8x256xi32, #tpu.memory_space<vmem>>, vector<16xi32>,
    %and3A_1111 = arith.andi %get3A_1110, %broadcast_in_dim3A_44 : vector<16xi32>
    %swap3A_1112 = arith.constant 3 : i32
    %swap3A_1113 = arith.index_cast %swap3A_1112 : i32 to index
    %swap3A_1114 = arith.constant 192 : index
    %swap3A_1115 = tpu.vector_load %arg6[%swap3A_1113, %swap3A_1114] {strides = array<i32>} : memref<8x256xi32, #tpu.memory_space<vmem>>, vector<16xi32>,
    tpu.vector_store %arg6[%swap3A_1113, %swap3A_1114], %and3A_1111 {strides = array<i32>} : memref<8x256xi32, #tpu.memory_space<vmem>>, vector<16xi32>,
    %lt3A_1116 = arith.constant 1073741824 : i32
    %lt3A_1117 = vector.broadcast %lt3A_1116 : i32 to vector<16xi32>
    %lt3A_1118 = arith.cmpi slt, %get3A_1110, %lt3A_1117 : vector<16xi32>
    %select_n3A_1119 = arith.select %lt3A_1118, %broadcast_in_dim3A_46, %broadcast_in_dim3A_48 : vector<16xi1>, vector<16xf32>
    %swap3A_1120 = arith.constant 3 : i32
    %swap3A_1121 = arith.index_cast %swap3A_1120 : i32 to index
    %swap3A_1122 = arith.constant 192 : index
    %swap3A_1123 = tpu.vector_load %arg7[%swap3A_1121, %swap3A_1122] {strides = array<i32>} : memref<8x256xf32, #tpu.memory_space<vmem>>, vector<16xf32>,
    tpu.vector_store %arg7[%swap3A_1121, %swap3A_1122], %select_n3A_1119 {strides = array<i32>} : memref<8x256xf32, #tpu.memory_space<vmem>>, vector<16xf32>,
    %get3A_1124 = arith.constant 3 : i32
    %get3A_1125 = arith.index_cast %get3A_1124 : i32 to index
    %get3A_1126 = arith.constant 208 : index
    %get3A_1127 = tpu.vector_load %arg6[%get3A_1125, %get3A_1126] {strides = array<i32>} : memref<8x256xi32, #tpu.memory_space<vmem>>, vector<16xi32>,
    %and3A_1128 = arith.andi %get3A_1127, %broadcast_in_dim3A_44 : vector<16xi32>
    %swap3A_1129 = arith.constant 3 : i32
    %swap3A_1130 = arith.index_cast %swap3A_1129 : i32 to index
    %swap3A_1131 = arith.constant 208 : index
    %swap3A_1132 = tpu.vector_load %arg6[%swap3A_1130, %swap3A_1131] {strides = array<i32>} : memref<8x256xi32, #tpu.memory_space<vmem>>, vector<16xi32>,
    tpu.vector_store %arg6[%swap3A_1130, %swap3A_1131], %and3A_1128 {strides = array<i32>} : memref<8x256xi32, #tpu.memory_space<vmem>>, vector<16xi32>,
    %lt3A_1133 = arith.constant 1073741824 : i32
    %lt3A_1134 = vector.broadcast %lt3A_1133 : i32 to vector<16xi32>
    %lt3A_1135 = arith.cmpi slt, %get3A_1127, %lt3A_1134 : vector<16xi32>
    %select_n3A_1136 = arith.select %lt3A_1135, %broadcast_in_dim3A_46, %broadcast_in_dim3A_48 : vector<16xi1>, vector<16xf32>
    %swap3A_1137 = arith.constant 3 : i32
    %swap3A_1138 = arith.index_cast %swap3A_1137 : i32 to index
    %swap3A_1139 = arith.constant 208 : index
    %swap3A_1140 = tpu.vector_load %arg7[%swap3A_1138, %swap3A_1139] {strides = array<i32>} : memref<8x256xf32, #tpu.memory_space<vmem>>, vector<16xf32>,
    tpu.vector_store %arg7[%swap3A_1138, %swap3A_1139], %select_n3A_1136 {strides = array<i32>} : memref<8x256xf32, #tpu.memory_space<vmem>>, vector<16xf32>,
    %get3A_1141 = arith.constant 3 : i32
    %get3A_1142 = arith.index_cast %get3A_1141 : i32 to index
    %get3A_1143 = arith.constant 224 : index
    %get3A_1144 = tpu.vector_load %arg6[%get3A_1142, %get3A_1143] {strides = array<i32>} : memref<8x256xi32, #tpu.memory_space<vmem>>, vector<16xi32>,
    %and3A_1145 = arith.andi %get3A_1144, %broadcast_in_dim3A_44 : vector<16xi32>
    %swap3A_1146 = arith.constant 3 : i32
    %swap3A_1147 = arith.index_cast %swap3A_1146 : i32 to index
    %swap3A_1148 = arith.constant 224 : index
    %swap3A_1149 = tpu.vector_load %arg6[%swap3A_1147, %swap3A_1148] {strides = array<i32>} : memref<8x256xi32, #tpu.memory_space<vmem>>, vector<16xi32>,
    tpu.vector_store %arg6[%swap3A_1147, %swap3A_1148], %and3A_1145 {strides = array<i32>} : memref<8x256xi32, #tpu.memory_space<vmem>>, vector<16xi32>,
    %lt3A_1150 = arith.constant 1073741824 : i32
    %lt3A_1151 = vector.broadcast %lt3A_1150 : i32 to vector<16xi32>
    %lt3A_1152 = arith.cmpi slt, %get3A_1144, %lt3A_1151 : vector<16xi32>
    %select_n3A_1153 = arith.select %lt3A_1152, %broadcast_in_dim3A_46, %broadcast_in_dim3A_48 : vector<16xi1>, vector<16xf32>
    %swap3A_1154 = arith.constant 3 : i32
    %swap3A_1155 = arith.index_cast %swap3A_1154 : i32 to index
    %swap3A_1156 = arith.constant 224 : index
    %swap3A_1157 = tpu.vector_load %arg7[%swap3A_1155, %swap3A_1156] {strides = array<i32>} : memref<8x256xf32, #tpu.memory_space<vmem>>, vector<16xf32>,
    tpu.vector_store %arg7[%swap3A_1155, %swap3A_1156], %select_n3A_1153 {strides = array<i32>} : memref<8x256xf32, #tpu.memory_space<vmem>>, vector<16xf32>,
    %get3A_1158 = arith.constant 3 : i32
    %get3A_1159 = arith.index_cast %get3A_1158 : i32 to index
    %get3A_1160 = arith.constant 240 : index
    %get3A_1161 = tpu.vector_load %arg6[%get3A_1159, %get3A_1160] {strides = array<i32>} : memref<8x256xi32, #tpu.memory_space<vmem>>, vector<16xi32>,
    %and3A_1162 = arith.andi %get3A_1161, %broadcast_in_dim3A_44 : vector<16xi32>
    %swap3A_1163 = arith.constant 3 : i32
    %swap3A_1164 = arith.index_cast %swap3A_1163 : i32 to index
    %swap3A_1165 = arith.constant 240 : index
    %swap3A_1166 = tpu.vector_load %arg6[%swap3A_1164, %swap3A_1165] {strides = array<i32>} : memref<8x256xi32, #tpu.memory_space<vmem>>, vector<16xi32>,
    tpu.vector_store %arg6[%swap3A_1164, %swap3A_1165], %and3A_1162 {strides = array<i32>} : memref<8x256xi32, #tpu.memory_space<vmem>>, vector<16xi32>,
    %lt3A_1167 = arith.constant 1073741824 : i32
    %lt3A_1168 = vector.broadcast %lt3A_1167 : i32 to vector<16xi32>
    %lt3A_1169 = arith.cmpi slt, %get3A_1161, %lt3A_1168 : vector<16xi32>
    %select_n3A_1170 = arith.select %lt3A_1169, %broadcast_in_dim3A_46, %broadcast_in_dim3A_48 : vector<16xi1>, vector<16xf32>
    %swap3A_1171 = arith.constant 3 : i32
    %swap3A_1172 = arith.index_cast %swap3A_1171 : i32 to index
    %swap3A_1173 = arith.constant 240 : index
    %swap3A_1174 = tpu.vector_load %arg7[%swap3A_1172, %swap3A_1173] {strides = array<i32>} : memref<8x256xf32, #tpu.memory_space<vmem>>, vector<16xf32>,
    tpu.vector_store %arg7[%swap3A_1172, %swap3A_1173], %select_n3A_1170 {strides = array<i32>} : memref<8x256xf32, #tpu.memory_space<vmem>>, vector<16xf32>,
    %dma_start3A_1175 = arith.constant 3 : i32
    %dma_start3A_1176 = arith.constant 3 : i32
    %dma_start3A_1177 = arith.constant 3 : i32
    %dma_start3A_1178 = arith.constant 0 : i32
    %dma_start3A_1179 = tpu.memref_slice %arg8[%dma_start3A_1177, %dma_start3A_1178] : memref<8x256xf32, #tpu.memory_space<vmem>> -> memref<1x256xf32, #tpu.memory_space<vmem>>
    %dma_start3A_1180 = tpu.memref_squeeze %dma_start3A_1179 : memref<1x256xf32, #tpu.memory_space<vmem>> -> memref<256xf32, #tpu.memory_space<vmem>>
    %dma_start3A_1181 = arith.constant 0 : i32
    %dma_start3A_1182 = tpu.memref_slice %arg6[%dma_start3A_1176, %dma_start3A_1181] : memref<8x256xi32, #tpu.memory_space<vmem>> -> memref<1x256xi32, #tpu.memory_space<vmem>>
    %dma_start3A_1183 = tpu.memref_squeeze %dma_start3A_1182 : memref<1x256xi32, #tpu.memory_space<vmem>> -> memref<256xi32, #tpu.memory_space<vmem>>
    %dma_start3A_1184 = arith.constant 0 : i32
    %dma_start3A_1185 = tpu.memref_slice %arg3[%dma_start3A_1175, %dma_start3A_1184] : memref<8x100000xf32, #tpu.memory_space<hbm>> -> memref<1x100000xf32, #tpu.memory_space<hbm>>
    %dma_start3A_1186 = tpu.memref_squeeze %dma_start3A_1185 : memref<1x100000xf32, #tpu.memory_space<hbm>> -> memref<100000xf32, #tpu.memory_space<hbm>>
    %dma_start3A_1187 = arith.constant 0 : i32
    %dma_start3A_1188 = tpu.memref_slice %dma_start3A_1186[%dma_start3A_1187] : memref<100000xf32, #tpu.memory_space<hbm>> -> memref<100000xf32, #tpu.memory_space<hbm>>
    tpu.enqueue_indirect_dma source(%dma_start3A_1188 : memref<100000xf32, #tpu.memory_space<hbm>>) target(%dma_start3A_1180 : memref<256xf32, #tpu.memory_space<vmem>>) offsets(%dma_start3A_1183 : memref<256xi32, #tpu.memory_space<vmem>>) semaphore(%arg11 : memref<!tpu.dma_semaphore, #tpu.memory_space<semaphore_mem>>)
    %get3A_1189 = arith.constant 4 : i32
    %get3A_1190 = arith.index_cast %get3A_1189 : i32 to index
    %get3A_1191 = arith.constant 0 : index
    %get3A_1192 = tpu.vector_load %arg6[%get3A_1190, %get3A_1191] {strides = array<i32>} : memref<8x256xi32, #tpu.memory_space<vmem>>, vector<16xi32>,
    %and3A_1193 = arith.andi %get3A_1192, %broadcast_in_dim3A_44 : vector<16xi32>
    %swap3A_1194 = arith.constant 4 : i32
    %swap3A_1195 = arith.index_cast %swap3A_1194 : i32 to index
    %swap3A_1196 = arith.constant 0 : index
    %swap3A_1197 = tpu.vector_load %arg6[%swap3A_1195, %swap3A_1196] {strides = array<i32>} : memref<8x256xi32, #tpu.memory_space<vmem>>, vector<16xi32>,
    tpu.vector_store %arg6[%swap3A_1195, %swap3A_1196], %and3A_1193 {strides = array<i32>} : memref<8x256xi32, #tpu.memory_space<vmem>>, vector<16xi32>,
    %lt3A_1198 = arith.constant 1073741824 : i32
    %lt3A_1199 = vector.broadcast %lt3A_1198 : i32 to vector<16xi32>
    %lt3A_1200 = arith.cmpi slt, %get3A_1192, %lt3A_1199 : vector<16xi32>
    %select_n3A_1201 = arith.select %lt3A_1200, %broadcast_in_dim3A_46, %broadcast_in_dim3A_48 : vector<16xi1>, vector<16xf32>
    %swap3A_1202 = arith.constant 4 : i32
    %swap3A_1203 = arith.index_cast %swap3A_1202 : i32 to index
    %swap3A_1204 = arith.constant 0 : index
    %swap3A_1205 = tpu.vector_load %arg7[%swap3A_1203, %swap3A_1204] {strides = array<i32>} : memref<8x256xf32, #tpu.memory_space<vmem>>, vector<16xf32>,
    tpu.vector_store %arg7[%swap3A_1203, %swap3A_1204], %select_n3A_1201 {strides = array<i32>} : memref<8x256xf32, #tpu.memory_space<vmem>>, vector<16xf32>,
    %get3A_1206 = arith.constant 4 : i32
    %get3A_1207 = arith.index_cast %get3A_1206 : i32 to index
    %get3A_1208 = arith.constant 16 : index
    %get3A_1209 = tpu.vector_load %arg6[%get3A_1207, %get3A_1208] {strides = array<i32>} : memref<8x256xi32, #tpu.memory_space<vmem>>, vector<16xi32>,
    %and3A_1210 = arith.andi %get3A_1209, %broadcast_in_dim3A_44 : vector<16xi32>
    %swap3A_1211 = arith.constant 4 : i32
    %swap3A_1212 = arith.index_cast %swap3A_1211 : i32 to index
    %swap3A_1213 = arith.constant 16 : index
    %swap3A_1214 = tpu.vector_load %arg6[%swap3A_1212, %swap3A_1213] {strides = array<i32>} : memref<8x256xi32, #tpu.memory_space<vmem>>, vector<16xi32>,
    tpu.vector_store %arg6[%swap3A_1212, %swap3A_1213], %and3A_1210 {strides = array<i32>} : memref<8x256xi32, #tpu.memory_space<vmem>>, vector<16xi32>,
    %lt3A_1215 = arith.constant 1073741824 : i32
    %lt3A_1216 = vector.broadcast %lt3A_1215 : i32 to vector<16xi32>
    %lt3A_1217 = arith.cmpi slt, %get3A_1209, %lt3A_1216 : vector<16xi32>
    %select_n3A_1218 = arith.select %lt3A_1217, %broadcast_in_dim3A_46, %broadcast_in_dim3A_48 : vector<16xi1>, vector<16xf32>
    %swap3A_1219 = arith.constant 4 : i32
    %swap3A_1220 = arith.index_cast %swap3A_1219 : i32 to index
    %swap3A_1221 = arith.constant 16 : index
    %swap3A_1222 = tpu.vector_load %arg7[%swap3A_1220, %swap3A_1221] {strides = array<i32>} : memref<8x256xf32, #tpu.memory_space<vmem>>, vector<16xf32>,
    tpu.vector_store %arg7[%swap3A_1220, %swap3A_1221], %select_n3A_1218 {strides = array<i32>} : memref<8x256xf32, #tpu.memory_space<vmem>>, vector<16xf32>,
    %get3A_1223 = arith.constant 4 : i32
    %get3A_1224 = arith.index_cast %get3A_1223 : i32 to index
    %get3A_1225 = arith.constant 32 : index
    %get3A_1226 = tpu.vector_load %arg6[%get3A_1224, %get3A_1225] {strides = array<i32>} : memref<8x256xi32, #tpu.memory_space<vmem>>, vector<16xi32>,
    %and3A_1227 = arith.andi %get3A_1226, %broadcast_in_dim3A_44 : vector<16xi32>
    %swap3A_1228 = arith.constant 4 : i32
    %swap3A_1229 = arith.index_cast %swap3A_1228 : i32 to index
    %swap3A_1230 = arith.constant 32 : index
    %swap3A_1231 = tpu.vector_load %arg6[%swap3A_1229, %swap3A_1230] {strides = array<i32>} : memref<8x256xi32, #tpu.memory_space<vmem>>, vector<16xi32>,
    tpu.vector_store %arg6[%swap3A_1229, %swap3A_1230], %and3A_1227 {strides = array<i32>} : memref<8x256xi32, #tpu.memory_space<vmem>>, vector<16xi32>,
    %lt3A_1232 = arith.constant 1073741824 : i32
    %lt3A_1233 = vector.broadcast %lt3A_1232 : i32 to vector<16xi32>
    %lt3A_1234 = arith.cmpi slt, %get3A_1226, %lt3A_1233 : vector<16xi32>
    %select_n3A_1235 = arith.select %lt3A_1234, %broadcast_in_dim3A_46, %broadcast_in_dim3A_48 : vector<16xi1>, vector<16xf32>
    %swap3A_1236 = arith.constant 4 : i32
    %swap3A_1237 = arith.index_cast %swap3A_1236 : i32 to index
    %swap3A_1238 = arith.constant 32 : index
    %swap3A_1239 = tpu.vector_load %arg7[%swap3A_1237, %swap3A_1238] {strides = array<i32>} : memref<8x256xf32, #tpu.memory_space<vmem>>, vector<16xf32>,
    tpu.vector_store %arg7[%swap3A_1237, %swap3A_1238], %select_n3A_1235 {strides = array<i32>} : memref<8x256xf32, #tpu.memory_space<vmem>>, vector<16xf32>,
    %get3A_1240 = arith.constant 4 : i32
    %get3A_1241 = arith.index_cast %get3A_1240 : i32 to index
    %get3A_1242 = arith.constant 48 : index
    %get3A_1243 = tpu.vector_load %arg6[%get3A_1241, %get3A_1242] {strides = array<i32>} : memref<8x256xi32, #tpu.memory_space<vmem>>, vector<16xi32>,
    %and3A_1244 = arith.andi %get3A_1243, %broadcast_in_dim3A_44 : vector<16xi32>
    %swap3A_1245 = arith.constant 4 : i32
    %swap3A_1246 = arith.index_cast %swap3A_1245 : i32 to index
    %swap3A_1247 = arith.constant 48 : index
    %swap3A_1248 = tpu.vector_load %arg6[%swap3A_1246, %swap3A_1247] {strides = array<i32>} : memref<8x256xi32, #tpu.memory_space<vmem>>, vector<16xi32>,
    tpu.vector_store %arg6[%swap3A_1246, %swap3A_1247], %and3A_1244 {strides = array<i32>} : memref<8x256xi32, #tpu.memory_space<vmem>>, vector<16xi32>,
    %lt3A_1249 = arith.constant 1073741824 : i32
    %lt3A_1250 = vector.broadcast %lt3A_1249 : i32 to vector<16xi32>
    %lt3A_1251 = arith.cmpi slt, %get3A_1243, %lt3A_1250 : vector<16xi32>
    %select_n3A_1252 = arith.select %lt3A_1251, %broadcast_in_dim3A_46, %broadcast_in_dim3A_48 : vector<16xi1>, vector<16xf32>
    %swap3A_1253 = arith.constant 4 : i32
    %swap3A_1254 = arith.index_cast %swap3A_1253 : i32 to index
    %swap3A_1255 = arith.constant 48 : index
    %swap3A_1256 = tpu.vector_load %arg7[%swap3A_1254, %swap3A_1255] {strides = array<i32>} : memref<8x256xf32, #tpu.memory_space<vmem>>, vector<16xf32>,
    tpu.vector_store %arg7[%swap3A_1254, %swap3A_1255], %select_n3A_1252 {strides = array<i32>} : memref<8x256xf32, #tpu.memory_space<vmem>>, vector<16xf32>,
    %get3A_1257 = arith.constant 4 : i32
    %get3A_1258 = arith.index_cast %get3A_1257 : i32 to index
    %get3A_1259 = arith.constant 64 : index
    %get3A_1260 = tpu.vector_load %arg6[%get3A_1258, %get3A_1259] {strides = array<i32>} : memref<8x256xi32, #tpu.memory_space<vmem>>, vector<16xi32>,
    %and3A_1261 = arith.andi %get3A_1260, %broadcast_in_dim3A_44 : vector<16xi32>
    %swap3A_1262 = arith.constant 4 : i32
    %swap3A_1263 = arith.index_cast %swap3A_1262 : i32 to index
    %swap3A_1264 = arith.constant 64 : index
    %swap3A_1265 = tpu.vector_load %arg6[%swap3A_1263, %swap3A_1264] {strides = array<i32>} : memref<8x256xi32, #tpu.memory_space<vmem>>, vector<16xi32>,
    tpu.vector_store %arg6[%swap3A_1263, %swap3A_1264], %and3A_1261 {strides = array<i32>} : memref<8x256xi32, #tpu.memory_space<vmem>>, vector<16xi32>,
    %lt3A_1266 = arith.constant 1073741824 : i32
    %lt3A_1267 = vector.broadcast %lt3A_1266 : i32 to vector<16xi32>
    %lt3A_1268 = arith.cmpi slt, %get3A_1260, %lt3A_1267 : vector<16xi32>
    %select_n3A_1269 = arith.select %lt3A_1268, %broadcast_in_dim3A_46, %broadcast_in_dim3A_48 : vector<16xi1>, vector<16xf32>
    %swap3A_1270 = arith.constant 4 : i32
    %swap3A_1271 = arith.index_cast %swap3A_1270 : i32 to index
    %swap3A_1272 = arith.constant 64 : index
    %swap3A_1273 = tpu.vector_load %arg7[%swap3A_1271, %swap3A_1272] {strides = array<i32>} : memref<8x256xf32, #tpu.memory_space<vmem>>, vector<16xf32>,
    tpu.vector_store %arg7[%swap3A_1271, %swap3A_1272], %select_n3A_1269 {strides = array<i32>} : memref<8x256xf32, #tpu.memory_space<vmem>>, vector<16xf32>,
    %get3A_1274 = arith.constant 4 : i32
    %get3A_1275 = arith.index_cast %get3A_1274 : i32 to index
    %get3A_1276 = arith.constant 80 : index
    %get3A_1277 = tpu.vector_load %arg6[%get3A_1275, %get3A_1276] {strides = array<i32>} : memref<8x256xi32, #tpu.memory_space<vmem>>, vector<16xi32>,
    %and3A_1278 = arith.andi %get3A_1277, %broadcast_in_dim3A_44 : vector<16xi32>
    %swap3A_1279 = arith.constant 4 : i32
    %swap3A_1280 = arith.index_cast %swap3A_1279 : i32 to index
    %swap3A_1281 = arith.constant 80 : index
    %swap3A_1282 = tpu.vector_load %arg6[%swap3A_1280, %swap3A_1281] {strides = array<i32>} : memref<8x256xi32, #tpu.memory_space<vmem>>, vector<16xi32>,
    tpu.vector_store %arg6[%swap3A_1280, %swap3A_1281], %and3A_1278 {strides = array<i32>} : memref<8x256xi32, #tpu.memory_space<vmem>>, vector<16xi32>,
    %lt3A_1283 = arith.constant 1073741824 : i32
    %lt3A_1284 = vector.broadcast %lt3A_1283 : i32 to vector<16xi32>
    %lt3A_1285 = arith.cmpi slt, %get3A_1277, %lt3A_1284 : vector<16xi32>
    %select_n3A_1286 = arith.select %lt3A_1285, %broadcast_in_dim3A_46, %broadcast_in_dim3A_48 : vector<16xi1>, vector<16xf32>
    %swap3A_1287 = arith.constant 4 : i32
    %swap3A_1288 = arith.index_cast %swap3A_1287 : i32 to index
    %swap3A_1289 = arith.constant 80 : index
    %swap3A_1290 = tpu.vector_load %arg7[%swap3A_1288, %swap3A_1289] {strides = array<i32>} : memref<8x256xf32, #tpu.memory_space<vmem>>, vector<16xf32>,
    tpu.vector_store %arg7[%swap3A_1288, %swap3A_1289], %select_n3A_1286 {strides = array<i32>} : memref<8x256xf32, #tpu.memory_space<vmem>>, vector<16xf32>,
    %get3A_1291 = arith.constant 4 : i32
    %get3A_1292 = arith.index_cast %get3A_1291 : i32 to index
    %get3A_1293 = arith.constant 96 : index
    %get3A_1294 = tpu.vector_load %arg6[%get3A_1292, %get3A_1293] {strides = array<i32>} : memref<8x256xi32, #tpu.memory_space<vmem>>, vector<16xi32>,
    %and3A_1295 = arith.andi %get3A_1294, %broadcast_in_dim3A_44 : vector<16xi32>
    %swap3A_1296 = arith.constant 4 : i32
    %swap3A_1297 = arith.index_cast %swap3A_1296 : i32 to index
    %swap3A_1298 = arith.constant 96 : index
    %swap3A_1299 = tpu.vector_load %arg6[%swap3A_1297, %swap3A_1298] {strides = array<i32>} : memref<8x256xi32, #tpu.memory_space<vmem>>, vector<16xi32>,
    tpu.vector_store %arg6[%swap3A_1297, %swap3A_1298], %and3A_1295 {strides = array<i32>} : memref<8x256xi32, #tpu.memory_space<vmem>>, vector<16xi32>,
    %lt3A_1300 = arith.constant 1073741824 : i32
    %lt3A_1301 = vector.broadcast %lt3A_1300 : i32 to vector<16xi32>
    %lt3A_1302 = arith.cmpi slt, %get3A_1294, %lt3A_1301 : vector<16xi32>
    %select_n3A_1303 = arith.select %lt3A_1302, %broadcast_in_dim3A_46, %broadcast_in_dim3A_48 : vector<16xi1>, vector<16xf32>
    %swap3A_1304 = arith.constant 4 : i32
    %swap3A_1305 = arith.index_cast %swap3A_1304 : i32 to index
    %swap3A_1306 = arith.constant 96 : index
    %swap3A_1307 = tpu.vector_load %arg7[%swap3A_1305, %swap3A_1306] {strides = array<i32>} : memref<8x256xf32, #tpu.memory_space<vmem>>, vector<16xf32>,
    tpu.vector_store %arg7[%swap3A_1305, %swap3A_1306], %select_n3A_1303 {strides = array<i32>} : memref<8x256xf32, #tpu.memory_space<vmem>>, vector<16xf32>,
    %get3A_1308 = arith.constant 4 : i32
    %get3A_1309 = arith.index_cast %get3A_1308 : i32 to index
    %get3A_1310 = arith.constant 112 : index
    %get3A_1311 = tpu.vector_load %arg6[%get3A_1309, %get3A_1310] {strides = array<i32>} : memref<8x256xi32, #tpu.memory_space<vmem>>, vector<16xi32>,
    %and3A_1312 = arith.andi %get3A_1311, %broadcast_in_dim3A_44 : vector<16xi32>
    %swap3A_1313 = arith.constant 4 : i32
    %swap3A_1314 = arith.index_cast %swap3A_1313 : i32 to index
    %swap3A_1315 = arith.constant 112 : index
    %swap3A_1316 = tpu.vector_load %arg6[%swap3A_1314, %swap3A_1315] {strides = array<i32>} : memref<8x256xi32, #tpu.memory_space<vmem>>, vector<16xi32>,
    tpu.vector_store %arg6[%swap3A_1314, %swap3A_1315], %and3A_1312 {strides = array<i32>} : memref<8x256xi32, #tpu.memory_space<vmem>>, vector<16xi32>,
    %lt3A_1317 = arith.constant 1073741824 : i32
    %lt3A_1318 = vector.broadcast %lt3A_1317 : i32 to vector<16xi32>
    %lt3A_1319 = arith.cmpi slt, %get3A_1311, %lt3A_1318 : vector<16xi32>
    %select_n3A_1320 = arith.select %lt3A_1319, %broadcast_in_dim3A_46, %broadcast_in_dim3A_48 : vector<16xi1>, vector<16xf32>
    %swap3A_1321 = arith.constant 4 : i32
    %swap3A_1322 = arith.index_cast %swap3A_1321 : i32 to index
    %swap3A_1323 = arith.constant 112 : index
    %swap3A_1324 = tpu.vector_load %arg7[%swap3A_1322, %swap3A_1323] {strides = array<i32>} : memref<8x256xf32, #tpu.memory_space<vmem>>, vector<16xf32>,
    tpu.vector_store %arg7[%swap3A_1322, %swap3A_1323], %select_n3A_1320 {strides = array<i32>} : memref<8x256xf32, #tpu.memory_space<vmem>>, vector<16xf32>,
    %get3A_1325 = arith.constant 4 : i32
    %get3A_1326 = arith.index_cast %get3A_1325 : i32 to index
    %get3A_1327 = arith.constant 128 : index
    %get3A_1328 = tpu.vector_load %arg6[%get3A_1326, %get3A_1327] {strides = array<i32>} : memref<8x256xi32, #tpu.memory_space<vmem>>, vector<16xi32>,
    %and3A_1329 = arith.andi %get3A_1328, %broadcast_in_dim3A_44 : vector<16xi32>
    %swap3A_1330 = arith.constant 4 : i32
    %swap3A_1331 = arith.index_cast %swap3A_1330 : i32 to index
    %swap3A_1332 = arith.constant 128 : index
    %swap3A_1333 = tpu.vector_load %arg6[%swap3A_1331, %swap3A_1332] {strides = array<i32>} : memref<8x256xi32, #tpu.memory_space<vmem>>, vector<16xi32>,
    tpu.vector_store %arg6[%swap3A_1331, %swap3A_1332], %and3A_1329 {strides = array<i32>} : memref<8x256xi32, #tpu.memory_space<vmem>>, vector<16xi32>,
    %lt3A_1334 = arith.constant 1073741824 : i32
    %lt3A_1335 = vector.broadcast %lt3A_1334 : i32 to vector<16xi32>
    %lt3A_1336 = arith.cmpi slt, %get3A_1328, %lt3A_1335 : vector<16xi32>
    %select_n3A_1337 = arith.select %lt3A_1336, %broadcast_in_dim3A_46, %broadcast_in_dim3A_48 : vector<16xi1>, vector<16xf32>
    %swap3A_1338 = arith.constant 4 : i32
    %swap3A_1339 = arith.index_cast %swap3A_1338 : i32 to index
    %swap3A_1340 = arith.constant 128 : index
    %swap3A_1341 = tpu.vector_load %arg7[%swap3A_1339, %swap3A_1340] {strides = array<i32>} : memref<8x256xf32, #tpu.memory_space<vmem>>, vector<16xf32>,
    tpu.vector_store %arg7[%swap3A_1339, %swap3A_1340], %select_n3A_1337 {strides = array<i32>} : memref<8x256xf32, #tpu.memory_space<vmem>>, vector<16xf32>,
    %get3A_1342 = arith.constant 4 : i32
    %get3A_1343 = arith.index_cast %get3A_1342 : i32 to index
    %get3A_1344 = arith.constant 144 : index
    %get3A_1345 = tpu.vector_load %arg6[%get3A_1343, %get3A_1344] {strides = array<i32>} : memref<8x256xi32, #tpu.memory_space<vmem>>, vector<16xi32>,
    %and3A_1346 = arith.andi %get3A_1345, %broadcast_in_dim3A_44 : vector<16xi32>
    %swap3A_1347 = arith.constant 4 : i32
    %swap3A_1348 = arith.index_cast %swap3A_1347 : i32 to index
    %swap3A_1349 = arith.constant 144 : index
    %swap3A_1350 = tpu.vector_load %arg6[%swap3A_1348, %swap3A_1349] {strides = array<i32>} : memref<8x256xi32, #tpu.memory_space<vmem>>, vector<16xi32>,
    tpu.vector_store %arg6[%swap3A_1348, %swap3A_1349], %and3A_1346 {strides = array<i32>} : memref<8x256xi32, #tpu.memory_space<vmem>>, vector<16xi32>,
    %lt3A_1351 = arith.constant 1073741824 : i32
    %lt3A_1352 = vector.broadcast %lt3A_1351 : i32 to vector<16xi32>
    %lt3A_1353 = arith.cmpi slt, %get3A_1345, %lt3A_1352 : vector<16xi32>
    %select_n3A_1354 = arith.select %lt3A_1353, %broadcast_in_dim3A_46, %broadcast_in_dim3A_48 : vector<16xi1>, vector<16xf32>
    %swap3A_1355 = arith.constant 4 : i32
    %swap3A_1356 = arith.index_cast %swap3A_1355 : i32 to index
    %swap3A_1357 = arith.constant 144 : index
    %swap3A_1358 = tpu.vector_load %arg7[%swap3A_1356, %swap3A_1357] {strides = array<i32>} : memref<8x256xf32, #tpu.memory_space<vmem>>, vector<16xf32>,
    tpu.vector_store %arg7[%swap3A_1356, %swap3A_1357], %select_n3A_1354 {strides = array<i32>} : memref<8x256xf32, #tpu.memory_space<vmem>>, vector<16xf32>,
    %get3A_1359 = arith.constant 4 : i32
    %get3A_1360 = arith.index_cast %get3A_1359 : i32 to index
    %get3A_1361 = arith.constant 160 : index
    %get3A_1362 = tpu.vector_load %arg6[%get3A_1360, %get3A_1361] {strides = array<i32>} : memref<8x256xi32, #tpu.memory_space<vmem>>, vector<16xi32>,
    %and3A_1363 = arith.andi %get3A_1362, %broadcast_in_dim3A_44 : vector<16xi32>
    %swap3A_1364 = arith.constant 4 : i32
    %swap3A_1365 = arith.index_cast %swap3A_1364 : i32 to index
    %swap3A_1366 = arith.constant 160 : index
    %swap3A_1367 = tpu.vector_load %arg6[%swap3A_1365, %swap3A_1366] {strides = array<i32>} : memref<8x256xi32, #tpu.memory_space<vmem>>, vector<16xi32>,
    tpu.vector_store %arg6[%swap3A_1365, %swap3A_1366], %and3A_1363 {strides = array<i32>} : memref<8x256xi32, #tpu.memory_space<vmem>>, vector<16xi32>,
    %lt3A_1368 = arith.constant 1073741824 : i32
    %lt3A_1369 = vector.broadcast %lt3A_1368 : i32 to vector<16xi32>
    %lt3A_1370 = arith.cmpi slt, %get3A_1362, %lt3A_1369 : vector<16xi32>
    %select_n3A_1371 = arith.select %lt3A_1370, %broadcast_in_dim3A_46, %broadcast_in_dim3A_48 : vector<16xi1>, vector<16xf32>
    %swap3A_1372 = arith.constant 4 : i32
    %swap3A_1373 = arith.index_cast %swap3A_1372 : i32 to index
    %swap3A_1374 = arith.constant 160 : index
    %swap3A_1375 = tpu.vector_load %arg7[%swap3A_1373, %swap3A_1374] {strides = array<i32>} : memref<8x256xf32, #tpu.memory_space<vmem>>, vector<16xf32>,
    tpu.vector_store %arg7[%swap3A_1373, %swap3A_1374], %select_n3A_1371 {strides = array<i32>} : memref<8x256xf32, #tpu.memory_space<vmem>>, vector<16xf32>,
    %get3A_1376 = arith.constant 4 : i32
    %get3A_1377 = arith.index_cast %get3A_1376 : i32 to index
    %get3A_1378 = arith.constant 176 : index
    %get3A_1379 = tpu.vector_load %arg6[%get3A_1377, %get3A_1378] {strides = array<i32>} : memref<8x256xi32, #tpu.memory_space<vmem>>, vector<16xi32>,
    %and3A_1380 = arith.andi %get3A_1379, %broadcast_in_dim3A_44 : vector<16xi32>
    %swap3A_1381 = arith.constant 4 : i32
    %swap3A_1382 = arith.index_cast %swap3A_1381 : i32 to index
    %swap3A_1383 = arith.constant 176 : index
    %swap3A_1384 = tpu.vector_load %arg6[%swap3A_1382, %swap3A_1383] {strides = array<i32>} : memref<8x256xi32, #tpu.memory_space<vmem>>, vector<16xi32>,
    tpu.vector_store %arg6[%swap3A_1382, %swap3A_1383], %and3A_1380 {strides = array<i32>} : memref<8x256xi32, #tpu.memory_space<vmem>>, vector<16xi32>,
    %lt3A_1385 = arith.constant 1073741824 : i32
    %lt3A_1386 = vector.broadcast %lt3A_1385 : i32 to vector<16xi32>
    %lt3A_1387 = arith.cmpi slt, %get3A_1379, %lt3A_1386 : vector<16xi32>
    %select_n3A_1388 = arith.select %lt3A_1387, %broadcast_in_dim3A_46, %broadcast_in_dim3A_48 : vector<16xi1>, vector<16xf32>
    %swap3A_1389 = arith.constant 4 : i32
    %swap3A_1390 = arith.index_cast %swap3A_1389 : i32 to index
    %swap3A_1391 = arith.constant 176 : index
    %swap3A_1392 = tpu.vector_load %arg7[%swap3A_1390, %swap3A_1391] {strides = array<i32>} : memref<8x256xf32, #tpu.memory_space<vmem>>, vector<16xf32>,
    tpu.vector_store %arg7[%swap3A_1390, %swap3A_1391], %select_n3A_1388 {strides = array<i32>} : memref<8x256xf32, #tpu.memory_space<vmem>>, vector<16xf32>,
    %get3A_1393 = arith.constant 4 : i32
    %get3A_1394 = arith.index_cast %get3A_1393 : i32 to index
    %get3A_1395 = arith.constant 192 : index
    %get3A_1396 = tpu.vector_load %arg6[%get3A_1394, %get3A_1395] {strides = array<i32>} : memref<8x256xi32, #tpu.memory_space<vmem>>, vector<16xi32>,
    %and3A_1397 = arith.andi %get3A_1396, %broadcast_in_dim3A_44 : vector<16xi32>
    %swap3A_1398 = arith.constant 4 : i32
    %swap3A_1399 = arith.index_cast %swap3A_1398 : i32 to index
    %swap3A_1400 = arith.constant 192 : index
    %swap3A_1401 = tpu.vector_load %arg6[%swap3A_1399, %swap3A_1400] {strides = array<i32>} : memref<8x256xi32, #tpu.memory_space<vmem>>, vector<16xi32>,
    tpu.vector_store %arg6[%swap3A_1399, %swap3A_1400], %and3A_1397 {strides = array<i32>} : memref<8x256xi32, #tpu.memory_space<vmem>>, vector<16xi32>,
    %lt3A_1402 = arith.constant 1073741824 : i32
    %lt3A_1403 = vector.broadcast %lt3A_1402 : i32 to vector<16xi32>
    %lt3A_1404 = arith.cmpi slt, %get3A_1396, %lt3A_1403 : vector<16xi32>
    %select_n3A_1405 = arith.select %lt3A_1404, %broadcast_in_dim3A_46, %broadcast_in_dim3A_48 : vector<16xi1>, vector<16xf32>
    %swap3A_1406 = arith.constant 4 : i32
    %swap3A_1407 = arith.index_cast %swap3A_1406 : i32 to index
    %swap3A_1408 = arith.constant 192 : index
    %swap3A_1409 = tpu.vector_load %arg7[%swap3A_1407, %swap3A_1408] {strides = array<i32>} : memref<8x256xf32, #tpu.memory_space<vmem>>, vector<16xf32>,
    tpu.vector_store %arg7[%swap3A_1407, %swap3A_1408], %select_n3A_1405 {strides = array<i32>} : memref<8x256xf32, #tpu.memory_space<vmem>>, vector<16xf32>,
    %get3A_1410 = arith.constant 4 : i32
    %get3A_1411 = arith.index_cast %get3A_1410 : i32 to index
    %get3A_1412 = arith.constant 208 : index
    %get3A_1413 = tpu.vector_load %arg6[%get3A_1411, %get3A_1412] {strides = array<i32>} : memref<8x256xi32, #tpu.memory_space<vmem>>, vector<16xi32>,
    %and3A_1414 = arith.andi %get3A_1413, %broadcast_in_dim3A_44 : vector<16xi32>
    %swap3A_1415 = arith.constant 4 : i32
    %swap3A_1416 = arith.index_cast %swap3A_1415 : i32 to index
    %swap3A_1417 = arith.constant 208 : index
    %swap3A_1418 = tpu.vector_load %arg6[%swap3A_1416, %swap3A_1417] {strides = array<i32>} : memref<8x256xi32, #tpu.memory_space<vmem>>, vector<16xi32>,
    tpu.vector_store %arg6[%swap3A_1416, %swap3A_1417], %and3A_1414 {strides = array<i32>} : memref<8x256xi32, #tpu.memory_space<vmem>>, vector<16xi32>,
    %lt3A_1419 = arith.constant 1073741824 : i32
    %lt3A_1420 = vector.broadcast %lt3A_1419 : i32 to vector<16xi32>
    %lt3A_1421 = arith.cmpi slt, %get3A_1413, %lt3A_1420 : vector<16xi32>
    %select_n3A_1422 = arith.select %lt3A_1421, %broadcast_in_dim3A_46, %broadcast_in_dim3A_48 : vector<16xi1>, vector<16xf32>
    %swap3A_1423 = arith.constant 4 : i32
    %swap3A_1424 = arith.index_cast %swap3A_1423 : i32 to index
    %swap3A_1425 = arith.constant 208 : index
    %swap3A_1426 = tpu.vector_load %arg7[%swap3A_1424, %swap3A_1425] {strides = array<i32>} : memref<8x256xf32, #tpu.memory_space<vmem>>, vector<16xf32>,
    tpu.vector_store %arg7[%swap3A_1424, %swap3A_1425], %select_n3A_1422 {strides = array<i32>} : memref<8x256xf32, #tpu.memory_space<vmem>>, vector<16xf32>,
    %get3A_1427 = arith.constant 4 : i32
    %get3A_1428 = arith.index_cast %get3A_1427 : i32 to index
    %get3A_1429 = arith.constant 224 : index
    %get3A_1430 = tpu.vector_load %arg6[%get3A_1428, %get3A_1429] {strides = array<i32>} : memref<8x256xi32, #tpu.memory_space<vmem>>, vector<16xi32>,
    %and3A_1431 = arith.andi %get3A_1430, %broadcast_in_dim3A_44 : vector<16xi32>
    %swap3A_1432 = arith.constant 4 : i32
    %swap3A_1433 = arith.index_cast %swap3A_1432 : i32 to index
    %swap3A_1434 = arith.constant 224 : index
    %swap3A_1435 = tpu.vector_load %arg6[%swap3A_1433, %swap3A_1434] {strides = array<i32>} : memref<8x256xi32, #tpu.memory_space<vmem>>, vector<16xi32>,
    tpu.vector_store %arg6[%swap3A_1433, %swap3A_1434], %and3A_1431 {strides = array<i32>} : memref<8x256xi32, #tpu.memory_space<vmem>>, vector<16xi32>,
    %lt3A_1436 = arith.constant 1073741824 : i32
    %lt3A_1437 = vector.broadcast %lt3A_1436 : i32 to vector<16xi32>
    %lt3A_1438 = arith.cmpi slt, %get3A_1430, %lt3A_1437 : vector<16xi32>
    %select_n3A_1439 = arith.select %lt3A_1438, %broadcast_in_dim3A_46, %broadcast_in_dim3A_48 : vector<16xi1>, vector<16xf32>
    %swap3A_1440 = arith.constant 4 : i32
    %swap3A_1441 = arith.index_cast %swap3A_1440 : i32 to index
    %swap3A_1442 = arith.constant 224 : index
    %swap3A_1443 = tpu.vector_load %arg7[%swap3A_1441, %swap3A_1442] {strides = array<i32>} : memref<8x256xf32, #tpu.memory_space<vmem>>, vector<16xf32>,
    tpu.vector_store %arg7[%swap3A_1441, %swap3A_1442], %select_n3A_1439 {strides = array<i32>} : memref<8x256xf32, #tpu.memory_space<vmem>>, vector<16xf32>,
    %get3A_1444 = arith.constant 4 : i32
    %get3A_1445 = arith.index_cast %get3A_1444 : i32 to index
    %get3A_1446 = arith.constant 240 : index
    %get3A_1447 = tpu.vector_load %arg6[%get3A_1445, %get3A_1446] {strides = array<i32>} : memref<8x256xi32, #tpu.memory_space<vmem>>, vector<16xi32>,
    %and3A_1448 = arith.andi %get3A_1447, %broadcast_in_dim3A_44 : vector<16xi32>
    %swap3A_1449 = arith.constant 4 : i32
    %swap3A_1450 = arith.index_cast %swap3A_1449 : i32 to index
    %swap3A_1451 = arith.constant 240 : index
    %swap3A_1452 = tpu.vector_load %arg6[%swap3A_1450, %swap3A_1451] {strides = array<i32>} : memref<8x256xi32, #tpu.memory_space<vmem>>, vector<16xi32>,
    tpu.vector_store %arg6[%swap3A_1450, %swap3A_1451], %and3A_1448 {strides = array<i32>} : memref<8x256xi32, #tpu.memory_space<vmem>>, vector<16xi32>,
    %lt3A_1453 = arith.constant 1073741824 : i32
    %lt3A_1454 = vector.broadcast %lt3A_1453 : i32 to vector<16xi32>
    %lt3A_1455 = arith.cmpi slt, %get3A_1447, %lt3A_1454 : vector<16xi32>
    %select_n3A_1456 = arith.select %lt3A_1455, %broadcast_in_dim3A_46, %broadcast_in_dim3A_48 : vector<16xi1>, vector<16xf32>
    %swap3A_1457 = arith.constant 4 : i32
    %swap3A_1458 = arith.index_cast %swap3A_1457 : i32 to index
    %swap3A_1459 = arith.constant 240 : index
    %swap3A_1460 = tpu.vector_load %arg7[%swap3A_1458, %swap3A_1459] {strides = array<i32>} : memref<8x256xf32, #tpu.memory_space<vmem>>, vector<16xf32>,
    tpu.vector_store %arg7[%swap3A_1458, %swap3A_1459], %select_n3A_1456 {strides = array<i32>} : memref<8x256xf32, #tpu.memory_space<vmem>>, vector<16xf32>,
    %dma_start3A_1461 = arith.constant 4 : i32
    %dma_start3A_1462 = arith.constant 4 : i32
    %dma_start3A_1463 = arith.constant 4 : i32
    %dma_start3A_1464 = arith.constant 0 : i32
    %dma_start3A_1465 = tpu.memref_slice %arg8[%dma_start3A_1463, %dma_start3A_1464] : memref<8x256xf32, #tpu.memory_space<vmem>> -> memref<1x256xf32, #tpu.memory_space<vmem>>
    %dma_start3A_1466 = tpu.memref_squeeze %dma_start3A_1465 : memref<1x256xf32, #tpu.memory_space<vmem>> -> memref<256xf32, #tpu.memory_space<vmem>>
    %dma_start3A_1467 = arith.constant 0 : i32
    %dma_start3A_1468 = tpu.memref_slice %arg6[%dma_start3A_1462, %dma_start3A_1467] : memref<8x256xi32, #tpu.memory_space<vmem>> -> memref<1x256xi32, #tpu.memory_space<vmem>>
    %dma_start3A_1469 = tpu.memref_squeeze %dma_start3A_1468 : memref<1x256xi32, #tpu.memory_space<vmem>> -> memref<256xi32, #tpu.memory_space<vmem>>
    %dma_start3A_1470 = arith.constant 0 : i32
    %dma_start3A_1471 = tpu.memref_slice %arg3[%dma_start3A_1461, %dma_start3A_1470] : memref<8x100000xf32, #tpu.memory_space<hbm>> -> memref<1x100000xf32, #tpu.memory_space<hbm>>
    %dma_start3A_1472 = tpu.memref_squeeze %dma_start3A_1471 : memref<1x100000xf32, #tpu.memory_space<hbm>> -> memref<100000xf32, #tpu.memory_space<hbm>>
    %dma_start3A_1473 = arith.constant 0 : i32
    %dma_start3A_1474 = tpu.memref_slice %dma_start3A_1472[%dma_start3A_1473] : memref<100000xf32, #tpu.memory_space<hbm>> -> memref<100000xf32, #tpu.memory_space<hbm>>
    tpu.enqueue_indirect_dma source(%dma_start3A_1474 : memref<100000xf32, #tpu.memory_space<hbm>>) target(%dma_start3A_1466 : memref<256xf32, #tpu.memory_space<vmem>>) offsets(%dma_start3A_1469 : memref<256xi32, #tpu.memory_space<vmem>>) semaphore(%arg11 : memref<!tpu.dma_semaphore, #tpu.memory_space<semaphore_mem>>)
    %get3A_1475 = arith.constant 5 : i32
    %get3A_1476 = arith.index_cast %get3A_1475 : i32 to index
    %get3A_1477 = arith.constant 0 : index
    %get3A_1478 = tpu.vector_load %arg6[%get3A_1476, %get3A_1477] {strides = array<i32>} : memref<8x256xi32, #tpu.memory_space<vmem>>, vector<16xi32>,
    %and3A_1479 = arith.andi %get3A_1478, %broadcast_in_dim3A_44 : vector<16xi32>
    %swap3A_1480 = arith.constant 5 : i32
    %swap3A_1481 = arith.index_cast %swap3A_1480 : i32 to index
    %swap3A_1482 = arith.constant 0 : index
    %swap3A_1483 = tpu.vector_load %arg6[%swap3A_1481, %swap3A_1482] {strides = array<i32>} : memref<8x256xi32, #tpu.memory_space<vmem>>, vector<16xi32>,
    tpu.vector_store %arg6[%swap3A_1481, %swap3A_1482], %and3A_1479 {strides = array<i32>} : memref<8x256xi32, #tpu.memory_space<vmem>>, vector<16xi32>,
    %lt3A_1484 = arith.constant 1073741824 : i32
    %lt3A_1485 = vector.broadcast %lt3A_1484 : i32 to vector<16xi32>
    %lt3A_1486 = arith.cmpi slt, %get3A_1478, %lt3A_1485 : vector<16xi32>
    %select_n3A_1487 = arith.select %lt3A_1486, %broadcast_in_dim3A_46, %broadcast_in_dim3A_48 : vector<16xi1>, vector<16xf32>
    %swap3A_1488 = arith.constant 5 : i32
    %swap3A_1489 = arith.index_cast %swap3A_1488 : i32 to index
    %swap3A_1490 = arith.constant 0 : index
    %swap3A_1491 = tpu.vector_load %arg7[%swap3A_1489, %swap3A_1490] {strides = array<i32>} : memref<8x256xf32, #tpu.memory_space<vmem>>, vector<16xf32>,
    tpu.vector_store %arg7[%swap3A_1489, %swap3A_1490], %select_n3A_1487 {strides = array<i32>} : memref<8x256xf32, #tpu.memory_space<vmem>>, vector<16xf32>,
    %get3A_1492 = arith.constant 5 : i32
    %get3A_1493 = arith.index_cast %get3A_1492 : i32 to index
    %get3A_1494 = arith.constant 16 : index
    %get3A_1495 = tpu.vector_load %arg6[%get3A_1493, %get3A_1494] {strides = array<i32>} : memref<8x256xi32, #tpu.memory_space<vmem>>, vector<16xi32>,
    %and3A_1496 = arith.andi %get3A_1495, %broadcast_in_dim3A_44 : vector<16xi32>
    %swap3A_1497 = arith.constant 5 : i32
    %swap3A_1498 = arith.index_cast %swap3A_1497 : i32 to index
    %swap3A_1499 = arith.constant 16 : index
    %swap3A_1500 = tpu.vector_load %arg6[%swap3A_1498, %swap3A_1499] {strides = array<i32>} : memref<8x256xi32, #tpu.memory_space<vmem>>, vector<16xi32>,
    tpu.vector_store %arg6[%swap3A_1498, %swap3A_1499], %and3A_1496 {strides = array<i32>} : memref<8x256xi32, #tpu.memory_space<vmem>>, vector<16xi32>,
    %lt3A_1501 = arith.constant 1073741824 : i32
    %lt3A_1502 = vector.broadcast %lt3A_1501 : i32 to vector<16xi32>
    %lt3A_1503 = arith.cmpi slt, %get3A_1495, %lt3A_1502 : vector<16xi32>
    %select_n3A_1504 = arith.select %lt3A_1503, %broadcast_in_dim3A_46, %broadcast_in_dim3A_48 : vector<16xi1>, vector<16xf32>
    %swap3A_1505 = arith.constant 5 : i32
    %swap3A_1506 = arith.index_cast %swap3A_1505 : i32 to index
    %swap3A_1507 = arith.constant 16 : index
    %swap3A_1508 = tpu.vector_load %arg7[%swap3A_1506, %swap3A_1507] {strides = array<i32>} : memref<8x256xf32, #tpu.memory_space<vmem>>, vector<16xf32>,
    tpu.vector_store %arg7[%swap3A_1506, %swap3A_1507], %select_n3A_1504 {strides = array<i32>} : memref<8x256xf32, #tpu.memory_space<vmem>>, vector<16xf32>,
    %get3A_1509 = arith.constant 5 : i32
    %get3A_1510 = arith.index_cast %get3A_1509 : i32 to index
    %get3A_1511 = arith.constant 32 : index
    %get3A_1512 = tpu.vector_load %arg6[%get3A_1510, %get3A_1511] {strides = array<i32>} : memref<8x256xi32, #tpu.memory_space<vmem>>, vector<16xi32>,
    %and3A_1513 = arith.andi %get3A_1512, %broadcast_in_dim3A_44 : vector<16xi32>
    %swap3A_1514 = arith.constant 5 : i32
    %swap3A_1515 = arith.index_cast %swap3A_1514 : i32 to index
    %swap3A_1516 = arith.constant 32 : index
    %swap3A_1517 = tpu.vector_load %arg6[%swap3A_1515, %swap3A_1516] {strides = array<i32>} : memref<8x256xi32, #tpu.memory_space<vmem>>, vector<16xi32>,
    tpu.vector_store %arg6[%swap3A_1515, %swap3A_1516], %and3A_1513 {strides = array<i32>} : memref<8x256xi32, #tpu.memory_space<vmem>>, vector<16xi32>,
    %lt3A_1518 = arith.constant 1073741824 : i32
    %lt3A_1519 = vector.broadcast %lt3A_1518 : i32 to vector<16xi32>
    %lt3A_1520 = arith.cmpi slt, %get3A_1512, %lt3A_1519 : vector<16xi32>
    %select_n3A_1521 = arith.select %lt3A_1520, %broadcast_in_dim3A_46, %broadcast_in_dim3A_48 : vector<16xi1>, vector<16xf32>
    %swap3A_1522 = arith.constant 5 : i32
    %swap3A_1523 = arith.index_cast %swap3A_1522 : i32 to index
    %swap3A_1524 = arith.constant 32 : index
    %swap3A_1525 = tpu.vector_load %arg7[%swap3A_1523, %swap3A_1524] {strides = array<i32>} : memref<8x256xf32, #tpu.memory_space<vmem>>, vector<16xf32>,
    tpu.vector_store %arg7[%swap3A_1523, %swap3A_1524], %select_n3A_1521 {strides = array<i32>} : memref<8x256xf32, #tpu.memory_space<vmem>>, vector<16xf32>,
    %get3A_1526 = arith.constant 5 : i32
    %get3A_1527 = arith.index_cast %get3A_1526 : i32 to index
    %get3A_1528 = arith.constant 48 : index
    %get3A_1529 = tpu.vector_load %arg6[%get3A_1527, %get3A_1528] {strides = array<i32>} : memref<8x256xi32, #tpu.memory_space<vmem>>, vector<16xi32>,
    %and3A_1530 = arith.andi %get3A_1529, %broadcast_in_dim3A_44 : vector<16xi32>
    %swap3A_1531 = arith.constant 5 : i32
    %swap3A_1532 = arith.index_cast %swap3A_1531 : i32 to index
    %swap3A_1533 = arith.constant 48 : index
    %swap3A_1534 = tpu.vector_load %arg6[%swap3A_1532, %swap3A_1533] {strides = array<i32>} : memref<8x256xi32, #tpu.memory_space<vmem>>, vector<16xi32>,
    tpu.vector_store %arg6[%swap3A_1532, %swap3A_1533], %and3A_1530 {strides = array<i32>} : memref<8x256xi32, #tpu.memory_space<vmem>>, vector<16xi32>,
    %lt3A_1535 = arith.constant 1073741824 : i32
    %lt3A_1536 = vector.broadcast %lt3A_1535 : i32 to vector<16xi32>
    %lt3A_1537 = arith.cmpi slt, %get3A_1529, %lt3A_1536 : vector<16xi32>
    %select_n3A_1538 = arith.select %lt3A_1537, %broadcast_in_dim3A_46, %broadcast_in_dim3A_48 : vector<16xi1>, vector<16xf32>
    %swap3A_1539 = arith.constant 5 : i32
    %swap3A_1540 = arith.index_cast %swap3A_1539 : i32 to index
    %swap3A_1541 = arith.constant 48 : index
    %swap3A_1542 = tpu.vector_load %arg7[%swap3A_1540, %swap3A_1541] {strides = array<i32>} : memref<8x256xf32, #tpu.memory_space<vmem>>, vector<16xf32>,
    tpu.vector_store %arg7[%swap3A_1540, %swap3A_1541], %select_n3A_1538 {strides = array<i32>} : memref<8x256xf32, #tpu.memory_space<vmem>>, vector<16xf32>,
    %get3A_1543 = arith.constant 5 : i32
    %get3A_1544 = arith.index_cast %get3A_1543 : i32 to index
    %get3A_1545 = arith.constant 64 : index
    %get3A_1546 = tpu.vector_load %arg6[%get3A_1544, %get3A_1545] {strides = array<i32>} : memref<8x256xi32, #tpu.memory_space<vmem>>, vector<16xi32>,
    %and3A_1547 = arith.andi %get3A_1546, %broadcast_in_dim3A_44 : vector<16xi32>
    %swap3A_1548 = arith.constant 5 : i32
    %swap3A_1549 = arith.index_cast %swap3A_1548 : i32 to index
    %swap3A_1550 = arith.constant 64 : index
    %swap3A_1551 = tpu.vector_load %arg6[%swap3A_1549, %swap3A_1550] {strides = array<i32>} : memref<8x256xi32, #tpu.memory_space<vmem>>, vector<16xi32>,
    tpu.vector_store %arg6[%swap3A_1549, %swap3A_1550], %and3A_1547 {strides = array<i32>} : memref<8x256xi32, #tpu.memory_space<vmem>>, vector<16xi32>,
    %lt3A_1552 = arith.constant 1073741824 : i32
    %lt3A_1553 = vector.broadcast %lt3A_1552 : i32 to vector<16xi32>
    %lt3A_1554 = arith.cmpi slt, %get3A_1546, %lt3A_1553 : vector<16xi32>
    %select_n3A_1555 = arith.select %lt3A_1554, %broadcast_in_dim3A_46, %broadcast_in_dim3A_48 : vector<16xi1>, vector<16xf32>
    %swap3A_1556 = arith.constant 5 : i32
    %swap3A_1557 = arith.index_cast %swap3A_1556 : i32 to index
    %swap3A_1558 = arith.constant 64 : index
    %swap3A_1559 = tpu.vector_load %arg7[%swap3A_1557, %swap3A_1558] {strides = array<i32>} : memref<8x256xf32, #tpu.memory_space<vmem>>, vector<16xf32>,
    tpu.vector_store %arg7[%swap3A_1557, %swap3A_1558], %select_n3A_1555 {strides = array<i32>} : memref<8x256xf32, #tpu.memory_space<vmem>>, vector<16xf32>,
    %get3A_1560 = arith.constant 5 : i32
    %get3A_1561 = arith.index_cast %get3A_1560 : i32 to index
    %get3A_1562 = arith.constant 80 : index
    %get3A_1563 = tpu.vector_load %arg6[%get3A_1561, %get3A_1562] {strides = array<i32>} : memref<8x256xi32, #tpu.memory_space<vmem>>, vector<16xi32>,
    %and3A_1564 = arith.andi %get3A_1563, %broadcast_in_dim3A_44 : vector<16xi32>
    %swap3A_1565 = arith.constant 5 : i32
    %swap3A_1566 = arith.index_cast %swap3A_1565 : i32 to index
    %swap3A_1567 = arith.constant 80 : index
    %swap3A_1568 = tpu.vector_load %arg6[%swap3A_1566, %swap3A_1567] {strides = array<i32>} : memref<8x256xi32, #tpu.memory_space<vmem>>, vector<16xi32>,
    tpu.vector_store %arg6[%swap3A_1566, %swap3A_1567], %and3A_1564 {strides = array<i32>} : memref<8x256xi32, #tpu.memory_space<vmem>>, vector<16xi32>,
    %lt3A_1569 = arith.constant 1073741824 : i32
    %lt3A_1570 = vector.broadcast %lt3A_1569 : i32 to vector<16xi32>
    %lt3A_1571 = arith.cmpi slt, %get3A_1563, %lt3A_1570 : vector<16xi32>
    %select_n3A_1572 = arith.select %lt3A_1571, %broadcast_in_dim3A_46, %broadcast_in_dim3A_48 : vector<16xi1>, vector<16xf32>
    %swap3A_1573 = arith.constant 5 : i32
    %swap3A_1574 = arith.index_cast %swap3A_1573 : i32 to index
    %swap3A_1575 = arith.constant 80 : index
    %swap3A_1576 = tpu.vector_load %arg7[%swap3A_1574, %swap3A_1575] {strides = array<i32>} : memref<8x256xf32, #tpu.memory_space<vmem>>, vector<16xf32>,
    tpu.vector_store %arg7[%swap3A_1574, %swap3A_1575], %select_n3A_1572 {strides = array<i32>} : memref<8x256xf32, #tpu.memory_space<vmem>>, vector<16xf32>,
    %get3A_1577 = arith.constant 5 : i32
    %get3A_1578 = arith.index_cast %get3A_1577 : i32 to index
    %get3A_1579 = arith.constant 96 : index
    %get3A_1580 = tpu.vector_load %arg6[%get3A_1578, %get3A_1579] {strides = array<i32>} : memref<8x256xi32, #tpu.memory_space<vmem>>, vector<16xi32>,
    %and3A_1581 = arith.andi %get3A_1580, %broadcast_in_dim3A_44 : vector<16xi32>
    %swap3A_1582 = arith.constant 5 : i32
    %swap3A_1583 = arith.index_cast %swap3A_1582 : i32 to index
    %swap3A_1584 = arith.constant 96 : index
    %swap3A_1585 = tpu.vector_load %arg6[%swap3A_1583, %swap3A_1584] {strides = array<i32>} : memref<8x256xi32, #tpu.memory_space<vmem>>, vector<16xi32>,
    tpu.vector_store %arg6[%swap3A_1583, %swap3A_1584], %and3A_1581 {strides = array<i32>} : memref<8x256xi32, #tpu.memory_space<vmem>>, vector<16xi32>,
    %lt3A_1586 = arith.constant 1073741824 : i32
    %lt3A_1587 = vector.broadcast %lt3A_1586 : i32 to vector<16xi32>
    %lt3A_1588 = arith.cmpi slt, %get3A_1580, %lt3A_1587 : vector<16xi32>
    %select_n3A_1589 = arith.select %lt3A_1588, %broadcast_in_dim3A_46, %broadcast_in_dim3A_48 : vector<16xi1>, vector<16xf32>
    %swap3A_1590 = arith.constant 5 : i32
    %swap3A_1591 = arith.index_cast %swap3A_1590 : i32 to index
    %swap3A_1592 = arith.constant 96 : index
    %swap3A_1593 = tpu.vector_load %arg7[%swap3A_1591, %swap3A_1592] {strides = array<i32>} : memref<8x256xf32, #tpu.memory_space<vmem>>, vector<16xf32>,
    tpu.vector_store %arg7[%swap3A_1591, %swap3A_1592], %select_n3A_1589 {strides = array<i32>} : memref<8x256xf32, #tpu.memory_space<vmem>>, vector<16xf32>,
    %get3A_1594 = arith.constant 5 : i32
    %get3A_1595 = arith.index_cast %get3A_1594 : i32 to index
    %get3A_1596 = arith.constant 112 : index
    %get3A_1597 = tpu.vector_load %arg6[%get3A_1595, %get3A_1596] {strides = array<i32>} : memref<8x256xi32, #tpu.memory_space<vmem>>, vector<16xi32>,
    %and3A_1598 = arith.andi %get3A_1597, %broadcast_in_dim3A_44 : vector<16xi32>
    %swap3A_1599 = arith.constant 5 : i32
    %swap3A_1600 = arith.index_cast %swap3A_1599 : i32 to index
    %swap3A_1601 = arith.constant 112 : index
    %swap3A_1602 = tpu.vector_load %arg6[%swap3A_1600, %swap3A_1601] {strides = array<i32>} : memref<8x256xi32, #tpu.memory_space<vmem>>, vector<16xi32>,
    tpu.vector_store %arg6[%swap3A_1600, %swap3A_1601], %and3A_1598 {strides = array<i32>} : memref<8x256xi32, #tpu.memory_space<vmem>>, vector<16xi32>,
    %lt3A_1603 = arith.constant 1073741824 : i32
    %lt3A_1604 = vector.broadcast %lt3A_1603 : i32 to vector<16xi32>
    %lt3A_1605 = arith.cmpi slt, %get3A_1597, %lt3A_1604 : vector<16xi32>
    %select_n3A_1606 = arith.select %lt3A_1605, %broadcast_in_dim3A_46, %broadcast_in_dim3A_48 : vector<16xi1>, vector<16xf32>
    %swap3A_1607 = arith.constant 5 : i32
    %swap3A_1608 = arith.index_cast %swap3A_1607 : i32 to index
    %swap3A_1609 = arith.constant 112 : index
    %swap3A_1610 = tpu.vector_load %arg7[%swap3A_1608, %swap3A_1609] {strides = array<i32>} : memref<8x256xf32, #tpu.memory_space<vmem>>, vector<16xf32>,
    tpu.vector_store %arg7[%swap3A_1608, %swap3A_1609], %select_n3A_1606 {strides = array<i32>} : memref<8x256xf32, #tpu.memory_space<vmem>>, vector<16xf32>,
    %get3A_1611 = arith.constant 5 : i32
    %get3A_1612 = arith.index_cast %get3A_1611 : i32 to index
    %get3A_1613 = arith.constant 128 : index
    %get3A_1614 = tpu.vector_load %arg6[%get3A_1612, %get3A_1613] {strides = array<i32>} : memref<8x256xi32, #tpu.memory_space<vmem>>, vector<16xi32>,
    %and3A_1615 = arith.andi %get3A_1614, %broadcast_in_dim3A_44 : vector<16xi32>
    %swap3A_1616 = arith.constant 5 : i32
    %swap3A_1617 = arith.index_cast %swap3A_1616 : i32 to index
    %swap3A_1618 = arith.constant 128 : index
    %swap3A_1619 = tpu.vector_load %arg6[%swap3A_1617, %swap3A_1618] {strides = array<i32>} : memref<8x256xi32, #tpu.memory_space<vmem>>, vector<16xi32>,
    tpu.vector_store %arg6[%swap3A_1617, %swap3A_1618], %and3A_1615 {strides = array<i32>} : memref<8x256xi32, #tpu.memory_space<vmem>>, vector<16xi32>,
    %lt3A_1620 = arith.constant 1073741824 : i32
    %lt3A_1621 = vector.broadcast %lt3A_1620 : i32 to vector<16xi32>
    %lt3A_1622 = arith.cmpi slt, %get3A_1614, %lt3A_1621 : vector<16xi32>
    %select_n3A_1623 = arith.select %lt3A_1622, %broadcast_in_dim3A_46, %broadcast_in_dim3A_48 : vector<16xi1>, vector<16xf32>
    %swap3A_1624 = arith.constant 5 : i32
    %swap3A_1625 = arith.index_cast %swap3A_1624 : i32 to index
    %swap3A_1626 = arith.constant 128 : index
    %swap3A_1627 = tpu.vector_load %arg7[%swap3A_1625, %swap3A_1626] {strides = array<i32>} : memref<8x256xf32, #tpu.memory_space<vmem>>, vector<16xf32>,
    tpu.vector_store %arg7[%swap3A_1625, %swap3A_1626], %select_n3A_1623 {strides = array<i32>} : memref<8x256xf32, #tpu.memory_space<vmem>>, vector<16xf32>,
    %get3A_1628 = arith.constant 5 : i32
    %get3A_1629 = arith.index_cast %get3A_1628 : i32 to index
    %get3A_1630 = arith.constant 144 : index
    %get3A_1631 = tpu.vector_load %arg6[%get3A_1629, %get3A_1630] {strides = array<i32>} : memref<8x256xi32, #tpu.memory_space<vmem>>, vector<16xi32>,
    %and3A_1632 = arith.andi %get3A_1631, %broadcast_in_dim3A_44 : vector<16xi32>
    %swap3A_1633 = arith.constant 5 : i32
    %swap3A_1634 = arith.index_cast %swap3A_1633 : i32 to index
    %swap3A_1635 = arith.constant 144 : index
    %swap3A_1636 = tpu.vector_load %arg6[%swap3A_1634, %swap3A_1635] {strides = array<i32>} : memref<8x256xi32, #tpu.memory_space<vmem>>, vector<16xi32>,
    tpu.vector_store %arg6[%swap3A_1634, %swap3A_1635], %and3A_1632 {strides = array<i32>} : memref<8x256xi32, #tpu.memory_space<vmem>>, vector<16xi32>,
    %lt3A_1637 = arith.constant 1073741824 : i32
    %lt3A_1638 = vector.broadcast %lt3A_1637 : i32 to vector<16xi32>
    %lt3A_1639 = arith.cmpi slt, %get3A_1631, %lt3A_1638 : vector<16xi32>
    %select_n3A_1640 = arith.select %lt3A_1639, %broadcast_in_dim3A_46, %broadcast_in_dim3A_48 : vector<16xi1>, vector<16xf32>
    %swap3A_1641 = arith.constant 5 : i32
    %swap3A_1642 = arith.index_cast %swap3A_1641 : i32 to index
    %swap3A_1643 = arith.constant 144 : index
    %swap3A_1644 = tpu.vector_load %arg7[%swap3A_1642, %swap3A_1643] {strides = array<i32>} : memref<8x256xf32, #tpu.memory_space<vmem>>, vector<16xf32>,
    tpu.vector_store %arg7[%swap3A_1642, %swap3A_1643], %select_n3A_1640 {strides = array<i32>} : memref<8x256xf32, #tpu.memory_space<vmem>>, vector<16xf32>,
    %get3A_1645 = arith.constant 5 : i32
    %get3A_1646 = arith.index_cast %get3A_1645 : i32 to index
    %get3A_1647 = arith.constant 160 : index
    %get3A_1648 = tpu.vector_load %arg6[%get3A_1646, %get3A_1647] {strides = array<i32>} : memref<8x256xi32, #tpu.memory_space<vmem>>, vector<16xi32>,
    %and3A_1649 = arith.andi %get3A_1648, %broadcast_in_dim3A_44 : vector<16xi32>
    %swap3A_1650 = arith.constant 5 : i32
    %swap3A_1651 = arith.index_cast %swap3A_1650 : i32 to index
    %swap3A_1652 = arith.constant 160 : index
    %swap3A_1653 = tpu.vector_load %arg6[%swap3A_1651, %swap3A_1652] {strides = array<i32>} : memref<8x256xi32, #tpu.memory_space<vmem>>, vector<16xi32>,
    tpu.vector_store %arg6[%swap3A_1651, %swap3A_1652], %and3A_1649 {strides = array<i32>} : memref<8x256xi32, #tpu.memory_space<vmem>>, vector<16xi32>,
    %lt3A_1654 = arith.constant 1073741824 : i32
    %lt3A_1655 = vector.broadcast %lt3A_1654 : i32 to vector<16xi32>
    %lt3A_1656 = arith.cmpi slt, %get3A_1648, %lt3A_1655 : vector<16xi32>
    %select_n3A_1657 = arith.select %lt3A_1656, %broadcast_in_dim3A_46, %broadcast_in_dim3A_48 : vector<16xi1>, vector<16xf32>
    %swap3A_1658 = arith.constant 5 : i32
    %swap3A_1659 = arith.index_cast %swap3A_1658 : i32 to index
    %swap3A_1660 = arith.constant 160 : index
    %swap3A_1661 = tpu.vector_load %arg7[%swap3A_1659, %swap3A_1660] {strides = array<i32>} : memref<8x256xf32, #tpu.memory_space<vmem>>, vector<16xf32>,
    tpu.vector_store %arg7[%swap3A_1659, %swap3A_1660], %select_n3A_1657 {strides = array<i32>} : memref<8x256xf32, #tpu.memory_space<vmem>>, vector<16xf32>,
    %get3A_1662 = arith.constant 5 : i32
    %get3A_1663 = arith.index_cast %get3A_1662 : i32 to index
    %get3A_1664 = arith.constant 176 : index
    %get3A_1665 = tpu.vector_load %arg6[%get3A_1663, %get3A_1664] {strides = array<i32>} : memref<8x256xi32, #tpu.memory_space<vmem>>, vector<16xi32>,
    %and3A_1666 = arith.andi %get3A_1665, %broadcast_in_dim3A_44 : vector<16xi32>
    %swap3A_1667 = arith.constant 5 : i32
    %swap3A_1668 = arith.index_cast %swap3A_1667 : i32 to index
    %swap3A_1669 = arith.constant 176 : index
    %swap3A_1670 = tpu.vector_load %arg6[%swap3A_1668, %swap3A_1669] {strides = array<i32>} : memref<8x256xi32, #tpu.memory_space<vmem>>, vector<16xi32>,
    tpu.vector_store %arg6[%swap3A_1668, %swap3A_1669], %and3A_1666 {strides = array<i32>} : memref<8x256xi32, #tpu.memory_space<vmem>>, vector<16xi32>,
    %lt3A_1671 = arith.constant 1073741824 : i32
    %lt3A_1672 = vector.broadcast %lt3A_1671 : i32 to vector<16xi32>
    %lt3A_1673 = arith.cmpi slt, %get3A_1665, %lt3A_1672 : vector<16xi32>
    %select_n3A_1674 = arith.select %lt3A_1673, %broadcast_in_dim3A_46, %broadcast_in_dim3A_48 : vector<16xi1>, vector<16xf32>
    %swap3A_1675 = arith.constant 5 : i32
    %swap3A_1676 = arith.index_cast %swap3A_1675 : i32 to index
    %swap3A_1677 = arith.constant 176 : index
    %swap3A_1678 = tpu.vector_load %arg7[%swap3A_1676, %swap3A_1677] {strides = array<i32>} : memref<8x256xf32, #tpu.memory_space<vmem>>, vector<16xf32>,
    tpu.vector_store %arg7[%swap3A_1676, %swap3A_1677], %select_n3A_1674 {strides = array<i32>} : memref<8x256xf32, #tpu.memory_space<vmem>>, vector<16xf32>,
    %get3A_1679 = arith.constant 5 : i32
    %get3A_1680 = arith.index_cast %get3A_1679 : i32 to index
    %get3A_1681 = arith.constant 192 : index
    %get3A_1682 = tpu.vector_load %arg6[%get3A_1680, %get3A_1681] {strides = array<i32>} : memref<8x256xi32, #tpu.memory_space<vmem>>, vector<16xi32>,
    %and3A_1683 = arith.andi %get3A_1682, %broadcast_in_dim3A_44 : vector<16xi32>
    %swap3A_1684 = arith.constant 5 : i32
    %swap3A_1685 = arith.index_cast %swap3A_1684 : i32 to index
    %swap3A_1686 = arith.constant 192 : index
    %swap3A_1687 = tpu.vector_load %arg6[%swap3A_1685, %swap3A_1686] {strides = array<i32>} : memref<8x256xi32, #tpu.memory_space<vmem>>, vector<16xi32>,
    tpu.vector_store %arg6[%swap3A_1685, %swap3A_1686], %and3A_1683 {strides = array<i32>} : memref<8x256xi32, #tpu.memory_space<vmem>>, vector<16xi32>,
    %lt3A_1688 = arith.constant 1073741824 : i32
    %lt3A_1689 = vector.broadcast %lt3A_1688 : i32 to vector<16xi32>
    %lt3A_1690 = arith.cmpi slt, %get3A_1682, %lt3A_1689 : vector<16xi32>
    %select_n3A_1691 = arith.select %lt3A_1690, %broadcast_in_dim3A_46, %broadcast_in_dim3A_48 : vector<16xi1>, vector<16xf32>
    %swap3A_1692 = arith.constant 5 : i32
    %swap3A_1693 = arith.index_cast %swap3A_1692 : i32 to index
    %swap3A_1694 = arith.constant 192 : index
    %swap3A_1695 = tpu.vector_load %arg7[%swap3A_1693, %swap3A_1694] {strides = array<i32>} : memref<8x256xf32, #tpu.memory_space<vmem>>, vector<16xf32>,
    tpu.vector_store %arg7[%swap3A_1693, %swap3A_1694], %select_n3A_1691 {strides = array<i32>} : memref<8x256xf32, #tpu.memory_space<vmem>>, vector<16xf32>,
    %get3A_1696 = arith.constant 5 : i32
    %get3A_1697 = arith.index_cast %get3A_1696 : i32 to index
    %get3A_1698 = arith.constant 208 : index
    %get3A_1699 = tpu.vector_load %arg6[%get3A_1697, %get3A_1698] {strides = array<i32>} : memref<8x256xi32, #tpu.memory_space<vmem>>, vector<16xi32>,
    %and3A_1700 = arith.andi %get3A_1699, %broadcast_in_dim3A_44 : vector<16xi32>
    %swap3A_1701 = arith.constant 5 : i32
    %swap3A_1702 = arith.index_cast %swap3A_1701 : i32 to index
    %swap3A_1703 = arith.constant 208 : index
    %swap3A_1704 = tpu.vector_load %arg6[%swap3A_1702, %swap3A_1703] {strides = array<i32>} : memref<8x256xi32, #tpu.memory_space<vmem>>, vector<16xi32>,
    tpu.vector_store %arg6[%swap3A_1702, %swap3A_1703], %and3A_1700 {strides = array<i32>} : memref<8x256xi32, #tpu.memory_space<vmem>>, vector<16xi32>,
    %lt3A_1705 = arith.constant 1073741824 : i32
    %lt3A_1706 = vector.broadcast %lt3A_1705 : i32 to vector<16xi32>
    %lt3A_1707 = arith.cmpi slt, %get3A_1699, %lt3A_1706 : vector<16xi32>
    %select_n3A_1708 = arith.select %lt3A_1707, %broadcast_in_dim3A_46, %broadcast_in_dim3A_48 : vector<16xi1>, vector<16xf32>
    %swap3A_1709 = arith.constant 5 : i32
    %swap3A_1710 = arith.index_cast %swap3A_1709 : i32 to index
    %swap3A_1711 = arith.constant 208 : index
    %swap3A_1712 = tpu.vector_load %arg7[%swap3A_1710, %swap3A_1711] {strides = array<i32>} : memref<8x256xf32, #tpu.memory_space<vmem>>, vector<16xf32>,
    tpu.vector_store %arg7[%swap3A_1710, %swap3A_1711], %select_n3A_1708 {strides = array<i32>} : memref<8x256xf32, #tpu.memory_space<vmem>>, vector<16xf32>,
    %get3A_1713 = arith.constant 5 : i32
    %get3A_1714 = arith.index_cast %get3A_1713 : i32 to index
    %get3A_1715 = arith.constant 224 : index
    %get3A_1716 = tpu.vector_load %arg6[%get3A_1714, %get3A_1715] {strides = array<i32>} : memref<8x256xi32, #tpu.memory_space<vmem>>, vector<16xi32>,
    %and3A_1717 = arith.andi %get3A_1716, %broadcast_in_dim3A_44 : vector<16xi32>
    %swap3A_1718 = arith.constant 5 : i32
    %swap3A_1719 = arith.index_cast %swap3A_1718 : i32 to index
    %swap3A_1720 = arith.constant 224 : index
    %swap3A_1721 = tpu.vector_load %arg6[%swap3A_1719, %swap3A_1720] {strides = array<i32>} : memref<8x256xi32, #tpu.memory_space<vmem>>, vector<16xi32>,
    tpu.vector_store %arg6[%swap3A_1719, %swap3A_1720], %and3A_1717 {strides = array<i32>} : memref<8x256xi32, #tpu.memory_space<vmem>>, vector<16xi32>,
    %lt3A_1722 = arith.constant 1073741824 : i32
    %lt3A_1723 = vector.broadcast %lt3A_1722 : i32 to vector<16xi32>
    %lt3A_1724 = arith.cmpi slt, %get3A_1716, %lt3A_1723 : vector<16xi32>
    %select_n3A_1725 = arith.select %lt3A_1724, %broadcast_in_dim3A_46, %broadcast_in_dim3A_48 : vector<16xi1>, vector<16xf32>
    %swap3A_1726 = arith.constant 5 : i32
    %swap3A_1727 = arith.index_cast %swap3A_1726 : i32 to index
    %swap3A_1728 = arith.constant 224 : index
    %swap3A_1729 = tpu.vector_load %arg7[%swap3A_1727, %swap3A_1728] {strides = array<i32>} : memref<8x256xf32, #tpu.memory_space<vmem>>, vector<16xf32>,
    tpu.vector_store %arg7[%swap3A_1727, %swap3A_1728], %select_n3A_1725 {strides = array<i32>} : memref<8x256xf32, #tpu.memory_space<vmem>>, vector<16xf32>,
    %get3A_1730 = arith.constant 5 : i32
    %get3A_1731 = arith.index_cast %get3A_1730 : i32 to index
    %get3A_1732 = arith.constant 240 : index
    %get3A_1733 = tpu.vector_load %arg6[%get3A_1731, %get3A_1732] {strides = array<i32>} : memref<8x256xi32, #tpu.memory_space<vmem>>, vector<16xi32>,
    %and3A_1734 = arith.andi %get3A_1733, %broadcast_in_dim3A_44 : vector<16xi32>
    %swap3A_1735 = arith.constant 5 : i32
    %swap3A_1736 = arith.index_cast %swap3A_1735 : i32 to index
    %swap3A_1737 = arith.constant 240 : index
    %swap3A_1738 = tpu.vector_load %arg6[%swap3A_1736, %swap3A_1737] {strides = array<i32>} : memref<8x256xi32, #tpu.memory_space<vmem>>, vector<16xi32>,
    tpu.vector_store %arg6[%swap3A_1736, %swap3A_1737], %and3A_1734 {strides = array<i32>} : memref<8x256xi32, #tpu.memory_space<vmem>>, vector<16xi32>,
    %lt3A_1739 = arith.constant 1073741824 : i32
    %lt3A_1740 = vector.broadcast %lt3A_1739 : i32 to vector<16xi32>
    %lt3A_1741 = arith.cmpi slt, %get3A_1733, %lt3A_1740 : vector<16xi32>
    %select_n3A_1742 = arith.select %lt3A_1741, %broadcast_in_dim3A_46, %broadcast_in_dim3A_48 : vector<16xi1>, vector<16xf32>
    %swap3A_1743 = arith.constant 5 : i32
    %swap3A_1744 = arith.index_cast %swap3A_1743 : i32 to index
    %swap3A_1745 = arith.constant 240 : index
    %swap3A_1746 = tpu.vector_load %arg7[%swap3A_1744, %swap3A_1745] {strides = array<i32>} : memref<8x256xf32, #tpu.memory_space<vmem>>, vector<16xf32>,
    tpu.vector_store %arg7[%swap3A_1744, %swap3A_1745], %select_n3A_1742 {strides = array<i32>} : memref<8x256xf32, #tpu.memory_space<vmem>>, vector<16xf32>,
    %dma_start3A_1747 = arith.constant 5 : i32
    %dma_start3A_1748 = arith.constant 5 : i32
    %dma_start3A_1749 = arith.constant 5 : i32
    %dma_start3A_1750 = arith.constant 0 : i32
    %dma_start3A_1751 = tpu.memref_slice %arg8[%dma_start3A_1749, %dma_start3A_1750] : memref<8x256xf32, #tpu.memory_space<vmem>> -> memref<1x256xf32, #tpu.memory_space<vmem>>
    %dma_start3A_1752 = tpu.memref_squeeze %dma_start3A_1751 : memref<1x256xf32, #tpu.memory_space<vmem>> -> memref<256xf32, #tpu.memory_space<vmem>>
    %dma_start3A_1753 = arith.constant 0 : i32
    %dma_start3A_1754 = tpu.memref_slice %arg6[%dma_start3A_1748, %dma_start3A_1753] : memref<8x256xi32, #tpu.memory_space<vmem>> -> memref<1x256xi32, #tpu.memory_space<vmem>>
    %dma_start3A_1755 = tpu.memref_squeeze %dma_start3A_1754 : memref<1x256xi32, #tpu.memory_space<vmem>> -> memref<256xi32, #tpu.memory_space<vmem>>
    %dma_start3A_1756 = arith.constant 0 : i32
    %dma_start3A_1757 = tpu.memref_slice %arg3[%dma_start3A_1747, %dma_start3A_1756] : memref<8x100000xf32, #tpu.memory_space<hbm>> -> memref<1x100000xf32, #tpu.memory_space<hbm>>
    %dma_start3A_1758 = tpu.memref_squeeze %dma_start3A_1757 : memref<1x100000xf32, #tpu.memory_space<hbm>> -> memref<100000xf32, #tpu.memory_space<hbm>>
    %dma_start3A_1759 = arith.constant 0 : i32
    %dma_start3A_1760 = tpu.memref_slice %dma_start3A_1758[%dma_start3A_1759] : memref<100000xf32, #tpu.memory_space<hbm>> -> memref<100000xf32, #tpu.memory_space<hbm>>
    tpu.enqueue_indirect_dma source(%dma_start3A_1760 : memref<100000xf32, #tpu.memory_space<hbm>>) target(%dma_start3A_1752 : memref<256xf32, #tpu.memory_space<vmem>>) offsets(%dma_start3A_1755 : memref<256xi32, #tpu.memory_space<vmem>>) semaphore(%arg11 : memref<!tpu.dma_semaphore, #tpu.memory_space<semaphore_mem>>)
    %get3A_1761 = arith.constant 6 : i32
    %get3A_1762 = arith.index_cast %get3A_1761 : i32 to index
    %get3A_1763 = arith.constant 0 : index
    %get3A_1764 = tpu.vector_load %arg6[%get3A_1762, %get3A_1763] {strides = array<i32>} : memref<8x256xi32, #tpu.memory_space<vmem>>, vector<16xi32>,
    %and3A_1765 = arith.andi %get3A_1764, %broadcast_in_dim3A_44 : vector<16xi32>
    %swap3A_1766 = arith.constant 6 : i32
    %swap3A_1767 = arith.index_cast %swap3A_1766 : i32 to index
    %swap3A_1768 = arith.constant 0 : index
    %swap3A_1769 = tpu.vector_load %arg6[%swap3A_1767, %swap3A_1768] {strides = array<i32>} : memref<8x256xi32, #tpu.memory_space<vmem>>, vector<16xi32>,
    tpu.vector_store %arg6[%swap3A_1767, %swap3A_1768], %and3A_1765 {strides = array<i32>} : memref<8x256xi32, #tpu.memory_space<vmem>>, vector<16xi32>,
    %lt3A_1770 = arith.constant 1073741824 : i32
    %lt3A_1771 = vector.broadcast %lt3A_1770 : i32 to vector<16xi32>
    %lt3A_1772 = arith.cmpi slt, %get3A_1764, %lt3A_1771 : vector<16xi32>
    %select_n3A_1773 = arith.select %lt3A_1772, %broadcast_in_dim3A_46, %broadcast_in_dim3A_48 : vector<16xi1>, vector<16xf32>
    %swap3A_1774 = arith.constant 6 : i32
    %swap3A_1775 = arith.index_cast %swap3A_1774 : i32 to index
    %swap3A_1776 = arith.constant 0 : index
    %swap3A_1777 = tpu.vector_load %arg7[%swap3A_1775, %swap3A_1776] {strides = array<i32>} : memref<8x256xf32, #tpu.memory_space<vmem>>, vector<16xf32>,
    tpu.vector_store %arg7[%swap3A_1775, %swap3A_1776], %select_n3A_1773 {strides = array<i32>} : memref<8x256xf32, #tpu.memory_space<vmem>>, vector<16xf32>,
    %get3A_1778 = arith.constant 6 : i32
    %get3A_1779 = arith.index_cast %get3A_1778 : i32 to index
    %get3A_1780 = arith.constant 16 : index
    %get3A_1781 = tpu.vector_load %arg6[%get3A_1779, %get3A_1780] {strides = array<i32>} : memref<8x256xi32, #tpu.memory_space<vmem>>, vector<16xi32>,
    %and3A_1782 = arith.andi %get3A_1781, %broadcast_in_dim3A_44 : vector<16xi32>
    %swap3A_1783 = arith.constant 6 : i32
    %swap3A_1784 = arith.index_cast %swap3A_1783 : i32 to index
    %swap3A_1785 = arith.constant 16 : index
    %swap3A_1786 = tpu.vector_load %arg6[%swap3A_1784, %swap3A_1785] {strides = array<i32>} : memref<8x256xi32, #tpu.memory_space<vmem>>, vector<16xi32>,
    tpu.vector_store %arg6[%swap3A_1784, %swap3A_1785], %and3A_1782 {strides = array<i32>} : memref<8x256xi32, #tpu.memory_space<vmem>>, vector<16xi32>,
    %lt3A_1787 = arith.constant 1073741824 : i32
    %lt3A_1788 = vector.broadcast %lt3A_1787 : i32 to vector<16xi32>
    %lt3A_1789 = arith.cmpi slt, %get3A_1781, %lt3A_1788 : vector<16xi32>
    %select_n3A_1790 = arith.select %lt3A_1789, %broadcast_in_dim3A_46, %broadcast_in_dim3A_48 : vector<16xi1>, vector<16xf32>
    %swap3A_1791 = arith.constant 6 : i32
    %swap3A_1792 = arith.index_cast %swap3A_1791 : i32 to index
    %swap3A_1793 = arith.constant 16 : index
    %swap3A_1794 = tpu.vector_load %arg7[%swap3A_1792, %swap3A_1793] {strides = array<i32>} : memref<8x256xf32, #tpu.memory_space<vmem>>, vector<16xf32>,
    tpu.vector_store %arg7[%swap3A_1792, %swap3A_1793], %select_n3A_1790 {strides = array<i32>} : memref<8x256xf32, #tpu.memory_space<vmem>>, vector<16xf32>,
    %get3A_1795 = arith.constant 6 : i32
    %get3A_1796 = arith.index_cast %get3A_1795 : i32 to index
    %get3A_1797 = arith.constant 32 : index
    %get3A_1798 = tpu.vector_load %arg6[%get3A_1796, %get3A_1797] {strides = array<i32>} : memref<8x256xi32, #tpu.memory_space<vmem>>, vector<16xi32>,
    %and3A_1799 = arith.andi %get3A_1798, %broadcast_in_dim3A_44 : vector<16xi32>
    %swap3A_1800 = arith.constant 6 : i32
    %swap3A_1801 = arith.index_cast %swap3A_1800 : i32 to index
    %swap3A_1802 = arith.constant 32 : index
    %swap3A_1803 = tpu.vector_load %arg6[%swap3A_1801, %swap3A_1802] {strides = array<i32>} : memref<8x256xi32, #tpu.memory_space<vmem>>, vector<16xi32>,
    tpu.vector_store %arg6[%swap3A_1801, %swap3A_1802], %and3A_1799 {strides = array<i32>} : memref<8x256xi32, #tpu.memory_space<vmem>>, vector<16xi32>,
    %lt3A_1804 = arith.constant 1073741824 : i32
    %lt3A_1805 = vector.broadcast %lt3A_1804 : i32 to vector<16xi32>
    %lt3A_1806 = arith.cmpi slt, %get3A_1798, %lt3A_1805 : vector<16xi32>
    %select_n3A_1807 = arith.select %lt3A_1806, %broadcast_in_dim3A_46, %broadcast_in_dim3A_48 : vector<16xi1>, vector<16xf32>
    %swap3A_1808 = arith.constant 6 : i32
    %swap3A_1809 = arith.index_cast %swap3A_1808 : i32 to index
    %swap3A_1810 = arith.constant 32 : index
    %swap3A_1811 = tpu.vector_load %arg7[%swap3A_1809, %swap3A_1810] {strides = array<i32>} : memref<8x256xf32, #tpu.memory_space<vmem>>, vector<16xf32>,
    tpu.vector_store %arg7[%swap3A_1809, %swap3A_1810], %select_n3A_1807 {strides = array<i32>} : memref<8x256xf32, #tpu.memory_space<vmem>>, vector<16xf32>,
    %get3A_1812 = arith.constant 6 : i32
    %get3A_1813 = arith.index_cast %get3A_1812 : i32 to index
    %get3A_1814 = arith.constant 48 : index
    %get3A_1815 = tpu.vector_load %arg6[%get3A_1813, %get3A_1814] {strides = array<i32>} : memref<8x256xi32, #tpu.memory_space<vmem>>, vector<16xi32>,
    %and3A_1816 = arith.andi %get3A_1815, %broadcast_in_dim3A_44 : vector<16xi32>
    %swap3A_1817 = arith.constant 6 : i32
    %swap3A_1818 = arith.index_cast %swap3A_1817 : i32 to index
    %swap3A_1819 = arith.constant 48 : index
    %swap3A_1820 = tpu.vector_load %arg6[%swap3A_1818, %swap3A_1819] {strides = array<i32>} : memref<8x256xi32, #tpu.memory_space<vmem>>, vector<16xi32>,
    tpu.vector_store %arg6[%swap3A_1818, %swap3A_1819], %and3A_1816 {strides = array<i32>} : memref<8x256xi32, #tpu.memory_space<vmem>>, vector<16xi32>,
    %lt3A_1821 = arith.constant 1073741824 : i32
    %lt3A_1822 = vector.broadcast %lt3A_1821 : i32 to vector<16xi32>
    %lt3A_1823 = arith.cmpi slt, %get3A_1815, %lt3A_1822 : vector<16xi32>
    %select_n3A_1824 = arith.select %lt3A_1823, %broadcast_in_dim3A_46, %broadcast_in_dim3A_48 : vector<16xi1>, vector<16xf32>
    %swap3A_1825 = arith.constant 6 : i32
    %swap3A_1826 = arith.index_cast %swap3A_1825 : i32 to index
    %swap3A_1827 = arith.constant 48 : index
    %swap3A_1828 = tpu.vector_load %arg7[%swap3A_1826, %swap3A_1827] {strides = array<i32>} : memref<8x256xf32, #tpu.memory_space<vmem>>, vector<16xf32>,
    tpu.vector_store %arg7[%swap3A_1826, %swap3A_1827], %select_n3A_1824 {strides = array<i32>} : memref<8x256xf32, #tpu.memory_space<vmem>>, vector<16xf32>,
    %get3A_1829 = arith.constant 6 : i32
    %get3A_1830 = arith.index_cast %get3A_1829 : i32 to index
    %get3A_1831 = arith.constant 64 : index
    %get3A_1832 = tpu.vector_load %arg6[%get3A_1830, %get3A_1831] {strides = array<i32>} : memref<8x256xi32, #tpu.memory_space<vmem>>, vector<16xi32>,
    %and3A_1833 = arith.andi %get3A_1832, %broadcast_in_dim3A_44 : vector<16xi32>
    %swap3A_1834 = arith.constant 6 : i32
    %swap3A_1835 = arith.index_cast %swap3A_1834 : i32 to index
    %swap3A_1836 = arith.constant 64 : index
    %swap3A_1837 = tpu.vector_load %arg6[%swap3A_1835, %swap3A_1836] {strides = array<i32>} : memref<8x256xi32, #tpu.memory_space<vmem>>, vector<16xi32>,
    tpu.vector_store %arg6[%swap3A_1835, %swap3A_1836], %and3A_1833 {strides = array<i32>} : memref<8x256xi32, #tpu.memory_space<vmem>>, vector<16xi32>,
    %lt3A_1838 = arith.constant 1073741824 : i32
    %lt3A_1839 = vector.broadcast %lt3A_1838 : i32 to vector<16xi32>
    %lt3A_1840 = arith.cmpi slt, %get3A_1832, %lt3A_1839 : vector<16xi32>
    %select_n3A_1841 = arith.select %lt3A_1840, %broadcast_in_dim3A_46, %broadcast_in_dim3A_48 : vector<16xi1>, vector<16xf32>
    %swap3A_1842 = arith.constant 6 : i32
    %swap3A_1843 = arith.index_cast %swap3A_1842 : i32 to index
    %swap3A_1844 = arith.constant 64 : index
    %swap3A_1845 = tpu.vector_load %arg7[%swap3A_1843, %swap3A_1844] {strides = array<i32>} : memref<8x256xf32, #tpu.memory_space<vmem>>, vector<16xf32>,
    tpu.vector_store %arg7[%swap3A_1843, %swap3A_1844], %select_n3A_1841 {strides = array<i32>} : memref<8x256xf32, #tpu.memory_space<vmem>>, vector<16xf32>,
    %get3A_1846 = arith.constant 6 : i32
    %get3A_1847 = arith.index_cast %get3A_1846 : i32 to index
    %get3A_1848 = arith.constant 80 : index
    %get3A_1849 = tpu.vector_load %arg6[%get3A_1847, %get3A_1848] {strides = array<i32>} : memref<8x256xi32, #tpu.memory_space<vmem>>, vector<16xi32>,
    %and3A_1850 = arith.andi %get3A_1849, %broadcast_in_dim3A_44 : vector<16xi32>
    %swap3A_1851 = arith.constant 6 : i32
    %swap3A_1852 = arith.index_cast %swap3A_1851 : i32 to index
    %swap3A_1853 = arith.constant 80 : index
    %swap3A_1854 = tpu.vector_load %arg6[%swap3A_1852, %swap3A_1853] {strides = array<i32>} : memref<8x256xi32, #tpu.memory_space<vmem>>, vector<16xi32>,
    tpu.vector_store %arg6[%swap3A_1852, %swap3A_1853], %and3A_1850 {strides = array<i32>} : memref<8x256xi32, #tpu.memory_space<vmem>>, vector<16xi32>,
    %lt3A_1855 = arith.constant 1073741824 : i32
    %lt3A_1856 = vector.broadcast %lt3A_1855 : i32 to vector<16xi32>
    %lt3A_1857 = arith.cmpi slt, %get3A_1849, %lt3A_1856 : vector<16xi32>
    %select_n3A_1858 = arith.select %lt3A_1857, %broadcast_in_dim3A_46, %broadcast_in_dim3A_48 : vector<16xi1>, vector<16xf32>
    %swap3A_1859 = arith.constant 6 : i32
    %swap3A_1860 = arith.index_cast %swap3A_1859 : i32 to index
    %swap3A_1861 = arith.constant 80 : index
    %swap3A_1862 = tpu.vector_load %arg7[%swap3A_1860, %swap3A_1861] {strides = array<i32>} : memref<8x256xf32, #tpu.memory_space<vmem>>, vector<16xf32>,
    tpu.vector_store %arg7[%swap3A_1860, %swap3A_1861], %select_n3A_1858 {strides = array<i32>} : memref<8x256xf32, #tpu.memory_space<vmem>>, vector<16xf32>,
    %get3A_1863 = arith.constant 6 : i32
    %get3A_1864 = arith.index_cast %get3A_1863 : i32 to index
    %get3A_1865 = arith.constant 96 : index
    %get3A_1866 = tpu.vector_load %arg6[%get3A_1864, %get3A_1865] {strides = array<i32>} : memref<8x256xi32, #tpu.memory_space<vmem>>, vector<16xi32>,
    %and3A_1867 = arith.andi %get3A_1866, %broadcast_in_dim3A_44 : vector<16xi32>
    %swap3A_1868 = arith.constant 6 : i32
    %swap3A_1869 = arith.index_cast %swap3A_1868 : i32 to index
    %swap3A_1870 = arith.constant 96 : index
    %swap3A_1871 = tpu.vector_load %arg6[%swap3A_1869, %swap3A_1870] {strides = array<i32>} : memref<8x256xi32, #tpu.memory_space<vmem>>, vector<16xi32>,
    tpu.vector_store %arg6[%swap3A_1869, %swap3A_1870], %and3A_1867 {strides = array<i32>} : memref<8x256xi32, #tpu.memory_space<vmem>>, vector<16xi32>,
    %lt3A_1872 = arith.constant 1073741824 : i32
    %lt3A_1873 = vector.broadcast %lt3A_1872 : i32 to vector<16xi32>
    %lt3A_1874 = arith.cmpi slt, %get3A_1866, %lt3A_1873 : vector<16xi32>
    %select_n3A_1875 = arith.select %lt3A_1874, %broadcast_in_dim3A_46, %broadcast_in_dim3A_48 : vector<16xi1>, vector<16xf32>
    %swap3A_1876 = arith.constant 6 : i32
    %swap3A_1877 = arith.index_cast %swap3A_1876 : i32 to index
    %swap3A_1878 = arith.constant 96 : index
    %swap3A_1879 = tpu.vector_load %arg7[%swap3A_1877, %swap3A_1878] {strides = array<i32>} : memref<8x256xf32, #tpu.memory_space<vmem>>, vector<16xf32>,
    tpu.vector_store %arg7[%swap3A_1877, %swap3A_1878], %select_n3A_1875 {strides = array<i32>} : memref<8x256xf32, #tpu.memory_space<vmem>>, vector<16xf32>,
    %get3A_1880 = arith.constant 6 : i32
    %get3A_1881 = arith.index_cast %get3A_1880 : i32 to index
    %get3A_1882 = arith.constant 112 : index
    %get3A_1883 = tpu.vector_load %arg6[%get3A_1881, %get3A_1882] {strides = array<i32>} : memref<8x256xi32, #tpu.memory_space<vmem>>, vector<16xi32>,
    %and3A_1884 = arith.andi %get3A_1883, %broadcast_in_dim3A_44 : vector<16xi32>
    %swap3A_1885 = arith.constant 6 : i32
    %swap3A_1886 = arith.index_cast %swap3A_1885 : i32 to index
    %swap3A_1887 = arith.constant 112 : index
    %swap3A_1888 = tpu.vector_load %arg6[%swap3A_1886, %swap3A_1887] {strides = array<i32>} : memref<8x256xi32, #tpu.memory_space<vmem>>, vector<16xi32>,
    tpu.vector_store %arg6[%swap3A_1886, %swap3A_1887], %and3A_1884 {strides = array<i32>} : memref<8x256xi32, #tpu.memory_space<vmem>>, vector<16xi32>,
    %lt3A_1889 = arith.constant 1073741824 : i32
    %lt3A_1890 = vector.broadcast %lt3A_1889 : i32 to vector<16xi32>
    %lt3A_1891 = arith.cmpi slt, %get3A_1883, %lt3A_1890 : vector<16xi32>
    %select_n3A_1892 = arith.select %lt3A_1891, %broadcast_in_dim3A_46, %broadcast_in_dim3A_48 : vector<16xi1>, vector<16xf32>
    %swap3A_1893 = arith.constant 6 : i32
    %swap3A_1894 = arith.index_cast %swap3A_1893 : i32 to index
    %swap3A_1895 = arith.constant 112 : index
    %swap3A_1896 = tpu.vector_load %arg7[%swap3A_1894, %swap3A_1895] {strides = array<i32>} : memref<8x256xf32, #tpu.memory_space<vmem>>, vector<16xf32>,
    tpu.vector_store %arg7[%swap3A_1894, %swap3A_1895], %select_n3A_1892 {strides = array<i32>} : memref<8x256xf32, #tpu.memory_space<vmem>>, vector<16xf32>,
    %get3A_1897 = arith.constant 6 : i32
    %get3A_1898 = arith.index_cast %get3A_1897 : i32 to index
    %get3A_1899 = arith.constant 128 : index
    %get3A_1900 = tpu.vector_load %arg6[%get3A_1898, %get3A_1899] {strides = array<i32>} : memref<8x256xi32, #tpu.memory_space<vmem>>, vector<16xi32>,
    %and3A_1901 = arith.andi %get3A_1900, %broadcast_in_dim3A_44 : vector<16xi32>
    %swap3A_1902 = arith.constant 6 : i32
    %swap3A_1903 = arith.index_cast %swap3A_1902 : i32 to index
    %swap3A_1904 = arith.constant 128 : index
    %swap3A_1905 = tpu.vector_load %arg6[%swap3A_1903, %swap3A_1904] {strides = array<i32>} : memref<8x256xi32, #tpu.memory_space<vmem>>, vector<16xi32>,
    tpu.vector_store %arg6[%swap3A_1903, %swap3A_1904], %and3A_1901 {strides = array<i32>} : memref<8x256xi32, #tpu.memory_space<vmem>>, vector<16xi32>,
    %lt3A_1906 = arith.constant 1073741824 : i32
    %lt3A_1907 = vector.broadcast %lt3A_1906 : i32 to vector<16xi32>
    %lt3A_1908 = arith.cmpi slt, %get3A_1900, %lt3A_1907 : vector<16xi32>
    %select_n3A_1909 = arith.select %lt3A_1908, %broadcast_in_dim3A_46, %broadcast_in_dim3A_48 : vector<16xi1>, vector<16xf32>
    %swap3A_1910 = arith.constant 6 : i32
    %swap3A_1911 = arith.index_cast %swap3A_1910 : i32 to index
    %swap3A_1912 = arith.constant 128 : index
    %swap3A_1913 = tpu.vector_load %arg7[%swap3A_1911, %swap3A_1912] {strides = array<i32>} : memref<8x256xf32, #tpu.memory_space<vmem>>, vector<16xf32>,
    tpu.vector_store %arg7[%swap3A_1911, %swap3A_1912], %select_n3A_1909 {strides = array<i32>} : memref<8x256xf32, #tpu.memory_space<vmem>>, vector<16xf32>,
    %get3A_1914 = arith.constant 6 : i32
    %get3A_1915 = arith.index_cast %get3A_1914 : i32 to index
    %get3A_1916 = arith.constant 144 : index
    %get3A_1917 = tpu.vector_load %arg6[%get3A_1915, %get3A_1916] {strides = array<i32>} : memref<8x256xi32, #tpu.memory_space<vmem>>, vector<16xi32>,
    %and3A_1918 = arith.andi %get3A_1917, %broadcast_in_dim3A_44 : vector<16xi32>
    %swap3A_1919 = arith.constant 6 : i32
    %swap3A_1920 = arith.index_cast %swap3A_1919 : i32 to index
    %swap3A_1921 = arith.constant 144 : index
    %swap3A_1922 = tpu.vector_load %arg6[%swap3A_1920, %swap3A_1921] {strides = array<i32>} : memref<8x256xi32, #tpu.memory_space<vmem>>, vector<16xi32>,
    tpu.vector_store %arg6[%swap3A_1920, %swap3A_1921], %and3A_1918 {strides = array<i32>} : memref<8x256xi32, #tpu.memory_space<vmem>>, vector<16xi32>,
    %lt3A_1923 = arith.constant 1073741824 : i32
    %lt3A_1924 = vector.broadcast %lt3A_1923 : i32 to vector<16xi32>
    %lt3A_1925 = arith.cmpi slt, %get3A_1917, %lt3A_1924 : vector<16xi32>
    %select_n3A_1926 = arith.select %lt3A_1925, %broadcast_in_dim3A_46, %broadcast_in_dim3A_48 : vector<16xi1>, vector<16xf32>
    %swap3A_1927 = arith.constant 6 : i32
    %swap3A_1928 = arith.index_cast %swap3A_1927 : i32 to index
    %swap3A_1929 = arith.constant 144 : index
    %swap3A_1930 = tpu.vector_load %arg7[%swap3A_1928, %swap3A_1929] {strides = array<i32>} : memref<8x256xf32, #tpu.memory_space<vmem>>, vector<16xf32>,
    tpu.vector_store %arg7[%swap3A_1928, %swap3A_1929], %select_n3A_1926 {strides = array<i32>} : memref<8x256xf32, #tpu.memory_space<vmem>>, vector<16xf32>,
    %get3A_1931 = arith.constant 6 : i32
    %get3A_1932 = arith.index_cast %get3A_1931 : i32 to index
    %get3A_1933 = arith.constant 160 : index
    %get3A_1934 = tpu.vector_load %arg6[%get3A_1932, %get3A_1933] {strides = array<i32>} : memref<8x256xi32, #tpu.memory_space<vmem>>, vector<16xi32>,
    %and3A_1935 = arith.andi %get3A_1934, %broadcast_in_dim3A_44 : vector<16xi32>
    %swap3A_1936 = arith.constant 6 : i32
    %swap3A_1937 = arith.index_cast %swap3A_1936 : i32 to index
    %swap3A_1938 = arith.constant 160 : index
    %swap3A_1939 = tpu.vector_load %arg6[%swap3A_1937, %swap3A_1938] {strides = array<i32>} : memref<8x256xi32, #tpu.memory_space<vmem>>, vector<16xi32>,
    tpu.vector_store %arg6[%swap3A_1937, %swap3A_1938], %and3A_1935 {strides = array<i32>} : memref<8x256xi32, #tpu.memory_space<vmem>>, vector<16xi32>,
    %lt3A_1940 = arith.constant 1073741824 : i32
    %lt3A_1941 = vector.broadcast %lt3A_1940 : i32 to vector<16xi32>
    %lt3A_1942 = arith.cmpi slt, %get3A_1934, %lt3A_1941 : vector<16xi32>
    %select_n3A_1943 = arith.select %lt3A_1942, %broadcast_in_dim3A_46, %broadcast_in_dim3A_48 : vector<16xi1>, vector<16xf32>
    %swap3A_1944 = arith.constant 6 : i32
    %swap3A_1945 = arith.index_cast %swap3A_1944 : i32 to index
    %swap3A_1946 = arith.constant 160 : index
    %swap3A_1947 = tpu.vector_load %arg7[%swap3A_1945, %swap3A_1946] {strides = array<i32>} : memref<8x256xf32, #tpu.memory_space<vmem>>, vector<16xf32>,
    tpu.vector_store %arg7[%swap3A_1945, %swap3A_1946], %select_n3A_1943 {strides = array<i32>} : memref<8x256xf32, #tpu.memory_space<vmem>>, vector<16xf32>,
    %get3A_1948 = arith.constant 6 : i32
    %get3A_1949 = arith.index_cast %get3A_1948 : i32 to index
    %get3A_1950 = arith.constant 176 : index
    %get3A_1951 = tpu.vector_load %arg6[%get3A_1949, %get3A_1950] {strides = array<i32>} : memref<8x256xi32, #tpu.memory_space<vmem>>, vector<16xi32>,
    %and3A_1952 = arith.andi %get3A_1951, %broadcast_in_dim3A_44 : vector<16xi32>
    %swap3A_1953 = arith.constant 6 : i32
    %swap3A_1954 = arith.index_cast %swap3A_1953 : i32 to index
    %swap3A_1955 = arith.constant 176 : index
    %swap3A_1956 = tpu.vector_load %arg6[%swap3A_1954, %swap3A_1955] {strides = array<i32>} : memref<8x256xi32, #tpu.memory_space<vmem>>, vector<16xi32>,
    tpu.vector_store %arg6[%swap3A_1954, %swap3A_1955], %and3A_1952 {strides = array<i32>} : memref<8x256xi32, #tpu.memory_space<vmem>>, vector<16xi32>,
    %lt3A_1957 = arith.constant 1073741824 : i32
    %lt3A_1958 = vector.broadcast %lt3A_1957 : i32 to vector<16xi32>
    %lt3A_1959 = arith.cmpi slt, %get3A_1951, %lt3A_1958 : vector<16xi32>
    %select_n3A_1960 = arith.select %lt3A_1959, %broadcast_in_dim3A_46, %broadcast_in_dim3A_48 : vector<16xi1>, vector<16xf32>
    %swap3A_1961 = arith.constant 6 : i32
    %swap3A_1962 = arith.index_cast %swap3A_1961 : i32 to index
    %swap3A_1963 = arith.constant 176 : index
    %swap3A_1964 = tpu.vector_load %arg7[%swap3A_1962, %swap3A_1963] {strides = array<i32>} : memref<8x256xf32, #tpu.memory_space<vmem>>, vector<16xf32>,
    tpu.vector_store %arg7[%swap3A_1962, %swap3A_1963], %select_n3A_1960 {strides = array<i32>} : memref<8x256xf32, #tpu.memory_space<vmem>>, vector<16xf32>,
    %get3A_1965 = arith.constant 6 : i32
    %get3A_1966 = arith.index_cast %get3A_1965 : i32 to index
    %get3A_1967 = arith.constant 192 : index
    %get3A_1968 = tpu.vector_load %arg6[%get3A_1966, %get3A_1967] {strides = array<i32>} : memref<8x256xi32, #tpu.memory_space<vmem>>, vector<16xi32>,
    %and3A_1969 = arith.andi %get3A_1968, %broadcast_in_dim3A_44 : vector<16xi32>
    %swap3A_1970 = arith.constant 6 : i32
    %swap3A_1971 = arith.index_cast %swap3A_1970 : i32 to index
    %swap3A_1972 = arith.constant 192 : index
    %swap3A_1973 = tpu.vector_load %arg6[%swap3A_1971, %swap3A_1972] {strides = array<i32>} : memref<8x256xi32, #tpu.memory_space<vmem>>, vector<16xi32>,
    tpu.vector_store %arg6[%swap3A_1971, %swap3A_1972], %and3A_1969 {strides = array<i32>} : memref<8x256xi32, #tpu.memory_space<vmem>>, vector<16xi32>,
    %lt3A_1974 = arith.constant 1073741824 : i32
    %lt3A_1975 = vector.broadcast %lt3A_1974 : i32 to vector<16xi32>
    %lt3A_1976 = arith.cmpi slt, %get3A_1968, %lt3A_1975 : vector<16xi32>
    %select_n3A_1977 = arith.select %lt3A_1976, %broadcast_in_dim3A_46, %broadcast_in_dim3A_48 : vector<16xi1>, vector<16xf32>
    %swap3A_1978 = arith.constant 6 : i32
    %swap3A_1979 = arith.index_cast %swap3A_1978 : i32 to index
    %swap3A_1980 = arith.constant 192 : index
    %swap3A_1981 = tpu.vector_load %arg7[%swap3A_1979, %swap3A_1980] {strides = array<i32>} : memref<8x256xf32, #tpu.memory_space<vmem>>, vector<16xf32>,
    tpu.vector_store %arg7[%swap3A_1979, %swap3A_1980], %select_n3A_1977 {strides = array<i32>} : memref<8x256xf32, #tpu.memory_space<vmem>>, vector<16xf32>,
    %get3A_1982 = arith.constant 6 : i32
    %get3A_1983 = arith.index_cast %get3A_1982 : i32 to index
    %get3A_1984 = arith.constant 208 : index
    %get3A_1985 = tpu.vector_load %arg6[%get3A_1983, %get3A_1984] {strides = array<i32>} : memref<8x256xi32, #tpu.memory_space<vmem>>, vector<16xi32>,
    %and3A_1986 = arith.andi %get3A_1985, %broadcast_in_dim3A_44 : vector<16xi32>
    %swap3A_1987 = arith.constant 6 : i32
    %swap3A_1988 = arith.index_cast %swap3A_1987 : i32 to index
    %swap3A_1989 = arith.constant 208 : index
    %swap3A_1990 = tpu.vector_load %arg6[%swap3A_1988, %swap3A_1989] {strides = array<i32>} : memref<8x256xi32, #tpu.memory_space<vmem>>, vector<16xi32>,
    tpu.vector_store %arg6[%swap3A_1988, %swap3A_1989], %and3A_1986 {strides = array<i32>} : memref<8x256xi32, #tpu.memory_space<vmem>>, vector<16xi32>,
    %lt3A_1991 = arith.constant 1073741824 : i32
    %lt3A_1992 = vector.broadcast %lt3A_1991 : i32 to vector<16xi32>
    %lt3A_1993 = arith.cmpi slt, %get3A_1985, %lt3A_1992 : vector<16xi32>
    %select_n3A_1994 = arith.select %lt3A_1993, %broadcast_in_dim3A_46, %broadcast_in_dim3A_48 : vector<16xi1>, vector<16xf32>
    %swap3A_1995 = arith.constant 6 : i32
    %swap3A_1996 = arith.index_cast %swap3A_1995 : i32 to index
    %swap3A_1997 = arith.constant 208 : index
    %swap3A_1998 = tpu.vector_load %arg7[%swap3A_1996, %swap3A_1997] {strides = array<i32>} : memref<8x256xf32, #tpu.memory_space<vmem>>, vector<16xf32>,
    tpu.vector_store %arg7[%swap3A_1996, %swap3A_1997], %select_n3A_1994 {strides = array<i32>} : memref<8x256xf32, #tpu.memory_space<vmem>>, vector<16xf32>,
    %get3A_1999 = arith.constant 6 : i32
    %get3A_2000 = arith.index_cast %get3A_1999 : i32 to index
    %get3A_2001 = arith.constant 224 : index
    %get3A_2002 = tpu.vector_load %arg6[%get3A_2000, %get3A_2001] {strides = array<i32>} : memref<8x256xi32, #tpu.memory_space<vmem>>, vector<16xi32>,
    %and3A_2003 = arith.andi %get3A_2002, %broadcast_in_dim3A_44 : vector<16xi32>
    %swap3A_2004 = arith.constant 6 : i32
    %swap3A_2005 = arith.index_cast %swap3A_2004 : i32 to index
    %swap3A_2006 = arith.constant 224 : index
    %swap3A_2007 = tpu.vector_load %arg6[%swap3A_2005, %swap3A_2006] {strides = array<i32>} : memref<8x256xi32, #tpu.memory_space<vmem>>, vector<16xi32>,
    tpu.vector_store %arg6[%swap3A_2005, %swap3A_2006], %and3A_2003 {strides = array<i32>} : memref<8x256xi32, #tpu.memory_space<vmem>>, vector<16xi32>,
    %lt3A_2008 = arith.constant 1073741824 : i32
    %lt3A_2009 = vector.broadcast %lt3A_2008 : i32 to vector<16xi32>
    %lt3A_2010 = arith.cmpi slt, %get3A_2002, %lt3A_2009 : vector<16xi32>
    %select_n3A_2011 = arith.select %lt3A_2010, %broadcast_in_dim3A_46, %broadcast_in_dim3A_48 : vector<16xi1>, vector<16xf32>
    %swap3A_2012 = arith.constant 6 : i32
    %swap3A_2013 = arith.index_cast %swap3A_2012 : i32 to index
    %swap3A_2014 = arith.constant 224 : index
    %swap3A_2015 = tpu.vector_load %arg7[%swap3A_2013, %swap3A_2014] {strides = array<i32>} : memref<8x256xf32, #tpu.memory_space<vmem>>, vector<16xf32>,
    tpu.vector_store %arg7[%swap3A_2013, %swap3A_2014], %select_n3A_2011 {strides = array<i32>} : memref<8x256xf32, #tpu.memory_space<vmem>>, vector<16xf32>,
    %get3A_2016 = arith.constant 6 : i32
    %get3A_2017 = arith.index_cast %get3A_2016 : i32 to index
    %get3A_2018 = arith.constant 240 : index
    %get3A_2019 = tpu.vector_load %arg6[%get3A_2017, %get3A_2018] {strides = array<i32>} : memref<8x256xi32, #tpu.memory_space<vmem>>, vector<16xi32>,
    %and3A_2020 = arith.andi %get3A_2019, %broadcast_in_dim3A_44 : vector<16xi32>
    %swap3A_2021 = arith.constant 6 : i32
    %swap3A_2022 = arith.index_cast %swap3A_2021 : i32 to index
    %swap3A_2023 = arith.constant 240 : index
    %swap3A_2024 = tpu.vector_load %arg6[%swap3A_2022, %swap3A_2023] {strides = array<i32>} : memref<8x256xi32, #tpu.memory_space<vmem>>, vector<16xi32>,
    tpu.vector_store %arg6[%swap3A_2022, %swap3A_2023], %and3A_2020 {strides = array<i32>} : memref<8x256xi32, #tpu.memory_space<vmem>>, vector<16xi32>,
    %lt3A_2025 = arith.constant 1073741824 : i32
    %lt3A_2026 = vector.broadcast %lt3A_2025 : i32 to vector<16xi32>
    %lt3A_2027 = arith.cmpi slt, %get3A_2019, %lt3A_2026 : vector<16xi32>
    %select_n3A_2028 = arith.select %lt3A_2027, %broadcast_in_dim3A_46, %broadcast_in_dim3A_48 : vector<16xi1>, vector<16xf32>
    %swap3A_2029 = arith.constant 6 : i32
    %swap3A_2030 = arith.index_cast %swap3A_2029 : i32 to index
    %swap3A_2031 = arith.constant 240 : index
    %swap3A_2032 = tpu.vector_load %arg7[%swap3A_2030, %swap3A_2031] {strides = array<i32>} : memref<8x256xf32, #tpu.memory_space<vmem>>, vector<16xf32>,
    tpu.vector_store %arg7[%swap3A_2030, %swap3A_2031], %select_n3A_2028 {strides = array<i32>} : memref<8x256xf32, #tpu.memory_space<vmem>>, vector<16xf32>,
    %dma_start3A_2033 = arith.constant 6 : i32
    %dma_start3A_2034 = arith.constant 6 : i32
    %dma_start3A_2035 = arith.constant 6 : i32
    %dma_start3A_2036 = arith.constant 0 : i32
    %dma_start3A_2037 = tpu.memref_slice %arg8[%dma_start3A_2035, %dma_start3A_2036] : memref<8x256xf32, #tpu.memory_space<vmem>> -> memref<1x256xf32, #tpu.memory_space<vmem>>
    %dma_start3A_2038 = tpu.memref_squeeze %dma_start3A_2037 : memref<1x256xf32, #tpu.memory_space<vmem>> -> memref<256xf32, #tpu.memory_space<vmem>>
    %dma_start3A_2039 = arith.constant 0 : i32
    %dma_start3A_2040 = tpu.memref_slice %arg6[%dma_start3A_2034, %dma_start3A_2039] : memref<8x256xi32, #tpu.memory_space<vmem>> -> memref<1x256xi32, #tpu.memory_space<vmem>>
    %dma_start3A_2041 = tpu.memref_squeeze %dma_start3A_2040 : memref<1x256xi32, #tpu.memory_space<vmem>> -> memref<256xi32, #tpu.memory_space<vmem>>
    %dma_start3A_2042 = arith.constant 0 : i32
    %dma_start3A_2043 = tpu.memref_slice %arg3[%dma_start3A_2033, %dma_start3A_2042] : memref<8x100000xf32, #tpu.memory_space<hbm>> -> memref<1x100000xf32, #tpu.memory_space<hbm>>
    %dma_start3A_2044 = tpu.memref_squeeze %dma_start3A_2043 : memref<1x100000xf32, #tpu.memory_space<hbm>> -> memref<100000xf32, #tpu.memory_space<hbm>>
    %dma_start3A_2045 = arith.constant 0 : i32
    %dma_start3A_2046 = tpu.memref_slice %dma_start3A_2044[%dma_start3A_2045] : memref<100000xf32, #tpu.memory_space<hbm>> -> memref<100000xf32, #tpu.memory_space<hbm>>
    tpu.enqueue_indirect_dma source(%dma_start3A_2046 : memref<100000xf32, #tpu.memory_space<hbm>>) target(%dma_start3A_2038 : memref<256xf32, #tpu.memory_space<vmem>>) offsets(%dma_start3A_2041 : memref<256xi32, #tpu.memory_space<vmem>>) semaphore(%arg11 : memref<!tpu.dma_semaphore, #tpu.memory_space<semaphore_mem>>)
    %get3A_2047 = arith.constant 7 : i32
    %get3A_2048 = arith.index_cast %get3A_2047 : i32 to index
    %get3A_2049 = arith.constant 0 : index
    %get3A_2050 = tpu.vector_load %arg6[%get3A_2048, %get3A_2049] {strides = array<i32>} : memref<8x256xi32, #tpu.memory_space<vmem>>, vector<16xi32>,
    %and3A_2051 = arith.andi %get3A_2050, %broadcast_in_dim3A_44 : vector<16xi32>
    %swap3A_2052 = arith.constant 7 : i32
    %swap3A_2053 = arith.index_cast %swap3A_2052 : i32 to index
    %swap3A_2054 = arith.constant 0 : index
    %swap3A_2055 = tpu.vector_load %arg6[%swap3A_2053, %swap3A_2054] {strides = array<i32>} : memref<8x256xi32, #tpu.memory_space<vmem>>, vector<16xi32>,
    tpu.vector_store %arg6[%swap3A_2053, %swap3A_2054], %and3A_2051 {strides = array<i32>} : memref<8x256xi32, #tpu.memory_space<vmem>>, vector<16xi32>,
    %lt3A_2056 = arith.constant 1073741824 : i32
    %lt3A_2057 = vector.broadcast %lt3A_2056 : i32 to vector<16xi32>
    %lt3A_2058 = arith.cmpi slt, %get3A_2050, %lt3A_2057 : vector<16xi32>
    %select_n3A_2059 = arith.select %lt3A_2058, %broadcast_in_dim3A_46, %broadcast_in_dim3A_48 : vector<16xi1>, vector<16xf32>
    %swap3A_2060 = arith.constant 7 : i32
    %swap3A_2061 = arith.index_cast %swap3A_2060 : i32 to index
    %swap3A_2062 = arith.constant 0 : index
    %swap3A_2063 = tpu.vector_load %arg7[%swap3A_2061, %swap3A_2062] {strides = array<i32>} : memref<8x256xf32, #tpu.memory_space<vmem>>, vector<16xf32>,
    tpu.vector_store %arg7[%swap3A_2061, %swap3A_2062], %select_n3A_2059 {strides = array<i32>} : memref<8x256xf32, #tpu.memory_space<vmem>>, vector<16xf32>,
    %get3A_2064 = arith.constant 7 : i32
    %get3A_2065 = arith.index_cast %get3A_2064 : i32 to index
    %get3A_2066 = arith.constant 16 : index
    %get3A_2067 = tpu.vector_load %arg6[%get3A_2065, %get3A_2066] {strides = array<i32>} : memref<8x256xi32, #tpu.memory_space<vmem>>, vector<16xi32>,
    %and3A_2068 = arith.andi %get3A_2067, %broadcast_in_dim3A_44 : vector<16xi32>
    %swap3A_2069 = arith.constant 7 : i32
    %swap3A_2070 = arith.index_cast %swap3A_2069 : i32 to index
    %swap3A_2071 = arith.constant 16 : index
    %swap3A_2072 = tpu.vector_load %arg6[%swap3A_2070, %swap3A_2071] {strides = array<i32>} : memref<8x256xi32, #tpu.memory_space<vmem>>, vector<16xi32>,
    tpu.vector_store %arg6[%swap3A_2070, %swap3A_2071], %and3A_2068 {strides = array<i32>} : memref<8x256xi32, #tpu.memory_space<vmem>>, vector<16xi32>,
    %lt3A_2073 = arith.constant 1073741824 : i32
    %lt3A_2074 = vector.broadcast %lt3A_2073 : i32 to vector<16xi32>
    %lt3A_2075 = arith.cmpi slt, %get3A_2067, %lt3A_2074 : vector<16xi32>
    %select_n3A_2076 = arith.select %lt3A_2075, %broadcast_in_dim3A_46, %broadcast_in_dim3A_48 : vector<16xi1>, vector<16xf32>
    %swap3A_2077 = arith.constant 7 : i32
    %swap3A_2078 = arith.index_cast %swap3A_2077 : i32 to index
    %swap3A_2079 = arith.constant 16 : index
    %swap3A_2080 = tpu.vector_load %arg7[%swap3A_2078, %swap3A_2079] {strides = array<i32>} : memref<8x256xf32, #tpu.memory_space<vmem>>, vector<16xf32>,
    tpu.vector_store %arg7[%swap3A_2078, %swap3A_2079], %select_n3A_2076 {strides = array<i32>} : memref<8x256xf32, #tpu.memory_space<vmem>>, vector<16xf32>,
    %get3A_2081 = arith.constant 7 : i32
    %get3A_2082 = arith.index_cast %get3A_2081 : i32 to index
    %get3A_2083 = arith.constant 32 : index
    %get3A_2084 = tpu.vector_load %arg6[%get3A_2082, %get3A_2083] {strides = array<i32>} : memref<8x256xi32, #tpu.memory_space<vmem>>, vector<16xi32>,
    %and3A_2085 = arith.andi %get3A_2084, %broadcast_in_dim3A_44 : vector<16xi32>
    %swap3A_2086 = arith.constant 7 : i32
    %swap3A_2087 = arith.index_cast %swap3A_2086 : i32 to index
    %swap3A_2088 = arith.constant 32 : index
    %swap3A_2089 = tpu.vector_load %arg6[%swap3A_2087, %swap3A_2088] {strides = array<i32>} : memref<8x256xi32, #tpu.memory_space<vmem>>, vector<16xi32>,
    tpu.vector_store %arg6[%swap3A_2087, %swap3A_2088], %and3A_2085 {strides = array<i32>} : memref<8x256xi32, #tpu.memory_space<vmem>>, vector<16xi32>,
    %lt3A_2090 = arith.constant 1073741824 : i32
    %lt3A_2091 = vector.broadcast %lt3A_2090 : i32 to vector<16xi32>
    %lt3A_2092 = arith.cmpi slt, %get3A_2084, %lt3A_2091 : vector<16xi32>
    %select_n3A_2093 = arith.select %lt3A_2092, %broadcast_in_dim3A_46, %broadcast_in_dim3A_48 : vector<16xi1>, vector<16xf32>
    %swap3A_2094 = arith.constant 7 : i32
    %swap3A_2095 = arith.index_cast %swap3A_2094 : i32 to index
    %swap3A_2096 = arith.constant 32 : index
    %swap3A_2097 = tpu.vector_load %arg7[%swap3A_2095, %swap3A_2096] {strides = array<i32>} : memref<8x256xf32, #tpu.memory_space<vmem>>, vector<16xf32>,
    tpu.vector_store %arg7[%swap3A_2095, %swap3A_2096], %select_n3A_2093 {strides = array<i32>} : memref<8x256xf32, #tpu.memory_space<vmem>>, vector<16xf32>,
    %get3A_2098 = arith.constant 7 : i32
    %get3A_2099 = arith.index_cast %get3A_2098 : i32 to index
    %get3A_2100 = arith.constant 48 : index
    %get3A_2101 = tpu.vector_load %arg6[%get3A_2099, %get3A_2100] {strides = array<i32>} : memref<8x256xi32, #tpu.memory_space<vmem>>, vector<16xi32>,
    %and3A_2102 = arith.andi %get3A_2101, %broadcast_in_dim3A_44 : vector<16xi32>
    %swap3A_2103 = arith.constant 7 : i32
    %swap3A_2104 = arith.index_cast %swap3A_2103 : i32 to index
    %swap3A_2105 = arith.constant 48 : index
    %swap3A_2106 = tpu.vector_load %arg6[%swap3A_2104, %swap3A_2105] {strides = array<i32>} : memref<8x256xi32, #tpu.memory_space<vmem>>, vector<16xi32>,
    tpu.vector_store %arg6[%swap3A_2104, %swap3A_2105], %and3A_2102 {strides = array<i32>} : memref<8x256xi32, #tpu.memory_space<vmem>>, vector<16xi32>,
    %lt3A_2107 = arith.constant 1073741824 : i32
    %lt3A_2108 = vector.broadcast %lt3A_2107 : i32 to vector<16xi32>
    %lt3A_2109 = arith.cmpi slt, %get3A_2101, %lt3A_2108 : vector<16xi32>
    %select_n3A_2110 = arith.select %lt3A_2109, %broadcast_in_dim3A_46, %broadcast_in_dim3A_48 : vector<16xi1>, vector<16xf32>
    %swap3A_2111 = arith.constant 7 : i32
    %swap3A_2112 = arith.index_cast %swap3A_2111 : i32 to index
    %swap3A_2113 = arith.constant 48 : index
    %swap3A_2114 = tpu.vector_load %arg7[%swap3A_2112, %swap3A_2113] {strides = array<i32>} : memref<8x256xf32, #tpu.memory_space<vmem>>, vector<16xf32>,
    tpu.vector_store %arg7[%swap3A_2112, %swap3A_2113], %select_n3A_2110 {strides = array<i32>} : memref<8x256xf32, #tpu.memory_space<vmem>>, vector<16xf32>,
    %get3A_2115 = arith.constant 7 : i32
    %get3A_2116 = arith.index_cast %get3A_2115 : i32 to index
    %get3A_2117 = arith.constant 64 : index
    %get3A_2118 = tpu.vector_load %arg6[%get3A_2116, %get3A_2117] {strides = array<i32>} : memref<8x256xi32, #tpu.memory_space<vmem>>, vector<16xi32>,
    %and3A_2119 = arith.andi %get3A_2118, %broadcast_in_dim3A_44 : vector<16xi32>
    %swap3A_2120 = arith.constant 7 : i32
    %swap3A_2121 = arith.index_cast %swap3A_2120 : i32 to index
    %swap3A_2122 = arith.constant 64 : index
    %swap3A_2123 = tpu.vector_load %arg6[%swap3A_2121, %swap3A_2122] {strides = array<i32>} : memref<8x256xi32, #tpu.memory_space<vmem>>, vector<16xi32>,
    tpu.vector_store %arg6[%swap3A_2121, %swap3A_2122], %and3A_2119 {strides = array<i32>} : memref<8x256xi32, #tpu.memory_space<vmem>>, vector<16xi32>,
    %lt3A_2124 = arith.constant 1073741824 : i32
    %lt3A_2125 = vector.broadcast %lt3A_2124 : i32 to vector<16xi32>
    %lt3A_2126 = arith.cmpi slt, %get3A_2118, %lt3A_2125 : vector<16xi32>
    %select_n3A_2127 = arith.select %lt3A_2126, %broadcast_in_dim3A_46, %broadcast_in_dim3A_48 : vector<16xi1>, vector<16xf32>
    %swap3A_2128 = arith.constant 7 : i32
    %swap3A_2129 = arith.index_cast %swap3A_2128 : i32 to index
    %swap3A_2130 = arith.constant 64 : index
    %swap3A_2131 = tpu.vector_load %arg7[%swap3A_2129, %swap3A_2130] {strides = array<i32>} : memref<8x256xf32, #tpu.memory_space<vmem>>, vector<16xf32>,
    tpu.vector_store %arg7[%swap3A_2129, %swap3A_2130], %select_n3A_2127 {strides = array<i32>} : memref<8x256xf32, #tpu.memory_space<vmem>>, vector<16xf32>,
    %get3A_2132 = arith.constant 7 : i32
    %get3A_2133 = arith.index_cast %get3A_2132 : i32 to index
    %get3A_2134 = arith.constant 80 : index
    %get3A_2135 = tpu.vector_load %arg6[%get3A_2133, %get3A_2134] {strides = array<i32>} : memref<8x256xi32, #tpu.memory_space<vmem>>, vector<16xi32>,
    %and3A_2136 = arith.andi %get3A_2135, %broadcast_in_dim3A_44 : vector<16xi32>
    %swap3A_2137 = arith.constant 7 : i32
    %swap3A_2138 = arith.index_cast %swap3A_2137 : i32 to index
    %swap3A_2139 = arith.constant 80 : index
    %swap3A_2140 = tpu.vector_load %arg6[%swap3A_2138, %swap3A_2139] {strides = array<i32>} : memref<8x256xi32, #tpu.memory_space<vmem>>, vector<16xi32>,
    tpu.vector_store %arg6[%swap3A_2138, %swap3A_2139], %and3A_2136 {strides = array<i32>} : memref<8x256xi32, #tpu.memory_space<vmem>>, vector<16xi32>,
    %lt3A_2141 = arith.constant 1073741824 : i32
    %lt3A_2142 = vector.broadcast %lt3A_2141 : i32 to vector<16xi32>
    %lt3A_2143 = arith.cmpi slt, %get3A_2135, %lt3A_2142 : vector<16xi32>
    %select_n3A_2144 = arith.select %lt3A_2143, %broadcast_in_dim3A_46, %broadcast_in_dim3A_48 : vector<16xi1>, vector<16xf32>
    %swap3A_2145 = arith.constant 7 : i32
    %swap3A_2146 = arith.index_cast %swap3A_2145 : i32 to index
    %swap3A_2147 = arith.constant 80 : index
    %swap3A_2148 = tpu.vector_load %arg7[%swap3A_2146, %swap3A_2147] {strides = array<i32>} : memref<8x256xf32, #tpu.memory_space<vmem>>, vector<16xf32>,
    tpu.vector_store %arg7[%swap3A_2146, %swap3A_2147], %select_n3A_2144 {strides = array<i32>} : memref<8x256xf32, #tpu.memory_space<vmem>>, vector<16xf32>,
    %get3A_2149 = arith.constant 7 : i32
    %get3A_2150 = arith.index_cast %get3A_2149 : i32 to index
    %get3A_2151 = arith.constant 96 : index
    %get3A_2152 = tpu.vector_load %arg6[%get3A_2150, %get3A_2151] {strides = array<i32>} : memref<8x256xi32, #tpu.memory_space<vmem>>, vector<16xi32>,
    %and3A_2153 = arith.andi %get3A_2152, %broadcast_in_dim3A_44 : vector<16xi32>
    %swap3A_2154 = arith.constant 7 : i32
    %swap3A_2155 = arith.index_cast %swap3A_2154 : i32 to index
    %swap3A_2156 = arith.constant 96 : index
    %swap3A_2157 = tpu.vector_load %arg6[%swap3A_2155, %swap3A_2156] {strides = array<i32>} : memref<8x256xi32, #tpu.memory_space<vmem>>, vector<16xi32>,
    tpu.vector_store %arg6[%swap3A_2155, %swap3A_2156], %and3A_2153 {strides = array<i32>} : memref<8x256xi32, #tpu.memory_space<vmem>>, vector<16xi32>,
    %lt3A_2158 = arith.constant 1073741824 : i32
    %lt3A_2159 = vector.broadcast %lt3A_2158 : i32 to vector<16xi32>
    %lt3A_2160 = arith.cmpi slt, %get3A_2152, %lt3A_2159 : vector<16xi32>
    %select_n3A_2161 = arith.select %lt3A_2160, %broadcast_in_dim3A_46, %broadcast_in_dim3A_48 : vector<16xi1>, vector<16xf32>
    %swap3A_2162 = arith.constant 7 : i32
    %swap3A_2163 = arith.index_cast %swap3A_2162 : i32 to index
    %swap3A_2164 = arith.constant 96 : index
    %swap3A_2165 = tpu.vector_load %arg7[%swap3A_2163, %swap3A_2164] {strides = array<i32>} : memref<8x256xf32, #tpu.memory_space<vmem>>, vector<16xf32>,
    tpu.vector_store %arg7[%swap3A_2163, %swap3A_2164], %select_n3A_2161 {strides = array<i32>} : memref<8x256xf32, #tpu.memory_space<vmem>>, vector<16xf32>,
    %get3A_2166 = arith.constant 7 : i32
    %get3A_2167 = arith.index_cast %get3A_2166 : i32 to index
    %get3A_2168 = arith.constant 112 : index
    %get3A_2169 = tpu.vector_load %arg6[%get3A_2167, %get3A_2168] {strides = array<i32>} : memref<8x256xi32, #tpu.memory_space<vmem>>, vector<16xi32>,
    %and3A_2170 = arith.andi %get3A_2169, %broadcast_in_dim3A_44 : vector<16xi32>
    %swap3A_2171 = arith.constant 7 : i32
    %swap3A_2172 = arith.index_cast %swap3A_2171 : i32 to index
    %swap3A_2173 = arith.constant 112 : index
    %swap3A_2174 = tpu.vector_load %arg6[%swap3A_2172, %swap3A_2173] {strides = array<i32>} : memref<8x256xi32, #tpu.memory_space<vmem>>, vector<16xi32>,
    tpu.vector_store %arg6[%swap3A_2172, %swap3A_2173], %and3A_2170 {strides = array<i32>} : memref<8x256xi32, #tpu.memory_space<vmem>>, vector<16xi32>,
    %lt3A_2175 = arith.constant 1073741824 : i32
    %lt3A_2176 = vector.broadcast %lt3A_2175 : i32 to vector<16xi32>
    %lt3A_2177 = arith.cmpi slt, %get3A_2169, %lt3A_2176 : vector<16xi32>
    %select_n3A_2178 = arith.select %lt3A_2177, %broadcast_in_dim3A_46, %broadcast_in_dim3A_48 : vector<16xi1>, vector<16xf32>
    %swap3A_2179 = arith.constant 7 : i32
    %swap3A_2180 = arith.index_cast %swap3A_2179 : i32 to index
    %swap3A_2181 = arith.constant 112 : index
    %swap3A_2182 = tpu.vector_load %arg7[%swap3A_2180, %swap3A_2181] {strides = array<i32>} : memref<8x256xf32, #tpu.memory_space<vmem>>, vector<16xf32>,
    tpu.vector_store %arg7[%swap3A_2180, %swap3A_2181], %select_n3A_2178 {strides = array<i32>} : memref<8x256xf32, #tpu.memory_space<vmem>>, vector<16xf32>,
    %get3A_2183 = arith.constant 7 : i32
    %get3A_2184 = arith.index_cast %get3A_2183 : i32 to index
    %get3A_2185 = arith.constant 128 : index
    %get3A_2186 = tpu.vector_load %arg6[%get3A_2184, %get3A_2185] {strides = array<i32>} : memref<8x256xi32, #tpu.memory_space<vmem>>, vector<16xi32>,
    %and3A_2187 = arith.andi %get3A_2186, %broadcast_in_dim3A_44 : vector<16xi32>
    %swap3A_2188 = arith.constant 7 : i32
    %swap3A_2189 = arith.index_cast %swap3A_2188 : i32 to index
    %swap3A_2190 = arith.constant 128 : index
    %swap3A_2191 = tpu.vector_load %arg6[%swap3A_2189, %swap3A_2190] {strides = array<i32>} : memref<8x256xi32, #tpu.memory_space<vmem>>, vector<16xi32>,
    tpu.vector_store %arg6[%swap3A_2189, %swap3A_2190], %and3A_2187 {strides = array<i32>} : memref<8x256xi32, #tpu.memory_space<vmem>>, vector<16xi32>,
    %lt3A_2192 = arith.constant 1073741824 : i32
    %lt3A_2193 = vector.broadcast %lt3A_2192 : i32 to vector<16xi32>
    %lt3A_2194 = arith.cmpi slt, %get3A_2186, %lt3A_2193 : vector<16xi32>
    %select_n3A_2195 = arith.select %lt3A_2194, %broadcast_in_dim3A_46, %broadcast_in_dim3A_48 : vector<16xi1>, vector<16xf32>
    %swap3A_2196 = arith.constant 7 : i32
    %swap3A_2197 = arith.index_cast %swap3A_2196 : i32 to index
    %swap3A_2198 = arith.constant 128 : index
    %swap3A_2199 = tpu.vector_load %arg7[%swap3A_2197, %swap3A_2198] {strides = array<i32>} : memref<8x256xf32, #tpu.memory_space<vmem>>, vector<16xf32>,
    tpu.vector_store %arg7[%swap3A_2197, %swap3A_2198], %select_n3A_2195 {strides = array<i32>} : memref<8x256xf32, #tpu.memory_space<vmem>>, vector<16xf32>,
    %get3A_2200 = arith.constant 7 : i32
    %get3A_2201 = arith.index_cast %get3A_2200 : i32 to index
    %get3A_2202 = arith.constant 144 : index
    %get3A_2203 = tpu.vector_load %arg6[%get3A_2201, %get3A_2202] {strides = array<i32>} : memref<8x256xi32, #tpu.memory_space<vmem>>, vector<16xi32>,
    %and3A_2204 = arith.andi %get3A_2203, %broadcast_in_dim3A_44 : vector<16xi32>
    %swap3A_2205 = arith.constant 7 : i32
    %swap3A_2206 = arith.index_cast %swap3A_2205 : i32 to index
    %swap3A_2207 = arith.constant 144 : index
    %swap3A_2208 = tpu.vector_load %arg6[%swap3A_2206, %swap3A_2207] {strides = array<i32>} : memref<8x256xi32, #tpu.memory_space<vmem>>, vector<16xi32>,
    tpu.vector_store %arg6[%swap3A_2206, %swap3A_2207], %and3A_2204 {strides = array<i32>} : memref<8x256xi32, #tpu.memory_space<vmem>>, vector<16xi32>,
    %lt3A_2209 = arith.constant 1073741824 : i32
    %lt3A_2210 = vector.broadcast %lt3A_2209 : i32 to vector<16xi32>
    %lt3A_2211 = arith.cmpi slt, %get3A_2203, %lt3A_2210 : vector<16xi32>
    %select_n3A_2212 = arith.select %lt3A_2211, %broadcast_in_dim3A_46, %broadcast_in_dim3A_48 : vector<16xi1>, vector<16xf32>
    %swap3A_2213 = arith.constant 7 : i32
    %swap3A_2214 = arith.index_cast %swap3A_2213 : i32 to index
    %swap3A_2215 = arith.constant 144 : index
    %swap3A_2216 = tpu.vector_load %arg7[%swap3A_2214, %swap3A_2215] {strides = array<i32>} : memref<8x256xf32, #tpu.memory_space<vmem>>, vector<16xf32>,
    tpu.vector_store %arg7[%swap3A_2214, %swap3A_2215], %select_n3A_2212 {strides = array<i32>} : memref<8x256xf32, #tpu.memory_space<vmem>>, vector<16xf32>,
    %get3A_2217 = arith.constant 7 : i32
    %get3A_2218 = arith.index_cast %get3A_2217 : i32 to index
    %get3A_2219 = arith.constant 160 : index
    %get3A_2220 = tpu.vector_load %arg6[%get3A_2218, %get3A_2219] {strides = array<i32>} : memref<8x256xi32, #tpu.memory_space<vmem>>, vector<16xi32>,
    %and3A_2221 = arith.andi %get3A_2220, %broadcast_in_dim3A_44 : vector<16xi32>
    %swap3A_2222 = arith.constant 7 : i32
    %swap3A_2223 = arith.index_cast %swap3A_2222 : i32 to index
    %swap3A_2224 = arith.constant 160 : index
    %swap3A_2225 = tpu.vector_load %arg6[%swap3A_2223, %swap3A_2224] {strides = array<i32>} : memref<8x256xi32, #tpu.memory_space<vmem>>, vector<16xi32>,
    tpu.vector_store %arg6[%swap3A_2223, %swap3A_2224], %and3A_2221 {strides = array<i32>} : memref<8x256xi32, #tpu.memory_space<vmem>>, vector<16xi32>,
    %lt3A_2226 = arith.constant 1073741824 : i32
    %lt3A_2227 = vector.broadcast %lt3A_2226 : i32 to vector<16xi32>
    %lt3A_2228 = arith.cmpi slt, %get3A_2220, %lt3A_2227 : vector<16xi32>
    %select_n3A_2229 = arith.select %lt3A_2228, %broadcast_in_dim3A_46, %broadcast_in_dim3A_48 : vector<16xi1>, vector<16xf32>
    %swap3A_2230 = arith.constant 7 : i32
    %swap3A_2231 = arith.index_cast %swap3A_2230 : i32 to index
    %swap3A_2232 = arith.constant 160 : index
    %swap3A_2233 = tpu.vector_load %arg7[%swap3A_2231, %swap3A_2232] {strides = array<i32>} : memref<8x256xf32, #tpu.memory_space<vmem>>, vector<16xf32>,
    tpu.vector_store %arg7[%swap3A_2231, %swap3A_2232], %select_n3A_2229 {strides = array<i32>} : memref<8x256xf32, #tpu.memory_space<vmem>>, vector<16xf32>,
    %get3A_2234 = arith.constant 7 : i32
    %get3A_2235 = arith.index_cast %get3A_2234 : i32 to index
    %get3A_2236 = arith.constant 176 : index
    %get3A_2237 = tpu.vector_load %arg6[%get3A_2235, %get3A_2236] {strides = array<i32>} : memref<8x256xi32, #tpu.memory_space<vmem>>, vector<16xi32>,
    %and3A_2238 = arith.andi %get3A_2237, %broadcast_in_dim3A_44 : vector<16xi32>
    %swap3A_2239 = arith.constant 7 : i32
    %swap3A_2240 = arith.index_cast %swap3A_2239 : i32 to index
    %swap3A_2241 = arith.constant 176 : index
    %swap3A_2242 = tpu.vector_load %arg6[%swap3A_2240, %swap3A_2241] {strides = array<i32>} : memref<8x256xi32, #tpu.memory_space<vmem>>, vector<16xi32>,
    tpu.vector_store %arg6[%swap3A_2240, %swap3A_2241], %and3A_2238 {strides = array<i32>} : memref<8x256xi32, #tpu.memory_space<vmem>>, vector<16xi32>,
    %lt3A_2243 = arith.constant 1073741824 : i32
    %lt3A_2244 = vector.broadcast %lt3A_2243 : i32 to vector<16xi32>
    %lt3A_2245 = arith.cmpi slt, %get3A_2237, %lt3A_2244 : vector<16xi32>
    %select_n3A_2246 = arith.select %lt3A_2245, %broadcast_in_dim3A_46, %broadcast_in_dim3A_48 : vector<16xi1>, vector<16xf32>
    %swap3A_2247 = arith.constant 7 : i32
    %swap3A_2248 = arith.index_cast %swap3A_2247 : i32 to index
    %swap3A_2249 = arith.constant 176 : index
    %swap3A_2250 = tpu.vector_load %arg7[%swap3A_2248, %swap3A_2249] {strides = array<i32>} : memref<8x256xf32, #tpu.memory_space<vmem>>, vector<16xf32>,
    tpu.vector_store %arg7[%swap3A_2248, %swap3A_2249], %select_n3A_2246 {strides = array<i32>} : memref<8x256xf32, #tpu.memory_space<vmem>>, vector<16xf32>,
    %get3A_2251 = arith.constant 7 : i32
    %get3A_2252 = arith.index_cast %get3A_2251 : i32 to index
    %get3A_2253 = arith.constant 192 : index
    %get3A_2254 = tpu.vector_load %arg6[%get3A_2252, %get3A_2253] {strides = array<i32>} : memref<8x256xi32, #tpu.memory_space<vmem>>, vector<16xi32>,
    %and3A_2255 = arith.andi %get3A_2254, %broadcast_in_dim3A_44 : vector<16xi32>
    %swap3A_2256 = arith.constant 7 : i32
    %swap3A_2257 = arith.index_cast %swap3A_2256 : i32 to index
    %swap3A_2258 = arith.constant 192 : index
    %swap3A_2259 = tpu.vector_load %arg6[%swap3A_2257, %swap3A_2258] {strides = array<i32>} : memref<8x256xi32, #tpu.memory_space<vmem>>, vector<16xi32>,
    tpu.vector_store %arg6[%swap3A_2257, %swap3A_2258], %and3A_2255 {strides = array<i32>} : memref<8x256xi32, #tpu.memory_space<vmem>>, vector<16xi32>,
    %lt3A_2260 = arith.constant 1073741824 : i32
    %lt3A_2261 = vector.broadcast %lt3A_2260 : i32 to vector<16xi32>
    %lt3A_2262 = arith.cmpi slt, %get3A_2254, %lt3A_2261 : vector<16xi32>
    %select_n3A_2263 = arith.select %lt3A_2262, %broadcast_in_dim3A_46, %broadcast_in_dim3A_48 : vector<16xi1>, vector<16xf32>
    %swap3A_2264 = arith.constant 7 : i32
    %swap3A_2265 = arith.index_cast %swap3A_2264 : i32 to index
    %swap3A_2266 = arith.constant 192 : index
    %swap3A_2267 = tpu.vector_load %arg7[%swap3A_2265, %swap3A_2266] {strides = array<i32>} : memref<8x256xf32, #tpu.memory_space<vmem>>, vector<16xf32>,
    tpu.vector_store %arg7[%swap3A_2265, %swap3A_2266], %select_n3A_2263 {strides = array<i32>} : memref<8x256xf32, #tpu.memory_space<vmem>>, vector<16xf32>,
    %get3A_2268 = arith.constant 7 : i32
    %get3A_2269 = arith.index_cast %get3A_2268 : i32 to index
    %get3A_2270 = arith.constant 208 : index
    %get3A_2271 = tpu.vector_load %arg6[%get3A_2269, %get3A_2270] {strides = array<i32>} : memref<8x256xi32, #tpu.memory_space<vmem>>, vector<16xi32>,
    %and3A_2272 = arith.andi %get3A_2271, %broadcast_in_dim3A_44 : vector<16xi32>
    %swap3A_2273 = arith.constant 7 : i32
    %swap3A_2274 = arith.index_cast %swap3A_2273 : i32 to index
    %swap3A_2275 = arith.constant 208 : index
    %swap3A_2276 = tpu.vector_load %arg6[%swap3A_2274, %swap3A_2275] {strides = array<i32>} : memref<8x256xi32, #tpu.memory_space<vmem>>, vector<16xi32>,
    tpu.vector_store %arg6[%swap3A_2274, %swap3A_2275], %and3A_2272 {strides = array<i32>} : memref<8x256xi32, #tpu.memory_space<vmem>>, vector<16xi32>,
    %lt3A_2277 = arith.constant 1073741824 : i32
    %lt3A_2278 = vector.broadcast %lt3A_2277 : i32 to vector<16xi32>
    %lt3A_2279 = arith.cmpi slt, %get3A_2271, %lt3A_2278 : vector<16xi32>
    %select_n3A_2280 = arith.select %lt3A_2279, %broadcast_in_dim3A_46, %broadcast_in_dim3A_48 : vector<16xi1>, vector<16xf32>
    %swap3A_2281 = arith.constant 7 : i32
    %swap3A_2282 = arith.index_cast %swap3A_2281 : i32 to index
    %swap3A_2283 = arith.constant 208 : index
    %swap3A_2284 = tpu.vector_load %arg7[%swap3A_2282, %swap3A_2283] {strides = array<i32>} : memref<8x256xf32, #tpu.memory_space<vmem>>, vector<16xf32>,
    tpu.vector_store %arg7[%swap3A_2282, %swap3A_2283], %select_n3A_2280 {strides = array<i32>} : memref<8x256xf32, #tpu.memory_space<vmem>>, vector<16xf32>,
    %get3A_2285 = arith.constant 7 : i32
    %get3A_2286 = arith.index_cast %get3A_2285 : i32 to index
    %get3A_2287 = arith.constant 224 : index
    %get3A_2288 = tpu.vector_load %arg6[%get3A_2286, %get3A_2287] {strides = array<i32>} : memref<8x256xi32, #tpu.memory_space<vmem>>, vector<16xi32>,
    %and3A_2289 = arith.andi %get3A_2288, %broadcast_in_dim3A_44 : vector<16xi32>
    %swap3A_2290 = arith.constant 7 : i32
    %swap3A_2291 = arith.index_cast %swap3A_2290 : i32 to index
    %swap3A_2292 = arith.constant 224 : index
    %swap3A_2293 = tpu.vector_load %arg6[%swap3A_2291, %swap3A_2292] {strides = array<i32>} : memref<8x256xi32, #tpu.memory_space<vmem>>, vector<16xi32>,
    tpu.vector_store %arg6[%swap3A_2291, %swap3A_2292], %and3A_2289 {strides = array<i32>} : memref<8x256xi32, #tpu.memory_space<vmem>>, vector<16xi32>,
    %lt3A_2294 = arith.constant 1073741824 : i32
    %lt3A_2295 = vector.broadcast %lt3A_2294 : i32 to vector<16xi32>
    %lt3A_2296 = arith.cmpi slt, %get3A_2288, %lt3A_2295 : vector<16xi32>
    %select_n3A_2297 = arith.select %lt3A_2296, %broadcast_in_dim3A_46, %broadcast_in_dim3A_48 : vector<16xi1>, vector<16xf32>
    %swap3A_2298 = arith.constant 7 : i32
    %swap3A_2299 = arith.index_cast %swap3A_2298 : i32 to index
    %swap3A_2300 = arith.constant 224 : index
    %swap3A_2301 = tpu.vector_load %arg7[%swap3A_2299, %swap3A_2300] {strides = array<i32>} : memref<8x256xf32, #tpu.memory_space<vmem>>, vector<16xf32>,
    tpu.vector_store %arg7[%swap3A_2299, %swap3A_2300], %select_n3A_2297 {strides = array<i32>} : memref<8x256xf32, #tpu.memory_space<vmem>>, vector<16xf32>,
    %get3A_2302 = arith.constant 7 : i32
    %get3A_2303 = arith.index_cast %get3A_2302 : i32 to index
    %get3A_2304 = arith.constant 240 : index
    %get3A_2305 = tpu.vector_load %arg6[%get3A_2303, %get3A_2304] {strides = array<i32>} : memref<8x256xi32, #tpu.memory_space<vmem>>, vector<16xi32>,
    %and3A_2306 = arith.andi %get3A_2305, %broadcast_in_dim3A_44 : vector<16xi32>
    %swap3A_2307 = arith.constant 7 : i32
    %swap3A_2308 = arith.index_cast %swap3A_2307 : i32 to index
    %swap3A_2309 = arith.constant 240 : index
    %swap3A_2310 = tpu.vector_load %arg6[%swap3A_2308, %swap3A_2309] {strides = array<i32>} : memref<8x256xi32, #tpu.memory_space<vmem>>, vector<16xi32>,
    tpu.vector_store %arg6[%swap3A_2308, %swap3A_2309], %and3A_2306 {strides = array<i32>} : memref<8x256xi32, #tpu.memory_space<vmem>>, vector<16xi32>,
    %lt3A_2311 = arith.constant 1073741824 : i32
    %lt3A_2312 = vector.broadcast %lt3A_2311 : i32 to vector<16xi32>
    %lt3A_2313 = arith.cmpi slt, %get3A_2305, %lt3A_2312 : vector<16xi32>
    %select_n3A_2314 = arith.select %lt3A_2313, %broadcast_in_dim3A_46, %broadcast_in_dim3A_48 : vector<16xi1>, vector<16xf32>
    %swap3A_2315 = arith.constant 7 : i32
    %swap3A_2316 = arith.index_cast %swap3A_2315 : i32 to index
    %swap3A_2317 = arith.constant 240 : index
    %swap3A_2318 = tpu.vector_load %arg7[%swap3A_2316, %swap3A_2317] {strides = array<i32>} : memref<8x256xf32, #tpu.memory_space<vmem>>, vector<16xf32>,
    tpu.vector_store %arg7[%swap3A_2316, %swap3A_2317], %select_n3A_2314 {strides = array<i32>} : memref<8x256xf32, #tpu.memory_space<vmem>>, vector<16xf32>,
    %dma_start3A_2319 = arith.constant 7 : i32
    %dma_start3A_2320 = arith.constant 7 : i32
    %dma_start3A_2321 = arith.constant 7 : i32
    %dma_start3A_2322 = arith.constant 0 : i32
    %dma_start3A_2323 = tpu.memref_slice %arg8[%dma_start3A_2321, %dma_start3A_2322] : memref<8x256xf32, #tpu.memory_space<vmem>> -> memref<1x256xf32, #tpu.memory_space<vmem>>
    %dma_start3A_2324 = tpu.memref_squeeze %dma_start3A_2323 : memref<1x256xf32, #tpu.memory_space<vmem>> -> memref<256xf32, #tpu.memory_space<vmem>>
    %dma_start3A_2325 = arith.constant 0 : i32
    %dma_start3A_2326 = tpu.memref_slice %arg6[%dma_start3A_2320, %dma_start3A_2325] : memref<8x256xi32, #tpu.memory_space<vmem>> -> memref<1x256xi32, #tpu.memory_space<vmem>>
    %dma_start3A_2327 = tpu.memref_squeeze %dma_start3A_2326 : memref<1x256xi32, #tpu.memory_space<vmem>> -> memref<256xi32, #tpu.memory_space<vmem>>
    %dma_start3A_2328 = arith.constant 0 : i32
    %dma_start3A_2329 = tpu.memref_slice %arg3[%dma_start3A_2319, %dma_start3A_2328] : memref<8x100000xf32, #tpu.memory_space<hbm>> -> memref<1x100000xf32, #tpu.memory_space<hbm>>
    %dma_start3A_2330 = tpu.memref_squeeze %dma_start3A_2329 : memref<1x100000xf32, #tpu.memory_space<hbm>> -> memref<100000xf32, #tpu.memory_space<hbm>>
    %dma_start3A_2331 = arith.constant 0 : i32
    %dma_start3A_2332 = tpu.memref_slice %dma_start3A_2330[%dma_start3A_2331] : memref<100000xf32, #tpu.memory_space<hbm>> -> memref<100000xf32, #tpu.memory_space<hbm>>
    tpu.enqueue_indirect_dma source(%dma_start3A_2332 : memref<100000xf32, #tpu.memory_space<hbm>>) target(%dma_start3A_2324 : memref<256xf32, #tpu.memory_space<vmem>>) offsets(%dma_start3A_2327 : memref<256xi32, #tpu.memory_space<vmem>>) semaphore(%arg11 : memref<!tpu.dma_semaphore, #tpu.memory_space<semaphore_mem>>)
    %dma_wait3A = arith.constant 0 : i32
    %dma_wait3A_2333 = arith.constant 0 : i32
    %dma_wait3A_2334 = arith.constant 0 : i32
    %dma_wait3A_2335 = arith.constant 0 : i32
    %dma_wait3A_2336 = tpu.memref_slice %arg8[%dma_wait3A_2334, %dma_wait3A_2335] : memref<8x256xf32, #tpu.memory_space<vmem>> -> memref<1x256xf32, #tpu.memory_space<vmem>>
    %dma_wait3A_2337 = tpu.memref_squeeze %dma_wait3A_2336 : memref<1x256xf32, #tpu.memory_space<vmem>> -> memref<256xf32, #tpu.memory_space<vmem>>
    %dma_wait3A_2338 = arith.constant 0 : i32
    %dma_wait3A_2339 = tpu.memref_slice %arg6[%dma_wait3A_2333, %dma_wait3A_2338] : memref<8x256xi32, #tpu.memory_space<vmem>> -> memref<1x256xi32, #tpu.memory_space<vmem>>
    %dma_wait3A_2340 = tpu.memref_squeeze %dma_wait3A_2339 : memref<1x256xi32, #tpu.memory_space<vmem>> -> memref<256xi32, #tpu.memory_space<vmem>>
    %dma_wait3A_2341 = arith.constant 0 : i32
    %dma_wait3A_2342 = tpu.memref_slice %arg3[%dma_wait3A, %dma_wait3A_2341] : memref<8x100000xf32, #tpu.memory_space<hbm>> -> memref<1x100000xf32, #tpu.memory_space<hbm>>
    %dma_wait3A_2343 = tpu.memref_squeeze %dma_wait3A_2342 : memref<1x100000xf32, #tpu.memory_space<hbm>> -> memref<100000xf32, #tpu.memory_space<hbm>>
    %dma_wait3A_2344 = arith.constant 0 : i32
    %dma_wait3A_2345 = tpu.memref_slice %dma_wait3A_2343[%dma_wait3A_2344] : memref<100000xf32, #tpu.memory_space<hbm>> -> memref<100000xf32, #tpu.memory_space<hbm>>
    tpu.wait_indirect_dma semaphore(%arg11 : memref<!tpu.dma_semaphore, #tpu.memory_space<semaphore_mem>>) src(%dma_wait3A_2345 : memref<100000xf32, #tpu.memory_space<hbm>>) dst(%dma_wait3A_2337 : memref<256xf32, #tpu.memory_space<vmem>>)
    %dma_wait3A_2346 = arith.constant 1 : i32
    %dma_wait3A_2347 = arith.constant 1 : i32
    %dma_wait3A_2348 = arith.constant 1 : i32
    %dma_wait3A_2349 = arith.constant 0 : i32
    %dma_wait3A_2350 = tpu.memref_slice %arg8[%dma_wait3A_2348, %dma_wait3A_2349] : memref<8x256xf32, #tpu.memory_space<vmem>> -> memref<1x256xf32, #tpu.memory_space<vmem>>
    %dma_wait3A_2351 = tpu.memref_squeeze %dma_wait3A_2350 : memref<1x256xf32, #tpu.memory_space<vmem>> -> memref<256xf32, #tpu.memory_space<vmem>>
    %dma_wait3A_2352 = arith.constant 0 : i32
    %dma_wait3A_2353 = tpu.memref_slice %arg6[%dma_wait3A_2347, %dma_wait3A_2352] : memref<8x256xi32, #tpu.memory_space<vmem>> -> memref<1x256xi32, #tpu.memory_space<vmem>>
    %dma_wait3A_2354 = tpu.memref_squeeze %dma_wait3A_2353 : memref<1x256xi32, #tpu.memory_space<vmem>> -> memref<256xi32, #tpu.memory_space<vmem>>
    %dma_wait3A_2355 = arith.constant 0 : i32
    %dma_wait3A_2356 = tpu.memref_slice %arg3[%dma_wait3A_2346, %dma_wait3A_2355] : memref<8x100000xf32, #tpu.memory_space<hbm>> -> memref<1x100000xf32, #tpu.memory_space<hbm>>
    %dma_wait3A_2357 = tpu.memref_squeeze %dma_wait3A_2356 : memref<1x100000xf32, #tpu.memory_space<hbm>> -> memref<100000xf32, #tpu.memory_space<hbm>>
    %dma_wait3A_2358 = arith.constant 0 : i32
    %dma_wait3A_2359 = tpu.memref_slice %dma_wait3A_2357[%dma_wait3A_2358] : memref<100000xf32, #tpu.memory_space<hbm>> -> memref<100000xf32, #tpu.memory_space<hbm>>
    tpu.wait_indirect_dma semaphore(%arg11 : memref<!tpu.dma_semaphore, #tpu.memory_space<semaphore_mem>>) src(%dma_wait3A_2359 : memref<100000xf32, #tpu.memory_space<hbm>>) dst(%dma_wait3A_2351 : memref<256xf32, #tpu.memory_space<vmem>>)
    %dma_wait3A_2360 = arith.constant 2 : i32
    %dma_wait3A_2361 = arith.constant 2 : i32
    %dma_wait3A_2362 = arith.constant 2 : i32
    %dma_wait3A_2363 = arith.constant 0 : i32
    %dma_wait3A_2364 = tpu.memref_slice %arg8[%dma_wait3A_2362, %dma_wait3A_2363] : memref<8x256xf32, #tpu.memory_space<vmem>> -> memref<1x256xf32, #tpu.memory_space<vmem>>
    %dma_wait3A_2365 = tpu.memref_squeeze %dma_wait3A_2364 : memref<1x256xf32, #tpu.memory_space<vmem>> -> memref<256xf32, #tpu.memory_space<vmem>>
    %dma_wait3A_2366 = arith.constant 0 : i32
    %dma_wait3A_2367 = tpu.memref_slice %arg6[%dma_wait3A_2361, %dma_wait3A_2366] : memref<8x256xi32, #tpu.memory_space<vmem>> -> memref<1x256xi32, #tpu.memory_space<vmem>>
    %dma_wait3A_2368 = tpu.memref_squeeze %dma_wait3A_2367 : memref<1x256xi32, #tpu.memory_space<vmem>> -> memref<256xi32, #tpu.memory_space<vmem>>
    %dma_wait3A_2369 = arith.constant 0 : i32
    %dma_wait3A_2370 = tpu.memref_slice %arg3[%dma_wait3A_2360, %dma_wait3A_2369] : memref<8x100000xf32, #tpu.memory_space<hbm>> -> memref<1x100000xf32, #tpu.memory_space<hbm>>
    %dma_wait3A_2371 = tpu.memref_squeeze %dma_wait3A_2370 : memref<1x100000xf32, #tpu.memory_space<hbm>> -> memref<100000xf32, #tpu.memory_space<hbm>>
    %dma_wait3A_2372 = arith.constant 0 : i32
    %dma_wait3A_2373 = tpu.memref_slice %dma_wait3A_2371[%dma_wait3A_2372] : memref<100000xf32, #tpu.memory_space<hbm>> -> memref<100000xf32, #tpu.memory_space<hbm>>
    tpu.wait_indirect_dma semaphore(%arg11 : memref<!tpu.dma_semaphore, #tpu.memory_space<semaphore_mem>>) src(%dma_wait3A_2373 : memref<100000xf32, #tpu.memory_space<hbm>>) dst(%dma_wait3A_2365 : memref<256xf32, #tpu.memory_space<vmem>>)
    %dma_wait3A_2374 = arith.constant 3 : i32
    %dma_wait3A_2375 = arith.constant 3 : i32
    %dma_wait3A_2376 = arith.constant 3 : i32
    %dma_wait3A_2377 = arith.constant 0 : i32
    %dma_wait3A_2378 = tpu.memref_slice %arg8[%dma_wait3A_2376, %dma_wait3A_2377] : memref<8x256xf32, #tpu.memory_space<vmem>> -> memref<1x256xf32, #tpu.memory_space<vmem>>
    %dma_wait3A_2379 = tpu.memref_squeeze %dma_wait3A_2378 : memref<1x256xf32, #tpu.memory_space<vmem>> -> memref<256xf32, #tpu.memory_space<vmem>>
    %dma_wait3A_2380 = arith.constant 0 : i32
    %dma_wait3A_2381 = tpu.memref_slice %arg6[%dma_wait3A_2375, %dma_wait3A_2380] : memref<8x256xi32, #tpu.memory_space<vmem>> -> memref<1x256xi32, #tpu.memory_space<vmem>>
    %dma_wait3A_2382 = tpu.memref_squeeze %dma_wait3A_2381 : memref<1x256xi32, #tpu.memory_space<vmem>> -> memref<256xi32, #tpu.memory_space<vmem>>
    %dma_wait3A_2383 = arith.constant 0 : i32
    %dma_wait3A_2384 = tpu.memref_slice %arg3[%dma_wait3A_2374, %dma_wait3A_2383] : memref<8x100000xf32, #tpu.memory_space<hbm>> -> memref<1x100000xf32, #tpu.memory_space<hbm>>
    %dma_wait3A_2385 = tpu.memref_squeeze %dma_wait3A_2384 : memref<1x100000xf32, #tpu.memory_space<hbm>> -> memref<100000xf32, #tpu.memory_space<hbm>>
    %dma_wait3A_2386 = arith.constant 0 : i32
    %dma_wait3A_2387 = tpu.memref_slice %dma_wait3A_2385[%dma_wait3A_2386] : memref<100000xf32, #tpu.memory_space<hbm>> -> memref<100000xf32, #tpu.memory_space<hbm>>
    tpu.wait_indirect_dma semaphore(%arg11 : memref<!tpu.dma_semaphore, #tpu.memory_space<semaphore_mem>>) src(%dma_wait3A_2387 : memref<100000xf32, #tpu.memory_space<hbm>>) dst(%dma_wait3A_2379 : memref<256xf32, #tpu.memory_space<vmem>>)
    %dma_wait3A_2388 = arith.constant 4 : i32
    %dma_wait3A_2389 = arith.constant 4 : i32
    %dma_wait3A_2390 = arith.constant 4 : i32
    %dma_wait3A_2391 = arith.constant 0 : i32
    %dma_wait3A_2392 = tpu.memref_slice %arg8[%dma_wait3A_2390, %dma_wait3A_2391] : memref<8x256xf32, #tpu.memory_space<vmem>> -> memref<1x256xf32, #tpu.memory_space<vmem>>
    %dma_wait3A_2393 = tpu.memref_squeeze %dma_wait3A_2392 : memref<1x256xf32, #tpu.memory_space<vmem>> -> memref<256xf32, #tpu.memory_space<vmem>>
    %dma_wait3A_2394 = arith.constant 0 : i32
    %dma_wait3A_2395 = tpu.memref_slice %arg6[%dma_wait3A_2389, %dma_wait3A_2394] : memref<8x256xi32, #tpu.memory_space<vmem>> -> memref<1x256xi32, #tpu.memory_space<vmem>>
    %dma_wait3A_2396 = tpu.memref_squeeze %dma_wait3A_2395 : memref<1x256xi32, #tpu.memory_space<vmem>> -> memref<256xi32, #tpu.memory_space<vmem>>
    %dma_wait3A_2397 = arith.constant 0 : i32
    %dma_wait3A_2398 = tpu.memref_slice %arg3[%dma_wait3A_2388, %dma_wait3A_2397] : memref<8x100000xf32, #tpu.memory_space<hbm>> -> memref<1x100000xf32, #tpu.memory_space<hbm>>
    %dma_wait3A_2399 = tpu.memref_squeeze %dma_wait3A_2398 : memref<1x100000xf32, #tpu.memory_space<hbm>> -> memref<100000xf32, #tpu.memory_space<hbm>>
    %dma_wait3A_2400 = arith.constant 0 : i32
    %dma_wait3A_2401 = tpu.memref_slice %dma_wait3A_2399[%dma_wait3A_2400] : memref<100000xf32, #tpu.memory_space<hbm>> -> memref<100000xf32, #tpu.memory_space<hbm>>
    tpu.wait_indirect_dma semaphore(%arg11 : memref<!tpu.dma_semaphore, #tpu.memory_space<semaphore_mem>>) src(%dma_wait3A_2401 : memref<100000xf32, #tpu.memory_space<hbm>>) dst(%dma_wait3A_2393 : memref<256xf32, #tpu.memory_space<vmem>>)
    %dma_wait3A_2402 = arith.constant 5 : i32
    %dma_wait3A_2403 = arith.constant 5 : i32
    %dma_wait3A_2404 = arith.constant 5 : i32
    %dma_wait3A_2405 = arith.constant 0 : i32
    %dma_wait3A_2406 = tpu.memref_slice %arg8[%dma_wait3A_2404, %dma_wait3A_2405] : memref<8x256xf32, #tpu.memory_space<vmem>> -> memref<1x256xf32, #tpu.memory_space<vmem>>
    %dma_wait3A_2407 = tpu.memref_squeeze %dma_wait3A_2406 : memref<1x256xf32, #tpu.memory_space<vmem>> -> memref<256xf32, #tpu.memory_space<vmem>>
    %dma_wait3A_2408 = arith.constant 0 : i32
    %dma_wait3A_2409 = tpu.memref_slice %arg6[%dma_wait3A_2403, %dma_wait3A_2408] : memref<8x256xi32, #tpu.memory_space<vmem>> -> memref<1x256xi32, #tpu.memory_space<vmem>>
    %dma_wait3A_2410 = tpu.memref_squeeze %dma_wait3A_2409 : memref<1x256xi32, #tpu.memory_space<vmem>> -> memref<256xi32, #tpu.memory_space<vmem>>
    %dma_wait3A_2411 = arith.constant 0 : i32
    %dma_wait3A_2412 = tpu.memref_slice %arg3[%dma_wait3A_2402, %dma_wait3A_2411] : memref<8x100000xf32, #tpu.memory_space<hbm>> -> memref<1x100000xf32, #tpu.memory_space<hbm>>
    %dma_wait3A_2413 = tpu.memref_squeeze %dma_wait3A_2412 : memref<1x100000xf32, #tpu.memory_space<hbm>> -> memref<100000xf32, #tpu.memory_space<hbm>>
    %dma_wait3A_2414 = arith.constant 0 : i32
    %dma_wait3A_2415 = tpu.memref_slice %dma_wait3A_2413[%dma_wait3A_2414] : memref<100000xf32, #tpu.memory_space<hbm>> -> memref<100000xf32, #tpu.memory_space<hbm>>
    tpu.wait_indirect_dma semaphore(%arg11 : memref<!tpu.dma_semaphore, #tpu.memory_space<semaphore_mem>>) src(%dma_wait3A_2415 : memref<100000xf32, #tpu.memory_space<hbm>>) dst(%dma_wait3A_2407 : memref<256xf32, #tpu.memory_space<vmem>>)
    %dma_wait3A_2416 = arith.constant 6 : i32
    %dma_wait3A_2417 = arith.constant 6 : i32
    %dma_wait3A_2418 = arith.constant 6 : i32
    %dma_wait3A_2419 = arith.constant 0 : i32
    %dma_wait3A_2420 = tpu.memref_slice %arg8[%dma_wait3A_2418, %dma_wait3A_2419] : memref<8x256xf32, #tpu.memory_space<vmem>> -> memref<1x256xf32, #tpu.memory_space<vmem>>
    %dma_wait3A_2421 = tpu.memref_squeeze %dma_wait3A_2420 : memref<1x256xf32, #tpu.memory_space<vmem>> -> memref<256xf32, #tpu.memory_space<vmem>>
    %dma_wait3A_2422 = arith.constant 0 : i32
    %dma_wait3A_2423 = tpu.memref_slice %arg6[%dma_wait3A_2417, %dma_wait3A_2422] : memref<8x256xi32, #tpu.memory_space<vmem>> -> memref<1x256xi32, #tpu.memory_space<vmem>>
    %dma_wait3A_2424 = tpu.memref_squeeze %dma_wait3A_2423 : memref<1x256xi32, #tpu.memory_space<vmem>> -> memref<256xi32, #tpu.memory_space<vmem>>
    %dma_wait3A_2425 = arith.constant 0 : i32
    %dma_wait3A_2426 = tpu.memref_slice %arg3[%dma_wait3A_2416, %dma_wait3A_2425] : memref<8x100000xf32, #tpu.memory_space<hbm>> -> memref<1x100000xf32, #tpu.memory_space<hbm>>
    %dma_wait3A_2427 = tpu.memref_squeeze %dma_wait3A_2426 : memref<1x100000xf32, #tpu.memory_space<hbm>> -> memref<100000xf32, #tpu.memory_space<hbm>>
    %dma_wait3A_2428 = arith.constant 0 : i32
    %dma_wait3A_2429 = tpu.memref_slice %dma_wait3A_2427[%dma_wait3A_2428] : memref<100000xf32, #tpu.memory_space<hbm>> -> memref<100000xf32, #tpu.memory_space<hbm>>
    tpu.wait_indirect_dma semaphore(%arg11 : memref<!tpu.dma_semaphore, #tpu.memory_space<semaphore_mem>>) src(%dma_wait3A_2429 : memref<100000xf32, #tpu.memory_space<hbm>>) dst(%dma_wait3A_2421 : memref<256xf32, #tpu.memory_space<vmem>>)
    %dma_wait3A_2430 = arith.constant 7 : i32
    %dma_wait3A_2431 = arith.constant 7 : i32
    %dma_wait3A_2432 = arith.constant 7 : i32
    %dma_wait3A_2433 = arith.constant 0 : i32
    %dma_wait3A_2434 = tpu.memref_slice %arg8[%dma_wait3A_2432, %dma_wait3A_2433] : memref<8x256xf32, #tpu.memory_space<vmem>> -> memref<1x256xf32, #tpu.memory_space<vmem>>
    %dma_wait3A_2435 = tpu.memref_squeeze %dma_wait3A_2434 : memref<1x256xf32, #tpu.memory_space<vmem>> -> memref<256xf32, #tpu.memory_space<vmem>>
    %dma_wait3A_2436 = arith.constant 0 : i32
    %dma_wait3A_2437 = tpu.memref_slice %arg6[%dma_wait3A_2431, %dma_wait3A_2436] : memref<8x256xi32, #tpu.memory_space<vmem>> -> memref<1x256xi32, #tpu.memory_space<vmem>>
    %dma_wait3A_2438 = tpu.memref_squeeze %dma_wait3A_2437 : memref<1x256xi32, #tpu.memory_space<vmem>> -> memref<256xi32, #tpu.memory_space<vmem>>
    %dma_wait3A_2439 = arith.constant 0 : i32
    %dma_wait3A_2440 = tpu.memref_slice %arg3[%dma_wait3A_2430, %dma_wait3A_2439] : memref<8x100000xf32, #tpu.memory_space<hbm>> -> memref<1x100000xf32, #tpu.memory_space<hbm>>
    %dma_wait3A_2441 = tpu.memref_squeeze %dma_wait3A_2440 : memref<1x100000xf32, #tpu.memory_space<hbm>> -> memref<100000xf32, #tpu.memory_space<hbm>>
    %dma_wait3A_2442 = arith.constant 0 : i32
    %dma_wait3A_2443 = tpu.memref_slice %dma_wait3A_2441[%dma_wait3A_2442] : memref<100000xf32, #tpu.memory_space<hbm>> -> memref<100000xf32, #tpu.memory_space<hbm>>
    tpu.wait_indirect_dma semaphore(%arg11 : memref<!tpu.dma_semaphore, #tpu.memory_space<semaphore_mem>>) src(%dma_wait3A_2443 : memref<100000xf32, #tpu.memory_space<hbm>>) dst(%dma_wait3A_2435 : memref<256xf32, #tpu.memory_space<vmem>>)
    %broadcast_in_dim3A_2444 = arith.constant 8 : i32
    %broadcast_in_dim3A_2445 = vector.broadcast %broadcast_in_dim3A_2444 : i32 to vector<16xi32>
    %gather3A_2446 = tpu.vector_load_idx %arg10[%broadcast_in_dim3A_2445] : memref<16xf32, #tpu.memory_space<vmem>>[vector<16xi32>], vector<16xf32>,
    %broadcast_in_dim3A_2447 = arith.constant 9 : i32
    %broadcast_in_dim3A_2448 = vector.broadcast %broadcast_in_dim3A_2447 : i32 to vector<16xi32>
    %gather3A_2449 = tpu.vector_load_idx %arg10[%broadcast_in_dim3A_2448] : memref<16xf32, #tpu.memory_space<vmem>>[vector<16xi32>], vector<16xf32>,
    %broadcast_in_dim3A_2450 = arith.constant 10 : i32
    %broadcast_in_dim3A_2451 = vector.broadcast %broadcast_in_dim3A_2450 : i32 to vector<16xi32>
    %gather3A_2452 = tpu.vector_load_idx %arg10[%broadcast_in_dim3A_2451] : memref<16xf32, #tpu.memory_space<vmem>>[vector<16xi32>], vector<16xf32>,
    %broadcast_in_dim3A_2453 = arith.constant 11 : i32
    %broadcast_in_dim3A_2454 = vector.broadcast %broadcast_in_dim3A_2453 : i32 to vector<16xi32>
    %gather3A_2455 = tpu.vector_load_idx %arg10[%broadcast_in_dim3A_2454] : memref<16xf32, #tpu.memory_space<vmem>>[vector<16xi32>], vector<16xf32>,
    %broadcast_in_dim3A_2456 = arith.constant 12 : i32
    %broadcast_in_dim3A_2457 = vector.broadcast %broadcast_in_dim3A_2456 : i32 to vector<16xi32>
    %gather3A_2458 = tpu.vector_load_idx %arg10[%broadcast_in_dim3A_2457] : memref<16xf32, #tpu.memory_space<vmem>>[vector<16xi32>], vector<16xf32>,
    %broadcast_in_dim3A_2459 = arith.constant 13 : i32
    %broadcast_in_dim3A_2460 = vector.broadcast %broadcast_in_dim3A_2459 : i32 to vector<16xi32>
    %gather3A_2461 = tpu.vector_load_idx %arg10[%broadcast_in_dim3A_2460] : memref<16xf32, #tpu.memory_space<vmem>>[vector<16xi32>], vector<16xf32>,
    %broadcast_in_dim3A_2462 = arith.constant 14 : i32
    %broadcast_in_dim3A_2463 = vector.broadcast %broadcast_in_dim3A_2462 : i32 to vector<16xi32>
    %gather3A_2464 = tpu.vector_load_idx %arg10[%broadcast_in_dim3A_2463] : memref<16xf32, #tpu.memory_space<vmem>>[vector<16xi32>], vector<16xf32>,
    %broadcast_in_dim3A_2465 = arith.constant 15 : i32
    %broadcast_in_dim3A_2466 = vector.broadcast %broadcast_in_dim3A_2465 : i32 to vector<16xi32>
    %gather3A_2467 = tpu.vector_load_idx %arg10[%broadcast_in_dim3A_2466] : memref<16xf32, #tpu.memory_space<vmem>>[vector<16xi32>], vector<16xf32>,
    %broadcast_in_dim3A_2468 = arith.constant 0.000000e+00 : f32
    %broadcast_in_dim3A_2469 = vector.broadcast %broadcast_in_dim3A_2468 : f32 to vector<16xf32>
    %get3A_2470 = arith.constant 0 : i32
    %get3A_2471 = arith.index_cast %get3A_2470 : i32 to index
    %get3A_2472 = arith.constant 0 : index
    %get3A_2473 = tpu.vector_load %arg8[%get3A_2471, %get3A_2472] {strides = array<i32>} : memref<8x256xf32, #tpu.memory_space<vmem>>, vector<16xf32>,
    %get3A_2474 = arith.constant 0 : i32
    %get3A_2475 = arith.index_cast %get3A_2474 : i32 to index
    %get3A_2476 = arith.constant 0 : index
    %get3A_2477 = tpu.vector_load %arg7[%get3A_2475, %get3A_2476] {strides = array<i32>} : memref<8x256xf32, #tpu.memory_space<vmem>>, vector<16xf32>,
    %mul3A_2478 = arith.mulf %get3A_2473, %gather3A_2446 : vector<16xf32>
    %mul3A_2479 = arith.mulf %mul3A_2478, %get3A_2477 : vector<16xf32>
    %add3A_2480 = arith.addf %broadcast_in_dim3A_2469, %mul3A_2479 : vector<16xf32>
    %get3A_2481 = arith.constant 1 : i32
    %get3A_2482 = arith.index_cast %get3A_2481 : i32 to index
    %get3A_2483 = arith.constant 0 : index
    %get3A_2484 = tpu.vector_load %arg8[%get3A_2482, %get3A_2483] {strides = array<i32>} : memref<8x256xf32, #tpu.memory_space<vmem>>, vector<16xf32>,
    %get3A_2485 = arith.constant 1 : i32
    %get3A_2486 = arith.index_cast %get3A_2485 : i32 to index
    %get3A_2487 = arith.constant 0 : index
    %get3A_2488 = tpu.vector_load %arg7[%get3A_2486, %get3A_2487] {strides = array<i32>} : memref<8x256xf32, #tpu.memory_space<vmem>>, vector<16xf32>,
    %mul3A_2489 = arith.mulf %get3A_2484, %gather3A_2449 : vector<16xf32>
    %mul3A_2490 = arith.mulf %mul3A_2489, %get3A_2488 : vector<16xf32>
    %add3A_2491 = arith.addf %add3A_2480, %mul3A_2490 : vector<16xf32>
    %get3A_2492 = arith.constant 2 : i32
    %get3A_2493 = arith.index_cast %get3A_2492 : i32 to index
    %get3A_2494 = arith.constant 0 : index
    %get3A_2495 = tpu.vector_load %arg8[%get3A_2493, %get3A_2494] {strides = array<i32>} : memref<8x256xf32, #tpu.memory_space<vmem>>, vector<16xf32>,
    %get3A_2496 = arith.constant 2 : i32
    %get3A_2497 = arith.index_cast %get3A_2496 : i32 to index
    %get3A_2498 = arith.constant 0 : index
    %get3A_2499 = tpu.vector_load %arg7[%get3A_2497, %get3A_2498] {strides = array<i32>} : memref<8x256xf32, #tpu.memory_space<vmem>>, vector<16xf32>,
    %mul3A_2500 = arith.mulf %get3A_2495, %gather3A_2452 : vector<16xf32>
    %mul3A_2501 = arith.mulf %mul3A_2500, %get3A_2499 : vector<16xf32>
    %add3A_2502 = arith.addf %add3A_2491, %mul3A_2501 : vector<16xf32>
    %get3A_2503 = arith.constant 3 : i32
    %get3A_2504 = arith.index_cast %get3A_2503 : i32 to index
    %get3A_2505 = arith.constant 0 : index
    %get3A_2506 = tpu.vector_load %arg8[%get3A_2504, %get3A_2505] {strides = array<i32>} : memref<8x256xf32, #tpu.memory_space<vmem>>, vector<16xf32>,
    %get3A_2507 = arith.constant 3 : i32
    %get3A_2508 = arith.index_cast %get3A_2507 : i32 to index
    %get3A_2509 = arith.constant 0 : index
    %get3A_2510 = tpu.vector_load %arg7[%get3A_2508, %get3A_2509] {strides = array<i32>} : memref<8x256xf32, #tpu.memory_space<vmem>>, vector<16xf32>,
    %mul3A_2511 = arith.mulf %get3A_2506, %gather3A_2455 : vector<16xf32>
    %mul3A_2512 = arith.mulf %mul3A_2511, %get3A_2510 : vector<16xf32>
    %add3A_2513 = arith.addf %add3A_2502, %mul3A_2512 : vector<16xf32>
    %get3A_2514 = arith.constant 4 : i32
    %get3A_2515 = arith.index_cast %get3A_2514 : i32 to index
    %get3A_2516 = arith.constant 0 : index
    %get3A_2517 = tpu.vector_load %arg8[%get3A_2515, %get3A_2516] {strides = array<i32>} : memref<8x256xf32, #tpu.memory_space<vmem>>, vector<16xf32>,
    %get3A_2518 = arith.constant 4 : i32
    %get3A_2519 = arith.index_cast %get3A_2518 : i32 to index
    %get3A_2520 = arith.constant 0 : index
    %get3A_2521 = tpu.vector_load %arg7[%get3A_2519, %get3A_2520] {strides = array<i32>} : memref<8x256xf32, #tpu.memory_space<vmem>>, vector<16xf32>,
    %mul3A_2522 = arith.mulf %get3A_2517, %gather3A_2458 : vector<16xf32>
    %mul3A_2523 = arith.mulf %mul3A_2522, %get3A_2521 : vector<16xf32>
    %add3A_2524 = arith.addf %add3A_2513, %mul3A_2523 : vector<16xf32>
    %get3A_2525 = arith.constant 5 : i32
    %get3A_2526 = arith.index_cast %get3A_2525 : i32 to index
    %get3A_2527 = arith.constant 0 : index
    %get3A_2528 = tpu.vector_load %arg8[%get3A_2526, %get3A_2527] {strides = array<i32>} : memref<8x256xf32, #tpu.memory_space<vmem>>, vector<16xf32>,
    %get3A_2529 = arith.constant 5 : i32
    %get3A_2530 = arith.index_cast %get3A_2529 : i32 to index
    %get3A_2531 = arith.constant 0 : index
    %get3A_2532 = tpu.vector_load %arg7[%get3A_2530, %get3A_2531] {strides = array<i32>} : memref<8x256xf32, #tpu.memory_space<vmem>>, vector<16xf32>,
    %mul3A_2533 = arith.mulf %get3A_2528, %gather3A_2461 : vector<16xf32>
    %mul3A_2534 = arith.mulf %mul3A_2533, %get3A_2532 : vector<16xf32>
    %add3A_2535 = arith.addf %add3A_2524, %mul3A_2534 : vector<16xf32>
    %get3A_2536 = arith.constant 6 : i32
    %get3A_2537 = arith.index_cast %get3A_2536 : i32 to index
    %get3A_2538 = arith.constant 0 : index
    %get3A_2539 = tpu.vector_load %arg8[%get3A_2537, %get3A_2538] {strides = array<i32>} : memref<8x256xf32, #tpu.memory_space<vmem>>, vector<16xf32>,
    %get3A_2540 = arith.constant 6 : i32
    %get3A_2541 = arith.index_cast %get3A_2540 : i32 to index
    %get3A_2542 = arith.constant 0 : index
    %get3A_2543 = tpu.vector_load %arg7[%get3A_2541, %get3A_2542] {strides = array<i32>} : memref<8x256xf32, #tpu.memory_space<vmem>>, vector<16xf32>,
    %mul3A_2544 = arith.mulf %get3A_2539, %gather3A_2464 : vector<16xf32>
    %mul3A_2545 = arith.mulf %mul3A_2544, %get3A_2543 : vector<16xf32>
    %add3A_2546 = arith.addf %add3A_2535, %mul3A_2545 : vector<16xf32>
    %get3A_2547 = arith.constant 7 : i32
    %get3A_2548 = arith.index_cast %get3A_2547 : i32 to index
    %get3A_2549 = arith.constant 0 : index
    %get3A_2550 = tpu.vector_load %arg8[%get3A_2548, %get3A_2549] {strides = array<i32>} : memref<8x256xf32, #tpu.memory_space<vmem>>, vector<16xf32>,
    %get3A_2551 = arith.constant 7 : i32
    %get3A_2552 = arith.index_cast %get3A_2551 : i32 to index
    %get3A_2553 = arith.constant 0 : index
    %get3A_2554 = tpu.vector_load %arg7[%get3A_2552, %get3A_2553] {strides = array<i32>} : memref<8x256xf32, #tpu.memory_space<vmem>>, vector<16xf32>,
    %mul3A_2555 = arith.mulf %get3A_2550, %gather3A_2467 : vector<16xf32>
    %mul3A_2556 = arith.mulf %mul3A_2555, %get3A_2554 : vector<16xf32>
    %add3A_2557 = arith.addf %add3A_2546, %mul3A_2556 : vector<16xf32>
    %swap3A_2558 = arith.constant 0 : index
    %swap3A_2559 = tpu.vector_load %arg9[%swap3A_2558] {strides = array<i32>} : memref<256xf32, #tpu.memory_space<vmem>>, vector<16xf32>,
    tpu.vector_store %arg9[%swap3A_2558], %add3A_2557 {strides = array<i32>} : memref<256xf32, #tpu.memory_space<vmem>>, vector<16xf32>,
    %broadcast_in_dim3A_2560 = arith.constant 0.000000e+00 : f32
    %broadcast_in_dim3A_2561 = vector.broadcast %broadcast_in_dim3A_2560 : f32 to vector<16xf32>
    %get3A_2562 = arith.constant 0 : i32
    %get3A_2563 = arith.index_cast %get3A_2562 : i32 to index
    %get3A_2564 = arith.constant 16 : index
    %get3A_2565 = tpu.vector_load %arg8[%get3A_2563, %get3A_2564] {strides = array<i32>} : memref<8x256xf32, #tpu.memory_space<vmem>>, vector<16xf32>,
    %get3A_2566 = arith.constant 0 : i32
    %get3A_2567 = arith.index_cast %get3A_2566 : i32 to index
    %get3A_2568 = arith.constant 16 : index
    %get3A_2569 = tpu.vector_load %arg7[%get3A_2567, %get3A_2568] {strides = array<i32>} : memref<8x256xf32, #tpu.memory_space<vmem>>, vector<16xf32>,
    %mul3A_2570 = arith.mulf %get3A_2565, %gather3A_2446 : vector<16xf32>
    %mul3A_2571 = arith.mulf %mul3A_2570, %get3A_2569 : vector<16xf32>
    %add3A_2572 = arith.addf %broadcast_in_dim3A_2561, %mul3A_2571 : vector<16xf32>
    %get3A_2573 = arith.constant 1 : i32
    %get3A_2574 = arith.index_cast %get3A_2573 : i32 to index
    %get3A_2575 = arith.constant 16 : index
    %get3A_2576 = tpu.vector_load %arg8[%get3A_2574, %get3A_2575] {strides = array<i32>} : memref<8x256xf32, #tpu.memory_space<vmem>>, vector<16xf32>,
    %get3A_2577 = arith.constant 1 : i32
    %get3A_2578 = arith.index_cast %get3A_2577 : i32 to index
    %get3A_2579 = arith.constant 16 : index
    %get3A_2580 = tpu.vector_load %arg7[%get3A_2578, %get3A_2579] {strides = array<i32>} : memref<8x256xf32, #tpu.memory_space<vmem>>, vector<16xf32>,
    %mul3A_2581 = arith.mulf %get3A_2576, %gather3A_2449 : vector<16xf32>
    %mul3A_2582 = arith.mulf %mul3A_2581, %get3A_2580 : vector<16xf32>
    %add3A_2583 = arith.addf %add3A_2572, %mul3A_2582 : vector<16xf32>
    %get3A_2584 = arith.constant 2 : i32
    %get3A_2585 = arith.index_cast %get3A_2584 : i32 to index
    %get3A_2586 = arith.constant 16 : index
    %get3A_2587 = tpu.vector_load %arg8[%get3A_2585, %get3A_2586] {strides = array<i32>} : memref<8x256xf32, #tpu.memory_space<vmem>>, vector<16xf32>,
    %get3A_2588 = arith.constant 2 : i32
    %get3A_2589 = arith.index_cast %get3A_2588 : i32 to index
    %get3A_2590 = arith.constant 16 : index
    %get3A_2591 = tpu.vector_load %arg7[%get3A_2589, %get3A_2590] {strides = array<i32>} : memref<8x256xf32, #tpu.memory_space<vmem>>, vector<16xf32>,
    %mul3A_2592 = arith.mulf %get3A_2587, %gather3A_2452 : vector<16xf32>
    %mul3A_2593 = arith.mulf %mul3A_2592, %get3A_2591 : vector<16xf32>
    %add3A_2594 = arith.addf %add3A_2583, %mul3A_2593 : vector<16xf32>
    %get3A_2595 = arith.constant 3 : i32
    %get3A_2596 = arith.index_cast %get3A_2595 : i32 to index
    %get3A_2597 = arith.constant 16 : index
    %get3A_2598 = tpu.vector_load %arg8[%get3A_2596, %get3A_2597] {strides = array<i32>} : memref<8x256xf32, #tpu.memory_space<vmem>>, vector<16xf32>,
    %get3A_2599 = arith.constant 3 : i32
    %get3A_2600 = arith.index_cast %get3A_2599 : i32 to index
    %get3A_2601 = arith.constant 16 : index
    %get3A_2602 = tpu.vector_load %arg7[%get3A_2600, %get3A_2601] {strides = array<i32>} : memref<8x256xf32, #tpu.memory_space<vmem>>, vector<16xf32>,
    %mul3A_2603 = arith.mulf %get3A_2598, %gather3A_2455 : vector<16xf32>
    %mul3A_2604 = arith.mulf %mul3A_2603, %get3A_2602 : vector<16xf32>
    %add3A_2605 = arith.addf %add3A_2594, %mul3A_2604 : vector<16xf32>
    %get3A_2606 = arith.constant 4 : i32
    %get3A_2607 = arith.index_cast %get3A_2606 : i32 to index
    %get3A_2608 = arith.constant 16 : index
    %get3A_2609 = tpu.vector_load %arg8[%get3A_2607, %get3A_2608] {strides = array<i32>} : memref<8x256xf32, #tpu.memory_space<vmem>>, vector<16xf32>,
    %get3A_2610 = arith.constant 4 : i32
    %get3A_2611 = arith.index_cast %get3A_2610 : i32 to index
    %get3A_2612 = arith.constant 16 : index
    %get3A_2613 = tpu.vector_load %arg7[%get3A_2611, %get3A_2612] {strides = array<i32>} : memref<8x256xf32, #tpu.memory_space<vmem>>, vector<16xf32>,
    %mul3A_2614 = arith.mulf %get3A_2609, %gather3A_2458 : vector<16xf32>
    %mul3A_2615 = arith.mulf %mul3A_2614, %get3A_2613 : vector<16xf32>
    %add3A_2616 = arith.addf %add3A_2605, %mul3A_2615 : vector<16xf32>
    %get3A_2617 = arith.constant 5 : i32
    %get3A_2618 = arith.index_cast %get3A_2617 : i32 to index
    %get3A_2619 = arith.constant 16 : index
    %get3A_2620 = tpu.vector_load %arg8[%get3A_2618, %get3A_2619] {strides = array<i32>} : memref<8x256xf32, #tpu.memory_space<vmem>>, vector<16xf32>,
    %get3A_2621 = arith.constant 5 : i32
    %get3A_2622 = arith.index_cast %get3A_2621 : i32 to index
    %get3A_2623 = arith.constant 16 : index
    %get3A_2624 = tpu.vector_load %arg7[%get3A_2622, %get3A_2623] {strides = array<i32>} : memref<8x256xf32, #tpu.memory_space<vmem>>, vector<16xf32>,
    %mul3A_2625 = arith.mulf %get3A_2620, %gather3A_2461 : vector<16xf32>
    %mul3A_2626 = arith.mulf %mul3A_2625, %get3A_2624 : vector<16xf32>
    %add3A_2627 = arith.addf %add3A_2616, %mul3A_2626 : vector<16xf32>
    %get3A_2628 = arith.constant 6 : i32
    %get3A_2629 = arith.index_cast %get3A_2628 : i32 to index
    %get3A_2630 = arith.constant 16 : index
    %get3A_2631 = tpu.vector_load %arg8[%get3A_2629, %get3A_2630] {strides = array<i32>} : memref<8x256xf32, #tpu.memory_space<vmem>>, vector<16xf32>,
    %get3A_2632 = arith.constant 6 : i32
    %get3A_2633 = arith.index_cast %get3A_2632 : i32 to index
    %get3A_2634 = arith.constant 16 : index
    %get3A_2635 = tpu.vector_load %arg7[%get3A_2633, %get3A_2634] {strides = array<i32>} : memref<8x256xf32, #tpu.memory_space<vmem>>, vector<16xf32>,
    %mul3A_2636 = arith.mulf %get3A_2631, %gather3A_2464 : vector<16xf32>
    %mul3A_2637 = arith.mulf %mul3A_2636, %get3A_2635 : vector<16xf32>
    %add3A_2638 = arith.addf %add3A_2627, %mul3A_2637 : vector<16xf32>
    %get3A_2639 = arith.constant 7 : i32
    %get3A_2640 = arith.index_cast %get3A_2639 : i32 to index
    %get3A_2641 = arith.constant 16 : index
    %get3A_2642 = tpu.vector_load %arg8[%get3A_2640, %get3A_2641] {strides = array<i32>} : memref<8x256xf32, #tpu.memory_space<vmem>>, vector<16xf32>,
    %get3A_2643 = arith.constant 7 : i32
    %get3A_2644 = arith.index_cast %get3A_2643 : i32 to index
    %get3A_2645 = arith.constant 16 : index
    %get3A_2646 = tpu.vector_load %arg7[%get3A_2644, %get3A_2645] {strides = array<i32>} : memref<8x256xf32, #tpu.memory_space<vmem>>, vector<16xf32>,
    %mul3A_2647 = arith.mulf %get3A_2642, %gather3A_2467 : vector<16xf32>
    %mul3A_2648 = arith.mulf %mul3A_2647, %get3A_2646 : vector<16xf32>
    %add3A_2649 = arith.addf %add3A_2638, %mul3A_2648 : vector<16xf32>
    %swap3A_2650 = arith.constant 16 : index
    %swap3A_2651 = tpu.vector_load %arg9[%swap3A_2650] {strides = array<i32>} : memref<256xf32, #tpu.memory_space<vmem>>, vector<16xf32>,
    tpu.vector_store %arg9[%swap3A_2650], %add3A_2649 {strides = array<i32>} : memref<256xf32, #tpu.memory_space<vmem>>, vector<16xf32>,
    %broadcast_in_dim3A_2652 = arith.constant 0.000000e+00 : f32
    %broadcast_in_dim3A_2653 = vector.broadcast %broadcast_in_dim3A_2652 : f32 to vector<16xf32>
    %get3A_2654 = arith.constant 0 : i32
    %get3A_2655 = arith.index_cast %get3A_2654 : i32 to index
    %get3A_2656 = arith.constant 32 : index
    %get3A_2657 = tpu.vector_load %arg8[%get3A_2655, %get3A_2656] {strides = array<i32>} : memref<8x256xf32, #tpu.memory_space<vmem>>, vector<16xf32>,
    %get3A_2658 = arith.constant 0 : i32
    %get3A_2659 = arith.index_cast %get3A_2658 : i32 to index
    %get3A_2660 = arith.constant 32 : index
    %get3A_2661 = tpu.vector_load %arg7[%get3A_2659, %get3A_2660] {strides = array<i32>} : memref<8x256xf32, #tpu.memory_space<vmem>>, vector<16xf32>,
    %mul3A_2662 = arith.mulf %get3A_2657, %gather3A_2446 : vector<16xf32>
    %mul3A_2663 = arith.mulf %mul3A_2662, %get3A_2661 : vector<16xf32>
    %add3A_2664 = arith.addf %broadcast_in_dim3A_2653, %mul3A_2663 : vector<16xf32>
    %get3A_2665 = arith.constant 1 : i32
    %get3A_2666 = arith.index_cast %get3A_2665 : i32 to index
    %get3A_2667 = arith.constant 32 : index
    %get3A_2668 = tpu.vector_load %arg8[%get3A_2666, %get3A_2667] {strides = array<i32>} : memref<8x256xf32, #tpu.memory_space<vmem>>, vector<16xf32>,
    %get3A_2669 = arith.constant 1 : i32
    %get3A_2670 = arith.index_cast %get3A_2669 : i32 to index
    %get3A_2671 = arith.constant 32 : index
    %get3A_2672 = tpu.vector_load %arg7[%get3A_2670, %get3A_2671] {strides = array<i32>} : memref<8x256xf32, #tpu.memory_space<vmem>>, vector<16xf32>,
    %mul3A_2673 = arith.mulf %get3A_2668, %gather3A_2449 : vector<16xf32>
    %mul3A_2674 = arith.mulf %mul3A_2673, %get3A_2672 : vector<16xf32>
    %add3A_2675 = arith.addf %add3A_2664, %mul3A_2674 : vector<16xf32>
    %get3A_2676 = arith.constant 2 : i32
    %get3A_2677 = arith.index_cast %get3A_2676 : i32 to index
    %get3A_2678 = arith.constant 32 : index
    %get3A_2679 = tpu.vector_load %arg8[%get3A_2677, %get3A_2678] {strides = array<i32>} : memref<8x256xf32, #tpu.memory_space<vmem>>, vector<16xf32>,
    %get3A_2680 = arith.constant 2 : i32
    %get3A_2681 = arith.index_cast %get3A_2680 : i32 to index
    %get3A_2682 = arith.constant 32 : index
    %get3A_2683 = tpu.vector_load %arg7[%get3A_2681, %get3A_2682] {strides = array<i32>} : memref<8x256xf32, #tpu.memory_space<vmem>>, vector<16xf32>,
    %mul3A_2684 = arith.mulf %get3A_2679, %gather3A_2452 : vector<16xf32>
    %mul3A_2685 = arith.mulf %mul3A_2684, %get3A_2683 : vector<16xf32>
    %add3A_2686 = arith.addf %add3A_2675, %mul3A_2685 : vector<16xf32>
    %get3A_2687 = arith.constant 3 : i32
    %get3A_2688 = arith.index_cast %get3A_2687 : i32 to index
    %get3A_2689 = arith.constant 32 : index
    %get3A_2690 = tpu.vector_load %arg8[%get3A_2688, %get3A_2689] {strides = array<i32>} : memref<8x256xf32, #tpu.memory_space<vmem>>, vector<16xf32>,
    %get3A_2691 = arith.constant 3 : i32
    %get3A_2692 = arith.index_cast %get3A_2691 : i32 to index
    %get3A_2693 = arith.constant 32 : index
    %get3A_2694 = tpu.vector_load %arg7[%get3A_2692, %get3A_2693] {strides = array<i32>} : memref<8x256xf32, #tpu.memory_space<vmem>>, vector<16xf32>,
    %mul3A_2695 = arith.mulf %get3A_2690, %gather3A_2455 : vector<16xf32>
    %mul3A_2696 = arith.mulf %mul3A_2695, %get3A_2694 : vector<16xf32>
    %add3A_2697 = arith.addf %add3A_2686, %mul3A_2696 : vector<16xf32>
    %get3A_2698 = arith.constant 4 : i32
    %get3A_2699 = arith.index_cast %get3A_2698 : i32 to index
    %get3A_2700 = arith.constant 32 : index
    %get3A_2701 = tpu.vector_load %arg8[%get3A_2699, %get3A_2700] {strides = array<i32>} : memref<8x256xf32, #tpu.memory_space<vmem>>, vector<16xf32>,
    %get3A_2702 = arith.constant 4 : i32
    %get3A_2703 = arith.index_cast %get3A_2702 : i32 to index
    %get3A_2704 = arith.constant 32 : index
    %get3A_2705 = tpu.vector_load %arg7[%get3A_2703, %get3A_2704] {strides = array<i32>} : memref<8x256xf32, #tpu.memory_space<vmem>>, vector<16xf32>,
    %mul3A_2706 = arith.mulf %get3A_2701, %gather3A_2458 : vector<16xf32>
    %mul3A_2707 = arith.mulf %mul3A_2706, %get3A_2705 : vector<16xf32>
    %add3A_2708 = arith.addf %add3A_2697, %mul3A_2707 : vector<16xf32>
    %get3A_2709 = arith.constant 5 : i32
    %get3A_2710 = arith.index_cast %get3A_2709 : i32 to index
    %get3A_2711 = arith.constant 32 : index
    %get3A_2712 = tpu.vector_load %arg8[%get3A_2710, %get3A_2711] {strides = array<i32>} : memref<8x256xf32, #tpu.memory_space<vmem>>, vector<16xf32>,
    %get3A_2713 = arith.constant 5 : i32
    %get3A_2714 = arith.index_cast %get3A_2713 : i32 to index
    %get3A_2715 = arith.constant 32 : index
    %get3A_2716 = tpu.vector_load %arg7[%get3A_2714, %get3A_2715] {strides = array<i32>} : memref<8x256xf32, #tpu.memory_space<vmem>>, vector<16xf32>,
    %mul3A_2717 = arith.mulf %get3A_2712, %gather3A_2461 : vector<16xf32>
    %mul3A_2718 = arith.mulf %mul3A_2717, %get3A_2716 : vector<16xf32>
    %add3A_2719 = arith.addf %add3A_2708, %mul3A_2718 : vector<16xf32>
    %get3A_2720 = arith.constant 6 : i32
    %get3A_2721 = arith.index_cast %get3A_2720 : i32 to index
    %get3A_2722 = arith.constant 32 : index
    %get3A_2723 = tpu.vector_load %arg8[%get3A_2721, %get3A_2722] {strides = array<i32>} : memref<8x256xf32, #tpu.memory_space<vmem>>, vector<16xf32>,
    %get3A_2724 = arith.constant 6 : i32
    %get3A_2725 = arith.index_cast %get3A_2724 : i32 to index
    %get3A_2726 = arith.constant 32 : index
    %get3A_2727 = tpu.vector_load %arg7[%get3A_2725, %get3A_2726] {strides = array<i32>} : memref<8x256xf32, #tpu.memory_space<vmem>>, vector<16xf32>,
    %mul3A_2728 = arith.mulf %get3A_2723, %gather3A_2464 : vector<16xf32>
    %mul3A_2729 = arith.mulf %mul3A_2728, %get3A_2727 : vector<16xf32>
    %add3A_2730 = arith.addf %add3A_2719, %mul3A_2729 : vector<16xf32>
    %get3A_2731 = arith.constant 7 : i32
    %get3A_2732 = arith.index_cast %get3A_2731 : i32 to index
    %get3A_2733 = arith.constant 32 : index
    %get3A_2734 = tpu.vector_load %arg8[%get3A_2732, %get3A_2733] {strides = array<i32>} : memref<8x256xf32, #tpu.memory_space<vmem>>, vector<16xf32>,
    %get3A_2735 = arith.constant 7 : i32
    %get3A_2736 = arith.index_cast %get3A_2735 : i32 to index
    %get3A_2737 = arith.constant 32 : index
    %get3A_2738 = tpu.vector_load %arg7[%get3A_2736, %get3A_2737] {strides = array<i32>} : memref<8x256xf32, #tpu.memory_space<vmem>>, vector<16xf32>,
    %mul3A_2739 = arith.mulf %get3A_2734, %gather3A_2467 : vector<16xf32>
    %mul3A_2740 = arith.mulf %mul3A_2739, %get3A_2738 : vector<16xf32>
    %add3A_2741 = arith.addf %add3A_2730, %mul3A_2740 : vector<16xf32>
    %swap3A_2742 = arith.constant 32 : index
    %swap3A_2743 = tpu.vector_load %arg9[%swap3A_2742] {strides = array<i32>} : memref<256xf32, #tpu.memory_space<vmem>>, vector<16xf32>,
    tpu.vector_store %arg9[%swap3A_2742], %add3A_2741 {strides = array<i32>} : memref<256xf32, #tpu.memory_space<vmem>>, vector<16xf32>,
    %broadcast_in_dim3A_2744 = arith.constant 0.000000e+00 : f32
    %broadcast_in_dim3A_2745 = vector.broadcast %broadcast_in_dim3A_2744 : f32 to vector<16xf32>
    %get3A_2746 = arith.constant 0 : i32
    %get3A_2747 = arith.index_cast %get3A_2746 : i32 to index
    %get3A_2748 = arith.constant 48 : index
    %get3A_2749 = tpu.vector_load %arg8[%get3A_2747, %get3A_2748] {strides = array<i32>} : memref<8x256xf32, #tpu.memory_space<vmem>>, vector<16xf32>,
    %get3A_2750 = arith.constant 0 : i32
    %get3A_2751 = arith.index_cast %get3A_2750 : i32 to index
    %get3A_2752 = arith.constant 48 : index
    %get3A_2753 = tpu.vector_load %arg7[%get3A_2751, %get3A_2752] {strides = array<i32>} : memref<8x256xf32, #tpu.memory_space<vmem>>, vector<16xf32>,
    %mul3A_2754 = arith.mulf %get3A_2749, %gather3A_2446 : vector<16xf32>
    %mul3A_2755 = arith.mulf %mul3A_2754, %get3A_2753 : vector<16xf32>
    %add3A_2756 = arith.addf %broadcast_in_dim3A_2745, %mul3A_2755 : vector<16xf32>
    %get3A_2757 = arith.constant 1 : i32
    %get3A_2758 = arith.index_cast %get3A_2757 : i32 to index
    %get3A_2759 = arith.constant 48 : index
    %get3A_2760 = tpu.vector_load %arg8[%get3A_2758, %get3A_2759] {strides = array<i32>} : memref<8x256xf32, #tpu.memory_space<vmem>>, vector<16xf32>,
    %get3A_2761 = arith.constant 1 : i32
    %get3A_2762 = arith.index_cast %get3A_2761 : i32 to index
    %get3A_2763 = arith.constant 48 : index
    %get3A_2764 = tpu.vector_load %arg7[%get3A_2762, %get3A_2763] {strides = array<i32>} : memref<8x256xf32, #tpu.memory_space<vmem>>, vector<16xf32>,
    %mul3A_2765 = arith.mulf %get3A_2760, %gather3A_2449 : vector<16xf32>
    %mul3A_2766 = arith.mulf %mul3A_2765, %get3A_2764 : vector<16xf32>
    %add3A_2767 = arith.addf %add3A_2756, %mul3A_2766 : vector<16xf32>
    %get3A_2768 = arith.constant 2 : i32
    %get3A_2769 = arith.index_cast %get3A_2768 : i32 to index
    %get3A_2770 = arith.constant 48 : index
    %get3A_2771 = tpu.vector_load %arg8[%get3A_2769, %get3A_2770] {strides = array<i32>} : memref<8x256xf32, #tpu.memory_space<vmem>>, vector<16xf32>,
    %get3A_2772 = arith.constant 2 : i32
    %get3A_2773 = arith.index_cast %get3A_2772 : i32 to index
    %get3A_2774 = arith.constant 48 : index
    %get3A_2775 = tpu.vector_load %arg7[%get3A_2773, %get3A_2774] {strides = array<i32>} : memref<8x256xf32, #tpu.memory_space<vmem>>, vector<16xf32>,
    %mul3A_2776 = arith.mulf %get3A_2771, %gather3A_2452 : vector<16xf32>
    %mul3A_2777 = arith.mulf %mul3A_2776, %get3A_2775 : vector<16xf32>
    %add3A_2778 = arith.addf %add3A_2767, %mul3A_2777 : vector<16xf32>
    %get3A_2779 = arith.constant 3 : i32
    %get3A_2780 = arith.index_cast %get3A_2779 : i32 to index
    %get3A_2781 = arith.constant 48 : index
    %get3A_2782 = tpu.vector_load %arg8[%get3A_2780, %get3A_2781] {strides = array<i32>} : memref<8x256xf32, #tpu.memory_space<vmem>>, vector<16xf32>,
    %get3A_2783 = arith.constant 3 : i32
    %get3A_2784 = arith.index_cast %get3A_2783 : i32 to index
    %get3A_2785 = arith.constant 48 : index
    %get3A_2786 = tpu.vector_load %arg7[%get3A_2784, %get3A_2785] {strides = array<i32>} : memref<8x256xf32, #tpu.memory_space<vmem>>, vector<16xf32>,
    %mul3A_2787 = arith.mulf %get3A_2782, %gather3A_2455 : vector<16xf32>
    %mul3A_2788 = arith.mulf %mul3A_2787, %get3A_2786 : vector<16xf32>
    %add3A_2789 = arith.addf %add3A_2778, %mul3A_2788 : vector<16xf32>
    %get3A_2790 = arith.constant 4 : i32
    %get3A_2791 = arith.index_cast %get3A_2790 : i32 to index
    %get3A_2792 = arith.constant 48 : index
    %get3A_2793 = tpu.vector_load %arg8[%get3A_2791, %get3A_2792] {strides = array<i32>} : memref<8x256xf32, #tpu.memory_space<vmem>>, vector<16xf32>,
    %get3A_2794 = arith.constant 4 : i32
    %get3A_2795 = arith.index_cast %get3A_2794 : i32 to index
    %get3A_2796 = arith.constant 48 : index
    %get3A_2797 = tpu.vector_load %arg7[%get3A_2795, %get3A_2796] {strides = array<i32>} : memref<8x256xf32, #tpu.memory_space<vmem>>, vector<16xf32>,
    %mul3A_2798 = arith.mulf %get3A_2793, %gather3A_2458 : vector<16xf32>
    %mul3A_2799 = arith.mulf %mul3A_2798, %get3A_2797 : vector<16xf32>
    %add3A_2800 = arith.addf %add3A_2789, %mul3A_2799 : vector<16xf32>
    %get3A_2801 = arith.constant 5 : i32
    %get3A_2802 = arith.index_cast %get3A_2801 : i32 to index
    %get3A_2803 = arith.constant 48 : index
    %get3A_2804 = tpu.vector_load %arg8[%get3A_2802, %get3A_2803] {strides = array<i32>} : memref<8x256xf32, #tpu.memory_space<vmem>>, vector<16xf32>,
    %get3A_2805 = arith.constant 5 : i32
    %get3A_2806 = arith.index_cast %get3A_2805 : i32 to index
    %get3A_2807 = arith.constant 48 : index
    %get3A_2808 = tpu.vector_load %arg7[%get3A_2806, %get3A_2807] {strides = array<i32>} : memref<8x256xf32, #tpu.memory_space<vmem>>, vector<16xf32>,
    %mul3A_2809 = arith.mulf %get3A_2804, %gather3A_2461 : vector<16xf32>
    %mul3A_2810 = arith.mulf %mul3A_2809, %get3A_2808 : vector<16xf32>
    %add3A_2811 = arith.addf %add3A_2800, %mul3A_2810 : vector<16xf32>
    %get3A_2812 = arith.constant 6 : i32
    %get3A_2813 = arith.index_cast %get3A_2812 : i32 to index
    %get3A_2814 = arith.constant 48 : index
    %get3A_2815 = tpu.vector_load %arg8[%get3A_2813, %get3A_2814] {strides = array<i32>} : memref<8x256xf32, #tpu.memory_space<vmem>>, vector<16xf32>,
    %get3A_2816 = arith.constant 6 : i32
    %get3A_2817 = arith.index_cast %get3A_2816 : i32 to index
    %get3A_2818 = arith.constant 48 : index
    %get3A_2819 = tpu.vector_load %arg7[%get3A_2817, %get3A_2818] {strides = array<i32>} : memref<8x256xf32, #tpu.memory_space<vmem>>, vector<16xf32>,
    %mul3A_2820 = arith.mulf %get3A_2815, %gather3A_2464 : vector<16xf32>
    %mul3A_2821 = arith.mulf %mul3A_2820, %get3A_2819 : vector<16xf32>
    %add3A_2822 = arith.addf %add3A_2811, %mul3A_2821 : vector<16xf32>
    %get3A_2823 = arith.constant 7 : i32
    %get3A_2824 = arith.index_cast %get3A_2823 : i32 to index
    %get3A_2825 = arith.constant 48 : index
    %get3A_2826 = tpu.vector_load %arg8[%get3A_2824, %get3A_2825] {strides = array<i32>} : memref<8x256xf32, #tpu.memory_space<vmem>>, vector<16xf32>,
    %get3A_2827 = arith.constant 7 : i32
    %get3A_2828 = arith.index_cast %get3A_2827 : i32 to index
    %get3A_2829 = arith.constant 48 : index
    %get3A_2830 = tpu.vector_load %arg7[%get3A_2828, %get3A_2829] {strides = array<i32>} : memref<8x256xf32, #tpu.memory_space<vmem>>, vector<16xf32>,
    %mul3A_2831 = arith.mulf %get3A_2826, %gather3A_2467 : vector<16xf32>
    %mul3A_2832 = arith.mulf %mul3A_2831, %get3A_2830 : vector<16xf32>
    %add3A_2833 = arith.addf %add3A_2822, %mul3A_2832 : vector<16xf32>
    %swap3A_2834 = arith.constant 48 : index
    %swap3A_2835 = tpu.vector_load %arg9[%swap3A_2834] {strides = array<i32>} : memref<256xf32, #tpu.memory_space<vmem>>, vector<16xf32>,
    tpu.vector_store %arg9[%swap3A_2834], %add3A_2833 {strides = array<i32>} : memref<256xf32, #tpu.memory_space<vmem>>, vector<16xf32>,
    %broadcast_in_dim3A_2836 = arith.constant 0.000000e+00 : f32
    %broadcast_in_dim3A_2837 = vector.broadcast %broadcast_in_dim3A_2836 : f32 to vector<16xf32>
    %get3A_2838 = arith.constant 0 : i32
    %get3A_2839 = arith.index_cast %get3A_2838 : i32 to index
    %get3A_2840 = arith.constant 64 : index
    %get3A_2841 = tpu.vector_load %arg8[%get3A_2839, %get3A_2840] {strides = array<i32>} : memref<8x256xf32, #tpu.memory_space<vmem>>, vector<16xf32>,
    %get3A_2842 = arith.constant 0 : i32
    %get3A_2843 = arith.index_cast %get3A_2842 : i32 to index
    %get3A_2844 = arith.constant 64 : index
    %get3A_2845 = tpu.vector_load %arg7[%get3A_2843, %get3A_2844] {strides = array<i32>} : memref<8x256xf32, #tpu.memory_space<vmem>>, vector<16xf32>,
    %mul3A_2846 = arith.mulf %get3A_2841, %gather3A_2446 : vector<16xf32>
    %mul3A_2847 = arith.mulf %mul3A_2846, %get3A_2845 : vector<16xf32>
    %add3A_2848 = arith.addf %broadcast_in_dim3A_2837, %mul3A_2847 : vector<16xf32>
    %get3A_2849 = arith.constant 1 : i32
    %get3A_2850 = arith.index_cast %get3A_2849 : i32 to index
    %get3A_2851 = arith.constant 64 : index
    %get3A_2852 = tpu.vector_load %arg8[%get3A_2850, %get3A_2851] {strides = array<i32>} : memref<8x256xf32, #tpu.memory_space<vmem>>, vector<16xf32>,
    %get3A_2853 = arith.constant 1 : i32
    %get3A_2854 = arith.index_cast %get3A_2853 : i32 to index
    %get3A_2855 = arith.constant 64 : index
    %get3A_2856 = tpu.vector_load %arg7[%get3A_2854, %get3A_2855] {strides = array<i32>} : memref<8x256xf32, #tpu.memory_space<vmem>>, vector<16xf32>,
    %mul3A_2857 = arith.mulf %get3A_2852, %gather3A_2449 : vector<16xf32>
    %mul3A_2858 = arith.mulf %mul3A_2857, %get3A_2856 : vector<16xf32>
    %add3A_2859 = arith.addf %add3A_2848, %mul3A_2858 : vector<16xf32>
    %get3A_2860 = arith.constant 2 : i32
    %get3A_2861 = arith.index_cast %get3A_2860 : i32 to index
    %get3A_2862 = arith.constant 64 : index
    %get3A_2863 = tpu.vector_load %arg8[%get3A_2861, %get3A_2862] {strides = array<i32>} : memref<8x256xf32, #tpu.memory_space<vmem>>, vector<16xf32>,
    %get3A_2864 = arith.constant 2 : i32
    %get3A_2865 = arith.index_cast %get3A_2864 : i32 to index
    %get3A_2866 = arith.constant 64 : index
    %get3A_2867 = tpu.vector_load %arg7[%get3A_2865, %get3A_2866] {strides = array<i32>} : memref<8x256xf32, #tpu.memory_space<vmem>>, vector<16xf32>,
    %mul3A_2868 = arith.mulf %get3A_2863, %gather3A_2452 : vector<16xf32>
    %mul3A_2869 = arith.mulf %mul3A_2868, %get3A_2867 : vector<16xf32>
    %add3A_2870 = arith.addf %add3A_2859, %mul3A_2869 : vector<16xf32>
    %get3A_2871 = arith.constant 3 : i32
    %get3A_2872 = arith.index_cast %get3A_2871 : i32 to index
    %get3A_2873 = arith.constant 64 : index
    %get3A_2874 = tpu.vector_load %arg8[%get3A_2872, %get3A_2873] {strides = array<i32>} : memref<8x256xf32, #tpu.memory_space<vmem>>, vector<16xf32>,
    %get3A_2875 = arith.constant 3 : i32
    %get3A_2876 = arith.index_cast %get3A_2875 : i32 to index
    %get3A_2877 = arith.constant 64 : index
    %get3A_2878 = tpu.vector_load %arg7[%get3A_2876, %get3A_2877] {strides = array<i32>} : memref<8x256xf32, #tpu.memory_space<vmem>>, vector<16xf32>,
    %mul3A_2879 = arith.mulf %get3A_2874, %gather3A_2455 : vector<16xf32>
    %mul3A_2880 = arith.mulf %mul3A_2879, %get3A_2878 : vector<16xf32>
    %add3A_2881 = arith.addf %add3A_2870, %mul3A_2880 : vector<16xf32>
    %get3A_2882 = arith.constant 4 : i32
    %get3A_2883 = arith.index_cast %get3A_2882 : i32 to index
    %get3A_2884 = arith.constant 64 : index
    %get3A_2885 = tpu.vector_load %arg8[%get3A_2883, %get3A_2884] {strides = array<i32>} : memref<8x256xf32, #tpu.memory_space<vmem>>, vector<16xf32>,
    %get3A_2886 = arith.constant 4 : i32
    %get3A_2887 = arith.index_cast %get3A_2886 : i32 to index
    %get3A_2888 = arith.constant 64 : index
    %get3A_2889 = tpu.vector_load %arg7[%get3A_2887, %get3A_2888] {strides = array<i32>} : memref<8x256xf32, #tpu.memory_space<vmem>>, vector<16xf32>,
    %mul3A_2890 = arith.mulf %get3A_2885, %gather3A_2458 : vector<16xf32>
    %mul3A_2891 = arith.mulf %mul3A_2890, %get3A_2889 : vector<16xf32>
    %add3A_2892 = arith.addf %add3A_2881, %mul3A_2891 : vector<16xf32>
    %get3A_2893 = arith.constant 5 : i32
    %get3A_2894 = arith.index_cast %get3A_2893 : i32 to index
    %get3A_2895 = arith.constant 64 : index
    %get3A_2896 = tpu.vector_load %arg8[%get3A_2894, %get3A_2895] {strides = array<i32>} : memref<8x256xf32, #tpu.memory_space<vmem>>, vector<16xf32>,
    %get3A_2897 = arith.constant 5 : i32
    %get3A_2898 = arith.index_cast %get3A_2897 : i32 to index
    %get3A_2899 = arith.constant 64 : index
    %get3A_2900 = tpu.vector_load %arg7[%get3A_2898, %get3A_2899] {strides = array<i32>} : memref<8x256xf32, #tpu.memory_space<vmem>>, vector<16xf32>,
    %mul3A_2901 = arith.mulf %get3A_2896, %gather3A_2461 : vector<16xf32>
    %mul3A_2902 = arith.mulf %mul3A_2901, %get3A_2900 : vector<16xf32>
    %add3A_2903 = arith.addf %add3A_2892, %mul3A_2902 : vector<16xf32>
    %get3A_2904 = arith.constant 6 : i32
    %get3A_2905 = arith.index_cast %get3A_2904 : i32 to index
    %get3A_2906 = arith.constant 64 : index
    %get3A_2907 = tpu.vector_load %arg8[%get3A_2905, %get3A_2906] {strides = array<i32>} : memref<8x256xf32, #tpu.memory_space<vmem>>, vector<16xf32>,
    %get3A_2908 = arith.constant 6 : i32
    %get3A_2909 = arith.index_cast %get3A_2908 : i32 to index
    %get3A_2910 = arith.constant 64 : index
    %get3A_2911 = tpu.vector_load %arg7[%get3A_2909, %get3A_2910] {strides = array<i32>} : memref<8x256xf32, #tpu.memory_space<vmem>>, vector<16xf32>,
    %mul3A_2912 = arith.mulf %get3A_2907, %gather3A_2464 : vector<16xf32>
    %mul3A_2913 = arith.mulf %mul3A_2912, %get3A_2911 : vector<16xf32>
    %add3A_2914 = arith.addf %add3A_2903, %mul3A_2913 : vector<16xf32>
    %get3A_2915 = arith.constant 7 : i32
    %get3A_2916 = arith.index_cast %get3A_2915 : i32 to index
    %get3A_2917 = arith.constant 64 : index
    %get3A_2918 = tpu.vector_load %arg8[%get3A_2916, %get3A_2917] {strides = array<i32>} : memref<8x256xf32, #tpu.memory_space<vmem>>, vector<16xf32>,
    %get3A_2919 = arith.constant 7 : i32
    %get3A_2920 = arith.index_cast %get3A_2919 : i32 to index
    %get3A_2921 = arith.constant 64 : index
    %get3A_2922 = tpu.vector_load %arg7[%get3A_2920, %get3A_2921] {strides = array<i32>} : memref<8x256xf32, #tpu.memory_space<vmem>>, vector<16xf32>,
    %mul3A_2923 = arith.mulf %get3A_2918, %gather3A_2467 : vector<16xf32>
    %mul3A_2924 = arith.mulf %mul3A_2923, %get3A_2922 : vector<16xf32>
    %add3A_2925 = arith.addf %add3A_2914, %mul3A_2924 : vector<16xf32>
    %swap3A_2926 = arith.constant 64 : index
    %swap3A_2927 = tpu.vector_load %arg9[%swap3A_2926] {strides = array<i32>} : memref<256xf32, #tpu.memory_space<vmem>>, vector<16xf32>,
    tpu.vector_store %arg9[%swap3A_2926], %add3A_2925 {strides = array<i32>} : memref<256xf32, #tpu.memory_space<vmem>>, vector<16xf32>,
    %broadcast_in_dim3A_2928 = arith.constant 0.000000e+00 : f32
    %broadcast_in_dim3A_2929 = vector.broadcast %broadcast_in_dim3A_2928 : f32 to vector<16xf32>
    %get3A_2930 = arith.constant 0 : i32
    %get3A_2931 = arith.index_cast %get3A_2930 : i32 to index
    %get3A_2932 = arith.constant 80 : index
    %get3A_2933 = tpu.vector_load %arg8[%get3A_2931, %get3A_2932] {strides = array<i32>} : memref<8x256xf32, #tpu.memory_space<vmem>>, vector<16xf32>,
    %get3A_2934 = arith.constant 0 : i32
    %get3A_2935 = arith.index_cast %get3A_2934 : i32 to index
    %get3A_2936 = arith.constant 80 : index
    %get3A_2937 = tpu.vector_load %arg7[%get3A_2935, %get3A_2936] {strides = array<i32>} : memref<8x256xf32, #tpu.memory_space<vmem>>, vector<16xf32>,
    %mul3A_2938 = arith.mulf %get3A_2933, %gather3A_2446 : vector<16xf32>
    %mul3A_2939 = arith.mulf %mul3A_2938, %get3A_2937 : vector<16xf32>
    %add3A_2940 = arith.addf %broadcast_in_dim3A_2929, %mul3A_2939 : vector<16xf32>
    %get3A_2941 = arith.constant 1 : i32
    %get3A_2942 = arith.index_cast %get3A_2941 : i32 to index
    %get3A_2943 = arith.constant 80 : index
    %get3A_2944 = tpu.vector_load %arg8[%get3A_2942, %get3A_2943] {strides = array<i32>} : memref<8x256xf32, #tpu.memory_space<vmem>>, vector<16xf32>,
    %get3A_2945 = arith.constant 1 : i32
    %get3A_2946 = arith.index_cast %get3A_2945 : i32 to index
    %get3A_2947 = arith.constant 80 : index
    %get3A_2948 = tpu.vector_load %arg7[%get3A_2946, %get3A_2947] {strides = array<i32>} : memref<8x256xf32, #tpu.memory_space<vmem>>, vector<16xf32>,
    %mul3A_2949 = arith.mulf %get3A_2944, %gather3A_2449 : vector<16xf32>
    %mul3A_2950 = arith.mulf %mul3A_2949, %get3A_2948 : vector<16xf32>
    %add3A_2951 = arith.addf %add3A_2940, %mul3A_2950 : vector<16xf32>
    %get3A_2952 = arith.constant 2 : i32
    %get3A_2953 = arith.index_cast %get3A_2952 : i32 to index
    %get3A_2954 = arith.constant 80 : index
    %get3A_2955 = tpu.vector_load %arg8[%get3A_2953, %get3A_2954] {strides = array<i32>} : memref<8x256xf32, #tpu.memory_space<vmem>>, vector<16xf32>,
    %get3A_2956 = arith.constant 2 : i32
    %get3A_2957 = arith.index_cast %get3A_2956 : i32 to index
    %get3A_2958 = arith.constant 80 : index
    %get3A_2959 = tpu.vector_load %arg7[%get3A_2957, %get3A_2958] {strides = array<i32>} : memref<8x256xf32, #tpu.memory_space<vmem>>, vector<16xf32>,
    %mul3A_2960 = arith.mulf %get3A_2955, %gather3A_2452 : vector<16xf32>
    %mul3A_2961 = arith.mulf %mul3A_2960, %get3A_2959 : vector<16xf32>
    %add3A_2962 = arith.addf %add3A_2951, %mul3A_2961 : vector<16xf32>
    %get3A_2963 = arith.constant 3 : i32
    %get3A_2964 = arith.index_cast %get3A_2963 : i32 to index
    %get3A_2965 = arith.constant 80 : index
    %get3A_2966 = tpu.vector_load %arg8[%get3A_2964, %get3A_2965] {strides = array<i32>} : memref<8x256xf32, #tpu.memory_space<vmem>>, vector<16xf32>,
    %get3A_2967 = arith.constant 3 : i32
    %get3A_2968 = arith.index_cast %get3A_2967 : i32 to index
    %get3A_2969 = arith.constant 80 : index
    %get3A_2970 = tpu.vector_load %arg7[%get3A_2968, %get3A_2969] {strides = array<i32>} : memref<8x256xf32, #tpu.memory_space<vmem>>, vector<16xf32>,
    %mul3A_2971 = arith.mulf %get3A_2966, %gather3A_2455 : vector<16xf32>
    %mul3A_2972 = arith.mulf %mul3A_2971, %get3A_2970 : vector<16xf32>
    %add3A_2973 = arith.addf %add3A_2962, %mul3A_2972 : vector<16xf32>
    %get3A_2974 = arith.constant 4 : i32
    %get3A_2975 = arith.index_cast %get3A_2974 : i32 to index
    %get3A_2976 = arith.constant 80 : index
    %get3A_2977 = tpu.vector_load %arg8[%get3A_2975, %get3A_2976] {strides = array<i32>} : memref<8x256xf32, #tpu.memory_space<vmem>>, vector<16xf32>,
    %get3A_2978 = arith.constant 4 : i32
    %get3A_2979 = arith.index_cast %get3A_2978 : i32 to index
    %get3A_2980 = arith.constant 80 : index
    %get3A_2981 = tpu.vector_load %arg7[%get3A_2979, %get3A_2980] {strides = array<i32>} : memref<8x256xf32, #tpu.memory_space<vmem>>, vector<16xf32>,
    %mul3A_2982 = arith.mulf %get3A_2977, %gather3A_2458 : vector<16xf32>
    %mul3A_2983 = arith.mulf %mul3A_2982, %get3A_2981 : vector<16xf32>
    %add3A_2984 = arith.addf %add3A_2973, %mul3A_2983 : vector<16xf32>
    %get3A_2985 = arith.constant 5 : i32
    %get3A_2986 = arith.index_cast %get3A_2985 : i32 to index
    %get3A_2987 = arith.constant 80 : index
    %get3A_2988 = tpu.vector_load %arg8[%get3A_2986, %get3A_2987] {strides = array<i32>} : memref<8x256xf32, #tpu.memory_space<vmem>>, vector<16xf32>,
    %get3A_2989 = arith.constant 5 : i32
    %get3A_2990 = arith.index_cast %get3A_2989 : i32 to index
    %get3A_2991 = arith.constant 80 : index
    %get3A_2992 = tpu.vector_load %arg7[%get3A_2990, %get3A_2991] {strides = array<i32>} : memref<8x256xf32, #tpu.memory_space<vmem>>, vector<16xf32>,
    %mul3A_2993 = arith.mulf %get3A_2988, %gather3A_2461 : vector<16xf32>
    %mul3A_2994 = arith.mulf %mul3A_2993, %get3A_2992 : vector<16xf32>
    %add3A_2995 = arith.addf %add3A_2984, %mul3A_2994 : vector<16xf32>
    %get3A_2996 = arith.constant 6 : i32
    %get3A_2997 = arith.index_cast %get3A_2996 : i32 to index
    %get3A_2998 = arith.constant 80 : index
    %get3A_2999 = tpu.vector_load %arg8[%get3A_2997, %get3A_2998] {strides = array<i32>} : memref<8x256xf32, #tpu.memory_space<vmem>>, vector<16xf32>,
    %get3A_3000 = arith.constant 6 : i32
    %get3A_3001 = arith.index_cast %get3A_3000 : i32 to index
    %get3A_3002 = arith.constant 80 : index
    %get3A_3003 = tpu.vector_load %arg7[%get3A_3001, %get3A_3002] {strides = array<i32>} : memref<8x256xf32, #tpu.memory_space<vmem>>, vector<16xf32>,
    %mul3A_3004 = arith.mulf %get3A_2999, %gather3A_2464 : vector<16xf32>
    %mul3A_3005 = arith.mulf %mul3A_3004, %get3A_3003 : vector<16xf32>
    %add3A_3006 = arith.addf %add3A_2995, %mul3A_3005 : vector<16xf32>
    %get3A_3007 = arith.constant 7 : i32
    %get3A_3008 = arith.index_cast %get3A_3007 : i32 to index
    %get3A_3009 = arith.constant 80 : index
    %get3A_3010 = tpu.vector_load %arg8[%get3A_3008, %get3A_3009] {strides = array<i32>} : memref<8x256xf32, #tpu.memory_space<vmem>>, vector<16xf32>,
    %get3A_3011 = arith.constant 7 : i32
    %get3A_3012 = arith.index_cast %get3A_3011 : i32 to index
    %get3A_3013 = arith.constant 80 : index
    %get3A_3014 = tpu.vector_load %arg7[%get3A_3012, %get3A_3013] {strides = array<i32>} : memref<8x256xf32, #tpu.memory_space<vmem>>, vector<16xf32>,
    %mul3A_3015 = arith.mulf %get3A_3010, %gather3A_2467 : vector<16xf32>
    %mul3A_3016 = arith.mulf %mul3A_3015, %get3A_3014 : vector<16xf32>
    %add3A_3017 = arith.addf %add3A_3006, %mul3A_3016 : vector<16xf32>
    %swap3A_3018 = arith.constant 80 : index
    %swap3A_3019 = tpu.vector_load %arg9[%swap3A_3018] {strides = array<i32>} : memref<256xf32, #tpu.memory_space<vmem>>, vector<16xf32>,
    tpu.vector_store %arg9[%swap3A_3018], %add3A_3017 {strides = array<i32>} : memref<256xf32, #tpu.memory_space<vmem>>, vector<16xf32>,
    %broadcast_in_dim3A_3020 = arith.constant 0.000000e+00 : f32
    %broadcast_in_dim3A_3021 = vector.broadcast %broadcast_in_dim3A_3020 : f32 to vector<16xf32>
    %get3A_3022 = arith.constant 0 : i32
    %get3A_3023 = arith.index_cast %get3A_3022 : i32 to index
    %get3A_3024 = arith.constant 96 : index
    %get3A_3025 = tpu.vector_load %arg8[%get3A_3023, %get3A_3024] {strides = array<i32>} : memref<8x256xf32, #tpu.memory_space<vmem>>, vector<16xf32>,
    %get3A_3026 = arith.constant 0 : i32
    %get3A_3027 = arith.index_cast %get3A_3026 : i32 to index
    %get3A_3028 = arith.constant 96 : index
    %get3A_3029 = tpu.vector_load %arg7[%get3A_3027, %get3A_3028] {strides = array<i32>} : memref<8x256xf32, #tpu.memory_space<vmem>>, vector<16xf32>,
    %mul3A_3030 = arith.mulf %get3A_3025, %gather3A_2446 : vector<16xf32>
    %mul3A_3031 = arith.mulf %mul3A_3030, %get3A_3029 : vector<16xf32>
    %add3A_3032 = arith.addf %broadcast_in_dim3A_3021, %mul3A_3031 : vector<16xf32>
    %get3A_3033 = arith.constant 1 : i32
    %get3A_3034 = arith.index_cast %get3A_3033 : i32 to index
    %get3A_3035 = arith.constant 96 : index
    %get3A_3036 = tpu.vector_load %arg8[%get3A_3034, %get3A_3035] {strides = array<i32>} : memref<8x256xf32, #tpu.memory_space<vmem>>, vector<16xf32>,
    %get3A_3037 = arith.constant 1 : i32
    %get3A_3038 = arith.index_cast %get3A_3037 : i32 to index
    %get3A_3039 = arith.constant 96 : index
    %get3A_3040 = tpu.vector_load %arg7[%get3A_3038, %get3A_3039] {strides = array<i32>} : memref<8x256xf32, #tpu.memory_space<vmem>>, vector<16xf32>,
    %mul3A_3041 = arith.mulf %get3A_3036, %gather3A_2449 : vector<16xf32>
    %mul3A_3042 = arith.mulf %mul3A_3041, %get3A_3040 : vector<16xf32>
    %add3A_3043 = arith.addf %add3A_3032, %mul3A_3042 : vector<16xf32>
    %get3A_3044 = arith.constant 2 : i32
    %get3A_3045 = arith.index_cast %get3A_3044 : i32 to index
    %get3A_3046 = arith.constant 96 : index
    %get3A_3047 = tpu.vector_load %arg8[%get3A_3045, %get3A_3046] {strides = array<i32>} : memref<8x256xf32, #tpu.memory_space<vmem>>, vector<16xf32>,
    %get3A_3048 = arith.constant 2 : i32
    %get3A_3049 = arith.index_cast %get3A_3048 : i32 to index
    %get3A_3050 = arith.constant 96 : index
    %get3A_3051 = tpu.vector_load %arg7[%get3A_3049, %get3A_3050] {strides = array<i32>} : memref<8x256xf32, #tpu.memory_space<vmem>>, vector<16xf32>,
    %mul3A_3052 = arith.mulf %get3A_3047, %gather3A_2452 : vector<16xf32>
    %mul3A_3053 = arith.mulf %mul3A_3052, %get3A_3051 : vector<16xf32>
    %add3A_3054 = arith.addf %add3A_3043, %mul3A_3053 : vector<16xf32>
    %get3A_3055 = arith.constant 3 : i32
    %get3A_3056 = arith.index_cast %get3A_3055 : i32 to index
    %get3A_3057 = arith.constant 96 : index
    %get3A_3058 = tpu.vector_load %arg8[%get3A_3056, %get3A_3057] {strides = array<i32>} : memref<8x256xf32, #tpu.memory_space<vmem>>, vector<16xf32>,
    %get3A_3059 = arith.constant 3 : i32
    %get3A_3060 = arith.index_cast %get3A_3059 : i32 to index
    %get3A_3061 = arith.constant 96 : index
    %get3A_3062 = tpu.vector_load %arg7[%get3A_3060, %get3A_3061] {strides = array<i32>} : memref<8x256xf32, #tpu.memory_space<vmem>>, vector<16xf32>,
    %mul3A_3063 = arith.mulf %get3A_3058, %gather3A_2455 : vector<16xf32>
    %mul3A_3064 = arith.mulf %mul3A_3063, %get3A_3062 : vector<16xf32>
    %add3A_3065 = arith.addf %add3A_3054, %mul3A_3064 : vector<16xf32>
    %get3A_3066 = arith.constant 4 : i32
    %get3A_3067 = arith.index_cast %get3A_3066 : i32 to index
    %get3A_3068 = arith.constant 96 : index
    %get3A_3069 = tpu.vector_load %arg8[%get3A_3067, %get3A_3068] {strides = array<i32>} : memref<8x256xf32, #tpu.memory_space<vmem>>, vector<16xf32>,
    %get3A_3070 = arith.constant 4 : i32
    %get3A_3071 = arith.index_cast %get3A_3070 : i32 to index
    %get3A_3072 = arith.constant 96 : index
    %get3A_3073 = tpu.vector_load %arg7[%get3A_3071, %get3A_3072] {strides = array<i32>} : memref<8x256xf32, #tpu.memory_space<vmem>>, vector<16xf32>,
    %mul3A_3074 = arith.mulf %get3A_3069, %gather3A_2458 : vector<16xf32>
    %mul3A_3075 = arith.mulf %mul3A_3074, %get3A_3073 : vector<16xf32>
    %add3A_3076 = arith.addf %add3A_3065, %mul3A_3075 : vector<16xf32>
    %get3A_3077 = arith.constant 5 : i32
    %get3A_3078 = arith.index_cast %get3A_3077 : i32 to index
    %get3A_3079 = arith.constant 96 : index
    %get3A_3080 = tpu.vector_load %arg8[%get3A_3078, %get3A_3079] {strides = array<i32>} : memref<8x256xf32, #tpu.memory_space<vmem>>, vector<16xf32>,
    %get3A_3081 = arith.constant 5 : i32
    %get3A_3082 = arith.index_cast %get3A_3081 : i32 to index
    %get3A_3083 = arith.constant 96 : index
    %get3A_3084 = tpu.vector_load %arg7[%get3A_3082, %get3A_3083] {strides = array<i32>} : memref<8x256xf32, #tpu.memory_space<vmem>>, vector<16xf32>,
    %mul3A_3085 = arith.mulf %get3A_3080, %gather3A_2461 : vector<16xf32>
    %mul3A_3086 = arith.mulf %mul3A_3085, %get3A_3084 : vector<16xf32>
    %add3A_3087 = arith.addf %add3A_3076, %mul3A_3086 : vector<16xf32>
    %get3A_3088 = arith.constant 6 : i32
    %get3A_3089 = arith.index_cast %get3A_3088 : i32 to index
    %get3A_3090 = arith.constant 96 : index
    %get3A_3091 = tpu.vector_load %arg8[%get3A_3089, %get3A_3090] {strides = array<i32>} : memref<8x256xf32, #tpu.memory_space<vmem>>, vector<16xf32>,
    %get3A_3092 = arith.constant 6 : i32
    %get3A_3093 = arith.index_cast %get3A_3092 : i32 to index
    %get3A_3094 = arith.constant 96 : index
    %get3A_3095 = tpu.vector_load %arg7[%get3A_3093, %get3A_3094] {strides = array<i32>} : memref<8x256xf32, #tpu.memory_space<vmem>>, vector<16xf32>,
    %mul3A_3096 = arith.mulf %get3A_3091, %gather3A_2464 : vector<16xf32>
    %mul3A_3097 = arith.mulf %mul3A_3096, %get3A_3095 : vector<16xf32>
    %add3A_3098 = arith.addf %add3A_3087, %mul3A_3097 : vector<16xf32>
    %get3A_3099 = arith.constant 7 : i32
    %get3A_3100 = arith.index_cast %get3A_3099 : i32 to index
    %get3A_3101 = arith.constant 96 : index
    %get3A_3102 = tpu.vector_load %arg8[%get3A_3100, %get3A_3101] {strides = array<i32>} : memref<8x256xf32, #tpu.memory_space<vmem>>, vector<16xf32>,
    %get3A_3103 = arith.constant 7 : i32
    %get3A_3104 = arith.index_cast %get3A_3103 : i32 to index
    %get3A_3105 = arith.constant 96 : index
    %get3A_3106 = tpu.vector_load %arg7[%get3A_3104, %get3A_3105] {strides = array<i32>} : memref<8x256xf32, #tpu.memory_space<vmem>>, vector<16xf32>,
    %mul3A_3107 = arith.mulf %get3A_3102, %gather3A_2467 : vector<16xf32>
    %mul3A_3108 = arith.mulf %mul3A_3107, %get3A_3106 : vector<16xf32>
    %add3A_3109 = arith.addf %add3A_3098, %mul3A_3108 : vector<16xf32>
    %swap3A_3110 = arith.constant 96 : index
    %swap3A_3111 = tpu.vector_load %arg9[%swap3A_3110] {strides = array<i32>} : memref<256xf32, #tpu.memory_space<vmem>>, vector<16xf32>,
    tpu.vector_store %arg9[%swap3A_3110], %add3A_3109 {strides = array<i32>} : memref<256xf32, #tpu.memory_space<vmem>>, vector<16xf32>,
    %broadcast_in_dim3A_3112 = arith.constant 0.000000e+00 : f32
    %broadcast_in_dim3A_3113 = vector.broadcast %broadcast_in_dim3A_3112 : f32 to vector<16xf32>
    %get3A_3114 = arith.constant 0 : i32
    %get3A_3115 = arith.index_cast %get3A_3114 : i32 to index
    %get3A_3116 = arith.constant 112 : index
    %get3A_3117 = tpu.vector_load %arg8[%get3A_3115, %get3A_3116] {strides = array<i32>} : memref<8x256xf32, #tpu.memory_space<vmem>>, vector<16xf32>,
    %get3A_3118 = arith.constant 0 : i32
    %get3A_3119 = arith.index_cast %get3A_3118 : i32 to index
    %get3A_3120 = arith.constant 112 : index
    %get3A_3121 = tpu.vector_load %arg7[%get3A_3119, %get3A_3120] {strides = array<i32>} : memref<8x256xf32, #tpu.memory_space<vmem>>, vector<16xf32>,
    %mul3A_3122 = arith.mulf %get3A_3117, %gather3A_2446 : vector<16xf32>
    %mul3A_3123 = arith.mulf %mul3A_3122, %get3A_3121 : vector<16xf32>
    %add3A_3124 = arith.addf %broadcast_in_dim3A_3113, %mul3A_3123 : vector<16xf32>
    %get3A_3125 = arith.constant 1 : i32
    %get3A_3126 = arith.index_cast %get3A_3125 : i32 to index
    %get3A_3127 = arith.constant 112 : index
    %get3A_3128 = tpu.vector_load %arg8[%get3A_3126, %get3A_3127] {strides = array<i32>} : memref<8x256xf32, #tpu.memory_space<vmem>>, vector<16xf32>,
    %get3A_3129 = arith.constant 1 : i32
    %get3A_3130 = arith.index_cast %get3A_3129 : i32 to index
    %get3A_3131 = arith.constant 112 : index
    %get3A_3132 = tpu.vector_load %arg7[%get3A_3130, %get3A_3131] {strides = array<i32>} : memref<8x256xf32, #tpu.memory_space<vmem>>, vector<16xf32>,
    %mul3A_3133 = arith.mulf %get3A_3128, %gather3A_2449 : vector<16xf32>
    %mul3A_3134 = arith.mulf %mul3A_3133, %get3A_3132 : vector<16xf32>
    %add3A_3135 = arith.addf %add3A_3124, %mul3A_3134 : vector<16xf32>
    %get3A_3136 = arith.constant 2 : i32
    %get3A_3137 = arith.index_cast %get3A_3136 : i32 to index
    %get3A_3138 = arith.constant 112 : index
    %get3A_3139 = tpu.vector_load %arg8[%get3A_3137, %get3A_3138] {strides = array<i32>} : memref<8x256xf32, #tpu.memory_space<vmem>>, vector<16xf32>,
    %get3A_3140 = arith.constant 2 : i32
    %get3A_3141 = arith.index_cast %get3A_3140 : i32 to index
    %get3A_3142 = arith.constant 112 : index
    %get3A_3143 = tpu.vector_load %arg7[%get3A_3141, %get3A_3142] {strides = array<i32>} : memref<8x256xf32, #tpu.memory_space<vmem>>, vector<16xf32>,
    %mul3A_3144 = arith.mulf %get3A_3139, %gather3A_2452 : vector<16xf32>
    %mul3A_3145 = arith.mulf %mul3A_3144, %get3A_3143 : vector<16xf32>
    %add3A_3146 = arith.addf %add3A_3135, %mul3A_3145 : vector<16xf32>
    %get3A_3147 = arith.constant 3 : i32
    %get3A_3148 = arith.index_cast %get3A_3147 : i32 to index
    %get3A_3149 = arith.constant 112 : index
    %get3A_3150 = tpu.vector_load %arg8[%get3A_3148, %get3A_3149] {strides = array<i32>} : memref<8x256xf32, #tpu.memory_space<vmem>>, vector<16xf32>,
    %get3A_3151 = arith.constant 3 : i32
    %get3A_3152 = arith.index_cast %get3A_3151 : i32 to index
    %get3A_3153 = arith.constant 112 : index
    %get3A_3154 = tpu.vector_load %arg7[%get3A_3152, %get3A_3153] {strides = array<i32>} : memref<8x256xf32, #tpu.memory_space<vmem>>, vector<16xf32>,
    %mul3A_3155 = arith.mulf %get3A_3150, %gather3A_2455 : vector<16xf32>
    %mul3A_3156 = arith.mulf %mul3A_3155, %get3A_3154 : vector<16xf32>
    %add3A_3157 = arith.addf %add3A_3146, %mul3A_3156 : vector<16xf32>
    %get3A_3158 = arith.constant 4 : i32
    %get3A_3159 = arith.index_cast %get3A_3158 : i32 to index
    %get3A_3160 = arith.constant 112 : index
    %get3A_3161 = tpu.vector_load %arg8[%get3A_3159, %get3A_3160] {strides = array<i32>} : memref<8x256xf32, #tpu.memory_space<vmem>>, vector<16xf32>,
    %get3A_3162 = arith.constant 4 : i32
    %get3A_3163 = arith.index_cast %get3A_3162 : i32 to index
    %get3A_3164 = arith.constant 112 : index
    %get3A_3165 = tpu.vector_load %arg7[%get3A_3163, %get3A_3164] {strides = array<i32>} : memref<8x256xf32, #tpu.memory_space<vmem>>, vector<16xf32>,
    %mul3A_3166 = arith.mulf %get3A_3161, %gather3A_2458 : vector<16xf32>
    %mul3A_3167 = arith.mulf %mul3A_3166, %get3A_3165 : vector<16xf32>
    %add3A_3168 = arith.addf %add3A_3157, %mul3A_3167 : vector<16xf32>
    %get3A_3169 = arith.constant 5 : i32
    %get3A_3170 = arith.index_cast %get3A_3169 : i32 to index
    %get3A_3171 = arith.constant 112 : index
    %get3A_3172 = tpu.vector_load %arg8[%get3A_3170, %get3A_3171] {strides = array<i32>} : memref<8x256xf32, #tpu.memory_space<vmem>>, vector<16xf32>,
    %get3A_3173 = arith.constant 5 : i32
    %get3A_3174 = arith.index_cast %get3A_3173 : i32 to index
    %get3A_3175 = arith.constant 112 : index
    %get3A_3176 = tpu.vector_load %arg7[%get3A_3174, %get3A_3175] {strides = array<i32>} : memref<8x256xf32, #tpu.memory_space<vmem>>, vector<16xf32>,
    %mul3A_3177 = arith.mulf %get3A_3172, %gather3A_2461 : vector<16xf32>
    %mul3A_3178 = arith.mulf %mul3A_3177, %get3A_3176 : vector<16xf32>
    %add3A_3179 = arith.addf %add3A_3168, %mul3A_3178 : vector<16xf32>
    %get3A_3180 = arith.constant 6 : i32
    %get3A_3181 = arith.index_cast %get3A_3180 : i32 to index
    %get3A_3182 = arith.constant 112 : index
    %get3A_3183 = tpu.vector_load %arg8[%get3A_3181, %get3A_3182] {strides = array<i32>} : memref<8x256xf32, #tpu.memory_space<vmem>>, vector<16xf32>,
    %get3A_3184 = arith.constant 6 : i32
    %get3A_3185 = arith.index_cast %get3A_3184 : i32 to index
    %get3A_3186 = arith.constant 112 : index
    %get3A_3187 = tpu.vector_load %arg7[%get3A_3185, %get3A_3186] {strides = array<i32>} : memref<8x256xf32, #tpu.memory_space<vmem>>, vector<16xf32>,
    %mul3A_3188 = arith.mulf %get3A_3183, %gather3A_2464 : vector<16xf32>
    %mul3A_3189 = arith.mulf %mul3A_3188, %get3A_3187 : vector<16xf32>
    %add3A_3190 = arith.addf %add3A_3179, %mul3A_3189 : vector<16xf32>
    %get3A_3191 = arith.constant 7 : i32
    %get3A_3192 = arith.index_cast %get3A_3191 : i32 to index
    %get3A_3193 = arith.constant 112 : index
    %get3A_3194 = tpu.vector_load %arg8[%get3A_3192, %get3A_3193] {strides = array<i32>} : memref<8x256xf32, #tpu.memory_space<vmem>>, vector<16xf32>,
    %get3A_3195 = arith.constant 7 : i32
    %get3A_3196 = arith.index_cast %get3A_3195 : i32 to index
    %get3A_3197 = arith.constant 112 : index
    %get3A_3198 = tpu.vector_load %arg7[%get3A_3196, %get3A_3197] {strides = array<i32>} : memref<8x256xf32, #tpu.memory_space<vmem>>, vector<16xf32>,
    %mul3A_3199 = arith.mulf %get3A_3194, %gather3A_2467 : vector<16xf32>
    %mul3A_3200 = arith.mulf %mul3A_3199, %get3A_3198 : vector<16xf32>
    %add3A_3201 = arith.addf %add3A_3190, %mul3A_3200 : vector<16xf32>
    %swap3A_3202 = arith.constant 112 : index
    %swap3A_3203 = tpu.vector_load %arg9[%swap3A_3202] {strides = array<i32>} : memref<256xf32, #tpu.memory_space<vmem>>, vector<16xf32>,
    tpu.vector_store %arg9[%swap3A_3202], %add3A_3201 {strides = array<i32>} : memref<256xf32, #tpu.memory_space<vmem>>, vector<16xf32>,
    %broadcast_in_dim3A_3204 = arith.constant 0.000000e+00 : f32
    %broadcast_in_dim3A_3205 = vector.broadcast %broadcast_in_dim3A_3204 : f32 to vector<16xf32>
    %get3A_3206 = arith.constant 0 : i32
    %get3A_3207 = arith.index_cast %get3A_3206 : i32 to index
    %get3A_3208 = arith.constant 128 : index
    %get3A_3209 = tpu.vector_load %arg8[%get3A_3207, %get3A_3208] {strides = array<i32>} : memref<8x256xf32, #tpu.memory_space<vmem>>, vector<16xf32>,
    %get3A_3210 = arith.constant 0 : i32
    %get3A_3211 = arith.index_cast %get3A_3210 : i32 to index
    %get3A_3212 = arith.constant 128 : index
    %get3A_3213 = tpu.vector_load %arg7[%get3A_3211, %get3A_3212] {strides = array<i32>} : memref<8x256xf32, #tpu.memory_space<vmem>>, vector<16xf32>,
    %mul3A_3214 = arith.mulf %get3A_3209, %gather3A_2446 : vector<16xf32>
    %mul3A_3215 = arith.mulf %mul3A_3214, %get3A_3213 : vector<16xf32>
    %add3A_3216 = arith.addf %broadcast_in_dim3A_3205, %mul3A_3215 : vector<16xf32>
    %get3A_3217 = arith.constant 1 : i32
    %get3A_3218 = arith.index_cast %get3A_3217 : i32 to index
    %get3A_3219 = arith.constant 128 : index
    %get3A_3220 = tpu.vector_load %arg8[%get3A_3218, %get3A_3219] {strides = array<i32>} : memref<8x256xf32, #tpu.memory_space<vmem>>, vector<16xf32>,
    %get3A_3221 = arith.constant 1 : i32
    %get3A_3222 = arith.index_cast %get3A_3221 : i32 to index
    %get3A_3223 = arith.constant 128 : index
    %get3A_3224 = tpu.vector_load %arg7[%get3A_3222, %get3A_3223] {strides = array<i32>} : memref<8x256xf32, #tpu.memory_space<vmem>>, vector<16xf32>,
    %mul3A_3225 = arith.mulf %get3A_3220, %gather3A_2449 : vector<16xf32>
    %mul3A_3226 = arith.mulf %mul3A_3225, %get3A_3224 : vector<16xf32>
    %add3A_3227 = arith.addf %add3A_3216, %mul3A_3226 : vector<16xf32>
    %get3A_3228 = arith.constant 2 : i32
    %get3A_3229 = arith.index_cast %get3A_3228 : i32 to index
    %get3A_3230 = arith.constant 128 : index
    %get3A_3231 = tpu.vector_load %arg8[%get3A_3229, %get3A_3230] {strides = array<i32>} : memref<8x256xf32, #tpu.memory_space<vmem>>, vector<16xf32>,
    %get3A_3232 = arith.constant 2 : i32
    %get3A_3233 = arith.index_cast %get3A_3232 : i32 to index
    %get3A_3234 = arith.constant 128 : index
    %get3A_3235 = tpu.vector_load %arg7[%get3A_3233, %get3A_3234] {strides = array<i32>} : memref<8x256xf32, #tpu.memory_space<vmem>>, vector<16xf32>,
    %mul3A_3236 = arith.mulf %get3A_3231, %gather3A_2452 : vector<16xf32>
    %mul3A_3237 = arith.mulf %mul3A_3236, %get3A_3235 : vector<16xf32>
    %add3A_3238 = arith.addf %add3A_3227, %mul3A_3237 : vector<16xf32>
    %get3A_3239 = arith.constant 3 : i32
    %get3A_3240 = arith.index_cast %get3A_3239 : i32 to index
    %get3A_3241 = arith.constant 128 : index
    %get3A_3242 = tpu.vector_load %arg8[%get3A_3240, %get3A_3241] {strides = array<i32>} : memref<8x256xf32, #tpu.memory_space<vmem>>, vector<16xf32>,
    %get3A_3243 = arith.constant 3 : i32
    %get3A_3244 = arith.index_cast %get3A_3243 : i32 to index
    %get3A_3245 = arith.constant 128 : index
    %get3A_3246 = tpu.vector_load %arg7[%get3A_3244, %get3A_3245] {strides = array<i32>} : memref<8x256xf32, #tpu.memory_space<vmem>>, vector<16xf32>,
    %mul3A_3247 = arith.mulf %get3A_3242, %gather3A_2455 : vector<16xf32>
    %mul3A_3248 = arith.mulf %mul3A_3247, %get3A_3246 : vector<16xf32>
    %add3A_3249 = arith.addf %add3A_3238, %mul3A_3248 : vector<16xf32>
    %get3A_3250 = arith.constant 4 : i32
    %get3A_3251 = arith.index_cast %get3A_3250 : i32 to index
    %get3A_3252 = arith.constant 128 : index
    %get3A_3253 = tpu.vector_load %arg8[%get3A_3251, %get3A_3252] {strides = array<i32>} : memref<8x256xf32, #tpu.memory_space<vmem>>, vector<16xf32>,
    %get3A_3254 = arith.constant 4 : i32
    %get3A_3255 = arith.index_cast %get3A_3254 : i32 to index
    %get3A_3256 = arith.constant 128 : index
    %get3A_3257 = tpu.vector_load %arg7[%get3A_3255, %get3A_3256] {strides = array<i32>} : memref<8x256xf32, #tpu.memory_space<vmem>>, vector<16xf32>,
    %mul3A_3258 = arith.mulf %get3A_3253, %gather3A_2458 : vector<16xf32>
    %mul3A_3259 = arith.mulf %mul3A_3258, %get3A_3257 : vector<16xf32>
    %add3A_3260 = arith.addf %add3A_3249, %mul3A_3259 : vector<16xf32>
    %get3A_3261 = arith.constant 5 : i32
    %get3A_3262 = arith.index_cast %get3A_3261 : i32 to index
    %get3A_3263 = arith.constant 128 : index
    %get3A_3264 = tpu.vector_load %arg8[%get3A_3262, %get3A_3263] {strides = array<i32>} : memref<8x256xf32, #tpu.memory_space<vmem>>, vector<16xf32>,
    %get3A_3265 = arith.constant 5 : i32
    %get3A_3266 = arith.index_cast %get3A_3265 : i32 to index
    %get3A_3267 = arith.constant 128 : index
    %get3A_3268 = tpu.vector_load %arg7[%get3A_3266, %get3A_3267] {strides = array<i32>} : memref<8x256xf32, #tpu.memory_space<vmem>>, vector<16xf32>,
    %mul3A_3269 = arith.mulf %get3A_3264, %gather3A_2461 : vector<16xf32>
    %mul3A_3270 = arith.mulf %mul3A_3269, %get3A_3268 : vector<16xf32>
    %add3A_3271 = arith.addf %add3A_3260, %mul3A_3270 : vector<16xf32>
    %get3A_3272 = arith.constant 6 : i32
    %get3A_3273 = arith.index_cast %get3A_3272 : i32 to index
    %get3A_3274 = arith.constant 128 : index
    %get3A_3275 = tpu.vector_load %arg8[%get3A_3273, %get3A_3274] {strides = array<i32>} : memref<8x256xf32, #tpu.memory_space<vmem>>, vector<16xf32>,
    %get3A_3276 = arith.constant 6 : i32
    %get3A_3277 = arith.index_cast %get3A_3276 : i32 to index
    %get3A_3278 = arith.constant 128 : index
    %get3A_3279 = tpu.vector_load %arg7[%get3A_3277, %get3A_3278] {strides = array<i32>} : memref<8x256xf32, #tpu.memory_space<vmem>>, vector<16xf32>,
    %mul3A_3280 = arith.mulf %get3A_3275, %gather3A_2464 : vector<16xf32>
    %mul3A_3281 = arith.mulf %mul3A_3280, %get3A_3279 : vector<16xf32>
    %add3A_3282 = arith.addf %add3A_3271, %mul3A_3281 : vector<16xf32>
    %get3A_3283 = arith.constant 7 : i32
    %get3A_3284 = arith.index_cast %get3A_3283 : i32 to index
    %get3A_3285 = arith.constant 128 : index
    %get3A_3286 = tpu.vector_load %arg8[%get3A_3284, %get3A_3285] {strides = array<i32>} : memref<8x256xf32, #tpu.memory_space<vmem>>, vector<16xf32>,
    %get3A_3287 = arith.constant 7 : i32
    %get3A_3288 = arith.index_cast %get3A_3287 : i32 to index
    %get3A_3289 = arith.constant 128 : index
    %get3A_3290 = tpu.vector_load %arg7[%get3A_3288, %get3A_3289] {strides = array<i32>} : memref<8x256xf32, #tpu.memory_space<vmem>>, vector<16xf32>,
    %mul3A_3291 = arith.mulf %get3A_3286, %gather3A_2467 : vector<16xf32>
    %mul3A_3292 = arith.mulf %mul3A_3291, %get3A_3290 : vector<16xf32>
    %add3A_3293 = arith.addf %add3A_3282, %mul3A_3292 : vector<16xf32>
    %swap3A_3294 = arith.constant 128 : index
    %swap3A_3295 = tpu.vector_load %arg9[%swap3A_3294] {strides = array<i32>} : memref<256xf32, #tpu.memory_space<vmem>>, vector<16xf32>,
    tpu.vector_store %arg9[%swap3A_3294], %add3A_3293 {strides = array<i32>} : memref<256xf32, #tpu.memory_space<vmem>>, vector<16xf32>,
    %broadcast_in_dim3A_3296 = arith.constant 0.000000e+00 : f32
    %broadcast_in_dim3A_3297 = vector.broadcast %broadcast_in_dim3A_3296 : f32 to vector<16xf32>
    %get3A_3298 = arith.constant 0 : i32
    %get3A_3299 = arith.index_cast %get3A_3298 : i32 to index
    %get3A_3300 = arith.constant 144 : index
    %get3A_3301 = tpu.vector_load %arg8[%get3A_3299, %get3A_3300] {strides = array<i32>} : memref<8x256xf32, #tpu.memory_space<vmem>>, vector<16xf32>,
    %get3A_3302 = arith.constant 0 : i32
    %get3A_3303 = arith.index_cast %get3A_3302 : i32 to index
    %get3A_3304 = arith.constant 144 : index
    %get3A_3305 = tpu.vector_load %arg7[%get3A_3303, %get3A_3304] {strides = array<i32>} : memref<8x256xf32, #tpu.memory_space<vmem>>, vector<16xf32>,
    %mul3A_3306 = arith.mulf %get3A_3301, %gather3A_2446 : vector<16xf32>
    %mul3A_3307 = arith.mulf %mul3A_3306, %get3A_3305 : vector<16xf32>
    %add3A_3308 = arith.addf %broadcast_in_dim3A_3297, %mul3A_3307 : vector<16xf32>
    %get3A_3309 = arith.constant 1 : i32
    %get3A_3310 = arith.index_cast %get3A_3309 : i32 to index
    %get3A_3311 = arith.constant 144 : index
    %get3A_3312 = tpu.vector_load %arg8[%get3A_3310, %get3A_3311] {strides = array<i32>} : memref<8x256xf32, #tpu.memory_space<vmem>>, vector<16xf32>,
    %get3A_3313 = arith.constant 1 : i32
    %get3A_3314 = arith.index_cast %get3A_3313 : i32 to index
    %get3A_3315 = arith.constant 144 : index
    %get3A_3316 = tpu.vector_load %arg7[%get3A_3314, %get3A_3315] {strides = array<i32>} : memref<8x256xf32, #tpu.memory_space<vmem>>, vector<16xf32>,
    %mul3A_3317 = arith.mulf %get3A_3312, %gather3A_2449 : vector<16xf32>
    %mul3A_3318 = arith.mulf %mul3A_3317, %get3A_3316 : vector<16xf32>
    %add3A_3319 = arith.addf %add3A_3308, %mul3A_3318 : vector<16xf32>
    %get3A_3320 = arith.constant 2 : i32
    %get3A_3321 = arith.index_cast %get3A_3320 : i32 to index
    %get3A_3322 = arith.constant 144 : index
    %get3A_3323 = tpu.vector_load %arg8[%get3A_3321, %get3A_3322] {strides = array<i32>} : memref<8x256xf32, #tpu.memory_space<vmem>>, vector<16xf32>,
    %get3A_3324 = arith.constant 2 : i32
    %get3A_3325 = arith.index_cast %get3A_3324 : i32 to index
    %get3A_3326 = arith.constant 144 : index
    %get3A_3327 = tpu.vector_load %arg7[%get3A_3325, %get3A_3326] {strides = array<i32>} : memref<8x256xf32, #tpu.memory_space<vmem>>, vector<16xf32>,
    %mul3A_3328 = arith.mulf %get3A_3323, %gather3A_2452 : vector<16xf32>
    %mul3A_3329 = arith.mulf %mul3A_3328, %get3A_3327 : vector<16xf32>
    %add3A_3330 = arith.addf %add3A_3319, %mul3A_3329 : vector<16xf32>
    %get3A_3331 = arith.constant 3 : i32
    %get3A_3332 = arith.index_cast %get3A_3331 : i32 to index
    %get3A_3333 = arith.constant 144 : index
    %get3A_3334 = tpu.vector_load %arg8[%get3A_3332, %get3A_3333] {strides = array<i32>} : memref<8x256xf32, #tpu.memory_space<vmem>>, vector<16xf32>,
    %get3A_3335 = arith.constant 3 : i32
    %get3A_3336 = arith.index_cast %get3A_3335 : i32 to index
    %get3A_3337 = arith.constant 144 : index
    %get3A_3338 = tpu.vector_load %arg7[%get3A_3336, %get3A_3337] {strides = array<i32>} : memref<8x256xf32, #tpu.memory_space<vmem>>, vector<16xf32>,
    %mul3A_3339 = arith.mulf %get3A_3334, %gather3A_2455 : vector<16xf32>
    %mul3A_3340 = arith.mulf %mul3A_3339, %get3A_3338 : vector<16xf32>
    %add3A_3341 = arith.addf %add3A_3330, %mul3A_3340 : vector<16xf32>
    %get3A_3342 = arith.constant 4 : i32
    %get3A_3343 = arith.index_cast %get3A_3342 : i32 to index
    %get3A_3344 = arith.constant 144 : index
    %get3A_3345 = tpu.vector_load %arg8[%get3A_3343, %get3A_3344] {strides = array<i32>} : memref<8x256xf32, #tpu.memory_space<vmem>>, vector<16xf32>,
    %get3A_3346 = arith.constant 4 : i32
    %get3A_3347 = arith.index_cast %get3A_3346 : i32 to index
    %get3A_3348 = arith.constant 144 : index
    %get3A_3349 = tpu.vector_load %arg7[%get3A_3347, %get3A_3348] {strides = array<i32>} : memref<8x256xf32, #tpu.memory_space<vmem>>, vector<16xf32>,
    %mul3A_3350 = arith.mulf %get3A_3345, %gather3A_2458 : vector<16xf32>
    %mul3A_3351 = arith.mulf %mul3A_3350, %get3A_3349 : vector<16xf32>
    %add3A_3352 = arith.addf %add3A_3341, %mul3A_3351 : vector<16xf32>
    %get3A_3353 = arith.constant 5 : i32
    %get3A_3354 = arith.index_cast %get3A_3353 : i32 to index
    %get3A_3355 = arith.constant 144 : index
    %get3A_3356 = tpu.vector_load %arg8[%get3A_3354, %get3A_3355] {strides = array<i32>} : memref<8x256xf32, #tpu.memory_space<vmem>>, vector<16xf32>,
    %get3A_3357 = arith.constant 5 : i32
    %get3A_3358 = arith.index_cast %get3A_3357 : i32 to index
    %get3A_3359 = arith.constant 144 : index
    %get3A_3360 = tpu.vector_load %arg7[%get3A_3358, %get3A_3359] {strides = array<i32>} : memref<8x256xf32, #tpu.memory_space<vmem>>, vector<16xf32>,
    %mul3A_3361 = arith.mulf %get3A_3356, %gather3A_2461 : vector<16xf32>
    %mul3A_3362 = arith.mulf %mul3A_3361, %get3A_3360 : vector<16xf32>
    %add3A_3363 = arith.addf %add3A_3352, %mul3A_3362 : vector<16xf32>
    %get3A_3364 = arith.constant 6 : i32
    %get3A_3365 = arith.index_cast %get3A_3364 : i32 to index
    %get3A_3366 = arith.constant 144 : index
    %get3A_3367 = tpu.vector_load %arg8[%get3A_3365, %get3A_3366] {strides = array<i32>} : memref<8x256xf32, #tpu.memory_space<vmem>>, vector<16xf32>,
    %get3A_3368 = arith.constant 6 : i32
    %get3A_3369 = arith.index_cast %get3A_3368 : i32 to index
    %get3A_3370 = arith.constant 144 : index
    %get3A_3371 = tpu.vector_load %arg7[%get3A_3369, %get3A_3370] {strides = array<i32>} : memref<8x256xf32, #tpu.memory_space<vmem>>, vector<16xf32>,
    %mul3A_3372 = arith.mulf %get3A_3367, %gather3A_2464 : vector<16xf32>
    %mul3A_3373 = arith.mulf %mul3A_3372, %get3A_3371 : vector<16xf32>
    %add3A_3374 = arith.addf %add3A_3363, %mul3A_3373 : vector<16xf32>
    %get3A_3375 = arith.constant 7 : i32
    %get3A_3376 = arith.index_cast %get3A_3375 : i32 to index
    %get3A_3377 = arith.constant 144 : index
    %get3A_3378 = tpu.vector_load %arg8[%get3A_3376, %get3A_3377] {strides = array<i32>} : memref<8x256xf32, #tpu.memory_space<vmem>>, vector<16xf32>,
    %get3A_3379 = arith.constant 7 : i32
    %get3A_3380 = arith.index_cast %get3A_3379 : i32 to index
    %get3A_3381 = arith.constant 144 : index
    %get3A_3382 = tpu.vector_load %arg7[%get3A_3380, %get3A_3381] {strides = array<i32>} : memref<8x256xf32, #tpu.memory_space<vmem>>, vector<16xf32>,
    %mul3A_3383 = arith.mulf %get3A_3378, %gather3A_2467 : vector<16xf32>
    %mul3A_3384 = arith.mulf %mul3A_3383, %get3A_3382 : vector<16xf32>
    %add3A_3385 = arith.addf %add3A_3374, %mul3A_3384 : vector<16xf32>
    %swap3A_3386 = arith.constant 144 : index
    %swap3A_3387 = tpu.vector_load %arg9[%swap3A_3386] {strides = array<i32>} : memref<256xf32, #tpu.memory_space<vmem>>, vector<16xf32>,
    tpu.vector_store %arg9[%swap3A_3386], %add3A_3385 {strides = array<i32>} : memref<256xf32, #tpu.memory_space<vmem>>, vector<16xf32>,
    %broadcast_in_dim3A_3388 = arith.constant 0.000000e+00 : f32
    %broadcast_in_dim3A_3389 = vector.broadcast %broadcast_in_dim3A_3388 : f32 to vector<16xf32>
    %get3A_3390 = arith.constant 0 : i32
    %get3A_3391 = arith.index_cast %get3A_3390 : i32 to index
    %get3A_3392 = arith.constant 160 : index
    %get3A_3393 = tpu.vector_load %arg8[%get3A_3391, %get3A_3392] {strides = array<i32>} : memref<8x256xf32, #tpu.memory_space<vmem>>, vector<16xf32>,
    %get3A_3394 = arith.constant 0 : i32
    %get3A_3395 = arith.index_cast %get3A_3394 : i32 to index
    %get3A_3396 = arith.constant 160 : index
    %get3A_3397 = tpu.vector_load %arg7[%get3A_3395, %get3A_3396] {strides = array<i32>} : memref<8x256xf32, #tpu.memory_space<vmem>>, vector<16xf32>,
    %mul3A_3398 = arith.mulf %get3A_3393, %gather3A_2446 : vector<16xf32>
    %mul3A_3399 = arith.mulf %mul3A_3398, %get3A_3397 : vector<16xf32>
    %add3A_3400 = arith.addf %broadcast_in_dim3A_3389, %mul3A_3399 : vector<16xf32>
    %get3A_3401 = arith.constant 1 : i32
    %get3A_3402 = arith.index_cast %get3A_3401 : i32 to index
    %get3A_3403 = arith.constant 160 : index
    %get3A_3404 = tpu.vector_load %arg8[%get3A_3402, %get3A_3403] {strides = array<i32>} : memref<8x256xf32, #tpu.memory_space<vmem>>, vector<16xf32>,
    %get3A_3405 = arith.constant 1 : i32
    %get3A_3406 = arith.index_cast %get3A_3405 : i32 to index
    %get3A_3407 = arith.constant 160 : index
    %get3A_3408 = tpu.vector_load %arg7[%get3A_3406, %get3A_3407] {strides = array<i32>} : memref<8x256xf32, #tpu.memory_space<vmem>>, vector<16xf32>,
    %mul3A_3409 = arith.mulf %get3A_3404, %gather3A_2449 : vector<16xf32>
    %mul3A_3410 = arith.mulf %mul3A_3409, %get3A_3408 : vector<16xf32>
    %add3A_3411 = arith.addf %add3A_3400, %mul3A_3410 : vector<16xf32>
    %get3A_3412 = arith.constant 2 : i32
    %get3A_3413 = arith.index_cast %get3A_3412 : i32 to index
    %get3A_3414 = arith.constant 160 : index
    %get3A_3415 = tpu.vector_load %arg8[%get3A_3413, %get3A_3414] {strides = array<i32>} : memref<8x256xf32, #tpu.memory_space<vmem>>, vector<16xf32>,
    %get3A_3416 = arith.constant 2 : i32
    %get3A_3417 = arith.index_cast %get3A_3416 : i32 to index
    %get3A_3418 = arith.constant 160 : index
    %get3A_3419 = tpu.vector_load %arg7[%get3A_3417, %get3A_3418] {strides = array<i32>} : memref<8x256xf32, #tpu.memory_space<vmem>>, vector<16xf32>,
    %mul3A_3420 = arith.mulf %get3A_3415, %gather3A_2452 : vector<16xf32>
    %mul3A_3421 = arith.mulf %mul3A_3420, %get3A_3419 : vector<16xf32>
    %add3A_3422 = arith.addf %add3A_3411, %mul3A_3421 : vector<16xf32>
    %get3A_3423 = arith.constant 3 : i32
    %get3A_3424 = arith.index_cast %get3A_3423 : i32 to index
    %get3A_3425 = arith.constant 160 : index
    %get3A_3426 = tpu.vector_load %arg8[%get3A_3424, %get3A_3425] {strides = array<i32>} : memref<8x256xf32, #tpu.memory_space<vmem>>, vector<16xf32>,
    %get3A_3427 = arith.constant 3 : i32
    %get3A_3428 = arith.index_cast %get3A_3427 : i32 to index
    %get3A_3429 = arith.constant 160 : index
    %get3A_3430 = tpu.vector_load %arg7[%get3A_3428, %get3A_3429] {strides = array<i32>} : memref<8x256xf32, #tpu.memory_space<vmem>>, vector<16xf32>,
    %mul3A_3431 = arith.mulf %get3A_3426, %gather3A_2455 : vector<16xf32>
    %mul3A_3432 = arith.mulf %mul3A_3431, %get3A_3430 : vector<16xf32>
    %add3A_3433 = arith.addf %add3A_3422, %mul3A_3432 : vector<16xf32>
    %get3A_3434 = arith.constant 4 : i32
    %get3A_3435 = arith.index_cast %get3A_3434 : i32 to index
    %get3A_3436 = arith.constant 160 : index
    %get3A_3437 = tpu.vector_load %arg8[%get3A_3435, %get3A_3436] {strides = array<i32>} : memref<8x256xf32, #tpu.memory_space<vmem>>, vector<16xf32>,
    %get3A_3438 = arith.constant 4 : i32
    %get3A_3439 = arith.index_cast %get3A_3438 : i32 to index
    %get3A_3440 = arith.constant 160 : index
    %get3A_3441 = tpu.vector_load %arg7[%get3A_3439, %get3A_3440] {strides = array<i32>} : memref<8x256xf32, #tpu.memory_space<vmem>>, vector<16xf32>,
    %mul3A_3442 = arith.mulf %get3A_3437, %gather3A_2458 : vector<16xf32>
    %mul3A_3443 = arith.mulf %mul3A_3442, %get3A_3441 : vector<16xf32>
    %add3A_3444 = arith.addf %add3A_3433, %mul3A_3443 : vector<16xf32>
    %get3A_3445 = arith.constant 5 : i32
    %get3A_3446 = arith.index_cast %get3A_3445 : i32 to index
    %get3A_3447 = arith.constant 160 : index
    %get3A_3448 = tpu.vector_load %arg8[%get3A_3446, %get3A_3447] {strides = array<i32>} : memref<8x256xf32, #tpu.memory_space<vmem>>, vector<16xf32>,
    %get3A_3449 = arith.constant 5 : i32
    %get3A_3450 = arith.index_cast %get3A_3449 : i32 to index
    %get3A_3451 = arith.constant 160 : index
    %get3A_3452 = tpu.vector_load %arg7[%get3A_3450, %get3A_3451] {strides = array<i32>} : memref<8x256xf32, #tpu.memory_space<vmem>>, vector<16xf32>,
    %mul3A_3453 = arith.mulf %get3A_3448, %gather3A_2461 : vector<16xf32>
    %mul3A_3454 = arith.mulf %mul3A_3453, %get3A_3452 : vector<16xf32>
    %add3A_3455 = arith.addf %add3A_3444, %mul3A_3454 : vector<16xf32>
    %get3A_3456 = arith.constant 6 : i32
    %get3A_3457 = arith.index_cast %get3A_3456 : i32 to index
    %get3A_3458 = arith.constant 160 : index
    %get3A_3459 = tpu.vector_load %arg8[%get3A_3457, %get3A_3458] {strides = array<i32>} : memref<8x256xf32, #tpu.memory_space<vmem>>, vector<16xf32>,
    %get3A_3460 = arith.constant 6 : i32
    %get3A_3461 = arith.index_cast %get3A_3460 : i32 to index
    %get3A_3462 = arith.constant 160 : index
    %get3A_3463 = tpu.vector_load %arg7[%get3A_3461, %get3A_3462] {strides = array<i32>} : memref<8x256xf32, #tpu.memory_space<vmem>>, vector<16xf32>,
    %mul3A_3464 = arith.mulf %get3A_3459, %gather3A_2464 : vector<16xf32>
    %mul3A_3465 = arith.mulf %mul3A_3464, %get3A_3463 : vector<16xf32>
    %add3A_3466 = arith.addf %add3A_3455, %mul3A_3465 : vector<16xf32>
    %get3A_3467 = arith.constant 7 : i32
    %get3A_3468 = arith.index_cast %get3A_3467 : i32 to index
    %get3A_3469 = arith.constant 160 : index
    %get3A_3470 = tpu.vector_load %arg8[%get3A_3468, %get3A_3469] {strides = array<i32>} : memref<8x256xf32, #tpu.memory_space<vmem>>, vector<16xf32>,
    %get3A_3471 = arith.constant 7 : i32
    %get3A_3472 = arith.index_cast %get3A_3471 : i32 to index
    %get3A_3473 = arith.constant 160 : index
    %get3A_3474 = tpu.vector_load %arg7[%get3A_3472, %get3A_3473] {strides = array<i32>} : memref<8x256xf32, #tpu.memory_space<vmem>>, vector<16xf32>,
    %mul3A_3475 = arith.mulf %get3A_3470, %gather3A_2467 : vector<16xf32>
    %mul3A_3476 = arith.mulf %mul3A_3475, %get3A_3474 : vector<16xf32>
    %add3A_3477 = arith.addf %add3A_3466, %mul3A_3476 : vector<16xf32>
    %swap3A_3478 = arith.constant 160 : index
    %swap3A_3479 = tpu.vector_load %arg9[%swap3A_3478] {strides = array<i32>} : memref<256xf32, #tpu.memory_space<vmem>>, vector<16xf32>,
    tpu.vector_store %arg9[%swap3A_3478], %add3A_3477 {strides = array<i32>} : memref<256xf32, #tpu.memory_space<vmem>>, vector<16xf32>,
    %broadcast_in_dim3A_3480 = arith.constant 0.000000e+00 : f32
    %broadcast_in_dim3A_3481 = vector.broadcast %broadcast_in_dim3A_3480 : f32 to vector<16xf32>
    %get3A_3482 = arith.constant 0 : i32
    %get3A_3483 = arith.index_cast %get3A_3482 : i32 to index
    %get3A_3484 = arith.constant 176 : index
    %get3A_3485 = tpu.vector_load %arg8[%get3A_3483, %get3A_3484] {strides = array<i32>} : memref<8x256xf32, #tpu.memory_space<vmem>>, vector<16xf32>,
    %get3A_3486 = arith.constant 0 : i32
    %get3A_3487 = arith.index_cast %get3A_3486 : i32 to index
    %get3A_3488 = arith.constant 176 : index
    %get3A_3489 = tpu.vector_load %arg7[%get3A_3487, %get3A_3488] {strides = array<i32>} : memref<8x256xf32, #tpu.memory_space<vmem>>, vector<16xf32>,
    %mul3A_3490 = arith.mulf %get3A_3485, %gather3A_2446 : vector<16xf32>
    %mul3A_3491 = arith.mulf %mul3A_3490, %get3A_3489 : vector<16xf32>
    %add3A_3492 = arith.addf %broadcast_in_dim3A_3481, %mul3A_3491 : vector<16xf32>
    %get3A_3493 = arith.constant 1 : i32
    %get3A_3494 = arith.index_cast %get3A_3493 : i32 to index
    %get3A_3495 = arith.constant 176 : index
    %get3A_3496 = tpu.vector_load %arg8[%get3A_3494, %get3A_3495] {strides = array<i32>} : memref<8x256xf32, #tpu.memory_space<vmem>>, vector<16xf32>,
    %get3A_3497 = arith.constant 1 : i32
    %get3A_3498 = arith.index_cast %get3A_3497 : i32 to index
    %get3A_3499 = arith.constant 176 : index
    %get3A_3500 = tpu.vector_load %arg7[%get3A_3498, %get3A_3499] {strides = array<i32>} : memref<8x256xf32, #tpu.memory_space<vmem>>, vector<16xf32>,
    %mul3A_3501 = arith.mulf %get3A_3496, %gather3A_2449 : vector<16xf32>
    %mul3A_3502 = arith.mulf %mul3A_3501, %get3A_3500 : vector<16xf32>
    %add3A_3503 = arith.addf %add3A_3492, %mul3A_3502 : vector<16xf32>
    %get3A_3504 = arith.constant 2 : i32
    %get3A_3505 = arith.index_cast %get3A_3504 : i32 to index
    %get3A_3506 = arith.constant 176 : index
    %get3A_3507 = tpu.vector_load %arg8[%get3A_3505, %get3A_3506] {strides = array<i32>} : memref<8x256xf32, #tpu.memory_space<vmem>>, vector<16xf32>,
    %get3A_3508 = arith.constant 2 : i32
    %get3A_3509 = arith.index_cast %get3A_3508 : i32 to index
    %get3A_3510 = arith.constant 176 : index
    %get3A_3511 = tpu.vector_load %arg7[%get3A_3509, %get3A_3510] {strides = array<i32>} : memref<8x256xf32, #tpu.memory_space<vmem>>, vector<16xf32>,
    %mul3A_3512 = arith.mulf %get3A_3507, %gather3A_2452 : vector<16xf32>
    %mul3A_3513 = arith.mulf %mul3A_3512, %get3A_3511 : vector<16xf32>
    %add3A_3514 = arith.addf %add3A_3503, %mul3A_3513 : vector<16xf32>
    %get3A_3515 = arith.constant 3 : i32
    %get3A_3516 = arith.index_cast %get3A_3515 : i32 to index
    %get3A_3517 = arith.constant 176 : index
    %get3A_3518 = tpu.vector_load %arg8[%get3A_3516, %get3A_3517] {strides = array<i32>} : memref<8x256xf32, #tpu.memory_space<vmem>>, vector<16xf32>,
    %get3A_3519 = arith.constant 3 : i32
    %get3A_3520 = arith.index_cast %get3A_3519 : i32 to index
    %get3A_3521 = arith.constant 176 : index
    %get3A_3522 = tpu.vector_load %arg7[%get3A_3520, %get3A_3521] {strides = array<i32>} : memref<8x256xf32, #tpu.memory_space<vmem>>, vector<16xf32>,
    %mul3A_3523 = arith.mulf %get3A_3518, %gather3A_2455 : vector<16xf32>
    %mul3A_3524 = arith.mulf %mul3A_3523, %get3A_3522 : vector<16xf32>
    %add3A_3525 = arith.addf %add3A_3514, %mul3A_3524 : vector<16xf32>
    %get3A_3526 = arith.constant 4 : i32
    %get3A_3527 = arith.index_cast %get3A_3526 : i32 to index
    %get3A_3528 = arith.constant 176 : index
    %get3A_3529 = tpu.vector_load %arg8[%get3A_3527, %get3A_3528] {strides = array<i32>} : memref<8x256xf32, #tpu.memory_space<vmem>>, vector<16xf32>,
    %get3A_3530 = arith.constant 4 : i32
    %get3A_3531 = arith.index_cast %get3A_3530 : i32 to index
    %get3A_3532 = arith.constant 176 : index
    %get3A_3533 = tpu.vector_load %arg7[%get3A_3531, %get3A_3532] {strides = array<i32>} : memref<8x256xf32, #tpu.memory_space<vmem>>, vector<16xf32>,
    %mul3A_3534 = arith.mulf %get3A_3529, %gather3A_2458 : vector<16xf32>
    %mul3A_3535 = arith.mulf %mul3A_3534, %get3A_3533 : vector<16xf32>
    %add3A_3536 = arith.addf %add3A_3525, %mul3A_3535 : vector<16xf32>
    %get3A_3537 = arith.constant 5 : i32
    %get3A_3538 = arith.index_cast %get3A_3537 : i32 to index
    %get3A_3539 = arith.constant 176 : index
    %get3A_3540 = tpu.vector_load %arg8[%get3A_3538, %get3A_3539] {strides = array<i32>} : memref<8x256xf32, #tpu.memory_space<vmem>>, vector<16xf32>,
    %get3A_3541 = arith.constant 5 : i32
    %get3A_3542 = arith.index_cast %get3A_3541 : i32 to index
    %get3A_3543 = arith.constant 176 : index
    %get3A_3544 = tpu.vector_load %arg7[%get3A_3542, %get3A_3543] {strides = array<i32>} : memref<8x256xf32, #tpu.memory_space<vmem>>, vector<16xf32>,
    %mul3A_3545 = arith.mulf %get3A_3540, %gather3A_2461 : vector<16xf32>
    %mul3A_3546 = arith.mulf %mul3A_3545, %get3A_3544 : vector<16xf32>
    %add3A_3547 = arith.addf %add3A_3536, %mul3A_3546 : vector<16xf32>
    %get3A_3548 = arith.constant 6 : i32
    %get3A_3549 = arith.index_cast %get3A_3548 : i32 to index
    %get3A_3550 = arith.constant 176 : index
    %get3A_3551 = tpu.vector_load %arg8[%get3A_3549, %get3A_3550] {strides = array<i32>} : memref<8x256xf32, #tpu.memory_space<vmem>>, vector<16xf32>,
    %get3A_3552 = arith.constant 6 : i32
    %get3A_3553 = arith.index_cast %get3A_3552 : i32 to index
    %get3A_3554 = arith.constant 176 : index
    %get3A_3555 = tpu.vector_load %arg7[%get3A_3553, %get3A_3554] {strides = array<i32>} : memref<8x256xf32, #tpu.memory_space<vmem>>, vector<16xf32>,
    %mul3A_3556 = arith.mulf %get3A_3551, %gather3A_2464 : vector<16xf32>
    %mul3A_3557 = arith.mulf %mul3A_3556, %get3A_3555 : vector<16xf32>
    %add3A_3558 = arith.addf %add3A_3547, %mul3A_3557 : vector<16xf32>
    %get3A_3559 = arith.constant 7 : i32
    %get3A_3560 = arith.index_cast %get3A_3559 : i32 to index
    %get3A_3561 = arith.constant 176 : index
    %get3A_3562 = tpu.vector_load %arg8[%get3A_3560, %get3A_3561] {strides = array<i32>} : memref<8x256xf32, #tpu.memory_space<vmem>>, vector<16xf32>,
    %get3A_3563 = arith.constant 7 : i32
    %get3A_3564 = arith.index_cast %get3A_3563 : i32 to index
    %get3A_3565 = arith.constant 176 : index
    %get3A_3566 = tpu.vector_load %arg7[%get3A_3564, %get3A_3565] {strides = array<i32>} : memref<8x256xf32, #tpu.memory_space<vmem>>, vector<16xf32>,
    %mul3A_3567 = arith.mulf %get3A_3562, %gather3A_2467 : vector<16xf32>
    %mul3A_3568 = arith.mulf %mul3A_3567, %get3A_3566 : vector<16xf32>
    %add3A_3569 = arith.addf %add3A_3558, %mul3A_3568 : vector<16xf32>
    %swap3A_3570 = arith.constant 176 : index
    %swap3A_3571 = tpu.vector_load %arg9[%swap3A_3570] {strides = array<i32>} : memref<256xf32, #tpu.memory_space<vmem>>, vector<16xf32>,
    tpu.vector_store %arg9[%swap3A_3570], %add3A_3569 {strides = array<i32>} : memref<256xf32, #tpu.memory_space<vmem>>, vector<16xf32>,
    %broadcast_in_dim3A_3572 = arith.constant 0.000000e+00 : f32
    %broadcast_in_dim3A_3573 = vector.broadcast %broadcast_in_dim3A_3572 : f32 to vector<16xf32>
    %get3A_3574 = arith.constant 0 : i32
    %get3A_3575 = arith.index_cast %get3A_3574 : i32 to index
    %get3A_3576 = arith.constant 192 : index
    %get3A_3577 = tpu.vector_load %arg8[%get3A_3575, %get3A_3576] {strides = array<i32>} : memref<8x256xf32, #tpu.memory_space<vmem>>, vector<16xf32>,
    %get3A_3578 = arith.constant 0 : i32
    %get3A_3579 = arith.index_cast %get3A_3578 : i32 to index
    %get3A_3580 = arith.constant 192 : index
    %get3A_3581 = tpu.vector_load %arg7[%get3A_3579, %get3A_3580] {strides = array<i32>} : memref<8x256xf32, #tpu.memory_space<vmem>>, vector<16xf32>,
    %mul3A_3582 = arith.mulf %get3A_3577, %gather3A_2446 : vector<16xf32>
    %mul3A_3583 = arith.mulf %mul3A_3582, %get3A_3581 : vector<16xf32>
    %add3A_3584 = arith.addf %broadcast_in_dim3A_3573, %mul3A_3583 : vector<16xf32>
    %get3A_3585 = arith.constant 1 : i32
    %get3A_3586 = arith.index_cast %get3A_3585 : i32 to index
    %get3A_3587 = arith.constant 192 : index
    %get3A_3588 = tpu.vector_load %arg8[%get3A_3586, %get3A_3587] {strides = array<i32>} : memref<8x256xf32, #tpu.memory_space<vmem>>, vector<16xf32>,
    %get3A_3589 = arith.constant 1 : i32
    %get3A_3590 = arith.index_cast %get3A_3589 : i32 to index
    %get3A_3591 = arith.constant 192 : index
    %get3A_3592 = tpu.vector_load %arg7[%get3A_3590, %get3A_3591] {strides = array<i32>} : memref<8x256xf32, #tpu.memory_space<vmem>>, vector<16xf32>,
    %mul3A_3593 = arith.mulf %get3A_3588, %gather3A_2449 : vector<16xf32>
    %mul3A_3594 = arith.mulf %mul3A_3593, %get3A_3592 : vector<16xf32>
    %add3A_3595 = arith.addf %add3A_3584, %mul3A_3594 : vector<16xf32>
    %get3A_3596 = arith.constant 2 : i32
    %get3A_3597 = arith.index_cast %get3A_3596 : i32 to index
    %get3A_3598 = arith.constant 192 : index
    %get3A_3599 = tpu.vector_load %arg8[%get3A_3597, %get3A_3598] {strides = array<i32>} : memref<8x256xf32, #tpu.memory_space<vmem>>, vector<16xf32>,
    %get3A_3600 = arith.constant 2 : i32
    %get3A_3601 = arith.index_cast %get3A_3600 : i32 to index
    %get3A_3602 = arith.constant 192 : index
    %get3A_3603 = tpu.vector_load %arg7[%get3A_3601, %get3A_3602] {strides = array<i32>} : memref<8x256xf32, #tpu.memory_space<vmem>>, vector<16xf32>,
    %mul3A_3604 = arith.mulf %get3A_3599, %gather3A_2452 : vector<16xf32>
    %mul3A_3605 = arith.mulf %mul3A_3604, %get3A_3603 : vector<16xf32>
    %add3A_3606 = arith.addf %add3A_3595, %mul3A_3605 : vector<16xf32>
    %get3A_3607 = arith.constant 3 : i32
    %get3A_3608 = arith.index_cast %get3A_3607 : i32 to index
    %get3A_3609 = arith.constant 192 : index
    %get3A_3610 = tpu.vector_load %arg8[%get3A_3608, %get3A_3609] {strides = array<i32>} : memref<8x256xf32, #tpu.memory_space<vmem>>, vector<16xf32>,
    %get3A_3611 = arith.constant 3 : i32
    %get3A_3612 = arith.index_cast %get3A_3611 : i32 to index
    %get3A_3613 = arith.constant 192 : index
    %get3A_3614 = tpu.vector_load %arg7[%get3A_3612, %get3A_3613] {strides = array<i32>} : memref<8x256xf32, #tpu.memory_space<vmem>>, vector<16xf32>,
    %mul3A_3615 = arith.mulf %get3A_3610, %gather3A_2455 : vector<16xf32>
    %mul3A_3616 = arith.mulf %mul3A_3615, %get3A_3614 : vector<16xf32>
    %add3A_3617 = arith.addf %add3A_3606, %mul3A_3616 : vector<16xf32>
    %get3A_3618 = arith.constant 4 : i32
    %get3A_3619 = arith.index_cast %get3A_3618 : i32 to index
    %get3A_3620 = arith.constant 192 : index
    %get3A_3621 = tpu.vector_load %arg8[%get3A_3619, %get3A_3620] {strides = array<i32>} : memref<8x256xf32, #tpu.memory_space<vmem>>, vector<16xf32>,
    %get3A_3622 = arith.constant 4 : i32
    %get3A_3623 = arith.index_cast %get3A_3622 : i32 to index
    %get3A_3624 = arith.constant 192 : index
    %get3A_3625 = tpu.vector_load %arg7[%get3A_3623, %get3A_3624] {strides = array<i32>} : memref<8x256xf32, #tpu.memory_space<vmem>>, vector<16xf32>,
    %mul3A_3626 = arith.mulf %get3A_3621, %gather3A_2458 : vector<16xf32>
    %mul3A_3627 = arith.mulf %mul3A_3626, %get3A_3625 : vector<16xf32>
    %add3A_3628 = arith.addf %add3A_3617, %mul3A_3627 : vector<16xf32>
    %get3A_3629 = arith.constant 5 : i32
    %get3A_3630 = arith.index_cast %get3A_3629 : i32 to index
    %get3A_3631 = arith.constant 192 : index
    %get3A_3632 = tpu.vector_load %arg8[%get3A_3630, %get3A_3631] {strides = array<i32>} : memref<8x256xf32, #tpu.memory_space<vmem>>, vector<16xf32>,
    %get3A_3633 = arith.constant 5 : i32
    %get3A_3634 = arith.index_cast %get3A_3633 : i32 to index
    %get3A_3635 = arith.constant 192 : index
    %get3A_3636 = tpu.vector_load %arg7[%get3A_3634, %get3A_3635] {strides = array<i32>} : memref<8x256xf32, #tpu.memory_space<vmem>>, vector<16xf32>,
    %mul3A_3637 = arith.mulf %get3A_3632, %gather3A_2461 : vector<16xf32>
    %mul3A_3638 = arith.mulf %mul3A_3637, %get3A_3636 : vector<16xf32>
    %add3A_3639 = arith.addf %add3A_3628, %mul3A_3638 : vector<16xf32>
    %get3A_3640 = arith.constant 6 : i32
    %get3A_3641 = arith.index_cast %get3A_3640 : i32 to index
    %get3A_3642 = arith.constant 192 : index
    %get3A_3643 = tpu.vector_load %arg8[%get3A_3641, %get3A_3642] {strides = array<i32>} : memref<8x256xf32, #tpu.memory_space<vmem>>, vector<16xf32>,
    %get3A_3644 = arith.constant 6 : i32
    %get3A_3645 = arith.index_cast %get3A_3644 : i32 to index
    %get3A_3646 = arith.constant 192 : index
    %get3A_3647 = tpu.vector_load %arg7[%get3A_3645, %get3A_3646] {strides = array<i32>} : memref<8x256xf32, #tpu.memory_space<vmem>>, vector<16xf32>,
    %mul3A_3648 = arith.mulf %get3A_3643, %gather3A_2464 : vector<16xf32>
    %mul3A_3649 = arith.mulf %mul3A_3648, %get3A_3647 : vector<16xf32>
    %add3A_3650 = arith.addf %add3A_3639, %mul3A_3649 : vector<16xf32>
    %get3A_3651 = arith.constant 7 : i32
    %get3A_3652 = arith.index_cast %get3A_3651 : i32 to index
    %get3A_3653 = arith.constant 192 : index
    %get3A_3654 = tpu.vector_load %arg8[%get3A_3652, %get3A_3653] {strides = array<i32>} : memref<8x256xf32, #tpu.memory_space<vmem>>, vector<16xf32>,
    %get3A_3655 = arith.constant 7 : i32
    %get3A_3656 = arith.index_cast %get3A_3655 : i32 to index
    %get3A_3657 = arith.constant 192 : index
    %get3A_3658 = tpu.vector_load %arg7[%get3A_3656, %get3A_3657] {strides = array<i32>} : memref<8x256xf32, #tpu.memory_space<vmem>>, vector<16xf32>,
    %mul3A_3659 = arith.mulf %get3A_3654, %gather3A_2467 : vector<16xf32>
    %mul3A_3660 = arith.mulf %mul3A_3659, %get3A_3658 : vector<16xf32>
    %add3A_3661 = arith.addf %add3A_3650, %mul3A_3660 : vector<16xf32>
    %swap3A_3662 = arith.constant 192 : index
    %swap3A_3663 = tpu.vector_load %arg9[%swap3A_3662] {strides = array<i32>} : memref<256xf32, #tpu.memory_space<vmem>>, vector<16xf32>,
    tpu.vector_store %arg9[%swap3A_3662], %add3A_3661 {strides = array<i32>} : memref<256xf32, #tpu.memory_space<vmem>>, vector<16xf32>,
    %broadcast_in_dim3A_3664 = arith.constant 0.000000e+00 : f32
    %broadcast_in_dim3A_3665 = vector.broadcast %broadcast_in_dim3A_3664 : f32 to vector<16xf32>
    %get3A_3666 = arith.constant 0 : i32
    %get3A_3667 = arith.index_cast %get3A_3666 : i32 to index
    %get3A_3668 = arith.constant 208 : index
    %get3A_3669 = tpu.vector_load %arg8[%get3A_3667, %get3A_3668] {strides = array<i32>} : memref<8x256xf32, #tpu.memory_space<vmem>>, vector<16xf32>,
    %get3A_3670 = arith.constant 0 : i32
    %get3A_3671 = arith.index_cast %get3A_3670 : i32 to index
    %get3A_3672 = arith.constant 208 : index
    %get3A_3673 = tpu.vector_load %arg7[%get3A_3671, %get3A_3672] {strides = array<i32>} : memref<8x256xf32, #tpu.memory_space<vmem>>, vector<16xf32>,
    %mul3A_3674 = arith.mulf %get3A_3669, %gather3A_2446 : vector<16xf32>
    %mul3A_3675 = arith.mulf %mul3A_3674, %get3A_3673 : vector<16xf32>
    %add3A_3676 = arith.addf %broadcast_in_dim3A_3665, %mul3A_3675 : vector<16xf32>
    %get3A_3677 = arith.constant 1 : i32
    %get3A_3678 = arith.index_cast %get3A_3677 : i32 to index
    %get3A_3679 = arith.constant 208 : index
    %get3A_3680 = tpu.vector_load %arg8[%get3A_3678, %get3A_3679] {strides = array<i32>} : memref<8x256xf32, #tpu.memory_space<vmem>>, vector<16xf32>,
    %get3A_3681 = arith.constant 1 : i32
    %get3A_3682 = arith.index_cast %get3A_3681 : i32 to index
    %get3A_3683 = arith.constant 208 : index
    %get3A_3684 = tpu.vector_load %arg7[%get3A_3682, %get3A_3683] {strides = array<i32>} : memref<8x256xf32, #tpu.memory_space<vmem>>, vector<16xf32>,
    %mul3A_3685 = arith.mulf %get3A_3680, %gather3A_2449 : vector<16xf32>
    %mul3A_3686 = arith.mulf %mul3A_3685, %get3A_3684 : vector<16xf32>
    %add3A_3687 = arith.addf %add3A_3676, %mul3A_3686 : vector<16xf32>
    %get3A_3688 = arith.constant 2 : i32
    %get3A_3689 = arith.index_cast %get3A_3688 : i32 to index
    %get3A_3690 = arith.constant 208 : index
    %get3A_3691 = tpu.vector_load %arg8[%get3A_3689, %get3A_3690] {strides = array<i32>} : memref<8x256xf32, #tpu.memory_space<vmem>>, vector<16xf32>,
    %get3A_3692 = arith.constant 2 : i32
    %get3A_3693 = arith.index_cast %get3A_3692 : i32 to index
    %get3A_3694 = arith.constant 208 : index
    %get3A_3695 = tpu.vector_load %arg7[%get3A_3693, %get3A_3694] {strides = array<i32>} : memref<8x256xf32, #tpu.memory_space<vmem>>, vector<16xf32>,
    %mul3A_3696 = arith.mulf %get3A_3691, %gather3A_2452 : vector<16xf32>
    %mul3A_3697 = arith.mulf %mul3A_3696, %get3A_3695 : vector<16xf32>
    %add3A_3698 = arith.addf %add3A_3687, %mul3A_3697 : vector<16xf32>
    %get3A_3699 = arith.constant 3 : i32
    %get3A_3700 = arith.index_cast %get3A_3699 : i32 to index
    %get3A_3701 = arith.constant 208 : index
    %get3A_3702 = tpu.vector_load %arg8[%get3A_3700, %get3A_3701] {strides = array<i32>} : memref<8x256xf32, #tpu.memory_space<vmem>>, vector<16xf32>,
    %get3A_3703 = arith.constant 3 : i32
    %get3A_3704 = arith.index_cast %get3A_3703 : i32 to index
    %get3A_3705 = arith.constant 208 : index
    %get3A_3706 = tpu.vector_load %arg7[%get3A_3704, %get3A_3705] {strides = array<i32>} : memref<8x256xf32, #tpu.memory_space<vmem>>, vector<16xf32>,
    %mul3A_3707 = arith.mulf %get3A_3702, %gather3A_2455 : vector<16xf32>
    %mul3A_3708 = arith.mulf %mul3A_3707, %get3A_3706 : vector<16xf32>
    %add3A_3709 = arith.addf %add3A_3698, %mul3A_3708 : vector<16xf32>
    %get3A_3710 = arith.constant 4 : i32
    %get3A_3711 = arith.index_cast %get3A_3710 : i32 to index
    %get3A_3712 = arith.constant 208 : index
    %get3A_3713 = tpu.vector_load %arg8[%get3A_3711, %get3A_3712] {strides = array<i32>} : memref<8x256xf32, #tpu.memory_space<vmem>>, vector<16xf32>,
    %get3A_3714 = arith.constant 4 : i32
    %get3A_3715 = arith.index_cast %get3A_3714 : i32 to index
    %get3A_3716 = arith.constant 208 : index
    %get3A_3717 = tpu.vector_load %arg7[%get3A_3715, %get3A_3716] {strides = array<i32>} : memref<8x256xf32, #tpu.memory_space<vmem>>, vector<16xf32>,
    %mul3A_3718 = arith.mulf %get3A_3713, %gather3A_2458 : vector<16xf32>
    %mul3A_3719 = arith.mulf %mul3A_3718, %get3A_3717 : vector<16xf32>
    %add3A_3720 = arith.addf %add3A_3709, %mul3A_3719 : vector<16xf32>
    %get3A_3721 = arith.constant 5 : i32
    %get3A_3722 = arith.index_cast %get3A_3721 : i32 to index
    %get3A_3723 = arith.constant 208 : index
    %get3A_3724 = tpu.vector_load %arg8[%get3A_3722, %get3A_3723] {strides = array<i32>} : memref<8x256xf32, #tpu.memory_space<vmem>>, vector<16xf32>,
    %get3A_3725 = arith.constant 5 : i32
    %get3A_3726 = arith.index_cast %get3A_3725 : i32 to index
    %get3A_3727 = arith.constant 208 : index
    %get3A_3728 = tpu.vector_load %arg7[%get3A_3726, %get3A_3727] {strides = array<i32>} : memref<8x256xf32, #tpu.memory_space<vmem>>, vector<16xf32>,
    %mul3A_3729 = arith.mulf %get3A_3724, %gather3A_2461 : vector<16xf32>
    %mul3A_3730 = arith.mulf %mul3A_3729, %get3A_3728 : vector<16xf32>
    %add3A_3731 = arith.addf %add3A_3720, %mul3A_3730 : vector<16xf32>
    %get3A_3732 = arith.constant 6 : i32
    %get3A_3733 = arith.index_cast %get3A_3732 : i32 to index
    %get3A_3734 = arith.constant 208 : index
    %get3A_3735 = tpu.vector_load %arg8[%get3A_3733, %get3A_3734] {strides = array<i32>} : memref<8x256xf32, #tpu.memory_space<vmem>>, vector<16xf32>,
    %get3A_3736 = arith.constant 6 : i32
    %get3A_3737 = arith.index_cast %get3A_3736 : i32 to index
    %get3A_3738 = arith.constant 208 : index
    %get3A_3739 = tpu.vector_load %arg7[%get3A_3737, %get3A_3738] {strides = array<i32>} : memref<8x256xf32, #tpu.memory_space<vmem>>, vector<16xf32>,
    %mul3A_3740 = arith.mulf %get3A_3735, %gather3A_2464 : vector<16xf32>
    %mul3A_3741 = arith.mulf %mul3A_3740, %get3A_3739 : vector<16xf32>
    %add3A_3742 = arith.addf %add3A_3731, %mul3A_3741 : vector<16xf32>
    %get3A_3743 = arith.constant 7 : i32
    %get3A_3744 = arith.index_cast %get3A_3743 : i32 to index
    %get3A_3745 = arith.constant 208 : index
    %get3A_3746 = tpu.vector_load %arg8[%get3A_3744, %get3A_3745] {strides = array<i32>} : memref<8x256xf32, #tpu.memory_space<vmem>>, vector<16xf32>,
    %get3A_3747 = arith.constant 7 : i32
    %get3A_3748 = arith.index_cast %get3A_3747 : i32 to index
    %get3A_3749 = arith.constant 208 : index
    %get3A_3750 = tpu.vector_load %arg7[%get3A_3748, %get3A_3749] {strides = array<i32>} : memref<8x256xf32, #tpu.memory_space<vmem>>, vector<16xf32>,
    %mul3A_3751 = arith.mulf %get3A_3746, %gather3A_2467 : vector<16xf32>
    %mul3A_3752 = arith.mulf %mul3A_3751, %get3A_3750 : vector<16xf32>
    %add3A_3753 = arith.addf %add3A_3742, %mul3A_3752 : vector<16xf32>
    %swap3A_3754 = arith.constant 208 : index
    %swap3A_3755 = tpu.vector_load %arg9[%swap3A_3754] {strides = array<i32>} : memref<256xf32, #tpu.memory_space<vmem>>, vector<16xf32>,
    tpu.vector_store %arg9[%swap3A_3754], %add3A_3753 {strides = array<i32>} : memref<256xf32, #tpu.memory_space<vmem>>, vector<16xf32>,
    %broadcast_in_dim3A_3756 = arith.constant 0.000000e+00 : f32
    %broadcast_in_dim3A_3757 = vector.broadcast %broadcast_in_dim3A_3756 : f32 to vector<16xf32>
    %get3A_3758 = arith.constant 0 : i32
    %get3A_3759 = arith.index_cast %get3A_3758 : i32 to index
    %get3A_3760 = arith.constant 224 : index
    %get3A_3761 = tpu.vector_load %arg8[%get3A_3759, %get3A_3760] {strides = array<i32>} : memref<8x256xf32, #tpu.memory_space<vmem>>, vector<16xf32>,
    %get3A_3762 = arith.constant 0 : i32
    %get3A_3763 = arith.index_cast %get3A_3762 : i32 to index
    %get3A_3764 = arith.constant 224 : index
    %get3A_3765 = tpu.vector_load %arg7[%get3A_3763, %get3A_3764] {strides = array<i32>} : memref<8x256xf32, #tpu.memory_space<vmem>>, vector<16xf32>,
    %mul3A_3766 = arith.mulf %get3A_3761, %gather3A_2446 : vector<16xf32>
    %mul3A_3767 = arith.mulf %mul3A_3766, %get3A_3765 : vector<16xf32>
    %add3A_3768 = arith.addf %broadcast_in_dim3A_3757, %mul3A_3767 : vector<16xf32>
    %get3A_3769 = arith.constant 1 : i32
    %get3A_3770 = arith.index_cast %get3A_3769 : i32 to index
    %get3A_3771 = arith.constant 224 : index
    %get3A_3772 = tpu.vector_load %arg8[%get3A_3770, %get3A_3771] {strides = array<i32>} : memref<8x256xf32, #tpu.memory_space<vmem>>, vector<16xf32>,
    %get3A_3773 = arith.constant 1 : i32
    %get3A_3774 = arith.index_cast %get3A_3773 : i32 to index
    %get3A_3775 = arith.constant 224 : index
    %get3A_3776 = tpu.vector_load %arg7[%get3A_3774, %get3A_3775] {strides = array<i32>} : memref<8x256xf32, #tpu.memory_space<vmem>>, vector<16xf32>,
    %mul3A_3777 = arith.mulf %get3A_3772, %gather3A_2449 : vector<16xf32>
    %mul3A_3778 = arith.mulf %mul3A_3777, %get3A_3776 : vector<16xf32>
    %add3A_3779 = arith.addf %add3A_3768, %mul3A_3778 : vector<16xf32>
    %get3A_3780 = arith.constant 2 : i32
    %get3A_3781 = arith.index_cast %get3A_3780 : i32 to index
    %get3A_3782 = arith.constant 224 : index
    %get3A_3783 = tpu.vector_load %arg8[%get3A_3781, %get3A_3782] {strides = array<i32>} : memref<8x256xf32, #tpu.memory_space<vmem>>, vector<16xf32>,
    %get3A_3784 = arith.constant 2 : i32
    %get3A_3785 = arith.index_cast %get3A_3784 : i32 to index
    %get3A_3786 = arith.constant 224 : index
    %get3A_3787 = tpu.vector_load %arg7[%get3A_3785, %get3A_3786] {strides = array<i32>} : memref<8x256xf32, #tpu.memory_space<vmem>>, vector<16xf32>,
    %mul3A_3788 = arith.mulf %get3A_3783, %gather3A_2452 : vector<16xf32>
    %mul3A_3789 = arith.mulf %mul3A_3788, %get3A_3787 : vector<16xf32>
    %add3A_3790 = arith.addf %add3A_3779, %mul3A_3789 : vector<16xf32>
    %get3A_3791 = arith.constant 3 : i32
    %get3A_3792 = arith.index_cast %get3A_3791 : i32 to index
    %get3A_3793 = arith.constant 224 : index
    %get3A_3794 = tpu.vector_load %arg8[%get3A_3792, %get3A_3793] {strides = array<i32>} : memref<8x256xf32, #tpu.memory_space<vmem>>, vector<16xf32>,
    %get3A_3795 = arith.constant 3 : i32
    %get3A_3796 = arith.index_cast %get3A_3795 : i32 to index
    %get3A_3797 = arith.constant 224 : index
    %get3A_3798 = tpu.vector_load %arg7[%get3A_3796, %get3A_3797] {strides = array<i32>} : memref<8x256xf32, #tpu.memory_space<vmem>>, vector<16xf32>,
    %mul3A_3799 = arith.mulf %get3A_3794, %gather3A_2455 : vector<16xf32>
    %mul3A_3800 = arith.mulf %mul3A_3799, %get3A_3798 : vector<16xf32>
    %add3A_3801 = arith.addf %add3A_3790, %mul3A_3800 : vector<16xf32>
    %get3A_3802 = arith.constant 4 : i32
    %get3A_3803 = arith.index_cast %get3A_3802 : i32 to index
    %get3A_3804 = arith.constant 224 : index
    %get3A_3805 = tpu.vector_load %arg8[%get3A_3803, %get3A_3804] {strides = array<i32>} : memref<8x256xf32, #tpu.memory_space<vmem>>, vector<16xf32>,
    %get3A_3806 = arith.constant 4 : i32
    %get3A_3807 = arith.index_cast %get3A_3806 : i32 to index
    %get3A_3808 = arith.constant 224 : index
    %get3A_3809 = tpu.vector_load %arg7[%get3A_3807, %get3A_3808] {strides = array<i32>} : memref<8x256xf32, #tpu.memory_space<vmem>>, vector<16xf32>,
    %mul3A_3810 = arith.mulf %get3A_3805, %gather3A_2458 : vector<16xf32>
    %mul3A_3811 = arith.mulf %mul3A_3810, %get3A_3809 : vector<16xf32>
    %add3A_3812 = arith.addf %add3A_3801, %mul3A_3811 : vector<16xf32>
    %get3A_3813 = arith.constant 5 : i32
    %get3A_3814 = arith.index_cast %get3A_3813 : i32 to index
    %get3A_3815 = arith.constant 224 : index
    %get3A_3816 = tpu.vector_load %arg8[%get3A_3814, %get3A_3815] {strides = array<i32>} : memref<8x256xf32, #tpu.memory_space<vmem>>, vector<16xf32>,
    %get3A_3817 = arith.constant 5 : i32
    %get3A_3818 = arith.index_cast %get3A_3817 : i32 to index
    %get3A_3819 = arith.constant 224 : index
    %get3A_3820 = tpu.vector_load %arg7[%get3A_3818, %get3A_3819] {strides = array<i32>} : memref<8x256xf32, #tpu.memory_space<vmem>>, vector<16xf32>,
    %mul3A_3821 = arith.mulf %get3A_3816, %gather3A_2461 : vector<16xf32>
    %mul3A_3822 = arith.mulf %mul3A_3821, %get3A_3820 : vector<16xf32>
    %add3A_3823 = arith.addf %add3A_3812, %mul3A_3822 : vector<16xf32>
    %get3A_3824 = arith.constant 6 : i32
    %get3A_3825 = arith.index_cast %get3A_3824 : i32 to index
    %get3A_3826 = arith.constant 224 : index
    %get3A_3827 = tpu.vector_load %arg8[%get3A_3825, %get3A_3826] {strides = array<i32>} : memref<8x256xf32, #tpu.memory_space<vmem>>, vector<16xf32>,
    %get3A_3828 = arith.constant 6 : i32
    %get3A_3829 = arith.index_cast %get3A_3828 : i32 to index
    %get3A_3830 = arith.constant 224 : index
    %get3A_3831 = tpu.vector_load %arg7[%get3A_3829, %get3A_3830] {strides = array<i32>} : memref<8x256xf32, #tpu.memory_space<vmem>>, vector<16xf32>,
    %mul3A_3832 = arith.mulf %get3A_3827, %gather3A_2464 : vector<16xf32>
    %mul3A_3833 = arith.mulf %mul3A_3832, %get3A_3831 : vector<16xf32>
    %add3A_3834 = arith.addf %add3A_3823, %mul3A_3833 : vector<16xf32>
    %get3A_3835 = arith.constant 7 : i32
    %get3A_3836 = arith.index_cast %get3A_3835 : i32 to index
    %get3A_3837 = arith.constant 224 : index
    %get3A_3838 = tpu.vector_load %arg8[%get3A_3836, %get3A_3837] {strides = array<i32>} : memref<8x256xf32, #tpu.memory_space<vmem>>, vector<16xf32>,
    %get3A_3839 = arith.constant 7 : i32
    %get3A_3840 = arith.index_cast %get3A_3839 : i32 to index
    %get3A_3841 = arith.constant 224 : index
    %get3A_3842 = tpu.vector_load %arg7[%get3A_3840, %get3A_3841] {strides = array<i32>} : memref<8x256xf32, #tpu.memory_space<vmem>>, vector<16xf32>,
    %mul3A_3843 = arith.mulf %get3A_3838, %gather3A_2467 : vector<16xf32>
    %mul3A_3844 = arith.mulf %mul3A_3843, %get3A_3842 : vector<16xf32>
    %add3A_3845 = arith.addf %add3A_3834, %mul3A_3844 : vector<16xf32>
    %swap3A_3846 = arith.constant 224 : index
    %swap3A_3847 = tpu.vector_load %arg9[%swap3A_3846] {strides = array<i32>} : memref<256xf32, #tpu.memory_space<vmem>>, vector<16xf32>,
    tpu.vector_store %arg9[%swap3A_3846], %add3A_3845 {strides = array<i32>} : memref<256xf32, #tpu.memory_space<vmem>>, vector<16xf32>,
    %broadcast_in_dim3A_3848 = arith.constant 0.000000e+00 : f32
    %broadcast_in_dim3A_3849 = vector.broadcast %broadcast_in_dim3A_3848 : f32 to vector<16xf32>
    %get3A_3850 = arith.constant 0 : i32
    %get3A_3851 = arith.index_cast %get3A_3850 : i32 to index
    %get3A_3852 = arith.constant 240 : index
    %get3A_3853 = tpu.vector_load %arg8[%get3A_3851, %get3A_3852] {strides = array<i32>} : memref<8x256xf32, #tpu.memory_space<vmem>>, vector<16xf32>,
    %get3A_3854 = arith.constant 0 : i32
    %get3A_3855 = arith.index_cast %get3A_3854 : i32 to index
    %get3A_3856 = arith.constant 240 : index
    %get3A_3857 = tpu.vector_load %arg7[%get3A_3855, %get3A_3856] {strides = array<i32>} : memref<8x256xf32, #tpu.memory_space<vmem>>, vector<16xf32>,
    %mul3A_3858 = arith.mulf %get3A_3853, %gather3A_2446 : vector<16xf32>
    %mul3A_3859 = arith.mulf %mul3A_3858, %get3A_3857 : vector<16xf32>
    %add3A_3860 = arith.addf %broadcast_in_dim3A_3849, %mul3A_3859 : vector<16xf32>
    %get3A_3861 = arith.constant 1 : i32
    %get3A_3862 = arith.index_cast %get3A_3861 : i32 to index
    %get3A_3863 = arith.constant 240 : index
    %get3A_3864 = tpu.vector_load %arg8[%get3A_3862, %get3A_3863] {strides = array<i32>} : memref<8x256xf32, #tpu.memory_space<vmem>>, vector<16xf32>,
    %get3A_3865 = arith.constant 1 : i32
    %get3A_3866 = arith.index_cast %get3A_3865 : i32 to index
    %get3A_3867 = arith.constant 240 : index
    %get3A_3868 = tpu.vector_load %arg7[%get3A_3866, %get3A_3867] {strides = array<i32>} : memref<8x256xf32, #tpu.memory_space<vmem>>, vector<16xf32>,
    %mul3A_3869 = arith.mulf %get3A_3864, %gather3A_2449 : vector<16xf32>
    %mul3A_3870 = arith.mulf %mul3A_3869, %get3A_3868 : vector<16xf32>
    %add3A_3871 = arith.addf %add3A_3860, %mul3A_3870 : vector<16xf32>
    %get3A_3872 = arith.constant 2 : i32
    %get3A_3873 = arith.index_cast %get3A_3872 : i32 to index
    %get3A_3874 = arith.constant 240 : index
    %get3A_3875 = tpu.vector_load %arg8[%get3A_3873, %get3A_3874] {strides = array<i32>} : memref<8x256xf32, #tpu.memory_space<vmem>>, vector<16xf32>,
    %get3A_3876 = arith.constant 2 : i32
    %get3A_3877 = arith.index_cast %get3A_3876 : i32 to index
    %get3A_3878 = arith.constant 240 : index
    %get3A_3879 = tpu.vector_load %arg7[%get3A_3877, %get3A_3878] {strides = array<i32>} : memref<8x256xf32, #tpu.memory_space<vmem>>, vector<16xf32>,
    %mul3A_3880 = arith.mulf %get3A_3875, %gather3A_2452 : vector<16xf32>
    %mul3A_3881 = arith.mulf %mul3A_3880, %get3A_3879 : vector<16xf32>
    %add3A_3882 = arith.addf %add3A_3871, %mul3A_3881 : vector<16xf32>
    %get3A_3883 = arith.constant 3 : i32
    %get3A_3884 = arith.index_cast %get3A_3883 : i32 to index
    %get3A_3885 = arith.constant 240 : index
    %get3A_3886 = tpu.vector_load %arg8[%get3A_3884, %get3A_3885] {strides = array<i32>} : memref<8x256xf32, #tpu.memory_space<vmem>>, vector<16xf32>,
    %get3A_3887 = arith.constant 3 : i32
    %get3A_3888 = arith.index_cast %get3A_3887 : i32 to index
    %get3A_3889 = arith.constant 240 : index
    %get3A_3890 = tpu.vector_load %arg7[%get3A_3888, %get3A_3889] {strides = array<i32>} : memref<8x256xf32, #tpu.memory_space<vmem>>, vector<16xf32>,
    %mul3A_3891 = arith.mulf %get3A_3886, %gather3A_2455 : vector<16xf32>
    %mul3A_3892 = arith.mulf %mul3A_3891, %get3A_3890 : vector<16xf32>
    %add3A_3893 = arith.addf %add3A_3882, %mul3A_3892 : vector<16xf32>
    %get3A_3894 = arith.constant 4 : i32
    %get3A_3895 = arith.index_cast %get3A_3894 : i32 to index
    %get3A_3896 = arith.constant 240 : index
    %get3A_3897 = tpu.vector_load %arg8[%get3A_3895, %get3A_3896] {strides = array<i32>} : memref<8x256xf32, #tpu.memory_space<vmem>>, vector<16xf32>,
    %get3A_3898 = arith.constant 4 : i32
    %get3A_3899 = arith.index_cast %get3A_3898 : i32 to index
    %get3A_3900 = arith.constant 240 : index
    %get3A_3901 = tpu.vector_load %arg7[%get3A_3899, %get3A_3900] {strides = array<i32>} : memref<8x256xf32, #tpu.memory_space<vmem>>, vector<16xf32>,
    %mul3A_3902 = arith.mulf %get3A_3897, %gather3A_2458 : vector<16xf32>
    %mul3A_3903 = arith.mulf %mul3A_3902, %get3A_3901 : vector<16xf32>
    %add3A_3904 = arith.addf %add3A_3893, %mul3A_3903 : vector<16xf32>
    %get3A_3905 = arith.constant 5 : i32
    %get3A_3906 = arith.index_cast %get3A_3905 : i32 to index
    %get3A_3907 = arith.constant 240 : index
    %get3A_3908 = tpu.vector_load %arg8[%get3A_3906, %get3A_3907] {strides = array<i32>} : memref<8x256xf32, #tpu.memory_space<vmem>>, vector<16xf32>,
    %get3A_3909 = arith.constant 5 : i32
    %get3A_3910 = arith.index_cast %get3A_3909 : i32 to index
    %get3A_3911 = arith.constant 240 : index
    %get3A_3912 = tpu.vector_load %arg7[%get3A_3910, %get3A_3911] {strides = array<i32>} : memref<8x256xf32, #tpu.memory_space<vmem>>, vector<16xf32>,
    %mul3A_3913 = arith.mulf %get3A_3908, %gather3A_2461 : vector<16xf32>
    %mul3A_3914 = arith.mulf %mul3A_3913, %get3A_3912 : vector<16xf32>
    %add3A_3915 = arith.addf %add3A_3904, %mul3A_3914 : vector<16xf32>
    %get3A_3916 = arith.constant 6 : i32
    %get3A_3917 = arith.index_cast %get3A_3916 : i32 to index
    %get3A_3918 = arith.constant 240 : index
    %get3A_3919 = tpu.vector_load %arg8[%get3A_3917, %get3A_3918] {strides = array<i32>} : memref<8x256xf32, #tpu.memory_space<vmem>>, vector<16xf32>,
    %get3A_3920 = arith.constant 6 : i32
    %get3A_3921 = arith.index_cast %get3A_3920 : i32 to index
    %get3A_3922 = arith.constant 240 : index
    %get3A_3923 = tpu.vector_load %arg7[%get3A_3921, %get3A_3922] {strides = array<i32>} : memref<8x256xf32, #tpu.memory_space<vmem>>, vector<16xf32>,
    %mul3A_3924 = arith.mulf %get3A_3919, %gather3A_2464 : vector<16xf32>
    %mul3A_3925 = arith.mulf %mul3A_3924, %get3A_3923 : vector<16xf32>
    %add3A_3926 = arith.addf %add3A_3915, %mul3A_3925 : vector<16xf32>
    %get3A_3927 = arith.constant 7 : i32
    %get3A_3928 = arith.index_cast %get3A_3927 : i32 to index
    %get3A_3929 = arith.constant 240 : index
    %get3A_3930 = tpu.vector_load %arg8[%get3A_3928, %get3A_3929] {strides = array<i32>} : memref<8x256xf32, #tpu.memory_space<vmem>>, vector<16xf32>,
    %get3A_3931 = arith.constant 7 : i32
    %get3A_3932 = arith.index_cast %get3A_3931 : i32 to index
    %get3A_3933 = arith.constant 240 : index
    %get3A_3934 = tpu.vector_load %arg7[%get3A_3932, %get3A_3933] {strides = array<i32>} : memref<8x256xf32, #tpu.memory_space<vmem>>, vector<16xf32>,
    %mul3A_3935 = arith.mulf %get3A_3930, %gather3A_2467 : vector<16xf32>
    %mul3A_3936 = arith.mulf %mul3A_3935, %get3A_3934 : vector<16xf32>
    %add3A_3937 = arith.addf %add3A_3926, %mul3A_3936 : vector<16xf32>
    %swap3A_3938 = arith.constant 240 : index
    %swap3A_3939 = tpu.vector_load %arg9[%swap3A_3938] {strides = array<i32>} : memref<256xf32, #tpu.memory_space<vmem>>, vector<16xf32>,
    tpu.vector_store %arg9[%swap3A_3938], %add3A_3937 {strides = array<i32>} : memref<256xf32, #tpu.memory_space<vmem>>, vector<16xf32>,
    "tpu.region"() ({
      %run_scoped3A = tpu.sem_alloc : memref<!tpu.dma_semaphore, #tpu.memory_space<semaphore_mem>>
      %dma_start3A_3940 = tpu.memref_slice %arg5[%mul3A_2] : memref<8192xf32, #tpu.memory_space<hbm>> -> memref<256xf32, #tpu.memory_space<hbm>>
      %dma_start3A_3941 = tpu.memref_slice %arg5[%mul3A_2] : memref<8192xf32, #tpu.memory_space<hbm>> -> memref<256xf32, #tpu.memory_space<hbm>>
      tpu.enqueue_dma source(%arg9 : memref<256xf32, #tpu.memory_space<vmem>>) target(%dma_start3A_3941 : memref<256xf32, #tpu.memory_space<hbm>>) target_semaphore(%run_scoped3A : memref<!tpu.dma_semaphore, #tpu.memory_space<semaphore_mem>>)
      %dma_wait3A_3942 = tpu.memref_slice %arg5[%mul3A_2] : memref<8192xf32, #tpu.memory_space<hbm>> -> memref<256xf32, #tpu.memory_space<hbm>>
      %dma_wait3A_3943 = tpu.memref_slice %arg5[%mul3A_2] : memref<8192xf32, #tpu.memory_space<hbm>> -> memref<256xf32, #tpu.memory_space<hbm>>
      tpu.wait_dma2 semaphore(%run_scoped3A : memref<!tpu.dma_semaphore, #tpu.memory_space<semaphore_mem>>) src(%arg9 : memref<256xf32, #tpu.memory_space<vmem>>) dst(%dma_wait3A_3943 : memref<256xf32, #tpu.memory_space<hbm>>)
      tpu.yield
    }) : () -> ()
    return
  }
}

#map = affine_map<(d0, d1) -> (0)>
#map1 = affine_map<(d0, d1) -> (0, 0)>
#map2 = affine_map<(d0, d1) -> (0, 0, 0)>
module attributes {stable_mosaic.version = 14 : i64} {
  func.func @_gather_body(%arg0: i32, %arg1: i32, %arg2: memref<8192xi32, #tpu.memory_space<hbm>>, %arg3: memref<8x100000xi32, #tpu.memory_space<hbm>>, %arg4: memref<32x8x256xi32, #tpu.memory_space<hbm>>, %arg5: memref<256xi32, #tpu.memory_space<vmem>>, %arg6: memref<8x256xi32, #tpu.memory_space<vmem>>, %arg7: memref<!tpu.dma_semaphore, #tpu.memory_space<semaphore_mem>>) attributes {dimension_semantics = [#tpu.dimension_semantics<core_parallel>, #tpu.dimension_semantics<subcore_parallel>], iteration_bounds = array<i64: 2, 16>, scalar_prefetch = 0 : i64, scratch_operands = 3 : i64, tpu.core_type = #tpu.core_type<sc_vector_subcore>, window_params = [{transform_indices = #map}, {transform_indices = #map1}, {transform_indices = #map2}]} {
    %mul3A = arith.constant 2 : i32
    %mul3A_0 = arith.muli %arg1, %mul3A : i32
    %add3A = arith.addi %mul3A_0, %arg0 : i32
    %mul3A_1 = arith.constant 256 : i32
    %mul3A_2 = arith.muli %add3A, %mul3A_1 : i32
    "tpu.region"() ({
      %run_scoped3A = tpu.sem_alloc : memref<!tpu.dma_semaphore, #tpu.memory_space<semaphore_mem>>
      %dma_start3A_161 = tpu.memref_slice %arg2[%mul3A_2] : memref<8192xi32, #tpu.memory_space<hbm>> -> memref<256xi32, #tpu.memory_space<hbm>>
      %dma_start3A_162 = tpu.memref_slice %arg2[%mul3A_2] : memref<8192xi32, #tpu.memory_space<hbm>> -> memref<256xi32, #tpu.memory_space<hbm>>
      tpu.enqueue_dma source(%dma_start3A_162 : memref<256xi32, #tpu.memory_space<hbm>>) target(%arg5 : memref<256xi32, #tpu.memory_space<vmem>>) target_semaphore(%run_scoped3A : memref<!tpu.dma_semaphore, #tpu.memory_space<semaphore_mem>>)
      %dma_wait3A_163 = tpu.memref_slice %arg2[%mul3A_2] : memref<8192xi32, #tpu.memory_space<hbm>> -> memref<256xi32, #tpu.memory_space<hbm>>
      %dma_wait3A_164 = tpu.memref_slice %arg2[%mul3A_2] : memref<8192xi32, #tpu.memory_space<hbm>> -> memref<256xi32, #tpu.memory_space<hbm>>
      tpu.wait_dma2 semaphore(%run_scoped3A : memref<!tpu.dma_semaphore, #tpu.memory_space<semaphore_mem>>) src(%dma_wait3A_164 : memref<256xi32, #tpu.memory_space<hbm>>) dst(%arg5 : memref<256xi32, #tpu.memory_space<vmem>>)
      tpu.yield
    }) : () -> ()
    %dma_start3A = arith.constant 0 : i32
    %dma_start3A_3 = arith.constant 0 : i32
    %dma_start3A_4 = arith.constant 0 : i32
    %dma_start3A_5 = tpu.memref_slice %arg6[%dma_start3A_3, %dma_start3A_4] : memref<8x256xi32, #tpu.memory_space<vmem>> -> memref<1x256xi32, #tpu.memory_space<vmem>>
    %dma_start3A_6 = tpu.memref_squeeze %dma_start3A_5 : memref<1x256xi32, #tpu.memory_space<vmem>> -> memref<256xi32, #tpu.memory_space<vmem>>
    %dma_start3A_7 = arith.constant 0 : i32
    %dma_start3A_8 = tpu.memref_slice %arg3[%dma_start3A, %dma_start3A_7] : memref<8x100000xi32, #tpu.memory_space<hbm>> -> memref<1x100000xi32, #tpu.memory_space<hbm>>
    %dma_start3A_9 = tpu.memref_squeeze %dma_start3A_8 : memref<1x100000xi32, #tpu.memory_space<hbm>> -> memref<100000xi32, #tpu.memory_space<hbm>>
    %dma_start3A_10 = arith.constant 0 : i32
    %dma_start3A_11 = tpu.memref_slice %dma_start3A_9[%dma_start3A_10] : memref<100000xi32, #tpu.memory_space<hbm>> -> memref<100000xi32, #tpu.memory_space<hbm>>
    tpu.enqueue_indirect_dma source(%dma_start3A_11 : memref<100000xi32, #tpu.memory_space<hbm>>) target(%dma_start3A_6 : memref<256xi32, #tpu.memory_space<vmem>>) offsets(%arg5 : memref<256xi32, #tpu.memory_space<vmem>>) semaphore(%arg7 : memref<!tpu.dma_semaphore, #tpu.memory_space<semaphore_mem>>)
    %dma_start3A_12 = arith.constant 1 : i32
    %dma_start3A_13 = arith.constant 1 : i32
    %dma_start3A_14 = arith.constant 0 : i32
    %dma_start3A_15 = tpu.memref_slice %arg6[%dma_start3A_13, %dma_start3A_14] : memref<8x256xi32, #tpu.memory_space<vmem>> -> memref<1x256xi32, #tpu.memory_space<vmem>>
    %dma_start3A_16 = tpu.memref_squeeze %dma_start3A_15 : memref<1x256xi32, #tpu.memory_space<vmem>> -> memref<256xi32, #tpu.memory_space<vmem>>
    %dma_start3A_17 = arith.constant 0 : i32
    %dma_start3A_18 = tpu.memref_slice %arg3[%dma_start3A_12, %dma_start3A_17] : memref<8x100000xi32, #tpu.memory_space<hbm>> -> memref<1x100000xi32, #tpu.memory_space<hbm>>
    %dma_start3A_19 = tpu.memref_squeeze %dma_start3A_18 : memref<1x100000xi32, #tpu.memory_space<hbm>> -> memref<100000xi32, #tpu.memory_space<hbm>>
    %dma_start3A_20 = arith.constant 0 : i32
    %dma_start3A_21 = tpu.memref_slice %dma_start3A_19[%dma_start3A_20] : memref<100000xi32, #tpu.memory_space<hbm>> -> memref<100000xi32, #tpu.memory_space<hbm>>
    tpu.enqueue_indirect_dma source(%dma_start3A_21 : memref<100000xi32, #tpu.memory_space<hbm>>) target(%dma_start3A_16 : memref<256xi32, #tpu.memory_space<vmem>>) offsets(%arg5 : memref<256xi32, #tpu.memory_space<vmem>>) semaphore(%arg7 : memref<!tpu.dma_semaphore, #tpu.memory_space<semaphore_mem>>)
    %dma_start3A_22 = arith.constant 2 : i32
    %dma_start3A_23 = arith.constant 2 : i32
    %dma_start3A_24 = arith.constant 0 : i32
    %dma_start3A_25 = tpu.memref_slice %arg6[%dma_start3A_23, %dma_start3A_24] : memref<8x256xi32, #tpu.memory_space<vmem>> -> memref<1x256xi32, #tpu.memory_space<vmem>>
    %dma_start3A_26 = tpu.memref_squeeze %dma_start3A_25 : memref<1x256xi32, #tpu.memory_space<vmem>> -> memref<256xi32, #tpu.memory_space<vmem>>
    %dma_start3A_27 = arith.constant 0 : i32
    %dma_start3A_28 = tpu.memref_slice %arg3[%dma_start3A_22, %dma_start3A_27] : memref<8x100000xi32, #tpu.memory_space<hbm>> -> memref<1x100000xi32, #tpu.memory_space<hbm>>
    %dma_start3A_29 = tpu.memref_squeeze %dma_start3A_28 : memref<1x100000xi32, #tpu.memory_space<hbm>> -> memref<100000xi32, #tpu.memory_space<hbm>>
    %dma_start3A_30 = arith.constant 0 : i32
    %dma_start3A_31 = tpu.memref_slice %dma_start3A_29[%dma_start3A_30] : memref<100000xi32, #tpu.memory_space<hbm>> -> memref<100000xi32, #tpu.memory_space<hbm>>
    tpu.enqueue_indirect_dma source(%dma_start3A_31 : memref<100000xi32, #tpu.memory_space<hbm>>) target(%dma_start3A_26 : memref<256xi32, #tpu.memory_space<vmem>>) offsets(%arg5 : memref<256xi32, #tpu.memory_space<vmem>>) semaphore(%arg7 : memref<!tpu.dma_semaphore, #tpu.memory_space<semaphore_mem>>)
    %dma_start3A_32 = arith.constant 3 : i32
    %dma_start3A_33 = arith.constant 3 : i32
    %dma_start3A_34 = arith.constant 0 : i32
    %dma_start3A_35 = tpu.memref_slice %arg6[%dma_start3A_33, %dma_start3A_34] : memref<8x256xi32, #tpu.memory_space<vmem>> -> memref<1x256xi32, #tpu.memory_space<vmem>>
    %dma_start3A_36 = tpu.memref_squeeze %dma_start3A_35 : memref<1x256xi32, #tpu.memory_space<vmem>> -> memref<256xi32, #tpu.memory_space<vmem>>
    %dma_start3A_37 = arith.constant 0 : i32
    %dma_start3A_38 = tpu.memref_slice %arg3[%dma_start3A_32, %dma_start3A_37] : memref<8x100000xi32, #tpu.memory_space<hbm>> -> memref<1x100000xi32, #tpu.memory_space<hbm>>
    %dma_start3A_39 = tpu.memref_squeeze %dma_start3A_38 : memref<1x100000xi32, #tpu.memory_space<hbm>> -> memref<100000xi32, #tpu.memory_space<hbm>>
    %dma_start3A_40 = arith.constant 0 : i32
    %dma_start3A_41 = tpu.memref_slice %dma_start3A_39[%dma_start3A_40] : memref<100000xi32, #tpu.memory_space<hbm>> -> memref<100000xi32, #tpu.memory_space<hbm>>
    tpu.enqueue_indirect_dma source(%dma_start3A_41 : memref<100000xi32, #tpu.memory_space<hbm>>) target(%dma_start3A_36 : memref<256xi32, #tpu.memory_space<vmem>>) offsets(%arg5 : memref<256xi32, #tpu.memory_space<vmem>>) semaphore(%arg7 : memref<!tpu.dma_semaphore, #tpu.memory_space<semaphore_mem>>)
    %dma_start3A_42 = arith.constant 4 : i32
    %dma_start3A_43 = arith.constant 4 : i32
    %dma_start3A_44 = arith.constant 0 : i32
    %dma_start3A_45 = tpu.memref_slice %arg6[%dma_start3A_43, %dma_start3A_44] : memref<8x256xi32, #tpu.memory_space<vmem>> -> memref<1x256xi32, #tpu.memory_space<vmem>>
    %dma_start3A_46 = tpu.memref_squeeze %dma_start3A_45 : memref<1x256xi32, #tpu.memory_space<vmem>> -> memref<256xi32, #tpu.memory_space<vmem>>
    %dma_start3A_47 = arith.constant 0 : i32
    %dma_start3A_48 = tpu.memref_slice %arg3[%dma_start3A_42, %dma_start3A_47] : memref<8x100000xi32, #tpu.memory_space<hbm>> -> memref<1x100000xi32, #tpu.memory_space<hbm>>
    %dma_start3A_49 = tpu.memref_squeeze %dma_start3A_48 : memref<1x100000xi32, #tpu.memory_space<hbm>> -> memref<100000xi32, #tpu.memory_space<hbm>>
    %dma_start3A_50 = arith.constant 0 : i32
    %dma_start3A_51 = tpu.memref_slice %dma_start3A_49[%dma_start3A_50] : memref<100000xi32, #tpu.memory_space<hbm>> -> memref<100000xi32, #tpu.memory_space<hbm>>
    tpu.enqueue_indirect_dma source(%dma_start3A_51 : memref<100000xi32, #tpu.memory_space<hbm>>) target(%dma_start3A_46 : memref<256xi32, #tpu.memory_space<vmem>>) offsets(%arg5 : memref<256xi32, #tpu.memory_space<vmem>>) semaphore(%arg7 : memref<!tpu.dma_semaphore, #tpu.memory_space<semaphore_mem>>)
    %dma_start3A_52 = arith.constant 5 : i32
    %dma_start3A_53 = arith.constant 5 : i32
    %dma_start3A_54 = arith.constant 0 : i32
    %dma_start3A_55 = tpu.memref_slice %arg6[%dma_start3A_53, %dma_start3A_54] : memref<8x256xi32, #tpu.memory_space<vmem>> -> memref<1x256xi32, #tpu.memory_space<vmem>>
    %dma_start3A_56 = tpu.memref_squeeze %dma_start3A_55 : memref<1x256xi32, #tpu.memory_space<vmem>> -> memref<256xi32, #tpu.memory_space<vmem>>
    %dma_start3A_57 = arith.constant 0 : i32
    %dma_start3A_58 = tpu.memref_slice %arg3[%dma_start3A_52, %dma_start3A_57] : memref<8x100000xi32, #tpu.memory_space<hbm>> -> memref<1x100000xi32, #tpu.memory_space<hbm>>
    %dma_start3A_59 = tpu.memref_squeeze %dma_start3A_58 : memref<1x100000xi32, #tpu.memory_space<hbm>> -> memref<100000xi32, #tpu.memory_space<hbm>>
    %dma_start3A_60 = arith.constant 0 : i32
    %dma_start3A_61 = tpu.memref_slice %dma_start3A_59[%dma_start3A_60] : memref<100000xi32, #tpu.memory_space<hbm>> -> memref<100000xi32, #tpu.memory_space<hbm>>
    tpu.enqueue_indirect_dma source(%dma_start3A_61 : memref<100000xi32, #tpu.memory_space<hbm>>) target(%dma_start3A_56 : memref<256xi32, #tpu.memory_space<vmem>>) offsets(%arg5 : memref<256xi32, #tpu.memory_space<vmem>>) semaphore(%arg7 : memref<!tpu.dma_semaphore, #tpu.memory_space<semaphore_mem>>)
    %dma_start3A_62 = arith.constant 6 : i32
    %dma_start3A_63 = arith.constant 6 : i32
    %dma_start3A_64 = arith.constant 0 : i32
    %dma_start3A_65 = tpu.memref_slice %arg6[%dma_start3A_63, %dma_start3A_64] : memref<8x256xi32, #tpu.memory_space<vmem>> -> memref<1x256xi32, #tpu.memory_space<vmem>>
    %dma_start3A_66 = tpu.memref_squeeze %dma_start3A_65 : memref<1x256xi32, #tpu.memory_space<vmem>> -> memref<256xi32, #tpu.memory_space<vmem>>
    %dma_start3A_67 = arith.constant 0 : i32
    %dma_start3A_68 = tpu.memref_slice %arg3[%dma_start3A_62, %dma_start3A_67] : memref<8x100000xi32, #tpu.memory_space<hbm>> -> memref<1x100000xi32, #tpu.memory_space<hbm>>
    %dma_start3A_69 = tpu.memref_squeeze %dma_start3A_68 : memref<1x100000xi32, #tpu.memory_space<hbm>> -> memref<100000xi32, #tpu.memory_space<hbm>>
    %dma_start3A_70 = arith.constant 0 : i32
    %dma_start3A_71 = tpu.memref_slice %dma_start3A_69[%dma_start3A_70] : memref<100000xi32, #tpu.memory_space<hbm>> -> memref<100000xi32, #tpu.memory_space<hbm>>
    tpu.enqueue_indirect_dma source(%dma_start3A_71 : memref<100000xi32, #tpu.memory_space<hbm>>) target(%dma_start3A_66 : memref<256xi32, #tpu.memory_space<vmem>>) offsets(%arg5 : memref<256xi32, #tpu.memory_space<vmem>>) semaphore(%arg7 : memref<!tpu.dma_semaphore, #tpu.memory_space<semaphore_mem>>)
    %dma_start3A_72 = arith.constant 7 : i32
    %dma_start3A_73 = arith.constant 7 : i32
    %dma_start3A_74 = arith.constant 0 : i32
    %dma_start3A_75 = tpu.memref_slice %arg6[%dma_start3A_73, %dma_start3A_74] : memref<8x256xi32, #tpu.memory_space<vmem>> -> memref<1x256xi32, #tpu.memory_space<vmem>>
    %dma_start3A_76 = tpu.memref_squeeze %dma_start3A_75 : memref<1x256xi32, #tpu.memory_space<vmem>> -> memref<256xi32, #tpu.memory_space<vmem>>
    %dma_start3A_77 = arith.constant 0 : i32
    %dma_start3A_78 = tpu.memref_slice %arg3[%dma_start3A_72, %dma_start3A_77] : memref<8x100000xi32, #tpu.memory_space<hbm>> -> memref<1x100000xi32, #tpu.memory_space<hbm>>
    %dma_start3A_79 = tpu.memref_squeeze %dma_start3A_78 : memref<1x100000xi32, #tpu.memory_space<hbm>> -> memref<100000xi32, #tpu.memory_space<hbm>>
    %dma_start3A_80 = arith.constant 0 : i32
    %dma_start3A_81 = tpu.memref_slice %dma_start3A_79[%dma_start3A_80] : memref<100000xi32, #tpu.memory_space<hbm>> -> memref<100000xi32, #tpu.memory_space<hbm>>
    tpu.enqueue_indirect_dma source(%dma_start3A_81 : memref<100000xi32, #tpu.memory_space<hbm>>) target(%dma_start3A_76 : memref<256xi32, #tpu.memory_space<vmem>>) offsets(%arg5 : memref<256xi32, #tpu.memory_space<vmem>>) semaphore(%arg7 : memref<!tpu.dma_semaphore, #tpu.memory_space<semaphore_mem>>)
    %dma_wait3A = arith.constant 0 : i32
    %dma_wait3A_82 = arith.constant 0 : i32
    %dma_wait3A_83 = arith.constant 0 : i32
    %dma_wait3A_84 = tpu.memref_slice %arg6[%dma_wait3A_82, %dma_wait3A_83] : memref<8x256xi32, #tpu.memory_space<vmem>> -> memref<1x256xi32, #tpu.memory_space<vmem>>
    %dma_wait3A_85 = tpu.memref_squeeze %dma_wait3A_84 : memref<1x256xi32, #tpu.memory_space<vmem>> -> memref<256xi32, #tpu.memory_space<vmem>>
    %dma_wait3A_86 = arith.constant 0 : i32
    %dma_wait3A_87 = tpu.memref_slice %arg3[%dma_wait3A, %dma_wait3A_86] : memref<8x100000xi32, #tpu.memory_space<hbm>> -> memref<1x100000xi32, #tpu.memory_space<hbm>>
    %dma_wait3A_88 = tpu.memref_squeeze %dma_wait3A_87 : memref<1x100000xi32, #tpu.memory_space<hbm>> -> memref<100000xi32, #tpu.memory_space<hbm>>
    %dma_wait3A_89 = arith.constant 0 : i32
    %dma_wait3A_90 = tpu.memref_slice %dma_wait3A_88[%dma_wait3A_89] : memref<100000xi32, #tpu.memory_space<hbm>> -> memref<100000xi32, #tpu.memory_space<hbm>>
    tpu.wait_indirect_dma semaphore(%arg7 : memref<!tpu.dma_semaphore, #tpu.memory_space<semaphore_mem>>) src(%dma_wait3A_90 : memref<100000xi32, #tpu.memory_space<hbm>>) dst(%dma_wait3A_85 : memref<256xi32, #tpu.memory_space<vmem>>)
    %dma_wait3A_91 = arith.constant 1 : i32
    %dma_wait3A_92 = arith.constant 1 : i32
    %dma_wait3A_93 = arith.constant 0 : i32
    %dma_wait3A_94 = tpu.memref_slice %arg6[%dma_wait3A_92, %dma_wait3A_93] : memref<8x256xi32, #tpu.memory_space<vmem>> -> memref<1x256xi32, #tpu.memory_space<vmem>>
    %dma_wait3A_95 = tpu.memref_squeeze %dma_wait3A_94 : memref<1x256xi32, #tpu.memory_space<vmem>> -> memref<256xi32, #tpu.memory_space<vmem>>
    %dma_wait3A_96 = arith.constant 0 : i32
    %dma_wait3A_97 = tpu.memref_slice %arg3[%dma_wait3A_91, %dma_wait3A_96] : memref<8x100000xi32, #tpu.memory_space<hbm>> -> memref<1x100000xi32, #tpu.memory_space<hbm>>
    %dma_wait3A_98 = tpu.memref_squeeze %dma_wait3A_97 : memref<1x100000xi32, #tpu.memory_space<hbm>> -> memref<100000xi32, #tpu.memory_space<hbm>>
    %dma_wait3A_99 = arith.constant 0 : i32
    %dma_wait3A_100 = tpu.memref_slice %dma_wait3A_98[%dma_wait3A_99] : memref<100000xi32, #tpu.memory_space<hbm>> -> memref<100000xi32, #tpu.memory_space<hbm>>
    tpu.wait_indirect_dma semaphore(%arg7 : memref<!tpu.dma_semaphore, #tpu.memory_space<semaphore_mem>>) src(%dma_wait3A_100 : memref<100000xi32, #tpu.memory_space<hbm>>) dst(%dma_wait3A_95 : memref<256xi32, #tpu.memory_space<vmem>>)
    %dma_wait3A_101 = arith.constant 2 : i32
    %dma_wait3A_102 = arith.constant 2 : i32
    %dma_wait3A_103 = arith.constant 0 : i32
    %dma_wait3A_104 = tpu.memref_slice %arg6[%dma_wait3A_102, %dma_wait3A_103] : memref<8x256xi32, #tpu.memory_space<vmem>> -> memref<1x256xi32, #tpu.memory_space<vmem>>
    %dma_wait3A_105 = tpu.memref_squeeze %dma_wait3A_104 : memref<1x256xi32, #tpu.memory_space<vmem>> -> memref<256xi32, #tpu.memory_space<vmem>>
    %dma_wait3A_106 = arith.constant 0 : i32
    %dma_wait3A_107 = tpu.memref_slice %arg3[%dma_wait3A_101, %dma_wait3A_106] : memref<8x100000xi32, #tpu.memory_space<hbm>> -> memref<1x100000xi32, #tpu.memory_space<hbm>>
    %dma_wait3A_108 = tpu.memref_squeeze %dma_wait3A_107 : memref<1x100000xi32, #tpu.memory_space<hbm>> -> memref<100000xi32, #tpu.memory_space<hbm>>
    %dma_wait3A_109 = arith.constant 0 : i32
    %dma_wait3A_110 = tpu.memref_slice %dma_wait3A_108[%dma_wait3A_109] : memref<100000xi32, #tpu.memory_space<hbm>> -> memref<100000xi32, #tpu.memory_space<hbm>>
    tpu.wait_indirect_dma semaphore(%arg7 : memref<!tpu.dma_semaphore, #tpu.memory_space<semaphore_mem>>) src(%dma_wait3A_110 : memref<100000xi32, #tpu.memory_space<hbm>>) dst(%dma_wait3A_105 : memref<256xi32, #tpu.memory_space<vmem>>)
    %dma_wait3A_111 = arith.constant 3 : i32
    %dma_wait3A_112 = arith.constant 3 : i32
    %dma_wait3A_113 = arith.constant 0 : i32
    %dma_wait3A_114 = tpu.memref_slice %arg6[%dma_wait3A_112, %dma_wait3A_113] : memref<8x256xi32, #tpu.memory_space<vmem>> -> memref<1x256xi32, #tpu.memory_space<vmem>>
    %dma_wait3A_115 = tpu.memref_squeeze %dma_wait3A_114 : memref<1x256xi32, #tpu.memory_space<vmem>> -> memref<256xi32, #tpu.memory_space<vmem>>
    %dma_wait3A_116 = arith.constant 0 : i32
    %dma_wait3A_117 = tpu.memref_slice %arg3[%dma_wait3A_111, %dma_wait3A_116] : memref<8x100000xi32, #tpu.memory_space<hbm>> -> memref<1x100000xi32, #tpu.memory_space<hbm>>
    %dma_wait3A_118 = tpu.memref_squeeze %dma_wait3A_117 : memref<1x100000xi32, #tpu.memory_space<hbm>> -> memref<100000xi32, #tpu.memory_space<hbm>>
    %dma_wait3A_119 = arith.constant 0 : i32
    %dma_wait3A_120 = tpu.memref_slice %dma_wait3A_118[%dma_wait3A_119] : memref<100000xi32, #tpu.memory_space<hbm>> -> memref<100000xi32, #tpu.memory_space<hbm>>
    tpu.wait_indirect_dma semaphore(%arg7 : memref<!tpu.dma_semaphore, #tpu.memory_space<semaphore_mem>>) src(%dma_wait3A_120 : memref<100000xi32, #tpu.memory_space<hbm>>) dst(%dma_wait3A_115 : memref<256xi32, #tpu.memory_space<vmem>>)
    %dma_wait3A_121 = arith.constant 4 : i32
    %dma_wait3A_122 = arith.constant 4 : i32
    %dma_wait3A_123 = arith.constant 0 : i32
    %dma_wait3A_124 = tpu.memref_slice %arg6[%dma_wait3A_122, %dma_wait3A_123] : memref<8x256xi32, #tpu.memory_space<vmem>> -> memref<1x256xi32, #tpu.memory_space<vmem>>
    %dma_wait3A_125 = tpu.memref_squeeze %dma_wait3A_124 : memref<1x256xi32, #tpu.memory_space<vmem>> -> memref<256xi32, #tpu.memory_space<vmem>>
    %dma_wait3A_126 = arith.constant 0 : i32
    %dma_wait3A_127 = tpu.memref_slice %arg3[%dma_wait3A_121, %dma_wait3A_126] : memref<8x100000xi32, #tpu.memory_space<hbm>> -> memref<1x100000xi32, #tpu.memory_space<hbm>>
    %dma_wait3A_128 = tpu.memref_squeeze %dma_wait3A_127 : memref<1x100000xi32, #tpu.memory_space<hbm>> -> memref<100000xi32, #tpu.memory_space<hbm>>
    %dma_wait3A_129 = arith.constant 0 : i32
    %dma_wait3A_130 = tpu.memref_slice %dma_wait3A_128[%dma_wait3A_129] : memref<100000xi32, #tpu.memory_space<hbm>> -> memref<100000xi32, #tpu.memory_space<hbm>>
    tpu.wait_indirect_dma semaphore(%arg7 : memref<!tpu.dma_semaphore, #tpu.memory_space<semaphore_mem>>) src(%dma_wait3A_130 : memref<100000xi32, #tpu.memory_space<hbm>>) dst(%dma_wait3A_125 : memref<256xi32, #tpu.memory_space<vmem>>)
    %dma_wait3A_131 = arith.constant 5 : i32
    %dma_wait3A_132 = arith.constant 5 : i32
    %dma_wait3A_133 = arith.constant 0 : i32
    %dma_wait3A_134 = tpu.memref_slice %arg6[%dma_wait3A_132, %dma_wait3A_133] : memref<8x256xi32, #tpu.memory_space<vmem>> -> memref<1x256xi32, #tpu.memory_space<vmem>>
    %dma_wait3A_135 = tpu.memref_squeeze %dma_wait3A_134 : memref<1x256xi32, #tpu.memory_space<vmem>> -> memref<256xi32, #tpu.memory_space<vmem>>
    %dma_wait3A_136 = arith.constant 0 : i32
    %dma_wait3A_137 = tpu.memref_slice %arg3[%dma_wait3A_131, %dma_wait3A_136] : memref<8x100000xi32, #tpu.memory_space<hbm>> -> memref<1x100000xi32, #tpu.memory_space<hbm>>
    %dma_wait3A_138 = tpu.memref_squeeze %dma_wait3A_137 : memref<1x100000xi32, #tpu.memory_space<hbm>> -> memref<100000xi32, #tpu.memory_space<hbm>>
    %dma_wait3A_139 = arith.constant 0 : i32
    %dma_wait3A_140 = tpu.memref_slice %dma_wait3A_138[%dma_wait3A_139] : memref<100000xi32, #tpu.memory_space<hbm>> -> memref<100000xi32, #tpu.memory_space<hbm>>
    tpu.wait_indirect_dma semaphore(%arg7 : memref<!tpu.dma_semaphore, #tpu.memory_space<semaphore_mem>>) src(%dma_wait3A_140 : memref<100000xi32, #tpu.memory_space<hbm>>) dst(%dma_wait3A_135 : memref<256xi32, #tpu.memory_space<vmem>>)
    %dma_wait3A_141 = arith.constant 6 : i32
    %dma_wait3A_142 = arith.constant 6 : i32
    %dma_wait3A_143 = arith.constant 0 : i32
    %dma_wait3A_144 = tpu.memref_slice %arg6[%dma_wait3A_142, %dma_wait3A_143] : memref<8x256xi32, #tpu.memory_space<vmem>> -> memref<1x256xi32, #tpu.memory_space<vmem>>
    %dma_wait3A_145 = tpu.memref_squeeze %dma_wait3A_144 : memref<1x256xi32, #tpu.memory_space<vmem>> -> memref<256xi32, #tpu.memory_space<vmem>>
    %dma_wait3A_146 = arith.constant 0 : i32
    %dma_wait3A_147 = tpu.memref_slice %arg3[%dma_wait3A_141, %dma_wait3A_146] : memref<8x100000xi32, #tpu.memory_space<hbm>> -> memref<1x100000xi32, #tpu.memory_space<hbm>>
    %dma_wait3A_148 = tpu.memref_squeeze %dma_wait3A_147 : memref<1x100000xi32, #tpu.memory_space<hbm>> -> memref<100000xi32, #tpu.memory_space<hbm>>
    %dma_wait3A_149 = arith.constant 0 : i32
    %dma_wait3A_150 = tpu.memref_slice %dma_wait3A_148[%dma_wait3A_149] : memref<100000xi32, #tpu.memory_space<hbm>> -> memref<100000xi32, #tpu.memory_space<hbm>>
    tpu.wait_indirect_dma semaphore(%arg7 : memref<!tpu.dma_semaphore, #tpu.memory_space<semaphore_mem>>) src(%dma_wait3A_150 : memref<100000xi32, #tpu.memory_space<hbm>>) dst(%dma_wait3A_145 : memref<256xi32, #tpu.memory_space<vmem>>)
    %dma_wait3A_151 = arith.constant 7 : i32
    %dma_wait3A_152 = arith.constant 7 : i32
    %dma_wait3A_153 = arith.constant 0 : i32
    %dma_wait3A_154 = tpu.memref_slice %arg6[%dma_wait3A_152, %dma_wait3A_153] : memref<8x256xi32, #tpu.memory_space<vmem>> -> memref<1x256xi32, #tpu.memory_space<vmem>>
    %dma_wait3A_155 = tpu.memref_squeeze %dma_wait3A_154 : memref<1x256xi32, #tpu.memory_space<vmem>> -> memref<256xi32, #tpu.memory_space<vmem>>
    %dma_wait3A_156 = arith.constant 0 : i32
    %dma_wait3A_157 = tpu.memref_slice %arg3[%dma_wait3A_151, %dma_wait3A_156] : memref<8x100000xi32, #tpu.memory_space<hbm>> -> memref<1x100000xi32, #tpu.memory_space<hbm>>
    %dma_wait3A_158 = tpu.memref_squeeze %dma_wait3A_157 : memref<1x100000xi32, #tpu.memory_space<hbm>> -> memref<100000xi32, #tpu.memory_space<hbm>>
    %dma_wait3A_159 = arith.constant 0 : i32
    %dma_wait3A_160 = tpu.memref_slice %dma_wait3A_158[%dma_wait3A_159] : memref<100000xi32, #tpu.memory_space<hbm>> -> memref<100000xi32, #tpu.memory_space<hbm>>
    tpu.wait_indirect_dma semaphore(%arg7 : memref<!tpu.dma_semaphore, #tpu.memory_space<semaphore_mem>>) src(%dma_wait3A_160 : memref<100000xi32, #tpu.memory_space<hbm>>) dst(%dma_wait3A_155 : memref<256xi32, #tpu.memory_space<vmem>>)
    "tpu.region"() ({
      %run_scoped3A = tpu.sem_alloc : memref<!tpu.dma_semaphore, #tpu.memory_space<semaphore_mem>>
      %dma_start3A_161 = arith.constant 0 : i32
      %dma_start3A_162 = arith.constant 0 : i32
      %dma_start3A_163 = tpu.memref_slice %arg4[%add3A, %dma_start3A_161, %dma_start3A_162] : memref<32x8x256xi32, #tpu.memory_space<hbm>> -> memref<1x8x256xi32, #tpu.memory_space<hbm>>
      %dma_start3A_164 = tpu.memref_squeeze %dma_start3A_163 : memref<1x8x256xi32, #tpu.memory_space<hbm>> -> memref<8x256xi32, #tpu.memory_space<hbm>>
      %dma_start3A_165 = arith.constant 0 : i32
      %dma_start3A_166 = arith.constant 0 : i32
      %dma_start3A_167 = tpu.memref_slice %arg4[%add3A, %dma_start3A_165, %dma_start3A_166] : memref<32x8x256xi32, #tpu.memory_space<hbm>> -> memref<1x8x256xi32, #tpu.memory_space<hbm>>
      %dma_start3A_168 = tpu.memref_squeeze %dma_start3A_167 : memref<1x8x256xi32, #tpu.memory_space<hbm>> -> memref<8x256xi32, #tpu.memory_space<hbm>>
      tpu.enqueue_dma source(%arg6 : memref<8x256xi32, #tpu.memory_space<vmem>>) target(%dma_start3A_168 : memref<8x256xi32, #tpu.memory_space<hbm>>) target_semaphore(%run_scoped3A : memref<!tpu.dma_semaphore, #tpu.memory_space<semaphore_mem>>)
      %dma_wait3A_169 = arith.constant 0 : i32
      %dma_wait3A_170 = arith.constant 0 : i32
      %dma_wait3A_171 = tpu.memref_slice %arg4[%add3A, %dma_wait3A_169, %dma_wait3A_170] : memref<32x8x256xi32, #tpu.memory_space<hbm>> -> memref<1x8x256xi32, #tpu.memory_space<hbm>>
      %dma_wait3A_172 = tpu.memref_squeeze %dma_wait3A_171 : memref<1x8x256xi32, #tpu.memory_space<hbm>> -> memref<8x256xi32, #tpu.memory_space<hbm>>
      %dma_wait3A_173 = arith.constant 0 : i32
      %dma_wait3A_174 = arith.constant 0 : i32
      %dma_wait3A_175 = tpu.memref_slice %arg4[%add3A, %dma_wait3A_173, %dma_wait3A_174] : memref<32x8x256xi32, #tpu.memory_space<hbm>> -> memref<1x8x256xi32, #tpu.memory_space<hbm>>
      %dma_wait3A_176 = tpu.memref_squeeze %dma_wait3A_175 : memref<1x8x256xi32, #tpu.memory_space<hbm>> -> memref<8x256xi32, #tpu.memory_space<hbm>>
      tpu.wait_dma2 semaphore(%run_scoped3A : memref<!tpu.dma_semaphore, #tpu.memory_space<semaphore_mem>>) src(%arg6 : memref<8x256xi32, #tpu.memory_space<vmem>>) dst(%dma_wait3A_176 : memref<8x256xi32, #tpu.memory_space<hbm>>)
      tpu.yield
    }) : () -> ()
    return
  }
}

</mosaic_0001>

<sc_bundles>
// kernel: kernel.4.cloned.1.call-start
scs
__scs_entry_jumppad:
0x0: {  	(pc) =	sbr.rel $0x88, $3  }
0x1: {  	(tag) =	ssettag $0x0;
	lr =	simm.s32 $0x1  }
0x2: {  	[smem:$0x3F9C] =	sst lr;
	_ =	strace $0xD0000000  }
0x3: {  	_ = 	snop  }
0x4: {  	_ = 	snop  }
0x5: {  	_ = 	snop  }
0x6: {  	_ = 	snop  }
0x7: {  	_ = 	snop  }
__scs_overlays_trampoline_lowered:
0x8: {  	[smem:$0x3FAB] =	sst s0  }
0x9: {  	[smem:$0x3FAC] =	sst s1  }
0xa: {  	[smem:$0x3FAD] =	sst s2  }
0xb: {  	[smem:$0x3FAE] =	sst s3  }
0xc: {  	[smem:$0x3FAF] =	sst s4  }
0xd: {  	[smem:$0x3FB0] =	sst s5  }
0xe: {  	[smem:$0x3FB1] =	sst s6  }
0xf: {  	[smem:$0x3FB2] =	sst s7  }
0x10: {  	[smem:$0x3FB3] =	sst s8  }
0x11: {  	[smem:$0x3FB4] =	sst s9;
	s0 =	simm.s32 @!p0 $0x0  }
0x12: {  	s1 =	sld [smem:$0x3F9A];
	s0 =	simm.s32 @p0 $0x1  }
0x13: {  	[smem:$0x3FB5] =	sst s0;
	s0 =	simm.s32 @!p1 $0x0  }
0x14: {  	s2 =	sld [smem:$0x3F99];
	s0 =	simm.s32 @p1 $0x1  }
0x15: {  	[smem:$0x3FB6] =	sst s0;
	s0 =	simm.s32 @!p2 $0x0  }
0x16: {  	s3 =	sld [smem:$0x3FDB];
	s0 =	simm.s32 @p2 $0x1  }
0x17: {  	s4 =	simm.s32 $0x1BF5;
	[smem:$0x3FB8] =	sst s0  }
0x18: {  	s0 =	sld [smem:$0x3F9B];
	_ =	swait.ge [sflag:s4], $0x0  }
0x19: {  	s7 =	sld [smem:$0x3F9C]  }
0x1a: {  	s8 =	sadd.s32 $0xFFFFE003, lr  }
0x1b: {  	s9 =	sadd.s32 $0xFFFFFEF7, lr;
	s5 =	simm.s32 $0xFFFFFFFF;
	p2 =	slt.u32 s8, $0xFFFFF086  }
0x1c: {  	p1 =	slt.u32 s9, $0xF7A;
	s5 =	simm.s32 @!p2 $0x0  }
0x1d: {  	s5 =	simm.s32 @p1 $0x1;
	p0 =	seq.s32 s7, s2  }
0x1e: {  	s7 =	smul.u32 @!p0 $0xF7A, s2;
	p2 =	seq.s32 @!p0 s5, $0x0  }
0x1f: {  	s9 =	smul.u32 $0xF7A, s1;
	s8 =	simm.s32 @!p0 $0x1BF5;
	p2 =	por !p2, p0  }
0x20: {  	[sflag:s8] =	ssyncset.s32 @!p0 $0xFFFFF086;
	s6 =	sadd.s32 @!p0 s3, s7;
	s7 =	simm.s32 @!p0 $0x108  }
0x21: {  	s3 =	sadd.s32 s3, s9;
	s6 =	sadd.s32 @!p0 $0x88, s6;
	s7 =	simm.s32 @p2 $0x1082  }
0x22: {  	[simem:s7], [sflag:s8] =	dma.local @!p0 [hbm:s6], $0xF7A  }
0x23: {  	s9 =	sor.u32 $0xD0000000, s2;
	s6 =	simm.s32 $0x108;
	_ =	swait.ge @!p0 [sflag:s8], $0x0  }
0x24: {  	s3 =	sadd.s32 $0x88, s3;
	s6 =	simm.s32 @!p1 $0x1082;
	[sflag:s4] =	ssyncset.s32 $0xFFFFF086  }
0x25: {  	[simem:s6], [sflag:s4] =	dma.local [hbm:s3], $0xF7A  }
0x26: {  	[smem:$0x3F9C] =	sst s1;
	(tag) =	ssettag s2;
	_ =	strace s9  }
0x27: {  	s1 =	sld [smem:$0x3FAC]  }
0x28: {  	s2 =	sld [smem:$0x3FAD]  }
0x29: {  	s4 =	sld [smem:$0x3FAF]  }
0x2a: {  	p0 =	seq.s32 s5, $0x0;
	s5 =	sld [smem:$0x3FB0]  }
0x2b: {  	s6 =	sld [smem:$0x3FB1]  }
0x2c: {  	s7 =	sld [smem:$0x3FB2]  }
0x2d: {  	s3 =	simm.s32 $0x108;
	s8 =	sld [smem:$0x3FB3]  }
0x2e: {  	s3 =	simm.s32 @!p0 $0x1082;
	s9 =	sld [smem:$0x3FB4]  }
0x2f: {  	lr =	sadd.s32 s0, s3;
	s0 =	sld [smem:$0x3FAB]  }
0x30: {  	s3 =	sld [smem:$0x3FAE]  }
0x31: {  	[smem:$0x3FB7] =	sst s10  }
0x32: {  	s10 =	sld [smem:$0x3FB5];
	_ =	sdelay $0x3  }
0x33: {  	p0 =	seq.s32 s10, $0x1;
	s10 =	sld [smem:$0x3FB7];
	_ =	sdelay $0x3  }
0x34: {  	[smem:$0x3FB7] =	sst s10  }
0x35: {  	s10 =	sld [smem:$0x3FB6];
	_ =	sdelay $0x3  }
0x36: {  	p1 =	seq.s32 s10, $0x1;
	s10 =	sld [smem:$0x3FB7];
	_ =	sdelay $0x3  }
0x37: {  	[smem:$0x3FB7] =	sst s10  }
0x38: {  	s10 =	sld [smem:$0x3FB8]  }
0x39: {  	_ = 	snop;
	(pc) =	sbr.ind lr, $3  }
0x3a: {  	_ = 	snop  }
0x3b: {  	_ = 	snop  }
0x3c: {  	p2 =	seq.s32 s10, $0x1;
	s10 =	sld [smem:$0x3FB7]  }
0x3d: {  	_ =	shalt  }
0x3e: {  	_ =	shalt  }
0x3f: {  	_ =	shalt  }
0x40: {  	_ =	shalt  }
0x41: {  	_ =	shalt  }
0x42: {  	_ =	shalt  }
0x43: {  	_ =	shalt  }
0x44: {  	_ =	shalt  }
0x45: {  	_ =	shalt  }
0x46: {  	_ =	shalt  }
0x47: {  	_ =	shalt  }
0x48: {  	_ =	shalt  }
0x49: {  	_ =	shalt  }
0x4a: {  	_ =	shalt  }
0x4b: {  	_ =	shalt  }
0x4c: {  	_ =	shalt  }
0x4d: {  	_ =	shalt  }
0x4e: {  	_ =	shalt  }
0x4f: {  	_ =	shalt  }
0x50: {  	_ =	shalt  }
0x51: {  	_ =	shalt  }
0x52: {  	_ =	shalt  }
0x53: {  	_ =	shalt  }
0x54: {  	_ =	shalt  }
0x55: {  	_ =	shalt  }
0x56: {  	_ =	shalt  }
0x57: {  	_ =	shalt  }
0x58: {  	_ =	shalt  }
0x59: {  	_ =	shalt  }
0x5a: {  	_ =	shalt  }
0x5b: {  	_ =	shalt  }
0x5c: {  	_ =	shalt  }
0x5d: {  	_ =	shalt  }
0x5e: {  	_ =	shalt  }
0x5f: {  	_ =	shalt  }
0x60: {  	_ =	shalt  }
0x61: {  	_ =	shalt  }
0x62: {  	_ =	shalt  }
0x63: {  	_ =	shalt  }
0x64: {  	_ =	shalt  }
0x65: {  	_ =	shalt  }
0x66: {  	_ =	shalt  }
0x67: {  	_ =	shalt  }
0x68: {  	_ =	shalt  }
0x69: {  	_ =	shalt  }
0x6a: {  	_ =	shalt  }
0x6b: {  	_ =	shalt  }
0x6c: {  	_ =	shalt  }
0x6d: {  	_ =	shalt  }
0x6e: {  	_ =	shalt  }
0x6f: {  	_ =	shalt  }
0x70: {  	_ =	shalt  }
0x71: {  	_ =	shalt  }
0x72: {  	_ =	shalt  }
0x73: {  	_ =	shalt  }
0x74: {  	_ =	shalt  }
0x75: {  	_ =	shalt  }
0x76: {  	_ =	shalt  }
0x77: {  	_ =	shalt  }
0x78: {  	_ =	shalt  }
0x79: {  	_ =	shalt  }
0x7a: {  	_ =	shalt  }
0x7b: {  	_ =	shalt  }
0x7c: {  	_ =	shalt  }
0x7d: {  	_ =	shalt  }
0x7e: {  	_ =	shalt  }
0x7f: {  	_ =	shalt  }
0x80: {  	_ =	shalt  }
0x81: {  	_ =	shalt  }
0x82: {  	_ =	shalt  }
0x83: {  	_ =	shalt  }
0x84: {  	_ =	shalt  }
0x85: {  	_ =	shalt  }
0x86: {  	_ =	shalt  }
0x87: {  	_ =	shalt  }
.Lfunc_end0:
.L_simem_size_0:
called_computation_lowered:
.L_overlay_start_0:
0x88: {  	s2 =	sld [smem:$0x3FD9]  }
0x89: {  	s3 =	sld [smem:$0x3FFE];
	_ =	sdelay $0x1  }
0x8a: {  	s1 =	srdreg.scid  }
0x8b: {  	s0 =	sand.u32 $0x1, s1  }
0x8c: {  	s17 =	sshll.u32 s0, $0xA;
	s2 =	sadd.s32 s3, s2  }
0x8d: {  	s2 =	sadd.s32 s2, s17  }
0x8e: {  	[smem:$0x3FC3] =	sst s2  }
0x8f: {  	_ = 	snop  }
0x90: {  	s2 =	sld [smem:$0x3FC9];
	(tm) =	ssettm $0x1  }
0x91: {  	s18 =	sld [smem:$0x3FFB];
	_ =	sdelay $0x3  }
0x92: {  	_ =	strace s18  }
0x93: {  	s3 =	sld [smem:$0x3FFC];
	_ =	sdelay $0x3  }
0x94: {  	_ =	strace s3  }
0x95: {  	s3 =	sld [smem:$0x3FFD];
	_ =	sdelay $0x3  }
0x96: {  	_ =	strace s3  }
0x97: {  	_ =	strace $0x8FFFFFFF  }
0x98: {  	s19 =	sld [smem:$0x3FDB];
	_ =	sdelay $0x1  }
0x99: {  	s4 =	simm.s32 $_scs_section_size  }
0x9a: {  	s5 =	simm.s32 $_size__tile_overlayer_lowered;
	s6 =	simm.s32 $_tile_overlayer_lowered  }
0x9b: {  	s22 =	simm.s32 $0x1BFF;
	s21 =	sshll.u32 s6, $0x1;
	s3 =	sadd.s32 s4, s19  }
0x9c: {  	s7 =	simm.s32 $0x0;
	s20 =	sshll.u32 s5, $0x1;
	s5 =	sadd.s32 s21, s3  }
0x9d: {  	[timem:s7], [sflag:s22] =	dma.local [hbm:s5], s20  }
0x9e: {  	_ =	swait.ge [sflag:s22], s20  }
0x9f: {  	s4 =	ssub.s32 $0x0, s20;
	[sflag:s22] =	ssyncset.done $0x0  }
0xa0: {  	[sflag:s22] =	ssyncadd.s32 s4;
	_ =	sdelay $0x1  }
0xa1: {  	s23 =	simm.s32 $0x1B8B  }
0xa2: {  	_ =	swait.ge [sflag:s23], $0x1  }
0xa3: {  	[sflag:s23] =	ssyncset.done $0x0  }
0xa4: {  	s25 =	simm.s32 $0x1B8E;
	s24 =	sld [smem:$0x3FFE];
	[sflag:s23] =	ssyncadd.s32 $0xFFFFFFFF  }
0xa5: {  	s26 =	simm.s32 $execute0_lowered;
	[smem:$0x3FD2] =	sst s25  }
0xa6: {  	s5 =	sshll.u32 s26, $0x1;
	_ =	strace $0x80000046;
	[dreg:$0x1] =	wrdreg $0xFFFFFFFF  }
0xa7: {  	s28 =	simm.s32 $_size_execute0_lowered;
	s3 =	sadd.s32 s3, s5;
	[dreg:$0x0] =	wrdreg $0x0  }
0xa8: {  	s5 =	sshll.u32 s28, $0x1;
	[dreg:$0x2] =	wrdreg s3  }
0xa9: {  	[dreg:$0x3] =	wrdreg s5  }
0xaa: {  	[dreg:$0x4] =	wrdreg $0xC0  }
0xab: {  	_ =	task [dreg:s7], $0x5FFFF  }
0xac: {  	[dreg:$0x1] =	wrdreg $0xFFFFFFFF  }
0xad: {  	[dreg:$0x0] =	wrdreg $0x60  }
0xae: {  	[dreg:$0x2] =	wrdreg s2  }
0xaf: {  	[dreg:$0x3] =	wrdreg s24  }
0xb0: {  	[dreg:$0x4] =	wrdreg $0x9  }
0xb1: {  	_ =	task.clear_ibuf [dreg:s7], $0x5FFFF;
	_ =	strace $0x90000046  }
0xb2: {  	s29 =	simm.s32 $0x9;
	_ =	strace $0x80000048  }
0xb3: {  	_ =	swait.ge [sflag:s29], $0x1  }
0xb4: {  	[sflag:s29] =	ssyncadd.s32 $0xFFFFFFFF  }
0xb5: {  	_ =	strace $0x90000048  }
0xb6: {  	_ =	sfence  }
0xb7: {  	s30 =	sld [smem:$0x0];
	_ =	sdelay $0x2  }
0xb8: {  	s31 =	sshll.u32 s1, $0xD;
	s1 =	sshrl.u32 s1, $0x2  }
0xb9: {  	s3 =	sand.u32 $0x4000, s31;
	s1 =	sadd.s32 s1, s30  }
0xba: {  	s0 =	sor.u32 s3, s0;
	s1 =	sshll.u32 s1, $0x11  }
0xbb: {  	s0 =	sor.u32 s1, s0  }
0xbc: {  	s0 =	sadd.s32 $0x8F2B, s0  }
0xbd: {  	[sflag:s0] =	ssyncadd.remote.s32 $0x1  }
0xbe: {  	_ =	sfence.sel $0xFFFF  }
0xbf: {  	[dreg:$0x0] =	wrdreg $0xFFFFFFFF;
	(pc) =	sbr.abs _section_cstart, $3  }
0xc0: {  	[dreg:$0x1] =	wrdreg $0xFFFFFFFF  }
0xc1: {  	_ =	task.clear_ibuf [dreg:s7], $0x2FFFF;
	_ =	strace $0x9FFFFFFF  }
0xc2: {  	(tm) =	ssettm $0x7FFFFFFF  }
0xc3: {  	_ =	shalt  }
tec
execute0_lowered:
.L_overlay_start_1:
0x0: {  	(tag) =	ssettag $0x1  }
0x1: {  	s3 =	rddreg [dreg:$0x0]  }
0x2: {  	s1 =	srdreg.scid;
	s0 =	stileid.u32  }
0x3: {  	s22 =	rddreg [dreg:$0x1];
	s23 =	sand.u32 $0x1, s1;
	s4 =	sshll.u32 s0, $0x1  }
0x4: {  	s2 =	simm.s32 $0x0;
	s1 =	rddreg [dreg:$0x2];
	s24 =	sor.u32 s23, s4  }
0x5: {  	[smem:$0x7FF] =	sst s2;
	s4 =	sshll.u32 s24, $0x5  }
0x6: {  	_ =	strace $0x80000047;
	s4 =	sadd.s32 s3, s4;
	s3 =	simm.s32 $0x2  }
0x7: {  	[tilespmem:s2], [sflag:$0x2] =	stream.linear.gather [hbm4b:s4+s2], $0x100, $0x38;
	[tilespmem:$0x900] =	vst v63  }
0x8: {  	_ =	swait.ge [sflag:s3], $0x100  }
0x9: {  	[sflag:s3] =	ssyncset.done $0x0  }
0xa: {  	s6 =	simm.s32 $0x100;
	s5 =	sadd.s32 $0x800, s22;
	[sflag:s3] =	ssyncadd.s32 $0xFFFFFF00  }
0xb: {  	[tilespmem:s6], [sflag:$0x1] =	stream.indirect.gather [hbm4b:s5+s6], $0x1, s2, s6, $0xb8;
	[tilespmem:$0x900] =	vst v63  }
0xc: {  	s8 =	simm.s32 $0x200;
	s7 =	sadd.s32 $0x38D4, s22  }
0xd: {  	[tilespmem:s8], [sflag:$0x1] =	stream.indirect.gather [hbm4b:s7+s6], $0x1, s2, s6, $0xb8;
	[tilespmem:$0x900] =	vst v63  }
0xe: {  	s10 =	simm.s32 $0x300;
	s9 =	sadd.s32 $0x69A8, s22  }
0xf: {  	[tilespmem:s10], [sflag:$0x1] =	stream.indirect.gather [hbm4b:s9+s6], $0x1, s2, s6, $0xb8;
	[tilespmem:$0x900] =	vst v63  }
0x10: {  	s12 =	simm.s32 $0x400;
	s11 =	sadd.s32 $0x9A7C, s22  }
0x11: {  	[tilespmem:s12], [sflag:$0x1] =	stream.indirect.gather [hbm4b:s11+s6], $0x1, s2, s6, $0xb8;
	[tilespmem:$0x900] =	vst v63  }
0x12: {  	s14 =	simm.s32 $0x500;
	s13 =	sadd.s32 $0xCB50, s22  }
0x13: {  	[tilespmem:s14], [sflag:$0x1] =	stream.indirect.gather [hbm4b:s13+s6], $0x1, s2, s6, $0xb8;
	[tilespmem:$0x900] =	vst v63  }
0x14: {  	s16 =	simm.s32 $0x600;
	s15 =	sadd.s32 $0xFC24, s22  }
0x15: {  	[tilespmem:s16], [sflag:$0x1] =	stream.indirect.gather [hbm4b:s15+s6], $0x1, s2, s6, $0xb8;
	[tilespmem:$0x900] =	vst v63  }
0x16: {  	s18 =	simm.s32 $0x700;
	s17 =	sadd.s32 $0x12CF8, s22  }
0x17: {  	[tilespmem:s18], [sflag:$0x1] =	stream.indirect.gather [hbm4b:s17+s6], $0x1, s2, s6, $0xb8;
	[tilespmem:$0x900] =	vst v63  }
0x18: {  	s20 =	simm.s32 $0x800;
	s21 =	simm.s32 $0x1;
	s19 =	sadd.s32 $0x15DCC, s22  }
0x19: {  	[tilespmem:s20], [sflag:$0x1] =	stream.indirect.gather [hbm4b:s19+s6], $0x1, s2, s6, $0xb8;
	[tilespmem:$0x900] =	vst v63  }
0x1a: {  	_ =	swait.ge [sflag:s21], $0x100  }
0x1b: {  	[sflag:s21] =	ssyncset.done $0x0  }
0x1c: {  	[sflag:s21] =	ssyncadd.s32 $0xFFFFFF00  }
0x1d: {  	_ =	swait.ge [sflag:s21], $0x100  }
0x1e: {  	[sflag:s21] =	ssyncset.done $0x0  }
0x1f: {  	[sflag:s21] =	ssyncadd.s32 $0xFFFFFF00  }
0x20: {  	_ =	swait.ge [sflag:s21], $0x100  }
0x21: {  	[sflag:s21] =	ssyncset.done $0x0  }
0x22: {  	[sflag:s21] =	ssyncadd.s32 $0xFFFFFF00  }
0x23: {  	_ =	swait.ge [sflag:s21], $0x100  }
0x24: {  	[sflag:s21] =	ssyncset.done $0x0  }
0x25: {  	[sflag:s21] =	ssyncadd.s32 $0xFFFFFF00  }
0x26: {  	_ =	swait.ge [sflag:s21], $0x100  }
0x27: {  	[sflag:s21] =	ssyncset.done $0x0  }
0x28: {  	[sflag:s21] =	ssyncadd.s32 $0xFFFFFF00  }
0x29: {  	_ =	swait.ge [sflag:s21], $0x100  }
0x2a: {  	[sflag:s21] =	ssyncset.done $0x0  }
0x2b: {  	s23 =	ssub.s32 $0x2, s23;
	[sflag:s21] =	ssyncadd.s32 $0xFFFFFF00  }
0x2c: {  	s25 =	sshrl.u32 s23, $0x1;
	_ =	swait.ge [sflag:s21], $0x100  }
0x2d: {  	s23 =	ssub.s32 s23, s25;
	[sflag:s21] =	ssyncset.done $0x0  }
0x2e: {  	s23 =	smax.u32 s23, $0x1;
	[sflag:s21] =	ssyncadd.s32 $0xFFFFFF00  }
0x2f: {  	s24 =	sshll.u32 s24, $0x8;
	p0 =	sne.s32 s23, $0x1;
	_ =	swait.ge [sflag:s21], $0x100  }
.Ltmp0:
0x30: {  	s22 =	sadd.s32 s24, s22;
	[sflag:s21] =	ssyncset.done $0x0;
	(pc) =	sbr.rel @!p0 .LBB2_2-.Ltmp0, $4  }
0x31: {  	s22 =	sadd.s32 $0x19000, s22;
	[sflag:s21] =	ssyncadd.s32 $0xFFFFFF00  }
0x32: {  	[hbm4b:s22+s2] =	stream.linear.scatter [tilespmem:s6], [sflag:$0x2], $0x800, $0x38;
	[tilespmem:$0x900] =	vst v63  }
0x33: {  	_ =	swait.ge [sflag:s3], $0x800  }
0x34: {  	s23 =	sadd.s32 $0xFFFFFFFF, s23;
	[sflag:s3] =	ssyncset.done $0x0  }
.LBB2_1:
0x35: {  	p0 =	sne.s32 s23, $0x1;
	s23 =	sadd.s32 $0xFFFFFFFF, s23;
	[sflag:s3] =	ssyncadd.s32 $0xFFFFF800  }
0x36: {  	[tilespmem:s2], [sflag:$0x2] =	stream.linear.gather [hbm4b:s4+s2], $0x100, $0x38;
	[tilespmem:$0x900] =	vst v63  }
0x37: {  	_ =	swait.ge [sflag:s3], $0x100  }
0x38: {  	[sflag:s3] =	ssyncset.done $0x0  }
0x39: {  	[sflag:s3] =	ssyncadd.s32 $0xFFFFFF00  }
0x3a: {  	[tilespmem:s6], [sflag:$0x1] =	stream.indirect.gather [hbm4b:s5+s6], $0x1, s2, s6, $0xb8;
	[tilespmem:$0x900] =	vst v63  }
0x3b: {  	_ = 	snop  }
0x3c: {  	[tilespmem:s8], [sflag:$0x1] =	stream.indirect.gather [hbm4b:s7+s6], $0x1, s2, s6, $0xb8;
	[tilespmem:$0x900] =	vst v63  }
0x3d: {  	_ = 	snop  }
0x3e: {  	[tilespmem:s10], [sflag:$0x1] =	stream.indirect.gather [hbm4b:s9+s6], $0x1, s2, s6, $0xb8;
	[tilespmem:$0x900] =	vst v63  }
0x3f: {  	_ = 	snop  }
0x40: {  	[tilespmem:s12], [sflag:$0x1] =	stream.indirect.gather [hbm4b:s11+s6], $0x1, s2, s6, $0xb8;
	[tilespmem:$0x900] =	vst v63  }
0x41: {  	_ = 	snop  }
0x42: {  	[tilespmem:s14], [sflag:$0x1] =	stream.indirect.gather [hbm4b:s13+s6], $0x1, s2, s6, $0xb8;
	[tilespmem:$0x900] =	vst v63  }
0x43: {  	_ = 	snop  }
0x44: {  	[tilespmem:s16], [sflag:$0x1] =	stream.indirect.gather [hbm4b:s15+s6], $0x1, s2, s6, $0xb8;
	[tilespmem:$0x900] =	vst v63  }
0x45: {  	_ = 	snop  }
0x46: {  	[tilespmem:s18], [sflag:$0x1] =	stream.indirect.gather [hbm4b:s17+s6], $0x1, s2, s6, $0xb8;
	[tilespmem:$0x900] =	vst v63  }
0x47: {  	_ = 	snop  }
0x48: {  	[tilespmem:s20], [sflag:$0x1] =	stream.indirect.gather [hbm4b:s19+s6], $0x1, s2, s6, $0xb8;
	[tilespmem:$0x900] =	vst v63  }
0x49: {  	_ =	swait.ge [sflag:s21], $0x100  }
0x4a: {  	[sflag:s21] =	ssyncset.done $0x0  }
0x4b: {  	[sflag:s21] =	ssyncadd.s32 $0xFFFFFF00  }
0x4c: {  	_ =	swait.ge [sflag:s21], $0x100  }
0x4d: {  	[sflag:s21] =	ssyncset.done $0x0  }
0x4e: {  	[sflag:s21] =	ssyncadd.s32 $0xFFFFFF00  }
0x4f: {  	_ =	swait.ge [sflag:s21], $0x100  }
0x50: {  	[sflag:s21] =	ssyncset.done $0x0  }
0x51: {  	[sflag:s21] =	ssyncadd.s32 $0xFFFFFF00  }
0x52: {  	_ =	swait.ge [sflag:s21], $0x100  }
0x53: {  	[sflag:s21] =	ssyncset.done $0x0  }
0x54: {  	[sflag:s21] =	ssyncadd.s32 $0xFFFFFF00  }
0x55: {  	_ =	swait.ge [sflag:s21], $0x100  }
0x56: {  	[sflag:s21] =	ssyncset.done $0x0  }
0x57: {  	[sflag:s21] =	ssyncadd.s32 $0xFFFFFF00  }
0x58: {  	_ =	swait.ge [sflag:s21], $0x100  }
0x59: {  	[sflag:s21] =	ssyncset.done $0x0  }
0x5a: {  	[sflag:s21] =	ssyncadd.s32 $0xFFFFFF00  }
0x5b: {  	_ =	swait.ge [sflag:s21], $0x100  }
0x5c: {  	[sflag:s21] =	ssyncset.done $0x0  }
0x5d: {  	[sflag:s21] =	ssyncadd.s32 $0xFFFFFF00  }
0x5e: {  	_ =	swait.ge [sflag:s21], $0x100  }
.Ltmp1:
0x5f: {  	[sflag:s21] =	ssyncset.done $0x0;
	(pc) =	sbr.rel @p0 .LBB2_1-.Ltmp1, $4  }
0x60: {  	[sflag:s21] =	ssyncadd.s32 $0xFFFFFF00  }
0x61: {  	[hbm4b:s22+s2] =	stream.linear.scatter [tilespmem:s6], [sflag:$0x2], $0x800, $0x38;
	[tilespmem:$0x900] =	vst v63  }
0x62: {  	_ =	swait.ge [sflag:s3], $0x800  }
0x63: {  	[sflag:s3] =	ssyncset.done $0x0  }
.LBB2_2:
0x64: {  	[sflag:s3] =	ssyncadd.s32 $0xFFFFF800  }
0x65: {  	_ =	sfence.sel $0x180000  }
0x66: {  	[bflag:$0x0] =	sbarrier.arrive $0xFFFF  }
0x67: {  	p0 =	sne.s32 s0, $0x0;
	_ =	strace $0x90000047  }
0x68: {  	s0 =	sadd.s32 @!p0 $0x100000, s1;
	[bflag:$0x2] =	sbarrier.arrive $0xFFFF  }
0x69: {  	[sflag:s0] =	ssyncadd.tile.s32 @!p0 $0x1;
	_ =	shalt  }
.Lfunc_end2:
_tile_overlayer_lowered:
.L_overlay_start_2:
0x6a: {  	(tag) =	ssettag $0x2  }
0x6b: {  	s0 =	rddreg [dreg:$0x0];
	s2 =	stileid.u32  }
0x6c: {  	s1 =	rddreg [dreg:$0x1];
	p0 =	sne.s32 s2, $0x0  }
0x6d: {  	s3 =	rddreg [dreg:$0x2];
	[bflag:$0x3] =	sbarrier.arrive $0xFFFF;
	s2 =	simm.s32 @!p0 $0x1C02  }
0x6e: {  	[timem:s3], [sflag:s2] =	dma.local @!p0 [hbm:s0], s1  }
0x6f: {  	s0 =	simm.s32 @!p0 $0x2  }
0x70: {  	_ =	swait.ge @!p0 [sflag:s0], s1  }
0x71: {  	s1 =	ssub.s32 @!p0 $0x0, s1;
	[sflag:s0] =	ssyncset.done @!p0 $0x0  }
0x72: {  	[sflag:s0] =	ssyncadd.s32 @!p0 s1  }
0x73: {  	[bflag:$0x3] =	sbarrier.arrive $0xFFFF  }
0x74: {  	_ =	shalt  }

// kernel: kernel.7.cloned.1.call-start
scs
__scs_entry_jumppad:
0x0: {  	(pc) =	sbr.rel $0x88, $3  }
0x1: {  	(tag) =	ssettag $0x0;
	lr =	simm.s32 $0x1  }
0x2: {  	[smem:$0x3F9C] =	sst lr;
	_ =	strace $0xD0000000  }
0x3: {  	_ = 	snop  }
0x4: {  	_ = 	snop  }
0x5: {  	_ = 	snop  }
0x6: {  	_ = 	snop  }
0x7: {  	_ = 	snop  }
__scs_overlays_trampoline_lowered:
0x8: {  	[smem:$0x3FAB] =	sst s0  }
0x9: {  	[smem:$0x3FAC] =	sst s1  }
0xa: {  	[smem:$0x3FAD] =	sst s2  }
0xb: {  	[smem:$0x3FAE] =	sst s3  }
0xc: {  	[smem:$0x3FAF] =	sst s4  }
0xd: {  	[smem:$0x3FB0] =	sst s5  }
0xe: {  	[smem:$0x3FB1] =	sst s6  }
0xf: {  	[smem:$0x3FB2] =	sst s7  }
0x10: {  	[smem:$0x3FB3] =	sst s8  }
0x11: {  	[smem:$0x3FB4] =	sst s9;
	s0 =	simm.s32 @!p0 $0x0  }
0x12: {  	s1 =	sld [smem:$0x3F9A];
	s0 =	simm.s32 @p0 $0x1  }
0x13: {  	[smem:$0x3FB5] =	sst s0;
	s0 =	simm.s32 @!p1 $0x0  }
0x14: {  	s2 =	sld [smem:$0x3F99];
	s0 =	simm.s32 @p1 $0x1  }
0x15: {  	[smem:$0x3FB6] =	sst s0;
	s0 =	simm.s32 @!p2 $0x0  }
0x16: {  	s3 =	sld [smem:$0x3FDB];
	s0 =	simm.s32 @p2 $0x1  }
0x17: {  	s4 =	simm.s32 $0x1BF5;
	[smem:$0x3FB8] =	sst s0  }
0x18: {  	s0 =	sld [smem:$0x3F9B];
	_ =	swait.ge [sflag:s4], $0x0  }
0x19: {  	s7 =	sld [smem:$0x3F9C]  }
0x1a: {  	s8 =	sadd.s32 $0xFFFFE003, lr  }
0x1b: {  	s9 =	sadd.s32 $0xFFFFFEF7, lr;
	s5 =	simm.s32 $0xFFFFFFFF;
	p2 =	slt.u32 s8, $0xFFFFF086  }
0x1c: {  	p1 =	slt.u32 s9, $0xF7A;
	s5 =	simm.s32 @!p2 $0x0  }
0x1d: {  	s5 =	simm.s32 @p1 $0x1;
	p0 =	seq.s32 s7, s2  }
0x1e: {  	s7 =	smul.u32 @!p0 $0xF7A, s2;
	p2 =	seq.s32 @!p0 s5, $0x0  }
0x1f: {  	s9 =	smul.u32 $0xF7A, s1;
	s8 =	simm.s32 @!p0 $0x1BF5;
	p2 =	por !p2, p0  }
0x20: {  	[sflag:s8] =	ssyncset.s32 @!p0 $0xFFFFF086;
	s6 =	sadd.s32 @!p0 s3, s7;
	s7 =	simm.s32 @!p0 $0x108  }
0x21: {  	s3 =	sadd.s32 s3, s9;
	s6 =	sadd.s32 @!p0 $0x88, s6;
	s7 =	simm.s32 @p2 $0x1082  }
0x22: {  	[simem:s7], [sflag:s8] =	dma.local @!p0 [hbm:s6], $0xF7A  }
0x23: {  	s9 =	sor.u32 $0xD0000000, s2;
	s6 =	simm.s32 $0x108;
	_ =	swait.ge @!p0 [sflag:s8], $0x0  }
0x24: {  	s3 =	sadd.s32 $0x88, s3;
	s6 =	simm.s32 @!p1 $0x1082;
	[sflag:s4] =	ssyncset.s32 $0xFFFFF086  }
0x25: {  	[simem:s6], [sflag:s4] =	dma.local [hbm:s3], $0xF7A  }
0x26: {  	[smem:$0x3F9C] =	sst s1;
	(tag) =	ssettag s2;
	_ =	strace s9  }
0x27: {  	s1 =	sld [smem:$0x3FAC]  }
0x28: {  	s2 =	sld [smem:$0x3FAD]  }
0x29: {  	s4 =	sld [smem:$0x3FAF]  }
0x2a: {  	p0 =	seq.s32 s5, $0x0;
	s5 =	sld [smem:$0x3FB0]  }
0x2b: {  	s6 =	sld [smem:$0x3FB1]  }
0x2c: {  	s7 =	sld [smem:$0x3FB2]  }
0x2d: {  	s3 =	simm.s32 $0x108;
	s8 =	sld [smem:$0x3FB3]  }
0x2e: {  	s3 =	simm.s32 @!p0 $0x1082;
	s9 =	sld [smem:$0x3FB4]  }
0x2f: {  	lr =	sadd.s32 s0, s3;
	s0 =	sld [smem:$0x3FAB]  }
0x30: {  	s3 =	sld [smem:$0x3FAE]  }
0x31: {  	[smem:$0x3FB7] =	sst s10  }
0x32: {  	s10 =	sld [smem:$0x3FB5];
	_ =	sdelay $0x3  }
0x33: {  	p0 =	seq.s32 s10, $0x1;
	s10 =	sld [smem:$0x3FB7];
	_ =	sdelay $0x3  }
0x34: {  	[smem:$0x3FB7] =	sst s10  }
0x35: {  	s10 =	sld [smem:$0x3FB6];
	_ =	sdelay $0x3  }
0x36: {  	p1 =	seq.s32 s10, $0x1;
	s10 =	sld [smem:$0x3FB7];
	_ =	sdelay $0x3  }
0x37: {  	[smem:$0x3FB7] =	sst s10  }
0x38: {  	s10 =	sld [smem:$0x3FB8]  }
0x39: {  	_ = 	snop;
	(pc) =	sbr.ind lr, $3  }
0x3a: {  	_ = 	snop  }
0x3b: {  	_ = 	snop  }
0x3c: {  	p2 =	seq.s32 s10, $0x1;
	s10 =	sld [smem:$0x3FB7]  }
0x3d: {  	_ =	shalt  }
0x3e: {  	_ =	shalt  }
0x3f: {  	_ =	shalt  }
0x40: {  	_ =	shalt  }
0x41: {  	_ =	shalt  }
0x42: {  	_ =	shalt  }
0x43: {  	_ =	shalt  }
0x44: {  	_ =	shalt  }
0x45: {  	_ =	shalt  }
0x46: {  	_ =	shalt  }
0x47: {  	_ =	shalt  }
0x48: {  	_ =	shalt  }
0x49: {  	_ =	shalt  }
0x4a: {  	_ =	shalt  }
0x4b: {  	_ =	shalt  }
0x4c: {  	_ =	shalt  }
0x4d: {  	_ =	shalt  }
0x4e: {  	_ =	shalt  }
0x4f: {  	_ =	shalt  }
0x50: {  	_ =	shalt  }
0x51: {  	_ =	shalt  }
0x52: {  	_ =	shalt  }
0x53: {  	_ =	shalt  }
0x54: {  	_ =	shalt  }
0x55: {  	_ =	shalt  }
0x56: {  	_ =	shalt  }
0x57: {  	_ =	shalt  }
0x58: {  	_ =	shalt  }
0x59: {  	_ =	shalt  }
0x5a: {  	_ =	shalt  }
0x5b: {  	_ =	shalt  }
0x5c: {  	_ =	shalt  }
0x5d: {  	_ =	shalt  }
0x5e: {  	_ =	shalt  }
0x5f: {  	_ =	shalt  }
0x60: {  	_ =	shalt  }
0x61: {  	_ =	shalt  }
0x62: {  	_ =	shalt  }
0x63: {  	_ =	shalt  }
0x64: {  	_ =	shalt  }
0x65: {  	_ =	shalt  }
0x66: {  	_ =	shalt  }
0x67: {  	_ =	shalt  }
0x68: {  	_ =	shalt  }
0x69: {  	_ =	shalt  }
0x6a: {  	_ =	shalt  }
0x6b: {  	_ =	shalt  }
0x6c: {  	_ =	shalt  }
0x6d: {  	_ =	shalt  }
0x6e: {  	_ =	shalt  }
0x6f: {  	_ =	shalt  }
0x70: {  	_ =	shalt  }
0x71: {  	_ =	shalt  }
0x72: {  	_ =	shalt  }
0x73: {  	_ =	shalt  }
0x74: {  	_ =	shalt  }
0x75: {  	_ =	shalt  }
0x76: {  	_ =	shalt  }
0x77: {  	_ =	shalt  }
0x78: {  	_ =	shalt  }
0x79: {  	_ =	shalt  }
0x7a: {  	_ =	shalt  }
0x7b: {  	_ =	shalt  }
0x7c: {  	_ =	shalt  }
0x7d: {  	_ =	shalt  }
0x7e: {  	_ =	shalt  }
0x7f: {  	_ =	shalt  }
0x80: {  	_ =	shalt  }
0x81: {  	_ =	shalt  }
0x82: {  	_ =	shalt  }
0x83: {  	_ =	shalt  }
0x84: {  	_ =	shalt  }
0x85: {  	_ =	shalt  }
0x86: {  	_ =	shalt  }
0x87: {  	_ =	shalt  }
.Lfunc_end0:
.L_simem_size_0:
called_computation.1_lowered:
.L_overlay_start_0:
0x88: {  	s2 =	sld [smem:$0x3FD9]  }
0x89: {  	s3 =	sld [smem:$0x3FFE];
	_ =	sdelay $0x1  }
0x8a: {  	s1 =	srdreg.scid  }
0x8b: {  	s0 =	sand.u32 $0x1, s1  }
0x8c: {  	s14 =	sshll.u32 s0, $0xA;
	s2 =	sadd.s32 s3, s2  }
0x8d: {  	s2 =	sadd.s32 s2, s14  }
0x8e: {  	[smem:$0x3FC3] =	sst s2  }
0x8f: {  	_ = 	snop  }
0x90: {  	s2 =	sld [smem:$0x3FD0];
	_ =	sdelay $0x2  }
0x91: {  	s15 =	simm.s32 $0xA;
	s4 =	simm.s32 $0x10  }
0x92: {  	[smem:s4], [sflag:s15] =	dma.local [hbm:s2], $0x1  }
0x93: {  	_ =	swait.eq [sflag:s15], $0x1  }
0x94: {  	[sflag:s15] =	ssyncset.done $0x0  }
0x95: {  	s16 =	sld [smem:$0x10];
	[sflag:s15] =	ssyncadd.s32 $0xFFFFFFFF  }
0x96: {  	s17 =	sld [smem:$0x11];
	(tm) =	ssettm $0x1  }
0x97: {  	s18 =	sld [smem:$0x3FFB];
	_ =	sdelay $0x3  }
0x98: {  	_ =	strace s18  }
0x99: {  	s4 =	sld [smem:$0x3FFC];
	_ =	sdelay $0x3  }
0x9a: {  	_ =	strace s4  }
0x9b: {  	s4 =	sld [smem:$0x3FFD];
	_ =	sdelay $0x3  }
0x9c: {  	_ =	strace s4  }
0x9d: {  	_ =	strace $0x8FFFFFFF  }
0x9e: {  	s19 =	sld [smem:$0x3FDB];
	_ =	sdelay $0x1  }
0x9f: {  	s5 =	simm.s32 $_scs_section_size  }
0xa0: {  	s6 =	simm.s32 $_size__tile_overlayer_lowered;
	s7 =	simm.s32 $_tile_overlayer_lowered  }
0xa1: {  	s22 =	simm.s32 $0x1BFF;
	s21 =	sshll.u32 s7, $0x1;
	s4 =	sadd.s32 s5, s19  }
0xa2: {  	s8 =	simm.s32 $0x0;
	s20 =	sshll.u32 s6, $0x1;
	s6 =	sadd.s32 s21, s4  }
0xa3: {  	[timem:s8], [sflag:s22] =	dma.local [hbm:s6], s20  }
0xa4: {  	_ =	swait.ge [sflag:s22], s20  }
0xa5: {  	s5 =	ssub.s32 $0x0, s20;
	[sflag:s22] =	ssyncset.done $0x0  }
0xa6: {  	[sflag:s22] =	ssyncadd.s32 s5;
	_ =	sdelay $0x1  }
0xa7: {  	s23 =	simm.s32 $0x1B8B  }
0xa8: {  	_ =	swait.ge [sflag:s23], $0x1  }
0xa9: {  	[sflag:s23] =	ssyncset.done $0x0  }
0xaa: {  	s25 =	simm.s32 $0x1B8E;
	s24 =	sld [smem:$0x3FFE];
	[sflag:s23] =	ssyncadd.s32 $0xFFFFFFFF  }
0xab: {  	s26 =	simm.s32 $execute0_lowered;
	[smem:$0x3FD2] =	sst s25  }
0xac: {  	s6 =	sshll.u32 s26, $0x1;
	_ =	strace $0x80000049;
	[dreg:$0x1] =	wrdreg $0xFFFFFFFF  }
0xad: {  	s28 =	simm.s32 $_size_execute0_lowered;
	s4 =	sadd.s32 s4, s6;
	[dreg:$0x0] =	wrdreg $0x0  }
0xae: {  	s6 =	sshll.u32 s28, $0x1;
	[dreg:$0x2] =	wrdreg s4  }
0xaf: {  	[dreg:$0x3] =	wrdreg s6  }
0xb0: {  	[dreg:$0x4] =	wrdreg $0xC0  }
0xb1: {  	_ =	task [dreg:s8], $0x5FFFF  }
0xb2: {  	[dreg:$0x1] =	wrdreg $0xFFFFFFFF  }
0xb3: {  	[dreg:$0x0] =	wrdreg $0x60  }
0xb4: {  	[dreg:$0x2] =	wrdreg s24  }
0xb5: {  	[dreg:$0x3] =	wrdreg s17  }
0xb6: {  	[dreg:$0x4] =	wrdreg s16  }
0xb7: {  	[dreg:$0x5] =	wrdreg $0x9  }
0xb8: {  	_ =	task.clear_ibuf [dreg:s8], $0x6FFFF;
	_ =	strace $0x90000049  }
0xb9: {  	s29 =	simm.s32 $0x9;
	_ =	strace $0x8000004B  }
0xba: {  	_ =	swait.ge [sflag:s29], $0x1  }
0xbb: {  	[sflag:s29] =	ssyncadd.s32 $0xFFFFFFFF  }
0xbc: {  	_ =	strace $0x9000004B  }
0xbd: {  	_ =	sfence  }
0xbe: {  	s30 =	sld [smem:$0x0];
	_ =	sdelay $0x2  }
0xbf: {  	s31 =	sshll.u32 s1, $0xD;
	s1 =	sshrl.u32 s1, $0x2  }
0xc0: {  	s3 =	sand.u32 $0x4000, s31;
	s1 =	sadd.s32 s1, s30  }
0xc1: {  	s0 =	sor.u32 s3, s0;
	s1 =	sshll.u32 s1, $0x11  }
0xc2: {  	s0 =	sor.u32 s1, s0  }
0xc3: {  	s0 =	sadd.s32 $0x8F2B, s0  }
0xc4: {  	[sflag:s0] =	ssyncadd.remote.s32 $0x1  }
0xc5: {  	_ =	sfence.sel $0xFFFF  }
0xc6: {  	[dreg:$0x0] =	wrdreg $0xFFFFFFFF;
	(pc) =	sbr.abs _section_cstart, $3  }
0xc7: {  	[dreg:$0x1] =	wrdreg $0xFFFFFFFF  }
0xc8: {  	_ =	task.clear_ibuf [dreg:s8], $0x2FFFF;
	_ =	strace $0x9FFFFFFF  }
0xc9: {  	(tm) =	ssettm $0x7FFFFFFF  }
tec
execute0_lowered:
.L_overlay_start_1:
0x0: {  	(tag) =	ssettag $0x1  }
0x1: {  	s0 =	rddreg [dreg:$0x0]  }
0x2: {  	s1 =	rddreg [dreg:$0x1]  }
0x3: {  	s11 =	rddreg [dreg:$0x2];
	s2 =	simm.s32 $0x0  }
0x4: {  	s3 =	srdreg.scid;
	s25 =	stileid.u32;
	s14 =	simm.s32 $0x2  }
0x5: {  	v0 =	vimm.s32 $0xEFCDAB89;
	v1 =	vimm.s32 $0x67452301;
	s15 =	simm.s32 $0x100;
	s16 =	simm.s32 $0x1000;
	s17 =	simm.s32 $0x1100  }
0x6: {  	v2 =	vimm.s32 $0xDCFE98BA;
	s18 =	simm.s32 $0x200;
	s19 =	simm.s32 $0x1200;
	s20 =	simm.s32 $0x300  }
0x7: {  	v3 =	vimm.s32 $0x54761032;
	s21 =	simm.s32 $0x1300;
	s22 =	simm.s32 $0x400;
	s23 =	simm.s32 $0x1400  }
0x8: {  	v4 =	vimm.s32 $0xBA98FEDC;
	s24 =	simm.s32 $0x500;
	s28 =	simm.s32 $0x1600;
	s29 =	simm.s32 $0x700  }
0x9: {  	v5 =	vimm.s32 $0x32107654;
	s30 =	simm.s32 $0x1700;
	s31 =	simm.s32 $0x1;
	[dreg:$0x5] =	wrdreg s1;
	v0 =	vunpack.c.l.s4.s8 v0;
	v1 =	vunpack.c.l.s4.s8 v1  }
0xa: {  	[smem:$0x7FF] =	sst s2;
	s3 =	sand.u32 $0x1, s3;
	s4 =	sshll.u32 s25, $0x1;
	v2 =	vunpack.c.l.s4.s8 v2;
	v3 =	vunpack.c.l.s4.s8 v3;
	v4 =	vunpack.c.l.s4.s8 v4  }
0xb: {  	s5 =	sadd.s32 $0x1B000, s0;
	v5 =	vunpack.c.l.s4.s8 v5;
	s7 =	sadd.s32 $0x27350, s0;
	s8 =	sadd.s32 $0x2A424, s0;
	v0 =	vunpack.c.0.s8.s32 v0;
	v1 =	vunpack.c.0.s8.s32 v1  }
0xc: {  	s9 =	sadd.s32 $0x2D4F8, s0;
	s10 =	sadd.s32 $0x305CC, s0;
	s25 =	simm.s32 $0x1500;
	v2 =	vunpack.c.0.s8.s32 v2;
	v3 =	vunpack.c.0.s8.s32 v3  }
0xd: {  	_ =	strace $0x8000004A;
	s12 =	sor.u32 s3, s4;
	s3 =	ssub.s32 $0x2, s3;
	v4 =	vunpack.c.0.s8.s32 v4;
	v5 =	vunpack.c.0.s8.s32 v5;
	v0 =	vcombine.low v1, v0  }
0xe: {  	[dreg:$0x4] =	wrdreg s5;
	s5 =	sadd.s32 $0x211A8, s0;
	s4 =	sshll.u32 s12, $0x8;
	v60 =	vcombine.low v3, v2  }
0xf: {  	s6 =	sshrl.u32 s3, $0x1;
	s26 =	sshll.u32 s12, $0x5;
	s4 =	sadd.s32 s4, s0;
	v61 =	vcombine.low v5, v4;
	v0 =	vand.u32 $0xF, v0  }
0x10: {  	s13 =	ssub.s32 s3, s6;
	s6 =	sadd.s32 $0x2427C, s0;
	s11 =	sadd.s32 s11, s26;
	v62 =	vand.u32 $0xF, v60;
	[tilespmem:$0x1FFD0] =	vst v0  }
0x11: {  	s26 =	simm.s32 $0x600;
	s3 =	sadd.s32 $0x19000, s4;
	s4 =	sadd.s32 $0x1E0D4, s0;
	v63 =	vand.u32 $0xF, v61;
	[tilespmem:$0x1FFE0] =	vst v62  }
0x12: {  	v41 =	vimm.f32 $0.0e+00;
	s12 =	smax.u32 s13, $0x1;
	s13 =	simm.s32 $0x1900;
	s0 =	simm.s32 $0x1800;
	[tilespmem:$0x1FFF0] =	vst v63  }
.LBB2_1:
0x13: {  	s1 =	rddreg [dreg:$0x5]  }
0x14: {  	[tilespmem:s13], [sflag:$0x2] =	stream.linear.gather [hbm4b:s1+s2], $0x10, $0x38;
	[tilespmem:$0x1910] =	vst v63  }
0x15: {  	_ =	swait.ge [sflag:s14], $0x10  }
0x16: {  	v3 =	vld [tilespmem:$0x1FFD0];
	_ =	sdelay $0x4  }
0x17: {  	[sflag:s14] =	ssyncset.done $0x0  }
0x18: {  	v4 =	vld [tilespmem:$0x1FFE0];
	[sflag:s14] =	ssyncadd.s32 $0xFFFFFFF0  }
0x19: {  	v0 =	vld [tilespmem:$0x1900]  }
0x1a: {  	v1 =	vld.idx.msk [tilespmem:v3+s13+$0x0], $0xffff;
	_ =	sdelay $0x4  }
0x1b: {  	v1 =	vmax.f32 v0, v1  }
0x1c: {  	v5 =	vld [tilespmem:$0x1FFF0];
	[tilespmem:$0x1900] =	vst v1  }
0x1d: {  	v2 =	vld.idx.msk [tilespmem:v4+s13+$0x0], $0xffff;
	_ =	sdelay $0x4  }
0x1e: {  	v1 =	vmax.f32 v1, v2  }
0x1f: {  	[tilespmem:$0x1900] =	vst v1  }
0x20: {  	v62 =	vld.idx.msk [tilespmem:v5+s13+$0x0], $0xffff;
	_ =	sdelay $0x4  }
0x21: {  	v1 =	vmax.f32 v1, v62  }
0x22: {  	v0 =	vsub.f32 v0, v1;
	_ =	sdelay $0x1  }
0x23: {  	v0 =	vmul.f32 $1.442695020e+00, v0;
	_ =	sdelay $0x1  }
0x24: {  	(erf) = vpow2.f32 v0;
	_ =	sdelay $0x8  }
0x25: {  	v0 =	vpop (erf)  }
0x26: {  	[tilespmem:$0x1900] =	vst v0  }
0x27: {  	v63 =	vld.idx.msk [tilespmem:v3+s13+$0x0], $0xffff;
	_ =	sdelay $0x4  }
0x28: {  	v1 =	vadd.f32 v0, v63;
	_ =	sdelay $0x1  }
0x29: {  	[tilespmem:$0x1900] =	vst v1  }
0x2a: {  	v6 =	vld.idx.msk [tilespmem:v4+s13+$0x0], $0xffff;
	_ =	sdelay $0x4  }
0x2b: {  	v1 =	vadd.f32 v1, v6;
	_ =	sdelay $0x1  }
0x2c: {  	[tilespmem:$0x1900] =	vst v1  }
0x2d: {  	v7 =	vld.idx.msk [tilespmem:v5+s13+$0x0], $0xffff;
	_ =	sdelay $0x4  }
0x2e: {  	v1 =	vadd.f32 v7, v1;
	_ =	sdelay $0x1  }
0x2f: {  	(erf) = vrcp.f32 v1;
	_ =	sdelay $0x8  }
0x30: {  	v1 =	vpop (erf)  }
0x31: {  	v0 =	vmul.f32 v1, v0;
	_ =	sdelay $0x1  }
0x32: {  	[tilespmem:$0x1900] =	vst v0  }
0x33: {  	[tilespmem:s2], [sflag:$0x2] =	stream.linear.gather [hbm4b:s3+s2], $0x800, $0x38;
	[tilespmem:$0x1910] =	vst v63  }
0x34: {  	_ =	swait.ge [sflag:s14], $0x800  }
0x35: {  	[sflag:s14] =	ssyncset.done $0x0  }
0x36: {  	[sflag:s14] =	ssyncadd.s32 $0xFFFFF800  }
0x37: {  	v8 =	vld [tilespmem:$0x0]  }
0x38: {  	v9 =	vld [tilespmem:$0x10]  }
0x39: {  	v10 =	vld [tilespmem:$0x20]  }
0x3a: {  	v12 =	vld [tilespmem:$0x30]  }
0x3b: {  	v15 =	vld [tilespmem:$0x40]  }
0x3c: {  	v18 =	vld [tilespmem:$0x50];
	v11 =	vand.u32 $0x3FFFFFFF, v8  }
0x3d: {  	v21 =	vld [tilespmem:$0x60];
	v13 =	vand.u32 $0x3FFFFFFF, v9;
	[tilespmem:$0x0] =	vst v11  }
0x3e: {  	v24 =	vld [tilespmem:$0x70];
	v16 =	vand.u32 $0x3FFFFFFF, v10;
	[tilespmem:$0x10] =	vst v13  }
0x3f: {  	v27 =	vld [tilespmem:$0x80];
	v19 =	vand.u32 $0x3FFFFFFF, v12;
	[tilespmem:$0x20] =	vst v16  }
0x40: {  	v30 =	vld [tilespmem:$0x90];
	v22 =	vand.u32 $0x3FFFFFFF, v15;
	[tilespmem:$0x30] =	vst v19  }
0x41: {  	v33 =	vld [tilespmem:$0xA0];
	v25 =	vand.u32 $0x3FFFFFFF, v18;
	[tilespmem:$0x40] =	vst v22  }
0x42: {  	v36 =	vld [tilespmem:$0xB0];
	v28 =	vand.u32 $0x3FFFFFFF, v21;
	[tilespmem:$0x50] =	vst v25  }
0x43: {  	v39 =	vld [tilespmem:$0xC0];
	v31 =	vand.u32 $0x3FFFFFFF, v24;
	[tilespmem:$0x60] =	vst v28  }
0x44: {  	v43 =	vld [tilespmem:$0xD0];
	v34 =	vand.u32 $0x3FFFFFFF, v27;
	[tilespmem:$0x70] =	vst v31  }
0x45: {  	v46 =	vld [tilespmem:$0xE0];
	v37 =	vand.u32 $0x3FFFFFFF, v30;
	[tilespmem:$0x80] =	vst v34  }
0x46: {  	v49 =	vld [tilespmem:$0xF0];
	v40 =	vand.u32 $0x3FFFFFFF, v33;
	[tilespmem:$0x90] =	vst v37  }
0x47: {  	v44 =	vand.u32 $0x3FFFFFFF, v36;
	[tilespmem:$0xA0] =	vst v40  }
0x48: {  	v47 =	vand.u32 $0x3FFFFFFF, v39;
	[tilespmem:$0xB0] =	vst v44  }
0x49: {  	v50 =	vand.u32 $0x3FFFFFFF, v43;
	[tilespmem:$0xC0] =	vst v47  }
0x4a: {  	v52 =	vand.u32 $0x3FFFFFFF, v46;
	[tilespmem:$0xD0] =	vst v50  }
0x4b: {  	vm0 =	vlt.s32 v8, $0x40000000;
	v54 =	vand.u32 $0x3FFFFFFF, v49;
	[tilespmem:$0xE0] =	vst v52  }
0x4c: {  	vm9 =	vlt.s32 v9, $0x40000000;
	v0 =	vsel vm0, $0x3F800000, v41;
	[tilespmem:$0xF0] =	vst v54  }
0x4d: {  	vm10 =	vlt.s32 v10, $0x40000000;
	v14 =	vsel vm9, $0x3F800000, v41;
	[tilespmem:$0x800] =	vst v0  }
0x4e: {  	vm11 =	vlt.s32 v12, $0x40000000;
	v17 =	vsel vm10, $0x3F800000, v41;
	[tilespmem:$0x810] =	vst v14  }
0x4f: {  	vm12 =	vlt.s32 v15, $0x40000000;
	v20 =	vsel vm11, $0x3F800000, v41;
	[tilespmem:$0x820] =	vst v17  }
0x50: {  	vm13 =	vlt.s32 v18, $0x40000000;
	v23 =	vsel vm12, $0x3F800000, v41;
	[tilespmem:$0x830] =	vst v20  }
0x51: {  	vm14 =	vlt.s32 v21, $0x40000000;
	v26 =	vsel vm13, $0x3F800000, v41;
	[tilespmem:$0x840] =	vst v23  }
0x52: {  	vm15 =	vlt.s32 v24, $0x40000000;
	v29 =	vsel vm14, $0x3F800000, v41;
	[tilespmem:$0x850] =	vst v26  }
0x53: {  	vm4 =	vlt.s32 v27, $0x40000000;
	v32 =	vsel vm15, $0x3F800000, v41;
	[tilespmem:$0x860] =	vst v29  }
0x54: {  	vm5 =	vlt.s32 v30, $0x40000000;
	v35 =	vsel vm4, $0x3F800000, v41;
	[tilespmem:$0x870] =	vst v32  }
0x55: {  	vm6 =	vlt.s32 v33, $0x40000000;
	v38 =	vsel vm5, $0x3F800000, v41;
	[tilespmem:$0x880] =	vst v35  }
0x56: {  	vm7 =	vlt.s32 v36, $0x40000000;
	v42 =	vsel vm6, $0x3F800000, v41;
	[tilespmem:$0x890] =	vst v38  }
0x57: {  	vm8 =	vlt.s32 v39, $0x40000000;
	v45 =	vsel vm7, $0x3F800000, v41;
	[tilespmem:$0x8A0] =	vst v42  }
0x58: {  	v48 =	vsel vm8, $0x3F800000, v41;
	vm9 =	vlt.s32 v43, $0x40000000;
	[tilespmem:$0x8B0] =	vst v45  }
0x59: {  	vm10 =	vlt.s32 v46, $0x40000000;
	[tilespmem:$0x8C0] =	vst v48;
	v51 =	vsel vm9, $0x3F800000, v41  }
0x5a: {  	vm11 =	vlt.s32 v49, $0x40000000;
	v53 =	vsel vm10, $0x3F800000, v41;
	[tilespmem:$0x8D0] =	vst v51  }
0x5b: {  	v55 =	vsel vm11, $0x3F800000, v41;
	[tilespmem:$0x8E0] =	vst v53  }
0x5c: {  	s1 =	rddreg [dreg:$0x4];
	[tilespmem:$0x8F0] =	vst v55  }
0x5d: {  	[tilespmem:s16], [sflag:$0x1] =	stream.indirect.gather [hbm4b:s1+s15], $0x1, s2, s15, $0xb8;
	[tilespmem:$0x1910] =	vst v63  }
0x5e: {  	v56 =	vld [tilespmem:$0x100]  }
0x5f: {  	v57 =	vld [tilespmem:$0x110]  }
0x60: {  	v58 =	vld [tilespmem:$0x120]  }
0x61: {  	v60 =	vld [tilespmem:$0x130]  }
0x62: {  	v63 =	vld [tilespmem:$0x140]  }
0x63: {  	v9 =	vld [tilespmem:$0x150];
	v59 =	vand.u32 $0x3FFFFFFF, v56  }
0x64: {  	v12 =	vld [tilespmem:$0x160];
	v61 =	vand.u32 $0x3FFFFFFF, v57;
	[tilespmem:$0x100] =	vst v59  }
0x65: {  	v15 =	vld [tilespmem:$0x170];
	v7 =	vand.u32 $0x3FFFFFFF, v58;
	[tilespmem:$0x110] =	vst v61  }
0x66: {  	v18 =	vld [tilespmem:$0x180];
	v10 =	vand.u32 $0x3FFFFFFF, v60;
	[tilespmem:$0x120] =	vst v7  }
0x67: {  	v21 =	vld [tilespmem:$0x190];
	v13 =	vand.u32 $0x3FFFFFFF, v63;
	[tilespmem:$0x130] =	vst v10  }
0x68: {  	v24 =	vld [tilespmem:$0x1A0];
	v16 =	vand.u32 $0x3FFFFFFF, v9;
	[tilespmem:$0x140] =	vst v13  }
0x69: {  	v27 =	vld [tilespmem:$0x1B0];
	v19 =	vand.u32 $0x3FFFFFFF, v12;
	[tilespmem:$0x150] =	vst v16  }
0x6a: {  	v30 =	vld [tilespmem:$0x1C0];
	v22 =	vand.u32 $0x3FFFFFFF, v15;
	[tilespmem:$0x160] =	vst v19  }
0x6b: {  	v33 =	vld [tilespmem:$0x1D0];
	v25 =	vand.u32 $0x3FFFFFFF, v18;
	[tilespmem:$0x170] =	vst v22  }
0x6c: {  	v36 =	vld [tilespmem:$0x1E0];
	v28 =	vand.u32 $0x3FFFFFFF, v21;
	[tilespmem:$0x180] =	vst v25  }
0x6d: {  	v39 =	vld [tilespmem:$0x1F0];
	v31 =	vand.u32 $0x3FFFFFFF, v24;
	[tilespmem:$0x190] =	vst v28  }
0x6e: {  	v34 =	vand.u32 $0x3FFFFFFF, v27;
	[tilespmem:$0x1A0] =	vst v31  }
0x6f: {  	v37 =	vand.u32 $0x3FFFFFFF, v30;
	[tilespmem:$0x1B0] =	vst v34  }
0x70: {  	v40 =	vand.u32 $0x3FFFFFFF, v33;
	[tilespmem:$0x1C0] =	vst v37  }
0x71: {  	v43 =	vand.u32 $0x3FFFFFFF, v36;
	[tilespmem:$0x1D0] =	vst v40  }
0x72: {  	vm12 =	vlt.s32 v56, $0x40000000;
	v45 =	vand.u32 $0x3FFFFFFF, v39;
	[tilespmem:$0x1E0] =	vst v43  }
0x73: {  	vm13 =	vlt.s32 v57, $0x40000000;
	v0 =	vsel vm12, $0x3F800000, v41;
	[tilespmem:$0x1F0] =	vst v45  }
0x74: {  	vm14 =	vlt.s32 v58, $0x40000000;
	v62 =	vsel vm13, $0x3F800000, v41;
	[tilespmem:$0x900] =	vst v0  }
0x75: {  	vm15 =	vlt.s32 v60, $0x40000000;
	v8 =	vsel vm14, $0x3F800000, v41;
	[tilespmem:$0x910] =	vst v62  }
0x76: {  	vm4 =	vlt.s32 v63, $0x40000000;
	v11 =	vsel vm15, $0x3F800000, v41;
	[tilespmem:$0x920] =	vst v8  }
0x77: {  	vm5 =	vlt.s32 v9, $0x40000000;
	v14 =	vsel vm4, $0x3F800000, v41;
	[tilespmem:$0x930] =	vst v11  }
0x78: {  	vm6 =	vlt.s32 v12, $0x40000000;
	v17 =	vsel vm5, $0x3F800000, v41;
	[tilespmem:$0x940] =	vst v14  }
0x79: {  	vm7 =	vlt.s32 v15, $0x40000000;
	v20 =	vsel vm6, $0x3F800000, v41;
	[tilespmem:$0x950] =	vst v17  }
0x7a: {  	vm8 =	vlt.s32 v18, $0x40000000;
	v23 =	vsel vm7, $0x3F800000, v41;
	[tilespmem:$0x960] =	vst v20  }
0x7b: {  	vm9 =	vlt.s32 v21, $0x40000000;
	v26 =	vsel vm8, $0x3F800000, v41;
	[tilespmem:$0x970] =	vst v23  }
0x7c: {  	vm10 =	vlt.s32 v24, $0x40000000;
	v29 =	vsel vm9, $0x3F800000, v41;
	[tilespmem:$0x980] =	vst v26  }
0x7d: {  	vm11 =	vlt.s32 v27, $0x40000000;
	v32 =	vsel vm10, $0x3F800000, v41;
	[tilespmem:$0x990] =	vst v29  }
0x7e: {  	v35 =	vsel vm11, $0x3F800000, v41;
	vm12 =	vlt.s32 v30, $0x40000000;
	[tilespmem:$0x9A0] =	vst v32  }
0x7f: {  	vm13 =	vlt.s32 v33, $0x40000000;
	[tilespmem:$0x9B0] =	vst v35;
	v38 =	vsel vm12, $0x3F800000, v41  }
0x80: {  	vm14 =	vlt.s32 v36, $0x40000000;
	v42 =	vsel vm13, $0x3F800000, v41;
	[tilespmem:$0x9C0] =	vst v38  }
0x81: {  	vm15 =	vlt.s32 v39, $0x40000000;
	v44 =	vsel vm14, $0x3F800000, v41;
	[tilespmem:$0x9D0] =	vst v42  }
0x82: {  	v46 =	vsel vm15, $0x3F800000, v41;
	[tilespmem:$0x9E0] =	vst v44  }
0x83: {  	[tilespmem:$0x9F0] =	vst v46  }
0x84: {  	[tilespmem:s17], [sflag:$0x1] =	stream.indirect.gather [hbm4b:s4+s15], $0x1, s15, s15, $0xb8;
	[tilespmem:$0x1910] =	vst v63  }
0x85: {  	v47 =	vld [tilespmem:$0x200]  }
0x86: {  	v48 =	vld [tilespmem:$0x210]  }
0x87: {  	v49 =	vld [tilespmem:$0x220]  }
0x88: {  	v51 =	vld [tilespmem:$0x230]  }
0x89: {  	v54 =	vld [tilespmem:$0x240]  }
0x8a: {  	v57 =	vld [tilespmem:$0x250];
	v50 =	vand.u32 $0x3FFFFFFF, v47  }
0x8b: {  	v60 =	vld [tilespmem:$0x260];
	v52 =	vand.u32 $0x3FFFFFFF, v48;
	[tilespmem:$0x200] =	vst v50  }
0x8c: {  	v63 =	vld [tilespmem:$0x270];
	v55 =	vand.u32 $0x3FFFFFFF, v49;
	[tilespmem:$0x210] =	vst v52  }
0x8d: {  	v9 =	vld [tilespmem:$0x280];
	v58 =	vand.u32 $0x3FFFFFFF, v51;
	[tilespmem:$0x220] =	vst v55  }
0x8e: {  	v12 =	vld [tilespmem:$0x290];
	v61 =	vand.u32 $0x3FFFFFFF, v54;
	[tilespmem:$0x230] =	vst v58  }
0x8f: {  	v15 =	vld [tilespmem:$0x2A0];
	v7 =	vand.u32 $0x3FFFFFFF, v57;
	[tilespmem:$0x240] =	vst v61  }
0x90: {  	v18 =	vld [tilespmem:$0x2B0];
	v10 =	vand.u32 $0x3FFFFFFF, v60;
	[tilespmem:$0x250] =	vst v7  }
0x91: {  	v21 =	vld [tilespmem:$0x2C0];
	v13 =	vand.u32 $0x3FFFFFFF, v63;
	[tilespmem:$0x260] =	vst v10  }
0x92: {  	v24 =	vld [tilespmem:$0x2D0];
	v16 =	vand.u32 $0x3FFFFFFF, v9;
	[tilespmem:$0x270] =	vst v13  }
0x93: {  	v27 =	vld [tilespmem:$0x2E0];
	v19 =	vand.u32 $0x3FFFFFFF, v12;
	[tilespmem:$0x280] =	vst v16  }
0x94: {  	v30 =	vld [tilespmem:$0x2F0];
	v22 =	vand.u32 $0x3FFFFFFF, v15;
	[tilespmem:$0x290] =	vst v19  }
0x95: {  	v25 =	vand.u32 $0x3FFFFFFF, v18;
	[tilespmem:$0x2A0] =	vst v22  }
0x96: {  	v28 =	vand.u32 $0x3FFFFFFF, v21;
	[tilespmem:$0x2B0] =	vst v25  }
0x97: {  	v31 =	vand.u32 $0x3FFFFFFF, v24;
	[tilespmem:$0x2C0] =	vst v28  }
0x98: {  	v33 =	vand.u32 $0x3FFFFFFF, v27;
	[tilespmem:$0x2D0] =	vst v31  }
0x99: {  	vm4 =	vlt.s32 v47, $0x40000000;
	v35 =	vand.u32 $0x3FFFFFFF, v30;
	[tilespmem:$0x2E0] =	vst v33  }
0x9a: {  	vm5 =	vlt.s32 v48, $0x40000000;
	v0 =	vsel vm4, $0x3F800000, v41;
	[tilespmem:$0x2F0] =	vst v35  }
0x9b: {  	vm6 =	vlt.s32 v49, $0x40000000;
	v53 =	vsel vm5, $0x3F800000, v41;
	[tilespmem:$0xA00] =	vst v0  }
0x9c: {  	vm7 =	vlt.s32 v51, $0x40000000;
	v56 =	vsel vm6, $0x3F800000, v41;
	[tilespmem:$0xA10] =	vst v53  }
0x9d: {  	vm8 =	vlt.s32 v54, $0x40000000;
	v59 =	vsel vm7, $0x3F800000, v41;
	[tilespmem:$0xA20] =	vst v56  }
0x9e: {  	vm9 =	vlt.s32 v57, $0x40000000;
	v62 =	vsel vm8, $0x3F800000, v41;
	[tilespmem:$0xA30] =	vst v59  }
0x9f: {  	vm10 =	vlt.s32 v60, $0x40000000;
	v8 =	vsel vm9, $0x3F800000, v41;
	[tilespmem:$0xA40] =	vst v62  }
0xa0: {  	vm11 =	vlt.s32 v63, $0x40000000;
	v11 =	vsel vm10, $0x3F800000, v41;
	[tilespmem:$0xA50] =	vst v8  }
0xa1: {  	vm12 =	vlt.s32 v9, $0x40000000;
	v14 =	vsel vm11, $0x3F800000, v41;
	[tilespmem:$0xA60] =	vst v11  }
0xa2: {  	vm13 =	vlt.s32 v12, $0x40000000;
	v17 =	vsel vm12, $0x3F800000, v41;
	[tilespmem:$0xA70] =	vst v14  }
0xa3: {  	vm14 =	vlt.s32 v15, $0x40000000;
	v20 =	vsel vm13, $0x3F800000, v41;
	[tilespmem:$0xA80] =	vst v17  }
0xa4: {  	vm15 =	vlt.s32 v18, $0x40000000;
	v23 =	vsel vm14, $0x3F800000, v41;
	[tilespmem:$0xA90] =	vst v20  }
0xa5: {  	v26 =	vsel vm15, $0x3F800000, v41;
	vm4 =	vlt.s32 v21, $0x40000000;
	[tilespmem:$0xAA0] =	vst v23  }
0xa6: {  	vm5 =	vlt.s32 v24, $0x40000000;
	[tilespmem:$0xAB0] =	vst v26;
	v29 =	vsel vm4, $0x3F800000, v41  }
0xa7: {  	vm6 =	vlt.s32 v27, $0x40000000;
	v32 =	vsel vm5, $0x3F800000, v41;
	[tilespmem:$0xAC0] =	vst v29  }
0xa8: {  	vm7 =	vlt.s32 v30, $0x40000000;
	v34 =	vsel vm6, $0x3F800000, v41;
	[tilespmem:$0xAD0] =	vst v32  }
0xa9: {  	v36 =	vsel vm7, $0x3F800000, v41;
	[tilespmem:$0xAE0] =	vst v34  }
0xaa: {  	[tilespmem:$0xAF0] =	vst v36  }
0xab: {  	[tilespmem:s19], [sflag:$0x1] =	stream.indirect.gather [hbm4b:s5+s15], $0x1, s18, s15, $0xb8;
	[tilespmem:$0x1910] =	vst v63  }
0xac: {  	v37 =	vld [tilespmem:$0x300]  }
0xad: {  	v38 =	vld [tilespmem:$0x310]  }
0xae: {  	v39 =	vld [tilespmem:$0x320]  }
0xaf: {  	v42 =	vld [tilespmem:$0x330]  }
0xb0: {  	v45 =	vld [tilespmem:$0x340]  }
0xb1: {  	v48 =	vld [tilespmem:$0x350];
	v40 =	vand.u32 $0x3FFFFFFF, v37  }
0xb2: {  	v51 =	vld [tilespmem:$0x360];
	v43 =	vand.u32 $0x3FFFFFFF, v38;
	[tilespmem:$0x300] =	vst v40  }
0xb3: {  	v54 =	vld [tilespmem:$0x370];
	v46 =	vand.u32 $0x3FFFFFFF, v39;
	[tilespmem:$0x310] =	vst v43  }
0xb4: {  	v57 =	vld [tilespmem:$0x380];
	v49 =	vand.u32 $0x3FFFFFFF, v42;
	[tilespmem:$0x320] =	vst v46  }
0xb5: {  	v60 =	vld [tilespmem:$0x390];
	v52 =	vand.u32 $0x3FFFFFFF, v45;
	[tilespmem:$0x330] =	vst v49  }
0xb6: {  	v63 =	vld [tilespmem:$0x3A0];
	v55 =	vand.u32 $0x3FFFFFFF, v48;
	[tilespmem:$0x340] =	vst v52  }
0xb7: {  	v10 =	vld [tilespmem:$0x3B0];
	v58 =	vand.u32 $0x3FFFFFFF, v51;
	[tilespmem:$0x350] =	vst v55  }
0xb8: {  	v13 =	vld [tilespmem:$0x3C0];
	v61 =	vand.u32 $0x3FFFFFFF, v54;
	[tilespmem:$0x360] =	vst v58  }
0xb9: {  	v16 =	vld [tilespmem:$0x3D0];
	v8 =	vand.u32 $0x3FFFFFFF, v57;
	[tilespmem:$0x370] =	vst v61  }
0xba: {  	v19 =	vld [tilespmem:$0x3E0];
	v11 =	vand.u32 $0x3FFFFFFF, v60;
	[tilespmem:$0x380] =	vst v8  }
0xbb: {  	v26 =	vld [tilespmem:$0x3F0];
	v14 =	vand.u32 $0x3FFFFFFF, v63;
	[tilespmem:$0x390] =	vst v11  }
0xbc: {  	v17 =	vand.u32 $0x3FFFFFFF, v10;
	[tilespmem:$0x3A0] =	vst v14  }
0xbd: {  	v20 =	vand.u32 $0x3FFFFFFF, v13;
	[tilespmem:$0x3B0] =	vst v17  }
0xbe: {  	v22 =	vand.u32 $0x3FFFFFFF, v16;
	[tilespmem:$0x3C0] =	vst v20  }
0xbf: {  	v24 =	vand.u32 $0x3FFFFFFF, v19;
	[tilespmem:$0x3D0] =	vst v22  }
0xc0: {  	vm8 =	vlt.s32 v37, $0x40000000;
	v27 =	vand.u32 $0x3FFFFFFF, v26;
	[tilespmem:$0x3E0] =	vst v24  }
0xc1: {  	vm9 =	vlt.s32 v38, $0x40000000;
	v0 =	vsel vm8, $0x3F800000, v41;
	[tilespmem:$0x3F0] =	vst v27  }
0xc2: {  	vm10 =	vlt.s32 v39, $0x40000000;
	v44 =	vsel vm9, $0x3F800000, v41;
	[tilespmem:$0xB00] =	vst v0  }
0xc3: {  	vm11 =	vlt.s32 v42, $0x40000000;
	v47 =	vsel vm10, $0x3F800000, v41;
	[tilespmem:$0xB10] =	vst v44  }
0xc4: {  	vm12 =	vlt.s32 v45, $0x40000000;
	v50 =	vsel vm11, $0x3F800000, v41;
	[tilespmem:$0xB20] =	vst v47  }
0xc5: {  	vm13 =	vlt.s32 v48, $0x40000000;
	v53 =	vsel vm12, $0x3F800000, v41;
	[tilespmem:$0xB30] =	vst v50  }
0xc6: {  	vm14 =	vlt.s32 v51, $0x40000000;
	v56 =	vsel vm13, $0x3F800000, v41;
	[tilespmem:$0xB40] =	vst v53  }
0xc7: {  	vm15 =	vlt.s32 v54, $0x40000000;
	v59 =	vsel vm14, $0x3F800000, v41;
	[tilespmem:$0xB50] =	vst v56  }
0xc8: {  	vm4 =	vlt.s32 v57, $0x40000000;
	v62 =	vsel vm15, $0x3F800000, v41;
	[tilespmem:$0xB60] =	vst v59  }
0xc9: {  	vm5 =	vlt.s32 v60, $0x40000000;
	v9 =	vsel vm4, $0x3F800000, v41;
	[tilespmem:$0xB70] =	vst v62  }
0xca: {  	vm6 =	vlt.s32 v63, $0x40000000;
	v12 =	vsel vm5, $0x3F800000, v41;
	[tilespmem:$0xB80] =	vst v9  }
0xcb: {  	vm7 =	vlt.s32 v10, $0x40000000;
	v15 =	vsel vm6, $0x3F800000, v41;
	[tilespmem:$0xB90] =	vst v12  }
0xcc: {  	v18 =	vsel vm7, $0x3F800000, v41;
	vm8 =	vlt.s32 v13, $0x40000000;
	[tilespmem:$0xBA0] =	vst v15  }
0xcd: {  	vm9 =	vlt.s32 v16, $0x40000000;
	[tilespmem:$0xBB0] =	vst v18;
	v21 =	vsel vm8, $0x3F800000, v41  }
0xce: {  	vm10 =	vlt.s32 v19, $0x40000000;
	v23 =	vsel vm9, $0x3F800000, v41;
	[tilespmem:$0xBC0] =	vst v21  }
0xcf: {  	vm11 =	vlt.s32 v26, $0x40000000;
	v25 =	vsel vm10, $0x3F800000, v41;
	[tilespmem:$0xBD0] =	vst v23  }
0xd0: {  	v0 =	vsel vm11, $0x3F800000, v41;
	[tilespmem:$0xBE0] =	vst v25  }
0xd1: {  	[tilespmem:$0xBF0] =	vst v0  }
0xd2: {  	[tilespmem:s21], [sflag:$0x1] =	stream.indirect.gather [hbm4b:s6+s15], $0x1, s20, s15, $0xb8;
	[tilespmem:$0x1910] =	vst v63  }
0xd3: {  	v28 =	vld [tilespmem:$0x400]  }
0xd4: {  	v29 =	vld [tilespmem:$0x410]  }
0xd5: {  	v30 =	vld [tilespmem:$0x420]  }
0xd6: {  	v32 =	vld [tilespmem:$0x430]  }
0xd7: {  	v35 =	vld [tilespmem:$0x440]  }
0xd8: {  	v38 =	vld [tilespmem:$0x450];
	v31 =	vand.u32 $0x3FFFFFFF, v28  }
0xd9: {  	v42 =	vld [tilespmem:$0x460];
	v33 =	vand.u32 $0x3FFFFFFF, v29;
	[tilespmem:$0x400] =	vst v31  }
0xda: {  	v45 =	vld [tilespmem:$0x470];
	v36 =	vand.u32 $0x3FFFFFFF, v30;
	[tilespmem:$0x410] =	vst v33  }
0xdb: {  	v48 =	vld [tilespmem:$0x480];
	v39 =	vand.u32 $0x3FFFFFFF, v32;
	[tilespmem:$0x420] =	vst v36  }
0xdc: {  	v51 =	vld [tilespmem:$0x490];
	v43 =	vand.u32 $0x3FFFFFFF, v35;
	[tilespmem:$0x430] =	vst v39  }
0xdd: {  	v54 =	vld [tilespmem:$0x4A0];
	v46 =	vand.u32 $0x3FFFFFFF, v38;
	[tilespmem:$0x440] =	vst v43  }
0xde: {  	v57 =	vld [tilespmem:$0x4B0];
	v49 =	vand.u32 $0x3FFFFFFF, v42;
	[tilespmem:$0x450] =	vst v46  }
0xdf: {  	v60 =	vld [tilespmem:$0x4C0];
	v52 =	vand.u32 $0x3FFFFFFF, v45;
	[tilespmem:$0x460] =	vst v49  }
0xe0: {  	v63 =	vld [tilespmem:$0x4D0];
	v55 =	vand.u32 $0x3FFFFFFF, v48;
	[tilespmem:$0x470] =	vst v52  }
0xe1: {  	v9 =	vld [tilespmem:$0x4E0];
	v58 =	vand.u32 $0x3FFFFFFF, v51;
	[tilespmem:$0x480] =	vst v55  }
0xe2: {  	v12 =	vld [tilespmem:$0x4F0];
	v61 =	vand.u32 $0x3FFFFFFF, v54;
	[tilespmem:$0x490] =	vst v58  }
0xe3: {  	v7 =	vand.u32 $0x3FFFFFFF, v57;
	[tilespmem:$0x4A0] =	vst v61  }
0xe4: {  	v10 =	vand.u32 $0x3FFFFFFF, v60;
	[tilespmem:$0x4B0] =	vst v7  }
0xe5: {  	v13 =	vand.u32 $0x3FFFFFFF, v63;
	[tilespmem:$0x4C0] =	vst v10  }
0xe6: {  	v15 =	vand.u32 $0x3FFFFFFF, v9;
	[tilespmem:$0x4D0] =	vst v13  }
0xe7: {  	vm12 =	vlt.s32 v28, $0x40000000;
	v17 =	vand.u32 $0x3FFFFFFF, v12;
	[tilespmem:$0x4E0] =	vst v15  }
0xe8: {  	vm13 =	vlt.s32 v29, $0x40000000;
	v0 =	vsel vm12, $0x3F800000, v41;
	[tilespmem:$0x4F0] =	vst v17  }
0xe9: {  	vm14 =	vlt.s32 v30, $0x40000000;
	v34 =	vsel vm13, $0x3F800000, v41;
	[tilespmem:$0xC00] =	vst v0  }
0xea: {  	vm15 =	vlt.s32 v32, $0x40000000;
	v37 =	vsel vm14, $0x3F800000, v41;
	[tilespmem:$0xC10] =	vst v34  }
0xeb: {  	vm4 =	vlt.s32 v35, $0x40000000;
	v40 =	vsel vm15, $0x3F800000, v41;
	[tilespmem:$0xC20] =	vst v37  }
0xec: {  	vm5 =	vlt.s32 v38, $0x40000000;
	v44 =	vsel vm4, $0x3F800000, v41;
	[tilespmem:$0xC30] =	vst v40  }
0xed: {  	vm6 =	vlt.s32 v42, $0x40000000;
	v47 =	vsel vm5, $0x3F800000, v41;
	[tilespmem:$0xC40] =	vst v44  }
0xee: {  	vm7 =	vlt.s32 v45, $0x40000000;
	v50 =	vsel vm6, $0x3F800000, v41;
	[tilespmem:$0xC50] =	vst v47  }
0xef: {  	vm8 =	vlt.s32 v48, $0x40000000;
	v53 =	vsel vm7, $0x3F800000, v41;
	[tilespmem:$0xC60] =	vst v50  }
0xf0: {  	vm9 =	vlt.s32 v51, $0x40000000;
	v56 =	vsel vm8, $0x3F800000, v41;
	[tilespmem:$0xC70] =	vst v53  }
0xf1: {  	vm10 =	vlt.s32 v54, $0x40000000;
	v59 =	vsel vm9, $0x3F800000, v41;
	[tilespmem:$0xC80] =	vst v56  }
0xf2: {  	vm11 =	vlt.s32 v57, $0x40000000;
	v62 =	vsel vm10, $0x3F800000, v41;
	[tilespmem:$0xC90] =	vst v59  }
0xf3: {  	v8 =	vsel vm11, $0x3F800000, v41;
	vm12 =	vlt.s32 v60, $0x40000000;
	[tilespmem:$0xCA0] =	vst v62  }
0xf4: {  	vm13 =	vlt.s32 v63, $0x40000000;
	[tilespmem:$0xCB0] =	vst v8;
	v11 =	vsel vm12, $0x3F800000, v41  }
0xf5: {  	vm14 =	vlt.s32 v9, $0x40000000;
	v14 =	vsel vm13, $0x3F800000, v41;
	[tilespmem:$0xCC0] =	vst v11  }
0xf6: {  	vm15 =	vlt.s32 v12, $0x40000000;
	v16 =	vsel vm14, $0x3F800000, v41;
	[tilespmem:$0xCD0] =	vst v14  }
0xf7: {  	v18 =	vsel vm15, $0x3F800000, v41;
	[tilespmem:$0xCE0] =	vst v16  }
0xf8: {  	[tilespmem:$0xCF0] =	vst v18  }
0xf9: {  	[tilespmem:s23], [sflag:$0x1] =	stream.indirect.gather [hbm4b:s7+s15], $0x1, s22, s15, $0xb8;
	[tilespmem:$0x1910] =	vst v63  }
0xfa: {  	v19 =	vld [tilespmem:$0x500]  }
0xfb: {  	v20 =	vld [tilespmem:$0x510]  }
0xfc: {  	v21 =	vld [tilespmem:$0x520]  }
0xfd: {  	v23 =	vld [tilespmem:$0x530]  }
0xfe: {  	v26 =	vld [tilespmem:$0x540]  }
0xff: {  	v29 =	vld [tilespmem:$0x550];
	v22 =	vand.u32 $0x3FFFFFFF, v19  }
0x100: {  	v32 =	vld [tilespmem:$0x560];
	v24 =	vand.u32 $0x3FFFFFFF, v20;
	[tilespmem:$0x500] =	vst v22  }
0x101: {  	v35 =	vld [tilespmem:$0x570];
	v27 =	vand.u32 $0x3FFFFFFF, v21;
	[tilespmem:$0x510] =	vst v24  }
0x102: {  	v38 =	vld [tilespmem:$0x580];
	v30 =	vand.u32 $0x3FFFFFFF, v23;
	[tilespmem:$0x520] =	vst v27  }
0x103: {  	v42 =	vld [tilespmem:$0x590];
	v33 =	vand.u32 $0x3FFFFFFF, v26;
	[tilespmem:$0x530] =	vst v30  }
0x104: {  	v45 =	vld [tilespmem:$0x5A0];
	v36 =	vand.u32 $0x3FFFFFFF, v29;
	[tilespmem:$0x540] =	vst v33  }
0x105: {  	v48 =	vld [tilespmem:$0x5B0];
	v39 =	vand.u32 $0x3FFFFFFF, v32;
	[tilespmem:$0x550] =	vst v36  }
0x106: {  	v51 =	vld [tilespmem:$0x5C0];
	v43 =	vand.u32 $0x3FFFFFFF, v35;
	[tilespmem:$0x560] =	vst v39  }
0x107: {  	v54 =	vld [tilespmem:$0x5D0];
	v46 =	vand.u32 $0x3FFFFFFF, v38;
	[tilespmem:$0x570] =	vst v43  }
0x108: {  	v57 =	vld [tilespmem:$0x5E0];
	v49 =	vand.u32 $0x3FFFFFFF, v42;
	[tilespmem:$0x580] =	vst v46  }
0x109: {  	v60 =	vld [tilespmem:$0x5F0];
	v52 =	vand.u32 $0x3FFFFFFF, v45;
	[tilespmem:$0x590] =	vst v49  }
0x10a: {  	v55 =	vand.u32 $0x3FFFFFFF, v48;
	[tilespmem:$0x5A0] =	vst v52  }
0x10b: {  	v58 =	vand.u32 $0x3FFFFFFF, v51;
	[tilespmem:$0x5B0] =	vst v55  }
0x10c: {  	v61 =	vand.u32 $0x3FFFFFFF, v54;
	[tilespmem:$0x5C0] =	vst v58  }
0x10d: {  	v63 =	vand.u32 $0x3FFFFFFF, v57;
	[tilespmem:$0x5D0] =	vst v61  }
0x10e: {  	vm4 =	vlt.s32 v19, $0x40000000;
	v6 =	vand.u32 $0x3FFFFFFF, v60;
	[tilespmem:$0x5E0] =	vst v63  }
0x10f: {  	vm5 =	vlt.s32 v20, $0x40000000;
	v0 =	vsel vm4, $0x3F800000, v41;
	[tilespmem:$0x5F0] =	vst v6  }
0x110: {  	vm6 =	vlt.s32 v21, $0x40000000;
	v25 =	vsel vm5, $0x3F800000, v41;
	[tilespmem:$0xD00] =	vst v0  }
0x111: {  	vm7 =	vlt.s32 v23, $0x40000000;
	v28 =	vsel vm6, $0x3F800000, v41;
	[tilespmem:$0xD10] =	vst v25  }
0x112: {  	vm8 =	vlt.s32 v26, $0x40000000;
	v31 =	vsel vm7, $0x3F800000, v41;
	[tilespmem:$0xD20] =	vst v28  }
0x113: {  	vm9 =	vlt.s32 v29, $0x40000000;
	v34 =	vsel vm8, $0x3F800000, v41;
	[tilespmem:$0xD30] =	vst v31  }
0x114: {  	vm10 =	vlt.s32 v32, $0x40000000;
	v37 =	vsel vm9, $0x3F800000, v41;
	[tilespmem:$0xD40] =	vst v34  }
0x115: {  	vm11 =	vlt.s32 v35, $0x40000000;
	v40 =	vsel vm10, $0x3F800000, v41;
	[tilespmem:$0xD50] =	vst v37  }
0x116: {  	vm12 =	vlt.s32 v38, $0x40000000;
	v44 =	vsel vm11, $0x3F800000, v41;
	[tilespmem:$0xD60] =	vst v40  }
0x117: {  	vm13 =	vlt.s32 v42, $0x40000000;
	v47 =	vsel vm12, $0x3F800000, v41;
	[tilespmem:$0xD70] =	vst v44  }
0x118: {  	vm14 =	vlt.s32 v45, $0x40000000;
	v50 =	vsel vm13, $0x3F800000, v41;
	[tilespmem:$0xD80] =	vst v47  }
0x119: {  	vm15 =	vlt.s32 v48, $0x40000000;
	v53 =	vsel vm14, $0x3F800000, v41;
	[tilespmem:$0xD90] =	vst v50  }
0x11a: {  	v56 =	vsel vm15, $0x3F800000, v41;
	vm4 =	vlt.s32 v51, $0x40000000;
	[tilespmem:$0xDA0] =	vst v53  }
0x11b: {  	vm5 =	vlt.s32 v54, $0x40000000;
	[tilespmem:$0xDB0] =	vst v56;
	v59 =	vsel vm4, $0x3F800000, v41  }
0x11c: {  	vm6 =	vlt.s32 v57, $0x40000000;
	v62 =	vsel vm5, $0x3F800000, v41;
	[tilespmem:$0xDC0] =	vst v59  }
0x11d: {  	vm7 =	vlt.s32 v60, $0x40000000;
	v5 =	vsel vm6, $0x3F800000, v41;
	[tilespmem:$0xDD0] =	vst v62  }
0x11e: {  	v7 =	vsel vm7, $0x3F800000, v41;
	[tilespmem:$0xDE0] =	vst v5  }
0x11f: {  	[tilespmem:$0xDF0] =	vst v7  }
0x120: {  	[tilespmem:s25], [sflag:$0x1] =	stream.indirect.gather [hbm4b:s8+s15], $0x1, s24, s15, $0xb8;
	[tilespmem:$0x1910] =	vst v63  }
0x121: {  	v8 =	vld [tilespmem:$0x600]  }
0x122: {  	v9 =	vld [tilespmem:$0x610]  }
0x123: {  	v10 =	vld [tilespmem:$0x620]  }
0x124: {  	v12 =	vld [tilespmem:$0x630]  }
0x125: {  	v15 =	vld [tilespmem:$0x640]  }
0x126: {  	v18 =	vld [tilespmem:$0x650];
	v11 =	vand.u32 $0x3FFFFFFF, v8  }
0x127: {  	v21 =	vld [tilespmem:$0x660];
	v13 =	vand.u32 $0x3FFFFFFF, v9;
	[tilespmem:$0x600] =	vst v11  }
0x128: {  	v24 =	vld [tilespmem:$0x670];
	v16 =	vand.u32 $0x3FFFFFFF, v10;
	[tilespmem:$0x610] =	vst v13  }
0x129: {  	v27 =	vld [tilespmem:$0x680];
	v19 =	vand.u32 $0x3FFFFFFF, v12;
	[tilespmem:$0x620] =	vst v16  }
0x12a: {  	v30 =	vld [tilespmem:$0x690];
	v22 =	vand.u32 $0x3FFFFFFF, v15;
	[tilespmem:$0x630] =	vst v19  }
0x12b: {  	v33 =	vld [tilespmem:$0x6A0];
	v25 =	vand.u32 $0x3FFFFFFF, v18;
	[tilespmem:$0x640] =	vst v22  }
0x12c: {  	v36 =	vld [tilespmem:$0x6B0];
	v28 =	vand.u32 $0x3FFFFFFF, v21;
	[tilespmem:$0x650] =	vst v25  }
0x12d: {  	v39 =	vld [tilespmem:$0x6C0];
	v31 =	vand.u32 $0x3FFFFFFF, v24;
	[tilespmem:$0x660] =	vst v28  }
0x12e: {  	v43 =	vld [tilespmem:$0x6D0];
	v34 =	vand.u32 $0x3FFFFFFF, v27;
	[tilespmem:$0x670] =	vst v31  }
0x12f: {  	v46 =	vld [tilespmem:$0x6E0];
	v37 =	vand.u32 $0x3FFFFFFF, v30;
	[tilespmem:$0x680] =	vst v34  }
0x130: {  	v49 =	vld [tilespmem:$0x6F0];
	v40 =	vand.u32 $0x3FFFFFFF, v33;
	[tilespmem:$0x690] =	vst v37  }
0x131: {  	v44 =	vand.u32 $0x3FFFFFFF, v36;
	[tilespmem:$0x6A0] =	vst v40  }
0x132: {  	v47 =	vand.u32 $0x3FFFFFFF, v39;
	[tilespmem:$0x6B0] =	vst v44  }
0x133: {  	v50 =	vand.u32 $0x3FFFFFFF, v43;
	[tilespmem:$0x6C0] =	vst v47  }
0x134: {  	v52 =	vand.u32 $0x3FFFFFFF, v46;
	[tilespmem:$0x6D0] =	vst v50  }
0x135: {  	vm8 =	vlt.s32 v8, $0x40000000;
	v54 =	vand.u32 $0x3FFFFFFF, v49;
	[tilespmem:$0x6E0] =	vst v52  }
0x136: {  	vm9 =	vlt.s32 v9, $0x40000000;
	v0 =	vsel vm8, $0x3F800000, v41;
	[tilespmem:$0x6F0] =	vst v54  }
0x137: {  	vm10 =	vlt.s32 v10, $0x40000000;
	v14 =	vsel vm9, $0x3F800000, v41;
	[tilespmem:$0xE00] =	vst v0  }
0x138: {  	vm11 =	vlt.s32 v12, $0x40000000;
	v17 =	vsel vm10, $0x3F800000, v41;
	[tilespmem:$0xE10] =	vst v14  }
0x139: {  	vm12 =	vlt.s32 v15, $0x40000000;
	v20 =	vsel vm11, $0x3F800000, v41;
	[tilespmem:$0xE20] =	vst v17  }
0x13a: {  	vm13 =	vlt.s32 v18, $0x40000000;
	v23 =	vsel vm12, $0x3F800000, v41;
	[tilespmem:$0xE30] =	vst v20  }
0x13b: {  	vm14 =	vlt.s32 v21, $0x40000000;
	v26 =	vsel vm13, $0x3F800000, v41;
	[tilespmem:$0xE40] =	vst v23  }
0x13c: {  	vm15 =	vlt.s32 v24, $0x40000000;
	v29 =	vsel vm14, $0x3F800000, v41;
	[tilespmem:$0xE50] =	vst v26  }
0x13d: {  	vm4 =	vlt.s32 v27, $0x40000000;
	v32 =	vsel vm15, $0x3F800000, v41;
	[tilespmem:$0xE60] =	vst v29  }
0x13e: {  	vm5 =	vlt.s32 v30, $0x40000000;
	v35 =	vsel vm4, $0x3F800000, v41;
	[tilespmem:$0xE70] =	vst v32  }
0x13f: {  	vm6 =	vlt.s32 v33, $0x40000000;
	v38 =	vsel vm5, $0x3F800000, v41;
	[tilespmem:$0xE80] =	vst v35  }
0x140: {  	vm7 =	vlt.s32 v36, $0x40000000;
	v42 =	vsel vm6, $0x3F800000, v41;
	[tilespmem:$0xE90] =	vst v38  }
0x141: {  	v45 =	vsel vm7, $0x3F800000, v41;
	vm8 =	vlt.s32 v39, $0x40000000;
	[tilespmem:$0xEA0] =	vst v42  }
0x142: {  	vm9 =	vlt.s32 v43, $0x40000000;
	[tilespmem:$0xEB0] =	vst v45;
	v48 =	vsel vm8, $0x3F800000, v41  }
0x143: {  	vm10 =	vlt.s32 v46, $0x40000000;
	v51 =	vsel vm9, $0x3F800000, v41;
	[tilespmem:$0xEC0] =	vst v48  }
0x144: {  	vm11 =	vlt.s32 v49, $0x40000000;
	v53 =	vsel vm10, $0x3F800000, v41;
	[tilespmem:$0xED0] =	vst v51  }
0x145: {  	v55 =	vsel vm11, $0x3F800000, v41;
	[tilespmem:$0xEE0] =	vst v53  }
0x146: {  	[tilespmem:$0xEF0] =	vst v55  }
0x147: {  	[tilespmem:s28], [sflag:$0x1] =	stream.indirect.gather [hbm4b:s9+s15], $0x1, s26, s15, $0xb8;
	[tilespmem:$0x1910] =	vst v63  }
0x148: {  	v56 =	vld [tilespmem:$0x700]  }
0x149: {  	v57 =	vld [tilespmem:$0x710]  }
0x14a: {  	v58 =	vld [tilespmem:$0x720]  }
0x14b: {  	v60 =	vld [tilespmem:$0x730]  }
0x14c: {  	v63 =	vld [tilespmem:$0x740]  }
0x14d: {  	v8 =	vld [tilespmem:$0x750];
	v59 =	vand.u32 $0x3FFFFFFF, v56  }
0x14e: {  	v11 =	vld [tilespmem:$0x760];
	v61 =	vand.u32 $0x3FFFFFFF, v57;
	[tilespmem:$0x700] =	vst v59  }
0x14f: {  	v14 =	vld [tilespmem:$0x770];
	v6 =	vand.u32 $0x3FFFFFFF, v58;
	[tilespmem:$0x710] =	vst v61  }
0x150: {  	v17 =	vld [tilespmem:$0x780];
	v9 =	vand.u32 $0x3FFFFFFF, v60;
	[tilespmem:$0x720] =	vst v6  }
0x151: {  	v20 =	vld [tilespmem:$0x790];
	v12 =	vand.u32 $0x3FFFFFFF, v63;
	[tilespmem:$0x730] =	vst v9  }
0x152: {  	v23 =	vld [tilespmem:$0x7A0];
	v15 =	vand.u32 $0x3FFFFFFF, v8;
	[tilespmem:$0x740] =	vst v12  }
0x153: {  	v26 =	vld [tilespmem:$0x7B0];
	v18 =	vand.u32 $0x3FFFFFFF, v11;
	[tilespmem:$0x750] =	vst v15  }
0x154: {  	v29 =	vld [tilespmem:$0x7C0];
	v21 =	vand.u32 $0x3FFFFFFF, v14;
	[tilespmem:$0x760] =	vst v18  }
0x155: {  	v32 =	vld [tilespmem:$0x7D0];
	v24 =	vand.u32 $0x3FFFFFFF, v17;
	[tilespmem:$0x770] =	vst v21  }
0x156: {  	v35 =	vld [tilespmem:$0x7E0];
	v27 =	vand.u32 $0x3FFFFFFF, v20;
	[tilespmem:$0x780] =	vst v24  }
0x157: {  	v38 =	vld [tilespmem:$0x7F0];
	v30 =	vand.u32 $0x3FFFFFFF, v23;
	[tilespmem:$0x790] =	vst v27  }
0x158: {  	v33 =	vand.u32 $0x3FFFFFFF, v26;
	[tilespmem:$0x7A0] =	vst v30  }
0x159: {  	v36 =	vand.u32 $0x3FFFFFFF, v29;
	[tilespmem:$0x7B0] =	vst v33  }
0x15a: {  	v39 =	vand.u32 $0x3FFFFFFF, v32;
	[tilespmem:$0x7C0] =	vst v36  }
0x15b: {  	v42 =	vand.u32 $0x3FFFFFFF, v35;
	[tilespmem:$0x7D0] =	vst v39  }
0x15c: {  	vm12 =	vlt.s32 v56, $0x40000000;
	v44 =	vand.u32 $0x3FFFFFFF, v38;
	[tilespmem:$0x7E0] =	vst v42  }
0x15d: {  	vm13 =	vlt.s32 v57, $0x40000000;
	v0 =	vsel vm12, $0x3F800000, v41;
	[tilespmem:$0x7F0] =	vst v44  }
0x15e: {  	vm14 =	vlt.s32 v58, $0x40000000;
	v62 =	vsel vm13, $0x3F800000, v41;
	[tilespmem:$0xF00] =	vst v0  }
0x15f: {  	vm15 =	vlt.s32 v60, $0x40000000;
	v7 =	vsel vm14, $0x3F800000, v41;
	[tilespmem:$0xF10] =	vst v62  }
0x160: {  	vm4 =	vlt.s32 v63, $0x40000000;
	v10 =	vsel vm15, $0x3F800000, v41;
	[tilespmem:$0xF20] =	vst v7  }
0x161: {  	vm5 =	vlt.s32 v8, $0x40000000;
	v13 =	vsel vm4, $0x3F800000, v41;
	[tilespmem:$0xF30] =	vst v10  }
0x162: {  	vm6 =	vlt.s32 v11, $0x40000000;
	v16 =	vsel vm5, $0x3F800000, v41;
	[tilespmem:$0xF40] =	vst v13  }
0x163: {  	vm7 =	vlt.s32 v14, $0x40000000;
	v19 =	vsel vm6, $0x3F800000, v41;
	[tilespmem:$0xF50] =	vst v16  }
0x164: {  	vm8 =	vlt.s32 v17, $0x40000000;
	v22 =	vsel vm7, $0x3F800000, v41;
	[tilespmem:$0xF60] =	vst v19  }
0x165: {  	vm9 =	vlt.s32 v20, $0x40000000;
	v25 =	vsel vm8, $0x3F800000, v41;
	[tilespmem:$0xF70] =	vst v22  }
0x166: {  	vm10 =	vlt.s32 v23, $0x40000000;
	v28 =	vsel vm9, $0x3F800000, v41;
	[tilespmem:$0xF80] =	vst v25  }
0x167: {  	vm11 =	vlt.s32 v26, $0x40000000;
	v31 =	vsel vm10, $0x3F800000, v41;
	[tilespmem:$0xF90] =	vst v28  }
0x168: {  	v34 =	vsel vm11, $0x3F800000, v41;
	vm12 =	vlt.s32 v29, $0x40000000;
	[tilespmem:$0xFA0] =	vst v31  }
0x169: {  	vm13 =	vlt.s32 v32, $0x40000000;
	[tilespmem:$0xFB0] =	vst v34;
	v37 =	vsel vm12, $0x3F800000, v41  }
0x16a: {  	vm14 =	vlt.s32 v35, $0x40000000;
	v40 =	vsel vm13, $0x3F800000, v41;
	[tilespmem:$0xFC0] =	vst v37  }
0x16b: {  	vm15 =	vlt.s32 v38, $0x40000000;
	v43 =	vsel vm14, $0x3F800000, v41;
	[tilespmem:$0xFD0] =	vst v40  }
0x16c: {  	v45 =	vsel vm15, $0x3F800000, v41;
	[tilespmem:$0xFE0] =	vst v43  }
0x16d: {  	[tilespmem:$0xFF0] =	vst v45  }
0x16e: {  	[tilespmem:s30], [sflag:$0x1] =	stream.indirect.gather [hbm4b:s10+s15], $0x1, s29, s15, $0xb8;
	[tilespmem:$0x1910] =	vst v63  }
0x16f: {  	_ =	swait.ge [sflag:s31], $0x100  }
0x170: {  	[sflag:s31] =	ssyncset.done $0x0  }
0x171: {  	[sflag:s31] =	ssyncadd.s32 $0xFFFFFF00  }
0x172: {  	_ =	swait.ge [sflag:s31], $0x100  }
0x173: {  	[sflag:s31] =	ssyncset.done $0x0  }
0x174: {  	[sflag:s31] =	ssyncadd.s32 $0xFFFFFF00  }
0x175: {  	_ =	swait.ge [sflag:s31], $0x100  }
0x176: {  	[sflag:s31] =	ssyncset.done $0x0  }
0x177: {  	[sflag:s31] =	ssyncadd.s32 $0xFFFFFF00  }
0x178: {  	_ =	swait.ge [sflag:s31], $0x100  }
0x179: {  	[sflag:s31] =	ssyncset.done $0x0  }
0x17a: {  	[sflag:s31] =	ssyncadd.s32 $0xFFFFFF00  }
0x17b: {  	_ =	swait.ge [sflag:s31], $0x100  }
0x17c: {  	[sflag:s31] =	ssyncset.done $0x0  }
0x17d: {  	[sflag:s31] =	ssyncadd.s32 $0xFFFFFF00  }
0x17e: {  	_ =	swait.ge [sflag:s31], $0x100  }
0x17f: {  	[sflag:s31] =	ssyncset.done $0x0  }
0x180: {  	[sflag:s31] =	ssyncadd.s32 $0xFFFFFF00  }
0x181: {  	_ =	swait.ge [sflag:s31], $0x100  }
0x182: {  	v46 =	vimm.s32 $0x8;
	[sflag:s31] =	ssyncset.done $0x0  }
0x183: {  	v47 =	vimm.s32 $0x9;
	[sflag:s31] =	ssyncadd.s32 $0xFFFFFF00  }
0x184: {  	v48 =	vimm.s32 $0xA;
	_ =	swait.ge [sflag:s31], $0x100  }
0x185: {  	v49 =	vimm.s32 $0xB;
	[sflag:s31] =	ssyncset.done $0x0  }
0x186: {  	v50 =	vimm.s32 $0xC;
	[sflag:s31] =	ssyncadd.s32 $0xFFFFFF00  }
0x187: {  	v51 =	vimm.s32 $0xD;
	v19 =	vld.idx.msk [tilespmem:v46+s13+$0x0], $0xffff  }
0x188: {  	v18 =	vld.idx.msk [tilespmem:v47+s13+$0x0], $0xffff  }
0x189: {  	v17 =	vld.idx.msk [tilespmem:v48+s13+$0x0], $0xffff  }
0x18a: {  	v16 =	vld.idx.msk [tilespmem:v49+s13+$0x0], $0xffff  }
0x18b: {  	v15 =	vld.idx.msk [tilespmem:v50+s13+$0x0], $0xffff  }
0x18c: {  	v14 =	vld.idx.msk [tilespmem:v51+s13+$0x0], $0xffff  }
0x18d: {  	v63 =	vld [tilespmem:$0xD30];
	_ =	sdelay $0x4  }
0x18e: {  	[tilespmem:$0x1F940] =	vst v63;
	v63 =	vld [tilespmem:$0x1630];
	_ =	sdelay $0x4  }
0x18f: {  	[tilespmem:$0x1F930] =	vst v63;
	v63 =	vld [tilespmem:$0xE30];
	_ =	sdelay $0x4  }
0x190: {  	[tilespmem:$0x1F960] =	vst v63;
	v63 =	vld [tilespmem:$0x1730];
	_ =	sdelay $0x4  }
0x191: {  	[tilespmem:$0x1F950] =	vst v63;
	v63 =	vld [tilespmem:$0xF30];
	_ =	sdelay $0x4  }
0x192: {  	[tilespmem:$0x1F980] =	vst v63;
	v63 =	vld [tilespmem:$0x1040];
	_ =	sdelay $0x4  }
0x193: {  	[tilespmem:$0x1F970] =	vst v63;
	v63 =	vld [tilespmem:$0x840];
	_ =	sdelay $0x4  }
0x194: {  	[tilespmem:$0x1F9A0] =	vst v63;
	v63 =	vld [tilespmem:$0x1140];
	_ =	sdelay $0x4  }
0x195: {  	[tilespmem:$0x1F990] =	vst v63;
	v63 =	vld [tilespmem:$0x940];
	_ =	sdelay $0x4  }
0x196: {  	[tilespmem:$0x1F9C0] =	vst v63;
	v63 =	vld [tilespmem:$0x1240];
	_ =	sdelay $0x4  }
0x197: {  	[tilespmem:$0x1F9B0] =	vst v63;
	v63 =	vld [tilespmem:$0xA40];
	_ =	sdelay $0x4  }
0x198: {  	[tilespmem:$0x1F9E0] =	vst v63;
	v63 =	vld [tilespmem:$0x1340];
	_ =	sdelay $0x4  }
0x199: {  	[tilespmem:$0x1F9F0] =	vst v63;
	v63 =	vld [tilespmem:$0xB40];
	_ =	sdelay $0x4  }
0x19a: {  	[tilespmem:$0x1FA20] =	vst v63;
	v63 =	vld [tilespmem:$0x1440];
	_ =	sdelay $0x4  }
0x19b: {  	[tilespmem:$0x1FA30] =	vst v63;
	v63 =	vld [tilespmem:$0xC40];
	_ =	sdelay $0x4  }
0x19c: {  	[tilespmem:$0x1FA60] =	vst v63;
	v63 =	vld [tilespmem:$0x1540];
	_ =	sdelay $0x4  }
0x19d: {  	[tilespmem:$0x1FA70] =	vst v63;
	v63 =	vld [tilespmem:$0xD40];
	_ =	sdelay $0x4  }
0x19e: {  	[tilespmem:$0x1FAA0] =	vst v63;
	v63 =	vld [tilespmem:$0x1640];
	_ =	sdelay $0x4  }
0x19f: {  	[tilespmem:$0x1FAB0] =	vst v63;
	v63 =	vld [tilespmem:$0xE40];
	_ =	sdelay $0x4  }
0x1a0: {  	[tilespmem:$0x1FAE0] =	vst v63;
	v63 =	vld [tilespmem:$0x1740];
	_ =	sdelay $0x4  }
0x1a1: {  	[tilespmem:$0x1FAF0] =	vst v63;
	v63 =	vld [tilespmem:$0xF40];
	_ =	sdelay $0x4  }
0x1a2: {  	[tilespmem:$0x1FB20] =	vst v63;
	v63 =	vld [tilespmem:$0x1050];
	_ =	sdelay $0x4  }
0x1a3: {  	[tilespmem:$0x1F9D0] =	vst v63;
	v63 =	vld [tilespmem:$0x850];
	_ =	sdelay $0x4  }
0x1a4: {  	[tilespmem:$0x1FA00] =	vst v63;
	v63 =	vld [tilespmem:$0x1150];
	_ =	sdelay $0x4  }
0x1a5: {  	[tilespmem:$0x1FA10] =	vst v63;
	v63 =	vld [tilespmem:$0x950];
	_ =	sdelay $0x4  }
0x1a6: {  	[tilespmem:$0x1FA40] =	vst v63;
	v63 =	vld [tilespmem:$0x1250];
	_ =	sdelay $0x4  }
0x1a7: {  	[tilespmem:$0x1FA50] =	vst v63;
	v63 =	vld [tilespmem:$0xA50];
	_ =	sdelay $0x4  }
0x1a8: {  	[tilespmem:$0x1FA80] =	vst v63;
	v63 =	vld [tilespmem:$0x1350];
	_ =	sdelay $0x4  }
0x1a9: {  	[tilespmem:$0x1FA90] =	vst v63;
	v63 =	vld [tilespmem:$0xB50];
	_ =	sdelay $0x4  }
0x1aa: {  	[tilespmem:$0x1FAC0] =	vst v63;
	v63 =	vld [tilespmem:$0x1450];
	_ =	sdelay $0x4  }
0x1ab: {  	[tilespmem:$0x1FAD0] =	vst v63;
	v63 =	vld [tilespmem:$0xC50];
	_ =	sdelay $0x4  }
0x1ac: {  	[tilespmem:$0x1FB00] =	vst v63;
	v63 =	vld [tilespmem:$0x1550];
	_ =	sdelay $0x4  }
0x1ad: {  	[tilespmem:$0x1FB10] =	vst v63;
	v63 =	vld [tilespmem:$0xD50];
	_ =	sdelay $0x4  }
0x1ae: {  	[tilespmem:$0x1FB40] =	vst v63;
	v63 =	vld [tilespmem:$0x1650];
	_ =	sdelay $0x4  }
0x1af: {  	[tilespmem:$0x1FB30] =	vst v63;
	v63 =	vld [tilespmem:$0xE50];
	_ =	sdelay $0x4  }
0x1b0: {  	[tilespmem:$0x1FB60] =	vst v63;
	v63 =	vld [tilespmem:$0x1750];
	_ =	sdelay $0x4  }
0x1b1: {  	[tilespmem:$0x1FB50] =	vst v63;
	v63 =	vld [tilespmem:$0xF50];
	_ =	sdelay $0x4  }
0x1b2: {  	[tilespmem:$0x1FB80] =	vst v63;
	v63 =	vld [tilespmem:$0x1060];
	_ =	sdelay $0x4  }
0x1b3: {  	[tilespmem:$0x1FB70] =	vst v63;
	v63 =	vld [tilespmem:$0x860];
	_ =	sdelay $0x4  }
0x1b4: {  	[tilespmem:$0x1FBA0] =	vst v63;
	v63 =	vld [tilespmem:$0x1160];
	_ =	sdelay $0x4  }
0x1b5: {  	[tilespmem:$0x1FB90] =	vst v63;
	v63 =	vld [tilespmem:$0x960];
	_ =	sdelay $0x4  }
0x1b6: {  	[tilespmem:$0x1FBC0] =	vst v63;
	v63 =	vld [tilespmem:$0x1260];
	_ =	sdelay $0x4  }
0x1b7: {  	[tilespmem:$0x1FBB0] =	vst v63;
	v63 =	vld [tilespmem:$0xA60];
	_ =	sdelay $0x4  }
0x1b8: {  	[tilespmem:$0x1FBE0] =	vst v63;
	v63 =	vld [tilespmem:$0x1360];
	_ =	sdelay $0x4  }
0x1b9: {  	[tilespmem:$0x1FBF0] =	vst v63;
	v63 =	vld [tilespmem:$0xB60];
	_ =	sdelay $0x4  }
0x1ba: {  	[tilespmem:$0x1FC20] =	vst v63;
	v63 =	vld [tilespmem:$0x1460];
	_ =	sdelay $0x4  }
0x1bb: {  	[tilespmem:$0x1FC30] =	vst v63;
	v63 =	vld [tilespmem:$0xC60];
	_ =	sdelay $0x4  }
0x1bc: {  	[tilespmem:$0x1FC60] =	vst v63;
	v63 =	vld [tilespmem:$0x1560];
	_ =	sdelay $0x4  }
0x1bd: {  	[tilespmem:$0x1FC70] =	vst v63;
	v63 =	vld [tilespmem:$0xD60];
	_ =	sdelay $0x4  }
0x1be: {  	[tilespmem:$0x1FCA0] =	vst v63;
	v63 =	vld [tilespmem:$0x1660];
	_ =	sdelay $0x4  }
0x1bf: {  	[tilespmem:$0x1FCB0] =	vst v63;
	v63 =	vld [tilespmem:$0xE60];
	_ =	sdelay $0x4  }
0x1c0: {  	[tilespmem:$0x1FCE0] =	vst v63;
	v63 =	vld [tilespmem:$0x1760];
	_ =	sdelay $0x4  }
0x1c1: {  	[tilespmem:$0x1FCF0] =	vst v63;
	v63 =	vld [tilespmem:$0xF60];
	_ =	sdelay $0x4  }
0x1c2: {  	[tilespmem:$0x1FD20] =	vst v63;
	v63 =	vld [tilespmem:$0x1070];
	_ =	sdelay $0x4  }
0x1c3: {  	[tilespmem:$0x1FBD0] =	vst v63;
	v63 =	vld [tilespmem:$0x870];
	_ =	sdelay $0x4  }
0x1c4: {  	[tilespmem:$0x1FC00] =	vst v63;
	v63 =	vld [tilespmem:$0x1170];
	_ =	sdelay $0x4  }
0x1c5: {  	[tilespmem:$0x1FC10] =	vst v63;
	v63 =	vld [tilespmem:$0x970];
	_ =	sdelay $0x4  }
0x1c6: {  	[tilespmem:$0x1FC40] =	vst v63;
	v63 =	vld [tilespmem:$0x1270]  }
0x1c7: {  	v52 =	vimm.s32 $0xE  }
0x1c8: {  	v53 =	vimm.s32 $0xF;
	_ =	sdelay $0x2  }
0x1c9: {  	[tilespmem:$0x1FC50] =	vst v63;
	v63 =	vld [tilespmem:$0xA70]  }
0x1ca: {  	v13 =	vld.idx.msk [tilespmem:v52+s13+$0x0], $0xffff  }
0x1cb: {  	v12 =	vld.idx.msk [tilespmem:v53+s13+$0x0], $0xffff  }
0x1cc: {  	v5 =	vld [tilespmem:$0x1000]  }
0x1cd: {  	v9 =	vld [tilespmem:$0x800]  }
0x1ce: {  	[tilespmem:$0x1FC80] =	vst v63;
	v63 =	vld [tilespmem:$0x1370]  }
0x1cf: {  	v4 =	vld [tilespmem:$0x1100]  }
0x1d0: {  	v10 =	vld [tilespmem:$0x900]  }
0x1d1: {  	v7 =	vld [tilespmem:$0x1200]  }
0x1d2: {  	v11 =	vld [tilespmem:$0xA00]  }
0x1d3: {  	[tilespmem:$0x1FC90] =	vst v63;
	v63 =	vld [tilespmem:$0xB70]  }
0x1d4: {  	v20 =	vld [tilespmem:$0x1300]  }
0x1d5: {  	v23 =	vld [tilespmem:$0xB00]  }
0x1d6: {  	v24 =	vld [tilespmem:$0x1400]  }
0x1d7: {  	v27 =	vld [tilespmem:$0xC00]  }
0x1d8: {  	[tilespmem:$0x1FCC0] =	vst v63;
	v63 =	vld [tilespmem:$0x1470]  }
0x1d9: {  	v28 =	vld [tilespmem:$0x1500]  }
0x1da: {  	v33 =	vld [tilespmem:$0xD00]  }
0x1db: {  	v34 =	vld [tilespmem:$0x1600]  }
0x1dc: {  	v56 =	vld [tilespmem:$0xE00]  }
0x1dd: {  	[tilespmem:$0x1FCD0] =	vst v63;
	v63 =	vld [tilespmem:$0xC70]  }
0x1de: {  	v57 =	vld [tilespmem:$0x1700]  }
0x1df: {  	v53 =	vld [tilespmem:$0xF00]  }
0x1e0: {  	v0 =	vld [tilespmem:$0x1010]  }
0x1e1: {  	v1 =	vld [tilespmem:$0x810]  }
0x1e2: {  	[tilespmem:$0x1FD00] =	vst v63;
	v63 =	vld [tilespmem:$0x1570]  }
0x1e3: {  	v2 =	vld [tilespmem:$0x1110]  }
0x1e4: {  	v6 =	vld [tilespmem:$0x910]  }
0x1e5: {  	v8 =	vld [tilespmem:$0x1210]  }
0x1e6: {  	v21 =	vld [tilespmem:$0xA10]  }
0x1e7: {  	[tilespmem:$0x1FD10] =	vst v63;
	v63 =	vld [tilespmem:$0xD70]  }
0x1e8: {  	v22 =	vld [tilespmem:$0x1310]  }
0x1e9: {  	v25 =	vld [tilespmem:$0xB10]  }
0x1ea: {  	v26 =	vld [tilespmem:$0x1410]  }
0x1eb: {  	v29 =	vld [tilespmem:$0xC10]  }
0x1ec: {  	[tilespmem:$0x1FD40] =	vst v63;
	v63 =	vld [tilespmem:$0x1670]  }
0x1ed: {  	v30 =	vld [tilespmem:$0x1510]  }
0x1ee: {  	v37 =	vld [tilespmem:$0xD10]  }
0x1ef: {  	v31 =	vld [tilespmem:$0x1610]  }
0x1f0: {  	v39 =	vld [tilespmem:$0xE10]  }
0x1f1: {  	[tilespmem:$0x1FD30] =	vst v63;
	v63 =	vld [tilespmem:$0xE70]  }
0x1f2: {  	v35 =	vld [tilespmem:$0x1710]  }
0x1f3: {  	v46 =	vld [tilespmem:$0xF10]  }
0x1f4: {  	v36 =	vld [tilespmem:$0x1020]  }
0x1f5: {  	v44 =	vld [tilespmem:$0x820]  }
0x1f6: {  	[tilespmem:$0x1FD60] =	vst v63;
	v63 =	vld [tilespmem:$0x1770]  }
0x1f7: {  	v40 =	vld [tilespmem:$0x1120]  }
0x1f8: {  	v47 =	vld [tilespmem:$0x920]  }
0x1f9: {  	v43 =	vld [tilespmem:$0x1220]  }
0x1fa: {  	v49 =	vld [tilespmem:$0xA20]  }
0x1fb: {  	[tilespmem:$0x1FD50] =	vst v63;
	v63 =	vld [tilespmem:$0xF70]  }
0x1fc: {  	v61 =	vld [tilespmem:$0x1320]  }
0x1fd: {  	v58 =	vld [tilespmem:$0xB20]  }
0x1fe: {  	v52 =	vld [tilespmem:$0x1420]  }
0x1ff: {  	v59 =	vld [tilespmem:$0xC20]  }
0x200: {  	[tilespmem:$0x1FD80] =	vst v63;
	v63 =	vld [tilespmem:$0x1080]  }
0x201: {  	v3 =	vld [tilespmem:$0x1520]  }
0x202: {  	v32 =	vld [tilespmem:$0xD20]  }
0x203: {  	v54 =	vld [tilespmem:$0x1620]  }
0x204: {  	v55 =	vld [tilespmem:$0xE20]  }
0x205: {  	[tilespmem:$0x1FD70] =	vst v63;
	v63 =	vld [tilespmem:$0x880]  }
0x206: {  	v60 =	vld [tilespmem:$0x1720]  }
0x207: {  	v62 =	vld [tilespmem:$0xF20]  }
0x208: {  	v42 =	vld [tilespmem:$0x830]  }
0x209: {  	v38 =	vld [tilespmem:$0x1130]  }
0x20a: {  	[tilespmem:$0x1FDA0] =	vst v63;
	v63 =	vld [tilespmem:$0x1180]  }
0x20b: {  	v45 =	vld [tilespmem:$0x930]  }
0x20c: {  	v48 =	vld [tilespmem:$0x1230];
	v5 =	vmul.f32 v5, v19  }
0x20d: {  	v50 =	vld [tilespmem:$0xA30]  }
0x20e: {  	v5 =	vmul.f32 v9, v5;
	v9 =	vmul.f32 v20, v16;
	v20 =	vld [tilespmem:$0xB80]  }
0x20f: {  	[tilespmem:$0x1FD90] =	vst v63;
	v63 =	vld [tilespmem:$0x980]  }
0x210: {  	v51 =	vld [tilespmem:$0x1330]  }
0x211: {  	[tilespmem:$0x1F8E0] =	vst v32;
	v32 =	vld [tilespmem:$0x1030]  }
0x212: {  	[tilespmem:$0x1F8F0] =	vst v54;
	v54 =	vld [tilespmem:$0xB30]  }
0x213: {  	[tilespmem:$0x1FDF0] =	vst v20;
	v20 =	vmul.f32 v24, v15;
	v24 =	vld [tilespmem:$0x1580]  }
0x214: {  	[tilespmem:$0x1FDC0] =	vst v63;
	v63 =	vld [tilespmem:$0x1280]  }
0x215: {  	[tilespmem:$0x1F900] =	vst v55;
	v55 =	vld [tilespmem:$0x1430];
	v7 =	vmul.f32 v7, v17  }
0x216: {  	[tilespmem:$0x1F910] =	vst v60;
	v60 =	vld [tilespmem:$0xC30];
	v4 =	vmul.f32 v4, v18  }
0x217: {  	v7 =	vmul.f32 v11, v7;
	v11 =	vld [tilespmem:$0x1480]  }
0x218: {  	v4 =	vmul.f32 v10, v4;
	v5 =	vadd.f32 $0.0e+00, v5;
	[tilespmem:$0x1FE20] =	vst v24;
	v24 =	vld [tilespmem:$0xE80]  }
0x219: {  	v28 =	vmul.f32 v28, v14;
	[tilespmem:$0x1FDB0] =	vst v63;
	v63 =	vld [tilespmem:$0xA80]  }
0x21a: {  	[tilespmem:$0x1F920] =	vst v62;
	v62 =	vld [tilespmem:$0x1530];
	v4 =	vadd.f32 v4, v5;
	v5 =	vmul.f32 v27, v20;
	v27 =	vmul.f32 v26, v15  }
0x21b: {  	v26 =	vmul.f32 v36, v19;
	v36 =	vmul.f32 v38, v18;
	v38 =	vld [tilespmem:$0xC90]  }
0x21c: {  	[tilespmem:$0x1FE00] =	vst v11;
	v11 =	vld [tilespmem:$0xC80]  }
0x21d: {  	v32 =	vmul.f32 v32, v19;
	v4 =	vadd.f32 v7, v4;
	v7 =	vmul.f32 v33, v28;
	v28 =	vld [tilespmem:$0x1780];
	[tilespmem:$0x1FE50] =	vst v24  }
0x21e: {  	v24 =	vmul.f32 v35, v12;
	[tilespmem:$0x1FDD0] =	vst v63;
	v63 =	vld [tilespmem:$0x1380]  }
0x21f: {  	v35 =	vmul.f32 v42, v32;
	v42 =	vmul.f32 v48, v17;
	v48 =	vld [tilespmem:$0xD90]  }
0x220: {  	[tilespmem:$0x1FE70] =	vst v38;
	v38 =	vld [tilespmem:$0x1F950]  }
0x221: {  	v32 =	vld [tilespmem:$0x1F920]  }
0x222: {  	[tilespmem:$0x1FE60] =	vst v28;
	v28 =	vmul.f32 v46, v24;
	v46 =	vld [tilespmem:$0x1290]  }
0x223: {  	v0 =	vmul.f32 v0, v19;
	v24 =	vld [tilespmem:$0x1F900];
	[tilespmem:$0x1FDE0] =	vst v63;
	v63 =	vmul.f32 v2, v18  }
0x224: {  	[tilespmem:$0x1FEB0] =	vst v48;
	v48 =	vld [tilespmem:$0x1F970];
	v2 =	vmul.f32 v23, v9;
	v23 =	vmul.f32 v8, v17  }
0x225: {  	v0 =	vmul.f32 v1, v0;
	v8 =	vld [tilespmem:$0x1F9D0]  }
0x226: {  	v1 =	vmul.f32 v6, v63;
	v63 =	vld [tilespmem:$0xD80];
	v20 =	vmul.f32 v21, v23  }
0x227: {  	v21 =	vmul.f32 v22, v16;
	v22 =	vld [tilespmem:$0x1680];
	v23 =	vmul.f32 v34, v13  }
0x228: {  	v34 =	vmul.f32 v57, v12;
	v57 =	vld [tilespmem:$0xF80]  }
0x229: {  	v0 =	vadd.f32 $0.0e+00, v0;
	v33 =	vmul.f32 v56, v23;
	v56 =	vld [tilespmem:$0x1090]  }
0x22a: {  	v2 =	vadd.f32 v2, v4;
	v25 =	vmul.f32 v25, v21;
	v21 =	vmul.f32 v53, v34;
	v53 =	vld [tilespmem:$0x1190]  }
0x22b: {  	v0 =	vadd.f32 v1, v0;
	v34 =	vmul.f32 v61, v16;
	v61 =	vld [tilespmem:$0x1490]  }
0x22c: {  	v2 =	vadd.f32 v5, v2;
	v1 =	vmul.f32 v45, v36;
	v36 =	vld [tilespmem:$0x8A0]  }
0x22d: {  	v0 =	vadd.f32 v20, v0;
	v20 =	vmul.f32 v30, v14;
	v30 =	vmul.f32 v44, v26;
	v26 =	vld [tilespmem:$0x1F910]  }
0x22e: {  	v5 =	vmul.f32 v58, v34;
	v34 =	vld [tilespmem:$0x1F930]  }
0x22f: {  	v2 =	vadd.f32 v7, v2;
	v7 =	vld [tilespmem:$0x1FAD0]  }
0x230: {  	[tilespmem:$0x1FE90] =	vst v57;
	v57 =	vld [tilespmem:$0x890]  }
0x231: {  	[tilespmem:$0x1FE30] =	vst v63;
	v63 =	vmul.f32 v29, v27;
	v27 =	vld [tilespmem:$0x990]  }
0x232: {  	v29 =	vmul.f32 v40, v18;
	v40 =	vld [tilespmem:$0xB90]  }
0x233: {  	[tilespmem:$0x1FE40] =	vst v22;
	v22 =	vmul.f32 v31, v13;
	v31 =	vmul.f32 v43, v17;
	v43 =	vld [tilespmem:$0x1590]  }
0x234: {  	v23 =	vmul.f32 v37, v20;
	v37 =	vmul.f32 v52, v15;
	v52 =	vld [tilespmem:$0x1F8E0]  }
0x235: {  	v20 =	vld [tilespmem:$0xE90]  }
0x236: {  	v4 =	vadd.f32 $0.0e+00, v30;
	v30 =	vmul.f32 v62, v14;
	v62 =	vld [tilespmem:$0x1F9C0]  }
0x237: {  	v0 =	vadd.f32 v25, v0;
	v25 =	vmul.f32 v39, v22;
	v39 =	vld [tilespmem:$0xA90]  }
0x238: {  	v2 =	vadd.f32 v33, v2;
	v6 =	vmul.f32 v47, v29;
	v47 =	vld [tilespmem:$0x1390];
	v33 =	vmul.f32 v49, v31  }
0x239: {  	v49 =	vmul.f32 v50, v42;
	v50 =	vmul.f32 v51, v16;
	v51 =	vld [tilespmem:$0x1690]  }
0x23a: {  	v31 =	vld [tilespmem:$0x10A0]  }
0x23b: {  	v22 =	vmul.f32 v55, v15;
	v55 =	vld [tilespmem:$0x1F9A0]  }
0x23c: {  	[tilespmem:$0x1FF10] =	vst v36;
	v36 =	vld [tilespmem:$0x11B0]  }
0x23d: {  	v44 =	vmul.f32 v59, v37;
	v59 =	vld [tilespmem:$0x1F8F0]  }
0x23e: {  	v37 =	vld [tilespmem:$0x1F940]  }
0x23f: {  	v2 =	vadd.f32 v21, v2;
	v21 =	vmul.f32 v54, v50;
	v50 =	vld [tilespmem:$0x9A0]  }
0x240: {  	v29 =	vmul.f32 v60, v22;
	v22 =	vld [tilespmem:$0x14A0]  }
0x241: {  	v0 =	vadd.f32 v63, v0;
	v4 =	vadd.f32 v6, v4;
	v6 =	vld [tilespmem:$0x1FAC0]  }
0x242: {  	v9 =	vmul.f32 v8, v19;
	v8 =	vmul.f32 v7, v15;
	v7 =	vld [tilespmem:$0x1FBA0]  }
0x243: {  	v0 =	vadd.f32 v23, v0;
	v23 =	vld [tilespmem:$0x1790]  }
0x244: {  	v45 =	vmul.f32 v3, v14;
	[tilespmem:$0x1FE80] =	vst v43;
	v43 =	vld [tilespmem:$0x11A0]  }
0x245: {  	[tilespmem:$0x1FE10] =	vst v27;
	v27 =	vmul.f32 v26, v12;
	v26 =	vld [tilespmem:$0x15A0]  }
0x246: {  	v58 =	vmul.f32 v52, v45;
	v52 =	vld [tilespmem:$0x1F990]  }
0x247: {  	[tilespmem:$0x1FED0] =	vst v20;
	v20 =	vld [tilespmem:$0x8B0]  }
0x248: {  	[tilespmem:$0x1FEA0] =	vst v51;
	v51 =	vld [tilespmem:$0x1F980]  }
0x249: {  	[tilespmem:$0x1FEE0] =	vst v31;
	v31 =	vld [tilespmem:$0xAA0]  }
0x24a: {  	v46 =	vmul.f32 v46, v17;
	[tilespmem:$0x1FF50] =	vst v2;
	v2 =	vadd.f32 v33, v4;
	v33 =	vmul.f32 v32, v27;
	v27 =	vld [tilespmem:$0xBA0]  }
0x24b: {  	v32 =	vld [tilespmem:$0x1FA00]  }
0x24c: {  	v46 =	vmul.f32 v39, v46;
	v39 =	vld [tilespmem:$0x1FE30]  }
0x24d: {  	v0 =	vadd.f32 v25, v0;
	v63 =	vmul.f32 v59, v13;
	v59 =	vld [tilespmem:$0x1F9B0]  }
0x24e: {  	v2 =	vadd.f32 v5, v2;
	v5 =	vld [tilespmem:$0x1FDC0]  }
0x24f: {  	v0 =	vadd.f32 v28, v0;
	v28 =	vld [tilespmem:$0xF90]  }
0x250: {  	[tilespmem:$0x1FF20] =	vst v50;
	v50 =	vld [tilespmem:$0x1FA70]  }
0x251: {  	v2 =	vadd.f32 v44, v2;
	v44 =	vld [tilespmem:$0x1F960]  }
0x252: {  	[tilespmem:$0x1FEC0] =	vst v23;
	v23 =	vld [tilespmem:$0x12A0]  }
0x253: {  	[tilespmem:$0x1FF00] =	vst v43;
	v43 =	vld [tilespmem:$0x1FA40]  }
0x254: {  	v25 =	vmul.f32 v24, v63;
	v24 =	vld [tilespmem:$0x17A0]  }
0x255: {  	[tilespmem:$0x1FF60] =	vst v0;
	v0 =	vadd.f32 $0.0e+00, v35;
	v35 =	vmul.f32 v34, v13;
	v34 =	vld [tilespmem:$0x1FA20]  }
0x256: {  	v54 =	vmul.f32 v52, v18;
	v52 =	vld [tilespmem:$0x1FA80]  }
0x257: {  	v2 =	vadd.f32 v58, v2;
	v0 =	vadd.f32 v1, v0;
	v1 =	vmul.f32 v37, v30;
	v37 =	vld [tilespmem:$0x1FA30]  }
0x258: {  	v63 =	vmul.f32 v62, v54;
	v54 =	vld [tilespmem:$0x1FA90]  }
0x259: {  	v2 =	vadd.f32 v25, v2;
	v25 =	vld [tilespmem:$0x13A0]  }
0x25a: {  	[tilespmem:$0x1FEF0] =	vst v28;
	v28 =	vld [tilespmem:$0x1F9E0]  }
0x25b: {  	v45 =	vmul.f32 v44, v35;
	v44 =	vld [tilespmem:$0x1FA50]  }
0x25c: {  	v0 =	vadd.f32 v49, v0;
	v49 =	vmul.f32 v48, v19;
	v48 =	vld [tilespmem:$0x1FA60]  }
0x25d: {  	v2 =	vadd.f32 v33, v2;
	v33 =	vld [tilespmem:$0x1FA10]  }
0x25e: {  	v42 =	vmul.f32 v38, v12;
	v0 =	vadd.f32 v21, v0;
	v21 =	vld [tilespmem:$0xFA0]  }
0x25f: {  	v58 =	vmul.f32 v55, v49;
	v38 =	vmul.f32 v37, v15;
	v37 =	vld [tilespmem:$0xDA0]  }
0x260: {  	v60 =	vmul.f32 v59, v17;
	v0 =	vadd.f32 v29, v0;
	v29 =	vld [tilespmem:$0x1F9F0]  }
0x261: {  	v10 =	vadd.f32 $0.0e+00, v58;
	v58 =	vld [tilespmem:$0x1FAA0]  }
0x262: {  	[tilespmem:$0x1FF70] =	vst v2;
	v2 =	vmul.f32 v28, v60;
	v60 =	vld [tilespmem:$0x1FAB0]  }
0x263: {  	v28 =	vld [tilespmem:$0xAB0]  }
0x264: {  	v49 =	vmul.f32 v48, v38;
	v38 =	vld [tilespmem:$0x1FAF0]  }
0x265: {  	v48 =	vld [tilespmem:$0x1FB20]  }
0x266: {  	v0 =	vadd.f32 v1, v0;
	v1 =	vmul.f32 v51, v42;
	v42 =	vld [tilespmem:$0xCA0]  }
0x267: {  	v4 =	vadd.f32 v63, v10;
	v51 =	vmul.f32 v50, v14;
	v63 =	vld [tilespmem:$0xEA0]  }
0x268: {  	v0 =	vadd.f32 v45, v0;
	v45 =	vmul.f32 v44, v17;
	v44 =	vld [tilespmem:$0x1FB10]  }
0x269: {  	v30 =	vmul.f32 v29, v16;
	v59 =	vmul.f32 v58, v51;
	v51 =	vld [tilespmem:$0x1FB40]  }
0x26a: {  	v29 =	vld [tilespmem:$0xBB0]  }
0x26b: {  	v35 =	vmul.f32 v34, v30;
	v30 =	vld [tilespmem:$0x16A0]  }
0x26c: {  	v34 =	vld [tilespmem:$0x9B0]  }
0x26d: {  	v0 =	vadd.f32 v1, v0;
	[tilespmem:$0x1FF40] =	vst v63;
	v63 =	vld [tilespmem:$0x1FB90]  }
0x26e: {  	v1 =	vmul.f32 v33, v18;
	[tilespmem:$0x1FF30] =	vst v42;
	v42 =	vmul.f32 v38, v12;
	v38 =	vld [tilespmem:$0x12B0]  }
0x26f: {  	[tilespmem:$0x1FF80] =	vst v0;
	v0 =	vmul.f32 v32, v9;
	v9 =	vld [tilespmem:$0x1FAE0]  }
0x270: {  	v26 =	vmul.f32 v26, v14;
	v1 =	vmul.f32 v43, v1;
	v43 =	vld [tilespmem:$0x1FB00]  }
0x271: {  	v2 =	vadd.f32 v2, v4;
	v32 =	vld [tilespmem:$0xCB0]  }
0x272: {  	v26 =	vmul.f32 v37, v26;
	v37 =	vld [tilespmem:$0x1FF40]  }
0x273: {  	v2 =	vadd.f32 v35, v2;
	v35 =	vld [tilespmem:$0x10B0]  }
0x274: {  	v33 =	vmul.f32 v48, v42;
	v48 =	vld [tilespmem:$0x1FBC0]  }
0x275: {  	v42 =	vld [tilespmem:$0x13B0];
	v0 =	vadd.f32 $0.0e+00, v0  }
0x276: {  	v2 =	vadd.f32 v49, v2;
	v49 =	vld [tilespmem:$0x1FB30]  }
0x277: {  	v36 =	vmul.f32 v36, v18;
	v0 =	vadd.f32 v1, v0;
	v1 =	vmul.f32 v52, v45;
	v52 =	vld [tilespmem:$0x1FB50]  }
0x278: {  	v45 =	vmul.f32 v44, v14;
	v44 =	vld [tilespmem:$0x15B0]  }
0x279: {  	v62 =	vmul.f32 v60, v13;
	v34 =	vmul.f32 v34, v36;
	v36 =	vld [tilespmem:$0x16D0]  }
0x27a: {  	v2 =	vadd.f32 v59, v2;
	v59 =	vld [tilespmem:$0x1FB70]  }
0x27b: {  	v55 =	vmul.f32 v54, v16;
	v10 =	vmul.f32 v9, v62;
	v62 =	vld [tilespmem:$0x1FB80]  }
0x27c: {  	v9 =	vld [tilespmem:$0x1FBB0]  }
0x27d: {  	v0 =	vadd.f32 v1, v0;
	v1 =	vmul.f32 v6, v55;
	v55 =	vld [tilespmem:$0x1FB60]  }
0x27e: {  	v6 =	vmul.f32 v63, v18;
	v50 =	vmul.f32 v49, v13;
	v49 =	vld [tilespmem:$0x1FBD0]  }
0x27f: {  	v0 =	vadd.f32 v1, v0;
	v1 =	vmul.f32 v43, v8;
	v43 =	vld [tilespmem:$0x14B0]  }
0x280: {  	v2 =	vadd.f32 v10, v2;
	v4 =	vmul.f32 v48, v6;
	v6 =	vld [tilespmem:$0x1FCB0]  }
0x281: {  	v54 =	vmul.f32 v52, v12;
	v52 =	vld [tilespmem:$0x1FBF0]  }
0x282: {  	v2 =	vadd.f32 v33, v2;
	v33 =	vld [tilespmem:$0xDB0]  }
0x283: {  	v0 =	vadd.f32 v1, v0;
	v1 =	vmul.f32 v51, v45;
	v51 =	vld [tilespmem:$0x1FBE0]  }
0x284: {  	v60 =	vmul.f32 v59, v19;
	v59 =	vld [tilespmem:$0x1FC20]  }
0x285: {  	v10 =	vmul.f32 v9, v17;
	v9 =	vld [tilespmem:$0x1FC50];
	v58 =	vmul.f32 v55, v50;
	v0 =	vadd.f32 v1, v0  }
0x286: {  	v55 =	vld [tilespmem:$0x1FC00]  }
0x287: {  	v8 =	vmul.f32 v7, v60;
	v0 =	vadd.f32 v58, v0;
	v58 =	vld [tilespmem:$0x1FC10]  }
0x288: {  	v1 =	vmul.f32 v62, v54;
	v62 =	vld [tilespmem:$0x1FC30];
	v54 =	vmul.f32 v52, v16  }
0x289: {  	v60 =	vadd.f32 $0.0e+00, v8;
	v8 =	vld [tilespmem:$0x1FC40]  }
0x28a: {  	v48 =	vmul.f32 v59, v54;
	v54 =	vld [tilespmem:$0x1FC60]  }
0x28b: {  	v50 =	vmul.f32 v49, v19;
	v0 =	vadd.f32 v1, v0;
	v59 =	vld [tilespmem:$0x1FC80]  }
0x28c: {  	v4 =	vadd.f32 v4, v60;
	v60 =	vld [tilespmem:$0x1FC90];
	v1 =	vmul.f32 v58, v18  }
0x28d: {  	v45 =	vld [tilespmem:$0xEB0];
	[tilespmem:$0x1FFA0] =	vst v0;
	v0 =	vmul.f32 v55, v50  }
0x28e: {  	v63 =	vmul.f32 v62, v15;
	v1 =	vmul.f32 v8, v1;
	v8 =	vld [tilespmem:$0x1FCC0]  }
0x28f: {  	[tilespmem:$0x1FF90] =	vst v2;
	v2 =	vmul.f32 v51, v10;
	v10 =	vmul.f32 v9, v17;
	v55 =	vld [tilespmem:$0x1FC70];
	v0 =	vadd.f32 $0.0e+00, v0  }
0x290: {  	v9 =	vld [tilespmem:$0x1FCD0];
	v54 =	vmul.f32 v54, v63  }
0x291: {  	v62 =	vmul.f32 v60, v16;
	v63 =	vld [tilespmem:$0x1FCA0];
	v0 =	vadd.f32 v1, v0;
	v1 =	vmul.f32 v59, v10  }
0x292: {  	v49 =	vld [tilespmem:$0x1FD50]  }
0x293: {  	v0 =	vadd.f32 v1, v0;
	v1 =	vmul.f32 v8, v62;
	v62 =	vld [tilespmem:$0x1FD00]  }
0x294: {  	v52 =	vld [tilespmem:$0x17B0];
	v58 =	vmul.f32 v55, v14  }
0x295: {  	v51 =	vld [tilespmem:$0xFB0]  }
0x296: {  	v2 =	vadd.f32 v2, v4;
	v10 =	vmul.f32 v9, v15;
	v4 =	vmul.f32 v63, v58;
	v63 =	vld [tilespmem:$0x1FD10]  }
0x297: {  	v50 =	vld [tilespmem:$0x16B0]  }
0x298: {  	v0 =	vadd.f32 v1, v0;
	v1 =	vmul.f32 v62, v10;
	v10 =	vld [tilespmem:$0x1FD40]  }
0x299: {  	v59 =	vld [tilespmem:$0x1FCF0]  }
0x29a: {  	v58 =	vld [tilespmem:$0x1FCE0]  }
0x29b: {  	v7 =	vmul.f32 v6, v13;
	v8 =	vld [tilespmem:$0x1FD30];
	v6 =	vmul.f32 v63, v14  }
0x29c: {  	v2 =	vadd.f32 v48, v2;
	v55 =	vld [tilespmem:$0x10C0]  }
0x29d: {  	v0 =	vadd.f32 v1, v0;
	v1 =	vmul.f32 v10, v6;
	v6 =	vld [tilespmem:$0x1FD60]  }
0x29e: {  	v2 =	vadd.f32 v54, v2;
	v54 =	vld [tilespmem:$0x8C0]  }
0x29f: {  	v48 =	vmul.f32 v58, v7;
	v7 =	vld [tilespmem:$0x1FD20]  }
0x2a0: {  	v9 =	vmul.f32 v8, v13;
	v58 =	vmul.f32 v49, v12;
	v49 =	vld [tilespmem:$0x9C0]  }
0x2a1: {  	v10 =	vld [tilespmem:$0x1FD90]  }
0x2a2: {  	v2 =	vadd.f32 v4, v2;
	v4 =	vmul.f32 v6, v9;
	v9 =	vld [tilespmem:$0x1FD80]  }
0x2a3: {  	v60 =	vmul.f32 v59, v12;
	v63 =	vld [tilespmem:$0x12C0]  }
0x2a4: {  	v62 =	vld [tilespmem:$0x1FDB0]  }
0x2a5: {  	v59 =	vmul.f32 v7, v60;
	v7 =	vld [tilespmem:$0x1FD70]  }
0x2a6: {  	v60 =	vld [tilespmem:$0x11C0];
	v0 =	vadd.f32 v1, v0  }
0x2a7: {  	v2 =	vadd.f32 v48, v2;
	v3 =	vmul.f32 v10, v18;
	v1 =	vmul.f32 v9, v58;
	v9 =	vld [tilespmem:$0x1FDE0]  }
0x2a8: {  	v4 =	vadd.f32 v4, v0;
	v58 =	vld [tilespmem:$0x1FDA0]  }
0x2a9: {  	v6 =	vadd.f32 v59, v2;
	v3 =	vmul.f32 v5, v3;
	v5 =	vld [tilespmem:$0x1FDF0]  }
0x2aa: {  	v56 =	vmul.f32 v56, v19;
	v8 =	vmul.f32 v7, v19;
	v7 =	vld [tilespmem:$0x1FDD0];
	v4 =	vadd.f32 v1, v4  }
0x2ab: {  	v2 =	vld [tilespmem:$0x11D0];
	[tilespmem:$0x1FFB0] =	vst v6  }
0x2ac: {  	v6 =	vld [tilespmem:$0x14C0];
	[tilespmem:$0x1FFC0] =	vst v4;
	v4 =	vmul.f32 v57, v56;
	v10 =	vmul.f32 v9, v16  }
0x2ad: {  	v56 =	vmul.f32 v53, v18;
	v53 =	vld [tilespmem:$0xCC0];
	v48 =	vmul.f32 v58, v8  }
0x2ae: {  	v58 =	vmul.f32 v62, v17;
	v1 =	vmul.f32 v5, v10;
	v10 =	vld [tilespmem:$0x1FE10]  }
0x2af: {  	v62 =	vld [tilespmem:$0xAC0]  }
0x2b0: {  	v59 =	vmul.f32 v7, v58;
	v48 =	vadd.f32 $0.0e+00, v48;
	v7 =	vld [tilespmem:$0x1FE00]  }
0x2b1: {  	v6 =	vmul.f32 v6, v15;
	v8 =	vld [tilespmem:$0x13C0]  }
0x2b2: {  	v58 =	vld [tilespmem:$0xBC0];
	v3 =	vadd.f32 v3, v48  }
0x2b3: {  	v4 =	vadd.f32 $0.0e+00, v4;
	v6 =	vmul.f32 v53, v6;
	v53 =	vld [tilespmem:$0x13F0];
	v0 =	vmul.f32 v10, v56  }
0x2b4: {  	v59 =	vadd.f32 v59, v3;
	v3 =	vld [tilespmem:$0x12D0]  }
0x2b5: {  	v47 =	vmul.f32 v47, v16;
	v9 =	vmul.f32 v7, v15;
	v0 =	vadd.f32 v0, v4;
	v4 =	vld [tilespmem:$0x1FE40]  }
0x2b6: {  	v56 =	vld [tilespmem:$0x15C0]  }
0x2b7: {  	v48 =	vmul.f32 v11, v9;
	v11 =	vld [tilespmem:$0x1FE20];
	v0 =	vadd.f32 v46, v0;
	v46 =	vmul.f32 v40, v47  }
0x2b8: {  	v40 =	vld [tilespmem:$0x1FE50]  }
0x2b9: {  	v0 =	vadd.f32 v46, v0;
	v46 =	vld [tilespmem:$0x1FE70]  }
0x2ba: {  	v5 =	vmul.f32 v4, v13;
	v4 =	vld [tilespmem:$0x1FE60]  }
0x2bb: {  	v7 =	vld [tilespmem:$0x16C0]  }
0x2bc: {  	v10 =	vld [tilespmem:$0xFC0];
	v47 =	vmul.f32 v61, v15;
	v57 =	vmul.f32 v11, v14  }
0x2bd: {  	v59 =	vadd.f32 v1, v59;
	v1 =	vld [tilespmem:$0x10D0]  }
0x2be: {  	v57 =	vmul.f32 v39, v57;
	v46 =	vmul.f32 v46, v47;
	v47 =	vld [tilespmem:$0x1FE80]  }
0x2bf: {  	v39 =	vmul.f32 v40, v5;
	v5 =	vmul.f32 v4, v12;
	v4 =	vld [tilespmem:$0x1FE90]  }
0x2c0: {  	v0 =	vadd.f32 v46, v0;
	v46 =	vld [tilespmem:$0x1FEB0]  }
0x2c1: {  	v9 =	vld [tilespmem:$0xEC0]  }
0x2c2: {  	v61 =	vld [tilespmem:$0x17C0]  }
0x2c3: {  	v11 =	vld [tilespmem:$0xDC0];
	v47 =	vmul.f32 v47, v14  }
0x2c4: {  	v48 =	vadd.f32 v48, v59;
	v40 =	vmul.f32 v4, v5;
	v5 =	vld [tilespmem:$0x1FEA0]  }
0x2c5: {  	v46 =	vmul.f32 v46, v47;
	v47 =	vld [tilespmem:$0x1FEC0]  }
0x2c6: {  	v48 =	vadd.f32 v57, v48;
	v57 =	vld [tilespmem:$0x1FED0]  }
0x2c7: {  	v0 =	vadd.f32 v46, v0;
	v46 =	vld [tilespmem:$0x1FEF0]  }
0x2c8: {  	v39 =	vadd.f32 v39, v48;
	v48 =	vld [tilespmem:$0x1FF10]  }
0x2c9: {  	v4 =	vld [tilespmem:$0x9D0];
	v59 =	vmul.f32 v5, v13  }
0x2ca: {  	v5 =	vld [tilespmem:$0x8D0];
	v47 =	vmul.f32 v47, v12  }
0x2cb: {  	v57 =	vmul.f32 v57, v59;
	v59 =	vld [tilespmem:$0x1FEE0]  }
0x2cc: {  	v46 =	vmul.f32 v46, v47;
	v47 =	vld [tilespmem:$0x1FF00]  }
0x2cd: {  	v2 =	vmul.f32 v2, v18;
	v39 =	vadd.f32 v40, v39;
	v40 =	vld [tilespmem:$0xBD0]  }
0x2ce: {  	v0 =	vadd.f32 v57, v0;
	v57 =	vld [tilespmem:$0x1FF20]  }
0x2cf: {  	v1 =	vmul.f32 v1, v19;
	v2 =	vmul.f32 v4, v2;
	v4 =	vld [tilespmem:$0x15E0]  }
0x2d0: {  	v8 =	vmul.f32 v8, v16;
	v0 =	vadd.f32 v46, v0;
	v46 =	vld [tilespmem:$0x14D0];
	v59 =	vmul.f32 v59, v19  }
0x2d1: {  	v1 =	vmul.f32 v5, v1;
	v5 =	vld [tilespmem:$0x14E0];
	v47 =	vmul.f32 v47, v18  }
0x2d2: {  	v48 =	vmul.f32 v48, v59;
	v59 =	vmul.f32 v23, v17;
	v23 =	vld [tilespmem:$0xAD0]  }
0x2d3: {  	v47 =	vmul.f32 v57, v47;
	v57 =	vmul.f32 v35, v19;
	v35 =	vld [tilespmem:$0x13D0]  }
0x2d4: {  	v25 =	vmul.f32 v25, v16;
	v31 =	vmul.f32 v31, v59;
	v59 =	vadd.f32 $0.0e+00, v48;
	v48 =	vld [tilespmem:$0xCD0]  }
0x2d5: {  	v8 =	vmul.f32 v58, v8;
	v58 =	vmul.f32 v46, v15;
	v46 =	vld [tilespmem:$0x9F0]  }
0x2d6: {  	v20 =	vmul.f32 v20, v57;
	v57 =	vmul.f32 v38, v17;
	v38 =	vld [tilespmem:$0x15D0]  }
0x2d7: {  	v25 =	vmul.f32 v27, v25;
	v42 =	vmul.f32 v42, v16;
	v27 =	vadd.f32 v47, v59;
	v59 =	vld [tilespmem:$0x1FF30]  }
0x2d8: {  	v47 =	vld [tilespmem:$0xDD0]  }
0x2d9: {  	v20 =	vadd.f32 $0.0e+00, v20;
	v28 =	vmul.f32 v28, v57;
	v57 =	vmul.f32 v29, v42;
	v29 =	vld [tilespmem:$0x13E0]  }
0x2da: {  	v30 =	vmul.f32 v30, v13;
	v27 =	vadd.f32 v31, v27;
	v31 =	vld [tilespmem:$0xED0]  }
0x2db: {  	v22 =	vmul.f32 v22, v15;
	v20 =	vadd.f32 v34, v20;
	v34 =	vld [tilespmem:$0x17D0]  }
0x2dc: {  	v25 =	vadd.f32 v25, v27;
	v27 =	vmul.f32 v37, v30;
	v30 =	vld [tilespmem:$0xFD0]  }
0x2dd: {  	v37 =	vld [tilespmem:$0x9E0];
	v22 =	vmul.f32 v59, v22;
	v59 =	vmul.f32 v43, v15  }
0x2de: {  	v24 =	vmul.f32 v24, v12;
	v20 =	vadd.f32 v28, v20;
	v28 =	vld [tilespmem:$0xCE0]  }
0x2df: {  	v43 =	vmul.f32 v44, v14;
	v42 =	vmul.f32 v32, v59;
	v32 =	vld [tilespmem:$0x10E0]  }
0x2e0: {  	v21 =	vmul.f32 v21, v24;
	v22 =	vadd.f32 v22, v25;
	v25 =	vld [tilespmem:$0x8E0]  }
0x2e1: {  	v44 =	vmul.f32 v50, v13;
	v50 =	vmul.f32 v33, v43;
	v33 =	vld [tilespmem:$0x11E0]  }
0x2e2: {  	v36 =	vmul.f32 v36, v13;
	v3 =	vmul.f32 v3, v17;
	v43 =	vld [tilespmem:$0xAE0]  }
0x2e3: {  	v7 =	vmul.f32 v7, v13;
	v1 =	vadd.f32 $0.0e+00, v1;
	v24 =	vmul.f32 v45, v44;
	v44 =	vld [tilespmem:$0xDE0]  }
0x2e4: {  	v20 =	vadd.f32 v57, v20;
	v57 =	vmul.f32 v55, v19;
	v55 =	vmul.f32 v23, v3;
	v23 =	vld [tilespmem:$0x16E0]  }
0x2e5: {  	v52 =	vmul.f32 v52, v12;
	v45 =	vmul.f32 v60, v18;
	v60 =	vld [tilespmem:$0x10F0]  }
0x2e6: {  	v7 =	vmul.f32 v9, v7;
	v1 =	vadd.f32 v2, v1;
	v9 =	vmul.f32 v31, v36;
	v36 =	vld [tilespmem:$0x16F0]  }
0x2e7: {  	v59 =	vmul.f32 v51, v52;
	v20 =	vadd.f32 v42, v20;
	v42 =	vld [tilespmem:$0x12E0]  }
0x2e8: {  	v22 =	vadd.f32 v26, v22;
	v26 =	vmul.f32 v54, v57;
	v1 =	vadd.f32 v55, v1;
	v55 =	vld [tilespmem:$0xBF0]  }
0x2e9: {  	v51 =	vmul.f32 v49, v45;
	v45 =	vmul.f32 v34, v12;
	v34 =	vld [tilespmem:$0x1FF70]  }
0x2ea: {  	v54 =	vmul.f32 v56, v14;
	v56 =	vmul.f32 v35, v16;
	v22 =	vadd.f32 v27, v22;
	v27 =	vld [tilespmem:$0xBE0]  }
0x2eb: {  	v20 =	vadd.f32 v50, v20;
	v50 =	vmul.f32 v63, v17;
	v26 =	vadd.f32 $0.0e+00, v26;
	v63 =	vld [tilespmem:$0x8F0]  }
0x2ec: {  	v57 =	vmul.f32 v40, v56;
	v2 =	vmul.f32 v30, v45;
	v45 =	vld [tilespmem:$0x17F0]  }
0x2ed: {  	v20 =	vadd.f32 v24, v20;
	v52 =	vmul.f32 v62, v50;
	v24 =	vadd.f32 v51, v26;
	v26 =	vld [tilespmem:$0x17E0]  }
0x2ee: {  	v11 =	vmul.f32 v11, v54;
	v21 =	vadd.f32 v21, v22;
	v62 =	vmul.f32 v38, v14;
	v38 =	vld [tilespmem:$0x11F0]  }
0x2ef: {  	v49 =	vmul.f32 v60, v19;
	v1 =	vadd.f32 v57, v1;
	v50 =	vld [tilespmem:$0xAF0];
	v22 =	vadd.f32 v52, v24  }
0x2f0: {  	v57 =	vld [tilespmem:$0x14F0];
	v20 =	vadd.f32 v59, v20;
	v59 =	vmul.f32 v61, v12;
	v61 =	vmul.f32 v48, v58  }
0x2f1: {  	v56 =	vmul.f32 v42, v17;
	v40 =	vmul.f32 v47, v62;
	v48 =	vld [tilespmem:$0x12F0];
	v8 =	vadd.f32 v8, v22  }
0x2f2: {  	v42 =	vld [tilespmem:$0xEF0];
	v47 =	vmul.f32 v32, v19;
	v52 =	vmul.f32 v33, v18;
	v1 =	vadd.f32 v61, v1  }
0x2f3: {  	v24 =	vld [tilespmem:$0xEE0];
	v3 =	vmul.f32 v63, v49;
	v60 =	vmul.f32 v43, v56;
	v6 =	vadd.f32 v6, v8  }
0x2f4: {  	v58 =	vld [tilespmem:$0xCF0];
	v51 =	vmul.f32 v25, v47;
	v54 =	vmul.f32 v38, v18;
	v1 =	vadd.f32 v40, v1  }
0x2f5: {  	v62 =	vld [tilespmem:$0x15F0];
	v61 =	vmul.f32 v29, v16;
	v3 =	vadd.f32 $0.0e+00, v3;
	v6 =	vadd.f32 v11, v6  }
0x2f6: {  	v33 =	vld [tilespmem:$0xDF0];
	v17 =	vmul.f32 v48, v17;
	v1 =	vadd.f32 v9, v1;
	v9 =	vmul.f32 v46, v54  }
0x2f7: {  	v63 =	vld [tilespmem:$0x1FF60];
	v11 =	vmul.f32 v37, v52;
	v6 =	vadd.f32 v7, v6;
	v7 =	vadd.f32 $0.0e+00, v51  }
0x2f8: {  	[tilespmem:$0x1880] =	vst v39;
	v43 =	vld [tilespmem:$0x1FF90];
	v16 =	vmul.f32 v53, v16;
	v32 =	vmul.f32 v50, v17;
	v3 =	vadd.f32 v9, v3  }
0x2f9: {  	v4 =	vmul.f32 v4, v14;
	[tilespmem:$0x1890] =	vst v0;
	v5 =	vmul.f32 v5, v15;
	v49 =	vld [tilespmem:$0xFE0];
	v7 =	vadd.f32 v11, v7  }
0x2fa: {  	[tilespmem:$0x1820] =	vst v34;
	v53 =	vld [tilespmem:$0x1FFC0];
	v38 =	vmul.f32 v55, v16;
	v40 =	vmul.f32 v57, v15;
	v3 =	vadd.f32 v32, v3  }
0x2fb: {  	[tilespmem:$0x18A0] =	vst v21;
	v8 =	vmul.f32 v10, v59;
	v59 =	vld [tilespmem:$0x1FF50];
	v35 =	vmul.f32 v27, v61;
	v7 =	vadd.f32 v60, v7  }
0x2fc: {  	[tilespmem:$0x18B0] =	vst v20;
	v48 =	vmul.f32 v62, v14;
	v37 =	vld [tilespmem:$0x1FF80];
	v47 =	vmul.f32 v58, v40;
	v3 =	vadd.f32 v38, v3  }
0x2fd: {  	v5 =	vmul.f32 v28, v5;
	v4 =	vmul.f32 v44, v4;
	[tilespmem:$0x1810] =	vst v63;
	v52 =	vld [tilespmem:$0xFF0];
	v7 =	vadd.f32 v35, v7  }
0x2fe: {  	v55 =	vmul.f32 v36, v13;
	[tilespmem:$0x1840] =	vst v43;
	v46 =	vld [tilespmem:$0x1FFA0];
	v54 =	vmul.f32 v33, v48;
	v3 =	vadd.f32 v47, v3  }
0x2ff: {  	v50 =	vld [tilespmem:$0x1FFB0];
	[tilespmem:$0x1870] =	vst v53;
	v51 =	vmul.f32 v23, v13;
	v1 =	vadd.f32 v2, v1;
	v5 =	vadd.f32 v5, v7  }
0x300: {  	[tilespmem:$0x1800] =	vst v59;
	v59 =	vmul.f32 v42, v55;
	v60 =	vmul.f32 v45, v12;
	v58 =	vadd.f32 v54, v3  }
0x301: {  	v57 =	vmul.f32 v26, v12;
	v56 =	vmul.f32 v24, v51;
	[tilespmem:$0x18D0] =	vst v1;
	v4 =	vadd.f32 v4, v5  }
0x302: {  	[tilespmem:$0x1830] =	vst v37;
	v62 =	vmul.f32 v52, v60;
	v0 =	vadd.f32 v59, v58  }
0x303: {  	v61 =	vmul.f32 v49, v57;
	v6 =	vadd.f32 v8, v6;
	[tilespmem:$0x1850] =	vst v46;
	v4 =	vadd.f32 v56, v4  }
0x304: {  	[tilespmem:$0x1860] =	vst v50;
	v0 =	vadd.f32 v62, v0  }
0x305: {  	[tilespmem:$0x18C0] =	vst v6;
	v63 =	vadd.f32 v61, v4  }
0x306: {  	p0 =	sne.s32 s12, $0x1;
	[tilespmem:$0x18F0] =	vst v0  }
.Ltmp0:
0x307: {  	[tilespmem:$0x18E0] =	vst v63;
	(pc) =	sbr.rel @p0 .LBB2_1-.Ltmp0, $4  }
0x308: {  	[hbm4b:s11+s2] =	stream.linear.scatter [tilespmem:s0], [sflag:$0x2], $0x100, $0x38;
	[tilespmem:$0x1910] =	vst v63  }
0x309: {  	_ =	swait.ge [sflag:s14], $0x100  }
0x30a: {  	[sflag:s14] =	ssyncset.done $0x0  }
0x30b: {  	s12 =	sadd.s32 $0xFFFFFFFF, s12;
	[sflag:s14] =	ssyncadd.s32 $0xFFFFFF00  }
0x30c: {  	_ =	sfence.sel $0x180000  }
0x30d: {  	[bflag:$0x0] =	sbarrier.arrive $0xFFFF  }
0x30e: {  	_ =	strace $0x9000004A  }
0x30f: {  	s0 =	stileid.u32;
	[bflag:$0x2] =	sbarrier.arrive $0xFFFF  }
0x310: {  	p0 =	sne.s32 s0, $0x0;
	s0 =	rddreg [dreg:$0x3]  }
0x311: {  	s0 =	sadd.s32 @!p0 $0x100000, s0  }
0x312: {  	[sflag:s0] =	ssyncadd.tile.s32 @!p0 $0x1;
	_ =	shalt  }
.Lfunc_end2:
_tile_overlayer_lowered:
.L_overlay_start_2:
0x313: {  	(tag) =	ssettag $0x2  }
0x314: {  	s0 =	rddreg [dreg:$0x0];
	s2 =	stileid.u32  }
0x315: {  	s1 =	rddreg [dreg:$0x1];
	p0 =	sne.s32 s2, $0x0  }
0x316: {  	s3 =	rddreg [dreg:$0x2];
	[bflag:$0x3] =	sbarrier.arrive $0xFFFF;
	s2 =	simm.s32 @!p0 $0x1C02  }
0x317: {  	[timem:s3], [sflag:s2] =	dma.local @!p0 [hbm:s0], s1  }
0x318: {  	s0 =	simm.s32 @!p0 $0x2  }
0x319: {  	_ =	swait.ge @!p0 [sflag:s0], s1  }
0x31a: {  	s1 =	ssub.s32 @!p0 $0x0, s1;
	[sflag:s0] =	ssyncset.done @!p0 $0x0  }
0x31b: {  	[sflag:s0] =	ssyncadd.s32 @!p0 s1  }
0x31c: {  	[bflag:$0x3] =	sbarrier.arrive $0xFFFF  }
0x31d: {  	_ =	shalt  }

</sc_bundles>
